<compile_context>
chip_gen: v7x
topology: tpu7x:2x2x1
jax: 0.10.2.dev20260603
libtpu: 0.0.44.dev20260713+nightly
codegen_flags: <defaults>
</compile_context>

<pallas_src>
import functools

import jax
import jax.numpy as jnp
from jax import lax
from jax.experimental import pallas as pl
from jax.experimental.pallas import tpu as pltpu
from jax.experimental.pallas import tpu_sc as plsc

B, S, D = 1, 2048, 1024
NH, HD = 16, 64
E, K, F = 8, 2, 512
EPS = 1e-6

S_BLK = 256
S_BLKS = S // S_BLK
Q_BLK = 512
Q_BLKS = S // Q_BLK
NEG = -1e30

NC, NS, L = 2, 16, 16
NW = NC * NS
TPW = S // NW
TS = 256
NT = (S * K) // TS + E
NTP = 32
P = NT * TS


def _rms(xf, w):
    var = jnp.mean(xf * xf, axis=-1, keepdims=True)
    return xf * jax.lax.rsqrt(var + EPS) * w


def _a1_body(x_ref, n1_ref, wq_ref, wk_ref, wv_ref, q_ref, k_ref, v_ref):
    xn = _rms(x_ref[...], n1_ref[...])
    q_ref[...] = jnp.dot(xn, wq_ref[...], preferred_element_type=jnp.float32)
    k_ref[...] = jnp.dot(xn, wk_ref[...], preferred_element_type=jnp.float32)
    v_ref[...] = jnp.dot(xn, wv_ref[...], preferred_element_type=jnp.float32)


def _one_head(q, k, v):
    s = jax.lax.dot_general(q, k, (((1,), (1,)), ((), ())),
                            preferred_element_type=jnp.float32)
    p = jnp.exp(s)
    l = jnp.sum(p, axis=1, keepdims=True)
    o = jnp.dot(p, v, preferred_element_type=jnp.float32)
    return o * (1.0 / l)


def _a2_body(q_ref, k_ref, v_ref, o_ref):
    q = q_ref[...] * (1.0 / 8.0)
    k = k_ref[...]
    v = v_ref[...]
    oa = _one_head(q[:, :HD], k[:, :HD], v[:, :HD])
    ob = _one_head(q[:, HD:], k[:, HD:], v[:, HD:])
    o_ref[...] = jnp.concatenate([oa, ob], axis=1)


def _a3_body(attn_ref, x_ref, wo_ref, n2_ref, gw_ref, x1_ref, hx2_ref,
             e1_ref, e2_ref, w1_ref, w2_ref, lc_ref, ps_ref):
    x1 = x_ref[...] + jnp.dot(attn_ref[...], wo_ref[...],
                              preferred_element_type=jnp.float32)
    x1_ref[...] = x1
    hx2 = _rms(x1, n2_ref[...])
    hx2_ref[...] = hx2
    lg = jax.lax.dot_general(
        gw_ref[...], hx2, (((0,), (1,)), ((), ())),
        preferred_element_type=jnp.float32)
    m1 = jnp.full((1, S_BLK), NEG, jnp.float32)
    m2 = jnp.full((1, S_BLK), NEG, jnp.float32)
    e1 = jnp.zeros((1, S_BLK), jnp.int32)
    e2 = jnp.zeros((1, S_BLK), jnp.int32)
    for e in range(E):
        le = lg[e:e + 1, :]
        gt1 = le > m1
        gt2 = jnp.logical_and(le > m2, jnp.logical_not(gt1))
        e2 = jnp.where(gt1, e1, jnp.where(gt2, e, e2))
        m2 = jnp.where(gt1, m1, jnp.where(gt2, le, m2))
        e1 = jnp.where(gt1, e, e1)
        m1 = jnp.where(gt1, le, m1)
    w1 = 1.0 / (1.0 + jnp.exp(m2 - m1))
    e1_ref[...] = e1.reshape(1, 1, S_BLK)
    e2_ref[...] = e2.reshape(1, 1, S_BLK)
    w1_ref[...] = w1.reshape(1, 1, S_BLK)
    w2_ref[...] = (1.0 - w1).reshape(1, 1, S_BLK)
    pe = jnp.exp(lg - m1)
    pn = pe / jnp.sum(pe, axis=0, keepdims=True)
    lanes = lax.broadcasted_iota(jnp.int32, (L, S_BLK), 0)
    oh = ((lanes == e1).astype(jnp.float32) + (lanes == e2).astype(jnp.float32))
    mq = (lax.broadcasted_iota(jnp.int32, (S_BLK, 4), 0) // TPW
          == lax.broadcasted_iota(jnp.int32, (S_BLK, 4), 1)).astype(jnp.float32)
    lc = jnp.dot(oh, mq, preferred_element_type=jnp.float32)
    lc_ref[...] = lc.astype(jnp.int32).reshape(1, L, 4)
    pn16 = jnp.concatenate(
        [pn, jnp.zeros((L - E, S_BLK), jnp.float32)], axis=0)
    ps_ref[...] = jnp.dot(pn16, mq,
                          preferred_element_type=jnp.float32).reshape(1, L, 4)


def _sc1b_body(e1v, e2v, lcg, psg, hx2, xs, slots, tmeta, aux,
               lcv, psv, e1s, e2s, s1v, s2v, rows, tmv, auxs, sem, sem2):
    wid = lax.axis_index("s") * NC + lax.axis_index("c")
    base = wid * TPW
    cpr = pltpu.async_copy(hx2.at[pl.ds(base, TPW)], rows, sem2)
    pltpu.sync_copy(lcg, lcv)
    pltpu.sync_copy(e1v.at[pl.ds(base, TPW)], e1s)
    pltpu.sync_copy(e2v.at[pl.ds(base, TPW)], e2s)
    lane = lax.broadcasted_iota(jnp.int32, (L,), 0)
    zi = jnp.zeros((L,), jnp.int32)

    def _widx(w):
        return (w >> 2) * (4 * L) + lane * 4 + (w & 3)

    def _acc(w, carry):
        t, p = carry
        v = plsc.load_gather(lcv, [_widx(w)])
        return t + v, p + v * (w < wid).astype(jnp.int32)

    tot, pref = lax.fori_loop(0, NW, _acc, (zi, zi))
    nt = (tot + (TS - 1)) >> 8
    tb = plsc.cumsum(nt) - nt
    r_vec = tb * TS + pref
    for c in range(TPW // L):
        for (esrc, sdst) in ((e1s, s1v), (e2s, s2v)):
            ev = esrc[pl.ds(c * L, L)]
            slot = zi
            for e in range(E):
                m = ev == e
                mi = m.astype(jnp.int32)
                cs = plsc.cumsum(mi)
                re = jnp.sum(jnp.where(lane == e, r_vec, 0))
                slot = jnp.where(m, re + cs - 1, slot)
                r_vec = r_vec + jnp.where(lane == e, jnp.sum(mi), 0)
            sdst[pl.ds(c * L, L)] = slot
    cpr.wait()
    cp1 = pltpu.async_copy(rows, xs.at[s1v], sem)
    cp2 = pltpu.async_copy(rows, xs.at[s2v], sem2)
    pltpu.sync_copy(s1v, slots.at[pl.ds(base, TPW)])
    pltpu.sync_copy(s2v, slots.at[pl.ds(S + base, TPW)])
    cp1.wait()
    cp2.wait()

    @pl.when(wid == 0)
    def _tile0():
        tbs = [jnp.sum(jnp.where(lane == e, tb, 0)) for e in range(E)]
        nts = [jnp.sum(jnp.where(lane == e, nt, 0)) for e in range(E)]
        for c in range(NTP // L):
            tv = lane + c * L
            te = zi
            va = zi
            for e in range(E):
                inr = jnp.logical_and(tv >= tbs[e], tv < tbs[e] + nts[e])
                te = jnp.where(inr, e, te)
                va = jnp.where(inr, 1, va)
            tmv[pl.ds(c * L, L)] = te
            tmv[pl.ds(NTP + c * L, L)] = va
        pltpu.sync_copy(tmv, tmeta)
        pltpu.sync_copy(psg, psv)

        def _sum(w, acc):
            return acc + plsc.load_gather(psv, [_widx(w)])

        pst = lax.fori_loop(0, NW, _sum, jnp.zeros((L,), jnp.float32))
        a = jnp.sum(pst * tot.astype(jnp.float32)) * (1.0 / (S * S))
        auxs[...] = jnp.full((L,), a, jnp.float32)
        pltpu.sync_copy(auxs, aux)


def _b_body(m_ref, xs_ref, wg_ref, wu_ref, wd_ref, os_ref):
    i = pl.program_id(0)

    @pl.when(m_ref[1, i] == 1)
    def _compute():
        xv = xs_ref[...]
        g = jnp.dot(xv, wg_ref[0], preferred_element_type=jnp.float32)
        u = jnp.dot(xv, wu_ref[0], preferred_element_type=jnp.float32)
        h = g * (1.0 / (1.0 + jnp.exp(-g))) * u
        os_ref[...] = jnp.dot(h, wd_ref[0], preferred_element_type=jnp.float32)


def _sc2_body(osr, slots, ybuf, sv, rows, sem):
    wid = lax.axis_index("s") * NC + lax.axis_index("c")
    base = wid * TPW
    for k in range(K):
        pltpu.sync_copy(slots.at[pl.ds(k * S + base, TPW)], sv)
        pltpu.async_copy(osr.at[sv], rows, sem).wait()
        pltpu.sync_copy(rows, ybuf.at[pl.ds(k * S + base, TPW)])


def _c_body(x1_ref, y0_ref, y1_ref, w0_ref, w1_ref, n3_ref, xo_ref):
    y = (x1_ref[...] + y0_ref[...] * w0_ref[0] + y1_ref[...] * w1_ref[0])
    xo_ref[...] = _rms(y, n3_ref[...])


def kernel(x, Wq, Wk, Wv, Wo, gate_w, Wg, Wu, Wd, norm1, norm2, norm3):
    xf = x.reshape(S, D)
    n1 = norm1.reshape(1, D)
    n2 = norm2.reshape(1, D)
    n3 = norm3.reshape(1, D)
    full = lambda shp: pl.BlockSpec(shp, lambda *_: tuple(0 for _ in shp))

    q, k, v = pl.pallas_call(
        _a1_body,
        grid=(S_BLKS,),
        in_specs=[pl.BlockSpec((S_BLK, D), lambda i: (i, 0)),
                  full((1, D)), full((D, D)), full((D, D)), full((D, D))],
        out_specs=[pl.BlockSpec((S_BLK, D), lambda i: (i, 0))] * 3,
        out_shape=[jax.ShapeDtypeStruct((S, D), jnp.float32)] * 3,
    )(xf, n1, Wq, Wk, Wv)

    attn = pl.pallas_call(
        _a2_body,
        grid=(NH // 2, Q_BLKS),
        in_specs=[pl.BlockSpec((Q_BLK, 2 * HD), lambda h, i: (i, h)),
                  pl.BlockSpec((S, 2 * HD), lambda h, i: (0, h)),
                  pl.BlockSpec((S, 2 * HD), lambda h, i: (0, h))],
        out_specs=pl.BlockSpec((Q_BLK, 2 * HD), lambda h, i: (i, h)),
        out_shape=jax.ShapeDtypeStruct((S, D), jnp.float32),
    )(q, k, v)

    blk3 = pl.BlockSpec((1, 1, S_BLK), lambda i: (i, 0, 0))
    cnt3 = lambda dt: jax.ShapeDtypeStruct((S_BLKS, L, 4), dt)
    x1, hx2, e1a, e2a, w1a, w2a, lcg3, psg3 = pl.pallas_call(
        _a3_body,
        grid=(S_BLKS,),
        in_specs=[pl.BlockSpec((S_BLK, D), lambda i: (i, 0)),
                  pl.BlockSpec((S_BLK, D), lambda i: (i, 0)),
                  full((D, D)), full((1, D)), full((D, E))],
        out_specs=[pl.BlockSpec((S_BLK, D), lambda i: (i, 0)),
                   pl.BlockSpec((S_BLK, D), lambda i: (i, 0)),
                   blk3, blk3, blk3, blk3,
                   pl.BlockSpec((1, L, 4), lambda i: (i, 0, 0)),
                   pl.BlockSpec((1, L, 4), lambda i: (i, 0, 0))],
        out_shape=[jax.ShapeDtypeStruct((S, D), jnp.float32),
                   jax.ShapeDtypeStruct((S, D), jnp.float32),
                   jax.ShapeDtypeStruct((S_BLKS, 1, S_BLK), jnp.int32),
                   jax.ShapeDtypeStruct((S_BLKS, 1, S_BLK), jnp.int32),
                   jax.ShapeDtypeStruct((S_BLKS, 1, S_BLK), jnp.float32),
                   jax.ShapeDtypeStruct((S_BLKS, 1, S_BLK), jnp.float32),
                   cnt3(jnp.int32), cnt3(jnp.float32)],
    )(attn, xf, Wo, n2, gate_w)

    mesh = plsc.VectorSubcoreMesh(core_axis_name="c", subcore_axis_name="s",
                                  num_cores=NC, num_subcores=NS)
    sc_params = pltpu.CompilerParams(needs_layout_passes=False)

    sc1b = pl.kernel(
        _sc1b_body,
        out_type=[jax.ShapeDtypeStruct((P, D), jnp.float32),
                  jax.ShapeDtypeStruct((K * S,), jnp.int32),
                  jax.ShapeDtypeStruct((2 * NTP,), jnp.int32),
                  jax.ShapeDtypeStruct((L,), jnp.float32)],
        mesh=mesh,
        scratch_types=[pltpu.VMEM((NW * L,), jnp.int32),
                       pltpu.VMEM((NW * L,), jnp.float32),
                       pltpu.VMEM((TPW,), jnp.int32),
                       pltpu.VMEM((TPW,), jnp.int32),
                       pltpu.VMEM((TPW,), jnp.int32),
                       pltpu.VMEM((TPW,), jnp.int32),
                       pltpu.VMEM((TPW, D), jnp.float32),
                       pltpu.VMEM((2 * NTP,), jnp.int32),
                       pltpu.VMEM((L,), jnp.float32),
                       pltpu.SemaphoreType.DMA,
                       pltpu.SemaphoreType.DMA],
        compiler_params=sc_params,
    )
    xs, slots, tmeta, aux = sc1b(e1a.reshape(S), e2a.reshape(S),
                                 lcg3.reshape(NW * L), psg3.reshape(NW * L),
                                 hx2)

    osr = pl.pallas_call(
        _b_body,
        grid_spec=pltpu.PrefetchScalarGridSpec(
            num_scalar_prefetch=1,
            grid=(NT,),
            in_specs=[pl.BlockSpec((TS, D), lambda i, m: (i, 0)),
                      pl.BlockSpec((1, D, F), lambda i, m: (m[0, i], 0, 0)),
                      pl.BlockSpec((1, D, F), lambda i, m: (m[0, i], 0, 0)),
                      pl.BlockSpec((1, F, D), lambda i, m: (m[0, i], 0, 0))],
            out_specs=pl.BlockSpec((TS, D), lambda i, m: (i, 0)),
        ),
        out_shape=jax.ShapeDtypeStruct((P, D), jnp.float32),
    )(tmeta.reshape(2, NTP), xs, Wg, Wu, Wd)

    sc2 = pl.kernel(
        _sc2_body,
        out_type=jax.ShapeDtypeStruct((K * S, D), jnp.float32),
        mesh=mesh,
        scratch_types=[pltpu.VMEM((TPW,), jnp.int32),
                       pltpu.VMEM((TPW, D), jnp.float32),
                       pltpu.SemaphoreType.DMA],
        compiler_params=sc_params,
    )
    ybuf = sc2(osr, slots)

    wp3 = jnp.stack([w1a.reshape(S), w2a.reshape(S)]).reshape(K, S, 1)
    xo = pl.pallas_call(
        _c_body,
        grid=(S_BLKS,),
        in_specs=[pl.BlockSpec((S_BLK, D), lambda i: (i, 0)),
                  pl.BlockSpec((S_BLK, D), lambda i: (i, 0)),
                  pl.BlockSpec((S_BLK, D), lambda i: (i + S_BLKS, 0)),
                  pl.BlockSpec((1, S_BLK, 1), lambda i: (0, i, 0)),
                  pl.BlockSpec((1, S_BLK, 1), lambda i: (1, i, 0)),
                  full((1, D))],
        out_specs=pl.BlockSpec((S_BLK, D), lambda i: (i, 0)),
        out_shape=jax.ShapeDtypeStruct((S, D), jnp.float32),
    )(x1, ybuf, ybuf, wp3, wp3, n3)

    return xo.reshape(B, S, D), aux[0]

# --- scband reference (transcript-rebuilt; emitter-appended) ---
"""Pipeline reference for scband-olmo-edecoder-layer-82738249990936 (READ-ONLY COPY).

The authoritative reference and input builder live on the scoring server;
editing this copy changes nothing except your own understanding.
"""

import jax, jax.numpy as jnp
import numpy as np

B, S, D = 1, 2048, 1024
NH, HD = 16, 64
E, K, F = 8, 2, 512
EPS = 1e-6


def rmsnorm(x, w, eps=EPS):
    xf = x.astype(jnp.float32)
    var = jnp.mean(xf * xf, axis=-1, keepdims=True)
    xn = xf * jax.lax.rsqrt(var + eps)
    return (w * xn).astype(x.dtype)


def setup_inputs(seed: int = 0) -> dict:
    key = jax.random.key(seed)
    ks = jax.random.split(key, 10)
    sc = 0.02
    return {
        "x": jax.random.normal(ks[0], (B, S, D), dtype=jnp.float32),
        "Wq": jax.random.normal(ks[1], (D, D), dtype=jnp.float32) * sc,
        "Wk": jax.random.normal(ks[2], (D, D), dtype=jnp.float32) * sc,
        "Wv": jax.random.normal(ks[3], (D, D), dtype=jnp.float32) * sc,
        "Wo": jax.random.normal(ks[4], (D, D), dtype=jnp.float32) * sc,
        "gate_w": jax.random.normal(ks[5], (D, E), dtype=jnp.float32) * sc,
        "Wg": jax.random.normal(ks[6], (E, D, F), dtype=jnp.float32) * sc,
        "Wu": jax.random.normal(ks[7], (E, D, F), dtype=jnp.float32) * sc,
        "Wd": jax.random.normal(ks[8], (E, F, D), dtype=jnp.float32) * sc,
        "norm1": jnp.ones((D,), dtype=jnp.float32),
        "norm2": jnp.ones((D,), dtype=jnp.float32),
        "norm3": jnp.ones((D,), dtype=jnp.float32),
    }


def reference(x, Wq, Wk, Wv, Wo, gate_w, Wg, Wu, Wd, norm1, norm2, norm3):
    b, s, h = x.shape
    # --- attention block ---
    residual = x
    hx = rmsnorm(x, norm1)
    q = (hx @ Wq).reshape(b, s, NH, HD).transpose(0, 2, 1, 3)
    k = (hx @ Wk).reshape(b, s, NH, HD).transpose(0, 2, 1, 3)
    v = (hx @ Wv).reshape(b, s, NH, HD).transpose(0, 2, 1, 3)
    scores = jnp.einsum('bhqd,bhkd->bhqk', q, k) / jnp.sqrt(jnp.float32(HD))
    probs = jax.nn.softmax(scores, axis=-1)
    attn = jnp.einsum('bhqk,bhkd->bhqd', probs, v)
    attn = attn.transpose(0, 2, 1, 3).reshape(b, s, h)
    x = residual + attn @ Wo
    # --- MoE block ---
    residual = x
    hx = rmsnorm(x, norm2)
    xf = hx.reshape(-1, h)
    T = xf.shape[0]
    router_logits = xf @ gate_w  # [T, E]
    routing_weights, selected = jax.lax.top_k(router_logits, K)
    routing_weights = jax.nn.softmax(routing_weights, axis=-1)
    # per-token per-expert combine weights (equivalent to dispatch loop)
    wfull = jnp.zeros((T, E), dtype=jnp.float32).at[jnp.arange(T)[:, None], selected].add(routing_weights)
    g = jnp.einsum('td,edf->tef', xf, Wg)
    u = jnp.einsum('td,edf->tef', xf, Wu)
    hh = jax.nn.silu(g) * u
    oe = jnp.einsum('tef,efd->ted', hh, Wd)
    y = jnp.einsum('ted,te->td', oe, wfull)
    router_probs = jax.nn.softmax(router_logits, axis=-1)
    tokens_per_expert = (selected[..., None] == jnp.arange(E)).astype(jnp.float32).sum(0).sum(0)
    aux_loss = (router_probs.mean(0) * tokens_per_expert / T).sum()
    x = residual + y.reshape(b, s, h)
    x = rmsnorm(x, norm3)
    return x, aux_loss

if __name__ == "__main__":
    import jax
    _d = setup_inputs()
    print(jax.jit(kernel)(*tuple(_d.values())))

</pallas_src>

<mosaic_0001>
#map = affine_map<(d0, d1) -> (0)>
#map1 = affine_map<(d0, d1) -> (0, 0)>
module attributes {stable_mosaic.version = 14 : i64} {
  func.func @_sc1b_body(%arg0: i32, %arg1: i32, %arg2: memref<2048xi32, #tpu.memory_space<hbm>>, %arg3: memref<2048xi32, #tpu.memory_space<hbm>>, %arg4: memref<512xi32, #tpu.memory_space<hbm>>, %arg5: memref<512xf32, #tpu.memory_space<hbm>>, %arg6: memref<2048x1024xf32, #tpu.memory_space<hbm>>, %arg7: memref<6144x1024xf32, #tpu.memory_space<hbm>>, %arg8: memref<4096xi32, #tpu.memory_space<hbm>>, %arg9: memref<64xi32, #tpu.memory_space<hbm>>, %arg10: memref<16xf32, #tpu.memory_space<hbm>>, %arg11: memref<512xi32, #tpu.memory_space<vmem>>, %arg12: memref<512xf32, #tpu.memory_space<vmem>>, %arg13: memref<64xi32, #tpu.memory_space<vmem>>, %arg14: memref<64xi32, #tpu.memory_space<vmem>>, %arg15: memref<64xi32, #tpu.memory_space<vmem>>, %arg16: memref<64xi32, #tpu.memory_space<vmem>>, %arg17: memref<64x1024xf32, #tpu.memory_space<vmem>>, %arg18: memref<64xi32, #tpu.memory_space<vmem>>, %arg19: memref<16xf32, #tpu.memory_space<vmem>>, %arg20: memref<!tpu.dma_semaphore, #tpu.memory_space<semaphore_mem>>, %arg21: memref<!tpu.dma_semaphore, #tpu.memory_space<semaphore_mem>>) attributes {dimension_semantics = [#tpu.dimension_semantics<core_parallel>, #tpu.dimension_semantics<subcore_parallel>], iteration_bounds = array<i64: 2, 16>, scalar_prefetch = 0 : i64, scratch_operands = 11 : i64, tpu.core_type = #tpu.core_type<sc_vector_subcore>, window_params = [{transform_indices = #map}, {transform_indices = #map}, {transform_indices = #map}, {transform_indices = #map}, {transform_indices = #map1}, {transform_indices = #map1}, {transform_indices = #map}, {transform_indices = #map}, {transform_indices = #map}]} {
    %mul3A = arith.constant 2 : i32
    %mul3A_0 = arith.muli %arg1, %mul3A : i32
    %add3A = arith.addi %mul3A_0, %arg0 : i32
    %mul3A_1 = arith.constant 64 : i32
    %mul3A_2 = arith.muli %add3A, %mul3A_1 : i32
    %dma_start3A = arith.constant 0 : i32
    %dma_start3A_3 = tpu.memref_slice %arg6[%mul3A_2, %dma_start3A] : memref<2048x1024xf32, #tpu.memory_space<hbm>> -> memref<64x1024xf32, #tpu.memory_space<hbm>>
    %dma_start3A_4 = arith.constant 0 : i32
    %dma_start3A_5 = tpu.memref_slice %arg6[%mul3A_2, %dma_start3A_4] : memref<2048x1024xf32, #tpu.memory_space<hbm>> -> memref<64x1024xf32, #tpu.memory_space<hbm>>
    tpu.enqueue_dma source(%dma_start3A_5 : memref<64x1024xf32, #tpu.memory_space<hbm>>) target(%arg17 : memref<64x1024xf32, #tpu.memory_space<vmem>>) target_semaphore(%arg21 : memref<!tpu.dma_semaphore, #tpu.memory_space<semaphore_mem>>)
    "tpu.region"() ({
      %run_scoped3A = tpu.sem_alloc : memref<!tpu.dma_semaphore, #tpu.memory_space<semaphore_mem>>
      tpu.enqueue_dma source(%arg4 : memref<512xi32, #tpu.memory_space<hbm>>) target(%arg11 : memref<512xi32, #tpu.memory_space<vmem>>) target_semaphore(%run_scoped3A : memref<!tpu.dma_semaphore, #tpu.memory_space<semaphore_mem>>)
      tpu.wait_dma2 semaphore(%run_scoped3A : memref<!tpu.dma_semaphore, #tpu.memory_space<semaphore_mem>>) src(%arg4 : memref<512xi32, #tpu.memory_space<hbm>>) dst(%arg11 : memref<512xi32, #tpu.memory_space<vmem>>)
      tpu.yield
    }) : () -> ()
    "tpu.region"() ({
      %run_scoped3A = tpu.sem_alloc : memref<!tpu.dma_semaphore, #tpu.memory_space<semaphore_mem>>
      %dma_start3A_2309 = tpu.memref_slice %arg2[%mul3A_2] : memref<2048xi32, #tpu.memory_space<hbm>> -> memref<64xi32, #tpu.memory_space<hbm>>
      %dma_start3A_2310 = tpu.memref_slice %arg2[%mul3A_2] : memref<2048xi32, #tpu.memory_space<hbm>> -> memref<64xi32, #tpu.memory_space<hbm>>
      tpu.enqueue_dma source(%dma_start3A_2310 : memref<64xi32, #tpu.memory_space<hbm>>) target(%arg13 : memref<64xi32, #tpu.memory_space<vmem>>) target_semaphore(%run_scoped3A : memref<!tpu.dma_semaphore, #tpu.memory_space<semaphore_mem>>)
      %dma_wait3A_2311 = tpu.memref_slice %arg2[%mul3A_2] : memref<2048xi32, #tpu.memory_space<hbm>> -> memref<64xi32, #tpu.memory_space<hbm>>
      %dma_wait3A_2312 = tpu.memref_slice %arg2[%mul3A_2] : memref<2048xi32, #tpu.memory_space<hbm>> -> memref<64xi32, #tpu.memory_space<hbm>>
      tpu.wait_dma2 semaphore(%run_scoped3A : memref<!tpu.dma_semaphore, #tpu.memory_space<semaphore_mem>>) src(%dma_wait3A_2312 : memref<64xi32, #tpu.memory_space<hbm>>) dst(%arg13 : memref<64xi32, #tpu.memory_space<vmem>>)
      tpu.yield
    }) : () -> ()
    "tpu.region"() ({
      %run_scoped3A = tpu.sem_alloc : memref<!tpu.dma_semaphore, #tpu.memory_space<semaphore_mem>>
      %dma_start3A_2309 = tpu.memref_slice %arg3[%mul3A_2] : memref<2048xi32, #tpu.memory_space<hbm>> -> memref<64xi32, #tpu.memory_space<hbm>>
      %dma_start3A_2310 = tpu.memref_slice %arg3[%mul3A_2] : memref<2048xi32, #tpu.memory_space<hbm>> -> memref<64xi32, #tpu.memory_space<hbm>>
      tpu.enqueue_dma source(%dma_start3A_2310 : memref<64xi32, #tpu.memory_space<hbm>>) target(%arg14 : memref<64xi32, #tpu.memory_space<vmem>>) target_semaphore(%run_scoped3A : memref<!tpu.dma_semaphore, #tpu.memory_space<semaphore_mem>>)
      %dma_wait3A_2311 = tpu.memref_slice %arg3[%mul3A_2] : memref<2048xi32, #tpu.memory_space<hbm>> -> memref<64xi32, #tpu.memory_space<hbm>>
      %dma_wait3A_2312 = tpu.memref_slice %arg3[%mul3A_2] : memref<2048xi32, #tpu.memory_space<hbm>> -> memref<64xi32, #tpu.memory_space<hbm>>
      tpu.wait_dma2 semaphore(%run_scoped3A : memref<!tpu.dma_semaphore, #tpu.memory_space<semaphore_mem>>) src(%dma_wait3A_2312 : memref<64xi32, #tpu.memory_space<hbm>>) dst(%arg14 : memref<64xi32, #tpu.memory_space<vmem>>)
      tpu.yield
    }) : () -> ()
    %iota3A = tpu.iota {dimensions = array<i32: 0>} : vector<16xi32>
    %broadcast_in_dim3A = arith.constant 0 : i32
    %broadcast_in_dim3A_6 = vector.broadcast %broadcast_in_dim3A : i32 to vector<16xi32>
    %scan3A = arith.constant 0 : i32
    %scan3A_7 = arith.constant 32 : i32
    %scan3A_8 = arith.addi %scan3A, %scan3A_7 : i32
    %scan3A_9 = arith.constant 1 : i32
    %scan3A_10:2 = scf.for %scan3A_2309 = %scan3A to %scan3A_8 step %scan3A_9 iter_args(%scan3A_2310 = %broadcast_in_dim3A_6, %scan3A_2311 = %broadcast_in_dim3A_6) -> (vector<16xi32>, vector<16xi32>)  : i32 {
      %shift_right_arithmetic3A_2312 = arith.constant 2 : i32
      %shift_right_arithmetic3A_2313 = arith.shrsi %scan3A_2309, %shift_right_arithmetic3A_2312 : i32
      %mul3A_2314 = arith.constant 64 : i32
      %mul3A_2315 = arith.muli %shift_right_arithmetic3A_2313, %mul3A_2314 : i32
      %mul3A_2316 = arith.constant 4 : i32
      %mul3A_2317 = vector.broadcast %mul3A_2316 : i32 to vector<16xi32>
      %mul3A_2318 = arith.muli %iota3A, %mul3A_2317 : vector<16xi32>
      %add3A_2319 = vector.broadcast %mul3A_2315 : i32 to vector<16xi32>
      %add3A_2320 = arith.addi %add3A_2319, %mul3A_2318 : vector<16xi32>
      %and3A = arith.constant 3 : i32
      %and3A_2321 = arith.andi %scan3A_2309, %and3A : i32
      %add3A_2322 = vector.broadcast %and3A_2321 : i32 to vector<16xi32>
      %add3A_2323 = arith.addi %add3A_2320, %add3A_2322 : vector<16xi32>
      %gather3A = tpu.vector_load_idx %arg11[%add3A_2323] : memref<512xi32, #tpu.memory_space<vmem>>[vector<16xi32>], vector<16xi32>,
      %add3A_2324 = arith.addi %scan3A_2310, %gather3A : vector<16xi32>
      %lt3A = arith.cmpi slt, %scan3A_2309, %add3A : i32
      %convert_element_type3A_2325 = arith.extui %lt3A : i1 to i32
      %mul3A_2326 = vector.broadcast %convert_element_type3A_2325 : i32 to vector<16xi32>
      %mul3A_2327 = arith.muli %gather3A, %mul3A_2326 : vector<16xi32>
      %add3A_2328 = arith.addi %scan3A_2311, %mul3A_2327 : vector<16xi32>
      scf.yield %add3A_2324, %add3A_2328 : vector<16xi32>, vector<16xi32>
    }
    %scan3A_11 = arith.constant 32 : i32
    %add3A_12 = arith.constant 255 : i32
    %add3A_13 = vector.broadcast %add3A_12 : i32 to vector<16xi32>
    %add3A_14 = arith.addi %scan3A_10#0, %add3A_13 : vector<16xi32>
    %shift_right_arithmetic3A = arith.constant 8 : i32
    %shift_right_arithmetic3A_15 = vector.broadcast %shift_right_arithmetic3A : i32 to vector<16xi32>
    %shift_right_arithmetic3A_16 = arith.shrsi %add3A_14, %shift_right_arithmetic3A_15 : vector<16xi32>
    %broadcast_in_dim3A_17 = arith.constant true
    %broadcast_in_dim3A_18 = vector.broadcast %broadcast_in_dim3A_17 : i1 to vector<16xi1>
    %masked_cumsum3A = tpu.scan <sum>, %shift_right_arithmetic3A_16 masked %broadcast_in_dim3A_18 : vector<16xi32>, vector<16xi1> -> vector<16xi32>
    %sub3A = arith.subi %masked_cumsum3A, %shift_right_arithmetic3A_16 : vector<16xi32>
    %mul3A_19 = arith.constant 256 : i32
    %mul3A_20 = vector.broadcast %mul3A_19 : i32 to vector<16xi32>
    %mul3A_21 = arith.muli %sub3A, %mul3A_20 : vector<16xi32>
    %add3A_22 = arith.addi %mul3A_21, %scan3A_10#1 : vector<16xi32>
    %get3A = arith.constant 0 : index
    %get3A_23 = tpu.vector_load %arg13[%get3A] {strides = array<i32>} : memref<64xi32, #tpu.memory_space<vmem>>, vector<16xi32>,
    %eq3A = arith.constant 0 : i32
    %eq3A_24 = vector.broadcast %eq3A : i32 to vector<16xi32>
    %eq3A_25 = arith.cmpi eq, %get3A_23, %eq3A_24 : vector<16xi32>
    %convert_element_type3A = arith.extui %eq3A_25 : vector<16xi1> to vector<16xi32>
    %broadcast_in_dim3A_26 = arith.constant true
    %broadcast_in_dim3A_27 = vector.broadcast %broadcast_in_dim3A_26 : i1 to vector<16xi1>
    %masked_cumsum3A_28 = tpu.scan <sum>, %convert_element_type3A masked %broadcast_in_dim3A_27 : vector<16xi32>, vector<16xi1> -> vector<16xi32>
    %eq3A_29 = arith.constant 0 : i32
    %eq3A_30 = vector.broadcast %eq3A_29 : i32 to vector<16xi32>
    %eq3A_31 = arith.cmpi eq, %iota3A, %eq3A_30 : vector<16xi32>
    %jit3A = arith.constant 0 : i32
    %broadcast_in_dim3A_32 = vector.broadcast %jit3A : i32 to vector<16xi32>
    %select_n3A = arith.select %eq3A_31, %add3A_22, %broadcast_in_dim3A_32 : vector<16xi1>, vector<16xi32>
    %reduce_sum3A = arith.constant true
    %reduce_sum3A_33 = vector.broadcast %reduce_sum3A : i1 to vector<16xi1>
    %reduce_sum3A_34 = tpu.scan <sum>, %select_n3A masked %reduce_sum3A_33 : vector<16xi32>, vector<16xi1> -> vector<16xi32>
    %reduce_sum3A_35 = vector.extract %reduce_sum3A_34[15] : i32 from vector<16xi32>
    %add3A_36 = vector.broadcast %reduce_sum3A_35 : i32 to vector<16xi32>
    %add3A_37 = arith.addi %add3A_36, %masked_cumsum3A_28 : vector<16xi32>
    %sub3A_38 = arith.constant 1 : i32
    %sub3A_39 = vector.broadcast %sub3A_38 : i32 to vector<16xi32>
    %sub3A_40 = arith.subi %add3A_37, %sub3A_39 : vector<16xi32>
    %select_n3A_41 = arith.select %eq3A_25, %sub3A_40, %broadcast_in_dim3A_6 : vector<16xi1>, vector<16xi32>
    %eq3A_42 = arith.constant 0 : i32
    %eq3A_43 = vector.broadcast %eq3A_42 : i32 to vector<16xi32>
    %eq3A_44 = arith.cmpi eq, %iota3A, %eq3A_43 : vector<16xi32>
    %reduce_sum3A_45 = arith.constant true
    %reduce_sum3A_46 = vector.broadcast %reduce_sum3A_45 : i1 to vector<16xi1>
    %reduce_sum3A_47 = tpu.scan <sum>, %convert_element_type3A masked %reduce_sum3A_46 : vector<16xi32>, vector<16xi1> -> vector<16xi32>
    %reduce_sum3A_48 = vector.extract %reduce_sum3A_47[15] : i32 from vector<16xi32>
    %jit3A_49 = arith.constant 0 : i32
    %broadcast_in_dim3A_50 = vector.broadcast %reduce_sum3A_48 : i32 to vector<16xi32>
    %broadcast_in_dim3A_51 = vector.broadcast %jit3A_49 : i32 to vector<16xi32>
    %select_n3A_52 = arith.select %eq3A_44, %broadcast_in_dim3A_50, %broadcast_in_dim3A_51 : vector<16xi1>, vector<16xi32>
    %add3A_53 = arith.addi %add3A_22, %select_n3A_52 : vector<16xi32>
    %eq3A_54 = arith.constant 1 : i32
    %eq3A_55 = vector.broadcast %eq3A_54 : i32 to vector<16xi32>
    %eq3A_56 = arith.cmpi eq, %get3A_23, %eq3A_55 : vector<16xi32>
    %convert_element_type3A_57 = arith.extui %eq3A_56 : vector<16xi1> to vector<16xi32>
    %broadcast_in_dim3A_58 = arith.constant true
    %broadcast_in_dim3A_59 = vector.broadcast %broadcast_in_dim3A_58 : i1 to vector<16xi1>
    %masked_cumsum3A_60 = tpu.scan <sum>, %convert_element_type3A_57 masked %broadcast_in_dim3A_59 : vector<16xi32>, vector<16xi1> -> vector<16xi32>
    %eq3A_61 = arith.constant 1 : i32
    %eq3A_62 = vector.broadcast %eq3A_61 : i32 to vector<16xi32>
    %eq3A_63 = arith.cmpi eq, %iota3A, %eq3A_62 : vector<16xi32>
    %jit3A_64 = arith.constant 0 : i32
    %broadcast_in_dim3A_65 = vector.broadcast %jit3A_64 : i32 to vector<16xi32>
    %select_n3A_66 = arith.select %eq3A_63, %add3A_53, %broadcast_in_dim3A_65 : vector<16xi1>, vector<16xi32>
    %reduce_sum3A_67 = arith.constant true
    %reduce_sum3A_68 = vector.broadcast %reduce_sum3A_67 : i1 to vector<16xi1>
    %reduce_sum3A_69 = tpu.scan <sum>, %select_n3A_66 masked %reduce_sum3A_68 : vector<16xi32>, vector<16xi1> -> vector<16xi32>
    %reduce_sum3A_70 = vector.extract %reduce_sum3A_69[15] : i32 from vector<16xi32>
    %add3A_71 = vector.broadcast %reduce_sum3A_70 : i32 to vector<16xi32>
    %add3A_72 = arith.addi %add3A_71, %masked_cumsum3A_60 : vector<16xi32>
    %sub3A_73 = arith.constant 1 : i32
    %sub3A_74 = vector.broadcast %sub3A_73 : i32 to vector<16xi32>
    %sub3A_75 = arith.subi %add3A_72, %sub3A_74 : vector<16xi32>
    %select_n3A_76 = arith.select %eq3A_56, %sub3A_75, %select_n3A_41 : vector<16xi1>, vector<16xi32>
    %eq3A_77 = arith.constant 1 : i32
    %eq3A_78 = vector.broadcast %eq3A_77 : i32 to vector<16xi32>
    %eq3A_79 = arith.cmpi eq, %iota3A, %eq3A_78 : vector<16xi32>
    %reduce_sum3A_80 = arith.constant true
    %reduce_sum3A_81 = vector.broadcast %reduce_sum3A_80 : i1 to vector<16xi1>
    %reduce_sum3A_82 = tpu.scan <sum>, %convert_element_type3A_57 masked %reduce_sum3A_81 : vector<16xi32>, vector<16xi1> -> vector<16xi32>
    %reduce_sum3A_83 = vector.extract %reduce_sum3A_82[15] : i32 from vector<16xi32>
    %jit3A_84 = arith.constant 0 : i32
    %broadcast_in_dim3A_85 = vector.broadcast %reduce_sum3A_83 : i32 to vector<16xi32>
    %broadcast_in_dim3A_86 = vector.broadcast %jit3A_84 : i32 to vector<16xi32>
    %select_n3A_87 = arith.select %eq3A_79, %broadcast_in_dim3A_85, %broadcast_in_dim3A_86 : vector<16xi1>, vector<16xi32>
    %add3A_88 = arith.addi %add3A_53, %select_n3A_87 : vector<16xi32>
    %eq3A_89 = arith.constant 2 : i32
    %eq3A_90 = vector.broadcast %eq3A_89 : i32 to vector<16xi32>
    %eq3A_91 = arith.cmpi eq, %get3A_23, %eq3A_90 : vector<16xi32>
    %convert_element_type3A_92 = arith.extui %eq3A_91 : vector<16xi1> to vector<16xi32>
    %broadcast_in_dim3A_93 = arith.constant true
    %broadcast_in_dim3A_94 = vector.broadcast %broadcast_in_dim3A_93 : i1 to vector<16xi1>
    %masked_cumsum3A_95 = tpu.scan <sum>, %convert_element_type3A_92 masked %broadcast_in_dim3A_94 : vector<16xi32>, vector<16xi1> -> vector<16xi32>
    %eq3A_96 = arith.constant 2 : i32
    %eq3A_97 = vector.broadcast %eq3A_96 : i32 to vector<16xi32>
    %eq3A_98 = arith.cmpi eq, %iota3A, %eq3A_97 : vector<16xi32>
    %jit3A_99 = arith.constant 0 : i32
    %broadcast_in_dim3A_100 = vector.broadcast %jit3A_99 : i32 to vector<16xi32>
    %select_n3A_101 = arith.select %eq3A_98, %add3A_88, %broadcast_in_dim3A_100 : vector<16xi1>, vector<16xi32>
    %reduce_sum3A_102 = arith.constant true
    %reduce_sum3A_103 = vector.broadcast %reduce_sum3A_102 : i1 to vector<16xi1>
    %reduce_sum3A_104 = tpu.scan <sum>, %select_n3A_101 masked %reduce_sum3A_103 : vector<16xi32>, vector<16xi1> -> vector<16xi32>
    %reduce_sum3A_105 = vector.extract %reduce_sum3A_104[15] : i32 from vector<16xi32>
    %add3A_106 = vector.broadcast %reduce_sum3A_105 : i32 to vector<16xi32>
    %add3A_107 = arith.addi %add3A_106, %masked_cumsum3A_95 : vector<16xi32>
    %sub3A_108 = arith.constant 1 : i32
    %sub3A_109 = vector.broadcast %sub3A_108 : i32 to vector<16xi32>
    %sub3A_110 = arith.subi %add3A_107, %sub3A_109 : vector<16xi32>
    %select_n3A_111 = arith.select %eq3A_91, %sub3A_110, %select_n3A_76 : vector<16xi1>, vector<16xi32>
    %eq3A_112 = arith.constant 2 : i32
    %eq3A_113 = vector.broadcast %eq3A_112 : i32 to vector<16xi32>
    %eq3A_114 = arith.cmpi eq, %iota3A, %eq3A_113 : vector<16xi32>
    %reduce_sum3A_115 = arith.constant true
    %reduce_sum3A_116 = vector.broadcast %reduce_sum3A_115 : i1 to vector<16xi1>
    %reduce_sum3A_117 = tpu.scan <sum>, %convert_element_type3A_92 masked %reduce_sum3A_116 : vector<16xi32>, vector<16xi1> -> vector<16xi32>
    %reduce_sum3A_118 = vector.extract %reduce_sum3A_117[15] : i32 from vector<16xi32>
    %jit3A_119 = arith.constant 0 : i32
    %broadcast_in_dim3A_120 = vector.broadcast %reduce_sum3A_118 : i32 to vector<16xi32>
    %broadcast_in_dim3A_121 = vector.broadcast %jit3A_119 : i32 to vector<16xi32>
    %select_n3A_122 = arith.select %eq3A_114, %broadcast_in_dim3A_120, %broadcast_in_dim3A_121 : vector<16xi1>, vector<16xi32>
    %add3A_123 = arith.addi %add3A_88, %select_n3A_122 : vector<16xi32>
    %eq3A_124 = arith.constant 3 : i32
    %eq3A_125 = vector.broadcast %eq3A_124 : i32 to vector<16xi32>
    %eq3A_126 = arith.cmpi eq, %get3A_23, %eq3A_125 : vector<16xi32>
    %convert_element_type3A_127 = arith.extui %eq3A_126 : vector<16xi1> to vector<16xi32>
    %broadcast_in_dim3A_128 = arith.constant true
    %broadcast_in_dim3A_129 = vector.broadcast %broadcast_in_dim3A_128 : i1 to vector<16xi1>
    %masked_cumsum3A_130 = tpu.scan <sum>, %convert_element_type3A_127 masked %broadcast_in_dim3A_129 : vector<16xi32>, vector<16xi1> -> vector<16xi32>
    %eq3A_131 = arith.constant 3 : i32
    %eq3A_132 = vector.broadcast %eq3A_131 : i32 to vector<16xi32>
    %eq3A_133 = arith.cmpi eq, %iota3A, %eq3A_132 : vector<16xi32>
    %jit3A_134 = arith.constant 0 : i32
    %broadcast_in_dim3A_135 = vector.broadcast %jit3A_134 : i32 to vector<16xi32>
    %select_n3A_136 = arith.select %eq3A_133, %add3A_123, %broadcast_in_dim3A_135 : vector<16xi1>, vector<16xi32>
    %reduce_sum3A_137 = arith.constant true
    %reduce_sum3A_138 = vector.broadcast %reduce_sum3A_137 : i1 to vector<16xi1>
    %reduce_sum3A_139 = tpu.scan <sum>, %select_n3A_136 masked %reduce_sum3A_138 : vector<16xi32>, vector<16xi1> -> vector<16xi32>
    %reduce_sum3A_140 = vector.extract %reduce_sum3A_139[15] : i32 from vector<16xi32>
    %add3A_141 = vector.broadcast %reduce_sum3A_140 : i32 to vector<16xi32>
    %add3A_142 = arith.addi %add3A_141, %masked_cumsum3A_130 : vector<16xi32>
    %sub3A_143 = arith.constant 1 : i32
    %sub3A_144 = vector.broadcast %sub3A_143 : i32 to vector<16xi32>
    %sub3A_145 = arith.subi %add3A_142, %sub3A_144 : vector<16xi32>
    %select_n3A_146 = arith.select %eq3A_126, %sub3A_145, %select_n3A_111 : vector<16xi1>, vector<16xi32>
    %eq3A_147 = arith.constant 3 : i32
    %eq3A_148 = vector.broadcast %eq3A_147 : i32 to vector<16xi32>
    %eq3A_149 = arith.cmpi eq, %iota3A, %eq3A_148 : vector<16xi32>
    %reduce_sum3A_150 = arith.constant true
    %reduce_sum3A_151 = vector.broadcast %reduce_sum3A_150 : i1 to vector<16xi1>
    %reduce_sum3A_152 = tpu.scan <sum>, %convert_element_type3A_127 masked %reduce_sum3A_151 : vector<16xi32>, vector<16xi1> -> vector<16xi32>
    %reduce_sum3A_153 = vector.extract %reduce_sum3A_152[15] : i32 from vector<16xi32>
    %jit3A_154 = arith.constant 0 : i32
    %broadcast_in_dim3A_155 = vector.broadcast %reduce_sum3A_153 : i32 to vector<16xi32>
    %broadcast_in_dim3A_156 = vector.broadcast %jit3A_154 : i32 to vector<16xi32>
    %select_n3A_157 = arith.select %eq3A_149, %broadcast_in_dim3A_155, %broadcast_in_dim3A_156 : vector<16xi1>, vector<16xi32>
    %add3A_158 = arith.addi %add3A_123, %select_n3A_157 : vector<16xi32>
    %eq3A_159 = arith.constant 4 : i32
    %eq3A_160 = vector.broadcast %eq3A_159 : i32 to vector<16xi32>
    %eq3A_161 = arith.cmpi eq, %get3A_23, %eq3A_160 : vector<16xi32>
    %convert_element_type3A_162 = arith.extui %eq3A_161 : vector<16xi1> to vector<16xi32>
    %broadcast_in_dim3A_163 = arith.constant true
    %broadcast_in_dim3A_164 = vector.broadcast %broadcast_in_dim3A_163 : i1 to vector<16xi1>
    %masked_cumsum3A_165 = tpu.scan <sum>, %convert_element_type3A_162 masked %broadcast_in_dim3A_164 : vector<16xi32>, vector<16xi1> -> vector<16xi32>
    %eq3A_166 = arith.constant 4 : i32
    %eq3A_167 = vector.broadcast %eq3A_166 : i32 to vector<16xi32>
    %eq3A_168 = arith.cmpi eq, %iota3A, %eq3A_167 : vector<16xi32>
    %jit3A_169 = arith.constant 0 : i32
    %broadcast_in_dim3A_170 = vector.broadcast %jit3A_169 : i32 to vector<16xi32>
    %select_n3A_171 = arith.select %eq3A_168, %add3A_158, %broadcast_in_dim3A_170 : vector<16xi1>, vector<16xi32>
    %reduce_sum3A_172 = arith.constant true
    %reduce_sum3A_173 = vector.broadcast %reduce_sum3A_172 : i1 to vector<16xi1>
    %reduce_sum3A_174 = tpu.scan <sum>, %select_n3A_171 masked %reduce_sum3A_173 : vector<16xi32>, vector<16xi1> -> vector<16xi32>
    %reduce_sum3A_175 = vector.extract %reduce_sum3A_174[15] : i32 from vector<16xi32>
    %add3A_176 = vector.broadcast %reduce_sum3A_175 : i32 to vector<16xi32>
    %add3A_177 = arith.addi %add3A_176, %masked_cumsum3A_165 : vector<16xi32>
    %sub3A_178 = arith.constant 1 : i32
    %sub3A_179 = vector.broadcast %sub3A_178 : i32 to vector<16xi32>
    %sub3A_180 = arith.subi %add3A_177, %sub3A_179 : vector<16xi32>
    %select_n3A_181 = arith.select %eq3A_161, %sub3A_180, %select_n3A_146 : vector<16xi1>, vector<16xi32>
    %eq3A_182 = arith.constant 4 : i32
    %eq3A_183 = vector.broadcast %eq3A_182 : i32 to vector<16xi32>
    %eq3A_184 = arith.cmpi eq, %iota3A, %eq3A_183 : vector<16xi32>
    %reduce_sum3A_185 = arith.constant true
    %reduce_sum3A_186 = vector.broadcast %reduce_sum3A_185 : i1 to vector<16xi1>
    %reduce_sum3A_187 = tpu.scan <sum>, %convert_element_type3A_162 masked %reduce_sum3A_186 : vector<16xi32>, vector<16xi1> -> vector<16xi32>
    %reduce_sum3A_188 = vector.extract %reduce_sum3A_187[15] : i32 from vector<16xi32>
    %jit3A_189 = arith.constant 0 : i32
    %broadcast_in_dim3A_190 = vector.broadcast %reduce_sum3A_188 : i32 to vector<16xi32>
    %broadcast_in_dim3A_191 = vector.broadcast %jit3A_189 : i32 to vector<16xi32>
    %select_n3A_192 = arith.select %eq3A_184, %broadcast_in_dim3A_190, %broadcast_in_dim3A_191 : vector<16xi1>, vector<16xi32>
    %add3A_193 = arith.addi %add3A_158, %select_n3A_192 : vector<16xi32>
    %eq3A_194 = arith.constant 5 : i32
    %eq3A_195 = vector.broadcast %eq3A_194 : i32 to vector<16xi32>
    %eq3A_196 = arith.cmpi eq, %get3A_23, %eq3A_195 : vector<16xi32>
    %convert_element_type3A_197 = arith.extui %eq3A_196 : vector<16xi1> to vector<16xi32>
    %broadcast_in_dim3A_198 = arith.constant true
    %broadcast_in_dim3A_199 = vector.broadcast %broadcast_in_dim3A_198 : i1 to vector<16xi1>
    %masked_cumsum3A_200 = tpu.scan <sum>, %convert_element_type3A_197 masked %broadcast_in_dim3A_199 : vector<16xi32>, vector<16xi1> -> vector<16xi32>
    %eq3A_201 = arith.constant 5 : i32
    %eq3A_202 = vector.broadcast %eq3A_201 : i32 to vector<16xi32>
    %eq3A_203 = arith.cmpi eq, %iota3A, %eq3A_202 : vector<16xi32>
    %jit3A_204 = arith.constant 0 : i32
    %broadcast_in_dim3A_205 = vector.broadcast %jit3A_204 : i32 to vector<16xi32>
    %select_n3A_206 = arith.select %eq3A_203, %add3A_193, %broadcast_in_dim3A_205 : vector<16xi1>, vector<16xi32>
    %reduce_sum3A_207 = arith.constant true
    %reduce_sum3A_208 = vector.broadcast %reduce_sum3A_207 : i1 to vector<16xi1>
    %reduce_sum3A_209 = tpu.scan <sum>, %select_n3A_206 masked %reduce_sum3A_208 : vector<16xi32>, vector<16xi1> -> vector<16xi32>
    %reduce_sum3A_210 = vector.extract %reduce_sum3A_209[15] : i32 from vector<16xi32>
    %add3A_211 = vector.broadcast %reduce_sum3A_210 : i32 to vector<16xi32>
    %add3A_212 = arith.addi %add3A_211, %masked_cumsum3A_200 : vector<16xi32>
    %sub3A_213 = arith.constant 1 : i32
    %sub3A_214 = vector.broadcast %sub3A_213 : i32 to vector<16xi32>
    %sub3A_215 = arith.subi %add3A_212, %sub3A_214 : vector<16xi32>
    %select_n3A_216 = arith.select %eq3A_196, %sub3A_215, %select_n3A_181 : vector<16xi1>, vector<16xi32>
    %eq3A_217 = arith.constant 5 : i32
    %eq3A_218 = vector.broadcast %eq3A_217 : i32 to vector<16xi32>
    %eq3A_219 = arith.cmpi eq, %iota3A, %eq3A_218 : vector<16xi32>
    %reduce_sum3A_220 = arith.constant true
    %reduce_sum3A_221 = vector.broadcast %reduce_sum3A_220 : i1 to vector<16xi1>
    %reduce_sum3A_222 = tpu.scan <sum>, %convert_element_type3A_197 masked %reduce_sum3A_221 : vector<16xi32>, vector<16xi1> -> vector<16xi32>
    %reduce_sum3A_223 = vector.extract %reduce_sum3A_222[15] : i32 from vector<16xi32>
    %jit3A_224 = arith.constant 0 : i32
    %broadcast_in_dim3A_225 = vector.broadcast %reduce_sum3A_223 : i32 to vector<16xi32>
    %broadcast_in_dim3A_226 = vector.broadcast %jit3A_224 : i32 to vector<16xi32>
    %select_n3A_227 = arith.select %eq3A_219, %broadcast_in_dim3A_225, %broadcast_in_dim3A_226 : vector<16xi1>, vector<16xi32>
    %add3A_228 = arith.addi %add3A_193, %select_n3A_227 : vector<16xi32>
    %eq3A_229 = arith.constant 6 : i32
    %eq3A_230 = vector.broadcast %eq3A_229 : i32 to vector<16xi32>
    %eq3A_231 = arith.cmpi eq, %get3A_23, %eq3A_230 : vector<16xi32>
    %convert_element_type3A_232 = arith.extui %eq3A_231 : vector<16xi1> to vector<16xi32>
    %broadcast_in_dim3A_233 = arith.constant true
    %broadcast_in_dim3A_234 = vector.broadcast %broadcast_in_dim3A_233 : i1 to vector<16xi1>
    %masked_cumsum3A_235 = tpu.scan <sum>, %convert_element_type3A_232 masked %broadcast_in_dim3A_234 : vector<16xi32>, vector<16xi1> -> vector<16xi32>
    %eq3A_236 = arith.constant 6 : i32
    %eq3A_237 = vector.broadcast %eq3A_236 : i32 to vector<16xi32>
    %eq3A_238 = arith.cmpi eq, %iota3A, %eq3A_237 : vector<16xi32>
    %jit3A_239 = arith.constant 0 : i32
    %broadcast_in_dim3A_240 = vector.broadcast %jit3A_239 : i32 to vector<16xi32>
    %select_n3A_241 = arith.select %eq3A_238, %add3A_228, %broadcast_in_dim3A_240 : vector<16xi1>, vector<16xi32>
    %reduce_sum3A_242 = arith.constant true
    %reduce_sum3A_243 = vector.broadcast %reduce_sum3A_242 : i1 to vector<16xi1>
    %reduce_sum3A_244 = tpu.scan <sum>, %select_n3A_241 masked %reduce_sum3A_243 : vector<16xi32>, vector<16xi1> -> vector<16xi32>
    %reduce_sum3A_245 = vector.extract %reduce_sum3A_244[15] : i32 from vector<16xi32>
    %add3A_246 = vector.broadcast %reduce_sum3A_245 : i32 to vector<16xi32>
    %add3A_247 = arith.addi %add3A_246, %masked_cumsum3A_235 : vector<16xi32>
    %sub3A_248 = arith.constant 1 : i32
    %sub3A_249 = vector.broadcast %sub3A_248 : i32 to vector<16xi32>
    %sub3A_250 = arith.subi %add3A_247, %sub3A_249 : vector<16xi32>
    %select_n3A_251 = arith.select %eq3A_231, %sub3A_250, %select_n3A_216 : vector<16xi1>, vector<16xi32>
    %eq3A_252 = arith.constant 6 : i32
    %eq3A_253 = vector.broadcast %eq3A_252 : i32 to vector<16xi32>
    %eq3A_254 = arith.cmpi eq, %iota3A, %eq3A_253 : vector<16xi32>
    %reduce_sum3A_255 = arith.constant true
    %reduce_sum3A_256 = vector.broadcast %reduce_sum3A_255 : i1 to vector<16xi1>
    %reduce_sum3A_257 = tpu.scan <sum>, %convert_element_type3A_232 masked %reduce_sum3A_256 : vector<16xi32>, vector<16xi1> -> vector<16xi32>
    %reduce_sum3A_258 = vector.extract %reduce_sum3A_257[15] : i32 from vector<16xi32>
    %jit3A_259 = arith.constant 0 : i32
    %broadcast_in_dim3A_260 = vector.broadcast %reduce_sum3A_258 : i32 to vector<16xi32>
    %broadcast_in_dim3A_261 = vector.broadcast %jit3A_259 : i32 to vector<16xi32>
    %select_n3A_262 = arith.select %eq3A_254, %broadcast_in_dim3A_260, %broadcast_in_dim3A_261 : vector<16xi1>, vector<16xi32>
    %add3A_263 = arith.addi %add3A_228, %select_n3A_262 : vector<16xi32>
    %eq3A_264 = arith.constant 7 : i32
    %eq3A_265 = vector.broadcast %eq3A_264 : i32 to vector<16xi32>
    %eq3A_266 = arith.cmpi eq, %get3A_23, %eq3A_265 : vector<16xi32>
    %convert_element_type3A_267 = arith.extui %eq3A_266 : vector<16xi1> to vector<16xi32>
    %broadcast_in_dim3A_268 = arith.constant true
    %broadcast_in_dim3A_269 = vector.broadcast %broadcast_in_dim3A_268 : i1 to vector<16xi1>
    %masked_cumsum3A_270 = tpu.scan <sum>, %convert_element_type3A_267 masked %broadcast_in_dim3A_269 : vector<16xi32>, vector<16xi1> -> vector<16xi32>
    %eq3A_271 = arith.constant 7 : i32
    %eq3A_272 = vector.broadcast %eq3A_271 : i32 to vector<16xi32>
    %eq3A_273 = arith.cmpi eq, %iota3A, %eq3A_272 : vector<16xi32>
    %jit3A_274 = arith.constant 0 : i32
    %broadcast_in_dim3A_275 = vector.broadcast %jit3A_274 : i32 to vector<16xi32>
    %select_n3A_276 = arith.select %eq3A_273, %add3A_263, %broadcast_in_dim3A_275 : vector<16xi1>, vector<16xi32>
    %reduce_sum3A_277 = arith.constant true
    %reduce_sum3A_278 = vector.broadcast %reduce_sum3A_277 : i1 to vector<16xi1>
    %reduce_sum3A_279 = tpu.scan <sum>, %select_n3A_276 masked %reduce_sum3A_278 : vector<16xi32>, vector<16xi1> -> vector<16xi32>
    %reduce_sum3A_280 = vector.extract %reduce_sum3A_279[15] : i32 from vector<16xi32>
    %add3A_281 = vector.broadcast %reduce_sum3A_280 : i32 to vector<16xi32>
    %add3A_282 = arith.addi %add3A_281, %masked_cumsum3A_270 : vector<16xi32>
    %sub3A_283 = arith.constant 1 : i32
    %sub3A_284 = vector.broadcast %sub3A_283 : i32 to vector<16xi32>
    %sub3A_285 = arith.subi %add3A_282, %sub3A_284 : vector<16xi32>
    %select_n3A_286 = arith.select %eq3A_266, %sub3A_285, %select_n3A_251 : vector<16xi1>, vector<16xi32>
    %eq3A_287 = arith.constant 7 : i32
    %eq3A_288 = vector.broadcast %eq3A_287 : i32 to vector<16xi32>
    %eq3A_289 = arith.cmpi eq, %iota3A, %eq3A_288 : vector<16xi32>
    %reduce_sum3A_290 = arith.constant true
    %reduce_sum3A_291 = vector.broadcast %reduce_sum3A_290 : i1 to vector<16xi1>
    %reduce_sum3A_292 = tpu.scan <sum>, %convert_element_type3A_267 masked %reduce_sum3A_291 : vector<16xi32>, vector<16xi1> -> vector<16xi32>
    %reduce_sum3A_293 = vector.extract %reduce_sum3A_292[15] : i32 from vector<16xi32>
    %jit3A_294 = arith.constant 0 : i32
    %broadcast_in_dim3A_295 = vector.broadcast %reduce_sum3A_293 : i32 to vector<16xi32>
    %broadcast_in_dim3A_296 = vector.broadcast %jit3A_294 : i32 to vector<16xi32>
    %select_n3A_297 = arith.select %eq3A_289, %broadcast_in_dim3A_295, %broadcast_in_dim3A_296 : vector<16xi1>, vector<16xi32>
    %add3A_298 = arith.addi %add3A_263, %select_n3A_297 : vector<16xi32>
    %swap3A = arith.constant 0 : index
    %swap3A_299 = tpu.vector_load %arg15[%swap3A] {strides = array<i32>} : memref<64xi32, #tpu.memory_space<vmem>>, vector<16xi32>,
    tpu.vector_store %arg15[%swap3A], %select_n3A_286 {strides = array<i32>} : memref<64xi32, #tpu.memory_space<vmem>>, vector<16xi32>,
    %get3A_300 = arith.constant 0 : index
    %get3A_301 = tpu.vector_load %arg14[%get3A_300] {strides = array<i32>} : memref<64xi32, #tpu.memory_space<vmem>>, vector<16xi32>,
    %eq3A_302 = arith.constant 0 : i32
    %eq3A_303 = vector.broadcast %eq3A_302 : i32 to vector<16xi32>
    %eq3A_304 = arith.cmpi eq, %get3A_301, %eq3A_303 : vector<16xi32>
    %convert_element_type3A_305 = arith.extui %eq3A_304 : vector<16xi1> to vector<16xi32>
    %broadcast_in_dim3A_306 = arith.constant true
    %broadcast_in_dim3A_307 = vector.broadcast %broadcast_in_dim3A_306 : i1 to vector<16xi1>
    %masked_cumsum3A_308 = tpu.scan <sum>, %convert_element_type3A_305 masked %broadcast_in_dim3A_307 : vector<16xi32>, vector<16xi1> -> vector<16xi32>
    %eq3A_309 = arith.constant 0 : i32
    %eq3A_310 = vector.broadcast %eq3A_309 : i32 to vector<16xi32>
    %eq3A_311 = arith.cmpi eq, %iota3A, %eq3A_310 : vector<16xi32>
    %jit3A_312 = arith.constant 0 : i32
    %broadcast_in_dim3A_313 = vector.broadcast %jit3A_312 : i32 to vector<16xi32>
    %select_n3A_314 = arith.select %eq3A_311, %add3A_298, %broadcast_in_dim3A_313 : vector<16xi1>, vector<16xi32>
    %reduce_sum3A_315 = arith.constant true
    %reduce_sum3A_316 = vector.broadcast %reduce_sum3A_315 : i1 to vector<16xi1>
    %reduce_sum3A_317 = tpu.scan <sum>, %select_n3A_314 masked %reduce_sum3A_316 : vector<16xi32>, vector<16xi1> -> vector<16xi32>
    %reduce_sum3A_318 = vector.extract %reduce_sum3A_317[15] : i32 from vector<16xi32>
    %add3A_319 = vector.broadcast %reduce_sum3A_318 : i32 to vector<16xi32>
    %add3A_320 = arith.addi %add3A_319, %masked_cumsum3A_308 : vector<16xi32>
    %sub3A_321 = arith.constant 1 : i32
    %sub3A_322 = vector.broadcast %sub3A_321 : i32 to vector<16xi32>
    %sub3A_323 = arith.subi %add3A_320, %sub3A_322 : vector<16xi32>
    %select_n3A_324 = arith.select %eq3A_304, %sub3A_323, %broadcast_in_dim3A_6 : vector<16xi1>, vector<16xi32>
    %eq3A_325 = arith.constant 0 : i32
    %eq3A_326 = vector.broadcast %eq3A_325 : i32 to vector<16xi32>
    %eq3A_327 = arith.cmpi eq, %iota3A, %eq3A_326 : vector<16xi32>
    %reduce_sum3A_328 = arith.constant true
    %reduce_sum3A_329 = vector.broadcast %reduce_sum3A_328 : i1 to vector<16xi1>
    %reduce_sum3A_330 = tpu.scan <sum>, %convert_element_type3A_305 masked %reduce_sum3A_329 : vector<16xi32>, vector<16xi1> -> vector<16xi32>
    %reduce_sum3A_331 = vector.extract %reduce_sum3A_330[15] : i32 from vector<16xi32>
    %jit3A_332 = arith.constant 0 : i32
    %broadcast_in_dim3A_333 = vector.broadcast %reduce_sum3A_331 : i32 to vector<16xi32>
    %broadcast_in_dim3A_334 = vector.broadcast %jit3A_332 : i32 to vector<16xi32>
    %select_n3A_335 = arith.select %eq3A_327, %broadcast_in_dim3A_333, %broadcast_in_dim3A_334 : vector<16xi1>, vector<16xi32>
    %add3A_336 = arith.addi %add3A_298, %select_n3A_335 : vector<16xi32>
    %eq3A_337 = arith.constant 1 : i32
    %eq3A_338 = vector.broadcast %eq3A_337 : i32 to vector<16xi32>
    %eq3A_339 = arith.cmpi eq, %get3A_301, %eq3A_338 : vector<16xi32>
    %convert_element_type3A_340 = arith.extui %eq3A_339 : vector<16xi1> to vector<16xi32>
    %broadcast_in_dim3A_341 = arith.constant true
    %broadcast_in_dim3A_342 = vector.broadcast %broadcast_in_dim3A_341 : i1 to vector<16xi1>
    %masked_cumsum3A_343 = tpu.scan <sum>, %convert_element_type3A_340 masked %broadcast_in_dim3A_342 : vector<16xi32>, vector<16xi1> -> vector<16xi32>
    %eq3A_344 = arith.constant 1 : i32
    %eq3A_345 = vector.broadcast %eq3A_344 : i32 to vector<16xi32>
    %eq3A_346 = arith.cmpi eq, %iota3A, %eq3A_345 : vector<16xi32>
    %jit3A_347 = arith.constant 0 : i32
    %broadcast_in_dim3A_348 = vector.broadcast %jit3A_347 : i32 to vector<16xi32>
    %select_n3A_349 = arith.select %eq3A_346, %add3A_336, %broadcast_in_dim3A_348 : vector<16xi1>, vector<16xi32>
    %reduce_sum3A_350 = arith.constant true
    %reduce_sum3A_351 = vector.broadcast %reduce_sum3A_350 : i1 to vector<16xi1>
    %reduce_sum3A_352 = tpu.scan <sum>, %select_n3A_349 masked %reduce_sum3A_351 : vector<16xi32>, vector<16xi1> -> vector<16xi32>
    %reduce_sum3A_353 = vector.extract %reduce_sum3A_352[15] : i32 from vector<16xi32>
    %add3A_354 = vector.broadcast %reduce_sum3A_353 : i32 to vector<16xi32>
    %add3A_355 = arith.addi %add3A_354, %masked_cumsum3A_343 : vector<16xi32>
    %sub3A_356 = arith.constant 1 : i32
    %sub3A_357 = vector.broadcast %sub3A_356 : i32 to vector<16xi32>
    %sub3A_358 = arith.subi %add3A_355, %sub3A_357 : vector<16xi32>
    %select_n3A_359 = arith.select %eq3A_339, %sub3A_358, %select_n3A_324 : vector<16xi1>, vector<16xi32>
    %eq3A_360 = arith.constant 1 : i32
    %eq3A_361 = vector.broadcast %eq3A_360 : i32 to vector<16xi32>
    %eq3A_362 = arith.cmpi eq, %iota3A, %eq3A_361 : vector<16xi32>
    %reduce_sum3A_363 = arith.constant true
    %reduce_sum3A_364 = vector.broadcast %reduce_sum3A_363 : i1 to vector<16xi1>
    %reduce_sum3A_365 = tpu.scan <sum>, %convert_element_type3A_340 masked %reduce_sum3A_364 : vector<16xi32>, vector<16xi1> -> vector<16xi32>
    %reduce_sum3A_366 = vector.extract %reduce_sum3A_365[15] : i32 from vector<16xi32>
    %jit3A_367 = arith.constant 0 : i32
    %broadcast_in_dim3A_368 = vector.broadcast %reduce_sum3A_366 : i32 to vector<16xi32>
    %broadcast_in_dim3A_369 = vector.broadcast %jit3A_367 : i32 to vector<16xi32>
    %select_n3A_370 = arith.select %eq3A_362, %broadcast_in_dim3A_368, %broadcast_in_dim3A_369 : vector<16xi1>, vector<16xi32>
    %add3A_371 = arith.addi %add3A_336, %select_n3A_370 : vector<16xi32>
    %eq3A_372 = arith.constant 2 : i32
    %eq3A_373 = vector.broadcast %eq3A_372 : i32 to vector<16xi32>
    %eq3A_374 = arith.cmpi eq, %get3A_301, %eq3A_373 : vector<16xi32>
    %convert_element_type3A_375 = arith.extui %eq3A_374 : vector<16xi1> to vector<16xi32>
    %broadcast_in_dim3A_376 = arith.constant true
    %broadcast_in_dim3A_377 = vector.broadcast %broadcast_in_dim3A_376 : i1 to vector<16xi1>
    %masked_cumsum3A_378 = tpu.scan <sum>, %convert_element_type3A_375 masked %broadcast_in_dim3A_377 : vector<16xi32>, vector<16xi1> -> vector<16xi32>
    %eq3A_379 = arith.constant 2 : i32
    %eq3A_380 = vector.broadcast %eq3A_379 : i32 to vector<16xi32>
    %eq3A_381 = arith.cmpi eq, %iota3A, %eq3A_380 : vector<16xi32>
    %jit3A_382 = arith.constant 0 : i32
    %broadcast_in_dim3A_383 = vector.broadcast %jit3A_382 : i32 to vector<16xi32>
    %select_n3A_384 = arith.select %eq3A_381, %add3A_371, %broadcast_in_dim3A_383 : vector<16xi1>, vector<16xi32>
    %reduce_sum3A_385 = arith.constant true
    %reduce_sum3A_386 = vector.broadcast %reduce_sum3A_385 : i1 to vector<16xi1>
    %reduce_sum3A_387 = tpu.scan <sum>, %select_n3A_384 masked %reduce_sum3A_386 : vector<16xi32>, vector<16xi1> -> vector<16xi32>
    %reduce_sum3A_388 = vector.extract %reduce_sum3A_387[15] : i32 from vector<16xi32>
    %add3A_389 = vector.broadcast %reduce_sum3A_388 : i32 to vector<16xi32>
    %add3A_390 = arith.addi %add3A_389, %masked_cumsum3A_378 : vector<16xi32>
    %sub3A_391 = arith.constant 1 : i32
    %sub3A_392 = vector.broadcast %sub3A_391 : i32 to vector<16xi32>
    %sub3A_393 = arith.subi %add3A_390, %sub3A_392 : vector<16xi32>
    %select_n3A_394 = arith.select %eq3A_374, %sub3A_393, %select_n3A_359 : vector<16xi1>, vector<16xi32>
    %eq3A_395 = arith.constant 2 : i32
    %eq3A_396 = vector.broadcast %eq3A_395 : i32 to vector<16xi32>
    %eq3A_397 = arith.cmpi eq, %iota3A, %eq3A_396 : vector<16xi32>
    %reduce_sum3A_398 = arith.constant true
    %reduce_sum3A_399 = vector.broadcast %reduce_sum3A_398 : i1 to vector<16xi1>
    %reduce_sum3A_400 = tpu.scan <sum>, %convert_element_type3A_375 masked %reduce_sum3A_399 : vector<16xi32>, vector<16xi1> -> vector<16xi32>
    %reduce_sum3A_401 = vector.extract %reduce_sum3A_400[15] : i32 from vector<16xi32>
    %jit3A_402 = arith.constant 0 : i32
    %broadcast_in_dim3A_403 = vector.broadcast %reduce_sum3A_401 : i32 to vector<16xi32>
    %broadcast_in_dim3A_404 = vector.broadcast %jit3A_402 : i32 to vector<16xi32>
    %select_n3A_405 = arith.select %eq3A_397, %broadcast_in_dim3A_403, %broadcast_in_dim3A_404 : vector<16xi1>, vector<16xi32>
    %add3A_406 = arith.addi %add3A_371, %select_n3A_405 : vector<16xi32>
    %eq3A_407 = arith.constant 3 : i32
    %eq3A_408 = vector.broadcast %eq3A_407 : i32 to vector<16xi32>
    %eq3A_409 = arith.cmpi eq, %get3A_301, %eq3A_408 : vector<16xi32>
    %convert_element_type3A_410 = arith.extui %eq3A_409 : vector<16xi1> to vector<16xi32>
    %broadcast_in_dim3A_411 = arith.constant true
    %broadcast_in_dim3A_412 = vector.broadcast %broadcast_in_dim3A_411 : i1 to vector<16xi1>
    %masked_cumsum3A_413 = tpu.scan <sum>, %convert_element_type3A_410 masked %broadcast_in_dim3A_412 : vector<16xi32>, vector<16xi1> -> vector<16xi32>
    %eq3A_414 = arith.constant 3 : i32
    %eq3A_415 = vector.broadcast %eq3A_414 : i32 to vector<16xi32>
    %eq3A_416 = arith.cmpi eq, %iota3A, %eq3A_415 : vector<16xi32>
    %jit3A_417 = arith.constant 0 : i32
    %broadcast_in_dim3A_418 = vector.broadcast %jit3A_417 : i32 to vector<16xi32>
    %select_n3A_419 = arith.select %eq3A_416, %add3A_406, %broadcast_in_dim3A_418 : vector<16xi1>, vector<16xi32>
    %reduce_sum3A_420 = arith.constant true
    %reduce_sum3A_421 = vector.broadcast %reduce_sum3A_420 : i1 to vector<16xi1>
    %reduce_sum3A_422 = tpu.scan <sum>, %select_n3A_419 masked %reduce_sum3A_421 : vector<16xi32>, vector<16xi1> -> vector<16xi32>
    %reduce_sum3A_423 = vector.extract %reduce_sum3A_422[15] : i32 from vector<16xi32>
    %add3A_424 = vector.broadcast %reduce_sum3A_423 : i32 to vector<16xi32>
    %add3A_425 = arith.addi %add3A_424, %masked_cumsum3A_413 : vector<16xi32>
    %sub3A_426 = arith.constant 1 : i32
    %sub3A_427 = vector.broadcast %sub3A_426 : i32 to vector<16xi32>
    %sub3A_428 = arith.subi %add3A_425, %sub3A_427 : vector<16xi32>
    %select_n3A_429 = arith.select %eq3A_409, %sub3A_428, %select_n3A_394 : vector<16xi1>, vector<16xi32>
    %eq3A_430 = arith.constant 3 : i32
    %eq3A_431 = vector.broadcast %eq3A_430 : i32 to vector<16xi32>
    %eq3A_432 = arith.cmpi eq, %iota3A, %eq3A_431 : vector<16xi32>
    %reduce_sum3A_433 = arith.constant true
    %reduce_sum3A_434 = vector.broadcast %reduce_sum3A_433 : i1 to vector<16xi1>
    %reduce_sum3A_435 = tpu.scan <sum>, %convert_element_type3A_410 masked %reduce_sum3A_434 : vector<16xi32>, vector<16xi1> -> vector<16xi32>
    %reduce_sum3A_436 = vector.extract %reduce_sum3A_435[15] : i32 from vector<16xi32>
    %jit3A_437 = arith.constant 0 : i32
    %broadcast_in_dim3A_438 = vector.broadcast %reduce_sum3A_436 : i32 to vector<16xi32>
    %broadcast_in_dim3A_439 = vector.broadcast %jit3A_437 : i32 to vector<16xi32>
    %select_n3A_440 = arith.select %eq3A_432, %broadcast_in_dim3A_438, %broadcast_in_dim3A_439 : vector<16xi1>, vector<16xi32>
    %add3A_441 = arith.addi %add3A_406, %select_n3A_440 : vector<16xi32>
    %eq3A_442 = arith.constant 4 : i32
    %eq3A_443 = vector.broadcast %eq3A_442 : i32 to vector<16xi32>
    %eq3A_444 = arith.cmpi eq, %get3A_301, %eq3A_443 : vector<16xi32>
    %convert_element_type3A_445 = arith.extui %eq3A_444 : vector<16xi1> to vector<16xi32>
    %broadcast_in_dim3A_446 = arith.constant true
    %broadcast_in_dim3A_447 = vector.broadcast %broadcast_in_dim3A_446 : i1 to vector<16xi1>
    %masked_cumsum3A_448 = tpu.scan <sum>, %convert_element_type3A_445 masked %broadcast_in_dim3A_447 : vector<16xi32>, vector<16xi1> -> vector<16xi32>
    %eq3A_449 = arith.constant 4 : i32
    %eq3A_450 = vector.broadcast %eq3A_449 : i32 to vector<16xi32>
    %eq3A_451 = arith.cmpi eq, %iota3A, %eq3A_450 : vector<16xi32>
    %jit3A_452 = arith.constant 0 : i32
    %broadcast_in_dim3A_453 = vector.broadcast %jit3A_452 : i32 to vector<16xi32>
    %select_n3A_454 = arith.select %eq3A_451, %add3A_441, %broadcast_in_dim3A_453 : vector<16xi1>, vector<16xi32>
    %reduce_sum3A_455 = arith.constant true
    %reduce_sum3A_456 = vector.broadcast %reduce_sum3A_455 : i1 to vector<16xi1>
    %reduce_sum3A_457 = tpu.scan <sum>, %select_n3A_454 masked %reduce_sum3A_456 : vector<16xi32>, vector<16xi1> -> vector<16xi32>
    %reduce_sum3A_458 = vector.extract %reduce_sum3A_457[15] : i32 from vector<16xi32>
    %add3A_459 = vector.broadcast %reduce_sum3A_458 : i32 to vector<16xi32>
    %add3A_460 = arith.addi %add3A_459, %masked_cumsum3A_448 : vector<16xi32>
    %sub3A_461 = arith.constant 1 : i32
    %sub3A_462 = vector.broadcast %sub3A_461 : i32 to vector<16xi32>
    %sub3A_463 = arith.subi %add3A_460, %sub3A_462 : vector<16xi32>
    %select_n3A_464 = arith.select %eq3A_444, %sub3A_463, %select_n3A_429 : vector<16xi1>, vector<16xi32>
    %eq3A_465 = arith.constant 4 : i32
    %eq3A_466 = vector.broadcast %eq3A_465 : i32 to vector<16xi32>
    %eq3A_467 = arith.cmpi eq, %iota3A, %eq3A_466 : vector<16xi32>
    %reduce_sum3A_468 = arith.constant true
    %reduce_sum3A_469 = vector.broadcast %reduce_sum3A_468 : i1 to vector<16xi1>
    %reduce_sum3A_470 = tpu.scan <sum>, %convert_element_type3A_445 masked %reduce_sum3A_469 : vector<16xi32>, vector<16xi1> -> vector<16xi32>
    %reduce_sum3A_471 = vector.extract %reduce_sum3A_470[15] : i32 from vector<16xi32>
    %jit3A_472 = arith.constant 0 : i32
    %broadcast_in_dim3A_473 = vector.broadcast %reduce_sum3A_471 : i32 to vector<16xi32>
    %broadcast_in_dim3A_474 = vector.broadcast %jit3A_472 : i32 to vector<16xi32>
    %select_n3A_475 = arith.select %eq3A_467, %broadcast_in_dim3A_473, %broadcast_in_dim3A_474 : vector<16xi1>, vector<16xi32>
    %add3A_476 = arith.addi %add3A_441, %select_n3A_475 : vector<16xi32>
    %eq3A_477 = arith.constant 5 : i32
    %eq3A_478 = vector.broadcast %eq3A_477 : i32 to vector<16xi32>
    %eq3A_479 = arith.cmpi eq, %get3A_301, %eq3A_478 : vector<16xi32>
    %convert_element_type3A_480 = arith.extui %eq3A_479 : vector<16xi1> to vector<16xi32>
    %broadcast_in_dim3A_481 = arith.constant true
    %broadcast_in_dim3A_482 = vector.broadcast %broadcast_in_dim3A_481 : i1 to vector<16xi1>
    %masked_cumsum3A_483 = tpu.scan <sum>, %convert_element_type3A_480 masked %broadcast_in_dim3A_482 : vector<16xi32>, vector<16xi1> -> vector<16xi32>
    %eq3A_484 = arith.constant 5 : i32
    %eq3A_485 = vector.broadcast %eq3A_484 : i32 to vector<16xi32>
    %eq3A_486 = arith.cmpi eq, %iota3A, %eq3A_485 : vector<16xi32>
    %jit3A_487 = arith.constant 0 : i32
    %broadcast_in_dim3A_488 = vector.broadcast %jit3A_487 : i32 to vector<16xi32>
    %select_n3A_489 = arith.select %eq3A_486, %add3A_476, %broadcast_in_dim3A_488 : vector<16xi1>, vector<16xi32>
    %reduce_sum3A_490 = arith.constant true
    %reduce_sum3A_491 = vector.broadcast %reduce_sum3A_490 : i1 to vector<16xi1>
    %reduce_sum3A_492 = tpu.scan <sum>, %select_n3A_489 masked %reduce_sum3A_491 : vector<16xi32>, vector<16xi1> -> vector<16xi32>
    %reduce_sum3A_493 = vector.extract %reduce_sum3A_492[15] : i32 from vector<16xi32>
    %add3A_494 = vector.broadcast %reduce_sum3A_493 : i32 to vector<16xi32>
    %add3A_495 = arith.addi %add3A_494, %masked_cumsum3A_483 : vector<16xi32>
    %sub3A_496 = arith.constant 1 : i32
    %sub3A_497 = vector.broadcast %sub3A_496 : i32 to vector<16xi32>
    %sub3A_498 = arith.subi %add3A_495, %sub3A_497 : vector<16xi32>
    %select_n3A_499 = arith.select %eq3A_479, %sub3A_498, %select_n3A_464 : vector<16xi1>, vector<16xi32>
    %eq3A_500 = arith.constant 5 : i32
    %eq3A_501 = vector.broadcast %eq3A_500 : i32 to vector<16xi32>
    %eq3A_502 = arith.cmpi eq, %iota3A, %eq3A_501 : vector<16xi32>
    %reduce_sum3A_503 = arith.constant true
    %reduce_sum3A_504 = vector.broadcast %reduce_sum3A_503 : i1 to vector<16xi1>
    %reduce_sum3A_505 = tpu.scan <sum>, %convert_element_type3A_480 masked %reduce_sum3A_504 : vector<16xi32>, vector<16xi1> -> vector<16xi32>
    %reduce_sum3A_506 = vector.extract %reduce_sum3A_505[15] : i32 from vector<16xi32>
    %jit3A_507 = arith.constant 0 : i32
    %broadcast_in_dim3A_508 = vector.broadcast %reduce_sum3A_506 : i32 to vector<16xi32>
    %broadcast_in_dim3A_509 = vector.broadcast %jit3A_507 : i32 to vector<16xi32>
    %select_n3A_510 = arith.select %eq3A_502, %broadcast_in_dim3A_508, %broadcast_in_dim3A_509 : vector<16xi1>, vector<16xi32>
    %add3A_511 = arith.addi %add3A_476, %select_n3A_510 : vector<16xi32>
    %eq3A_512 = arith.constant 6 : i32
    %eq3A_513 = vector.broadcast %eq3A_512 : i32 to vector<16xi32>
    %eq3A_514 = arith.cmpi eq, %get3A_301, %eq3A_513 : vector<16xi32>
    %convert_element_type3A_515 = arith.extui %eq3A_514 : vector<16xi1> to vector<16xi32>
    %broadcast_in_dim3A_516 = arith.constant true
    %broadcast_in_dim3A_517 = vector.broadcast %broadcast_in_dim3A_516 : i1 to vector<16xi1>
    %masked_cumsum3A_518 = tpu.scan <sum>, %convert_element_type3A_515 masked %broadcast_in_dim3A_517 : vector<16xi32>, vector<16xi1> -> vector<16xi32>
    %eq3A_519 = arith.constant 6 : i32
    %eq3A_520 = vector.broadcast %eq3A_519 : i32 to vector<16xi32>
    %eq3A_521 = arith.cmpi eq, %iota3A, %eq3A_520 : vector<16xi32>
    %jit3A_522 = arith.constant 0 : i32
    %broadcast_in_dim3A_523 = vector.broadcast %jit3A_522 : i32 to vector<16xi32>
    %select_n3A_524 = arith.select %eq3A_521, %add3A_511, %broadcast_in_dim3A_523 : vector<16xi1>, vector<16xi32>
    %reduce_sum3A_525 = arith.constant true
    %reduce_sum3A_526 = vector.broadcast %reduce_sum3A_525 : i1 to vector<16xi1>
    %reduce_sum3A_527 = tpu.scan <sum>, %select_n3A_524 masked %reduce_sum3A_526 : vector<16xi32>, vector<16xi1> -> vector<16xi32>
    %reduce_sum3A_528 = vector.extract %reduce_sum3A_527[15] : i32 from vector<16xi32>
    %add3A_529 = vector.broadcast %reduce_sum3A_528 : i32 to vector<16xi32>
    %add3A_530 = arith.addi %add3A_529, %masked_cumsum3A_518 : vector<16xi32>
    %sub3A_531 = arith.constant 1 : i32
    %sub3A_532 = vector.broadcast %sub3A_531 : i32 to vector<16xi32>
    %sub3A_533 = arith.subi %add3A_530, %sub3A_532 : vector<16xi32>
    %select_n3A_534 = arith.select %eq3A_514, %sub3A_533, %select_n3A_499 : vector<16xi1>, vector<16xi32>
    %eq3A_535 = arith.constant 6 : i32
    %eq3A_536 = vector.broadcast %eq3A_535 : i32 to vector<16xi32>
    %eq3A_537 = arith.cmpi eq, %iota3A, %eq3A_536 : vector<16xi32>
    %reduce_sum3A_538 = arith.constant true
    %reduce_sum3A_539 = vector.broadcast %reduce_sum3A_538 : i1 to vector<16xi1>
    %reduce_sum3A_540 = tpu.scan <sum>, %convert_element_type3A_515 masked %reduce_sum3A_539 : vector<16xi32>, vector<16xi1> -> vector<16xi32>
    %reduce_sum3A_541 = vector.extract %reduce_sum3A_540[15] : i32 from vector<16xi32>
    %jit3A_542 = arith.constant 0 : i32
    %broadcast_in_dim3A_543 = vector.broadcast %reduce_sum3A_541 : i32 to vector<16xi32>
    %broadcast_in_dim3A_544 = vector.broadcast %jit3A_542 : i32 to vector<16xi32>
    %select_n3A_545 = arith.select %eq3A_537, %broadcast_in_dim3A_543, %broadcast_in_dim3A_544 : vector<16xi1>, vector<16xi32>
    %add3A_546 = arith.addi %add3A_511, %select_n3A_545 : vector<16xi32>
    %eq3A_547 = arith.constant 7 : i32
    %eq3A_548 = vector.broadcast %eq3A_547 : i32 to vector<16xi32>
    %eq3A_549 = arith.cmpi eq, %get3A_301, %eq3A_548 : vector<16xi32>
    %convert_element_type3A_550 = arith.extui %eq3A_549 : vector<16xi1> to vector<16xi32>
    %broadcast_in_dim3A_551 = arith.constant true
    %broadcast_in_dim3A_552 = vector.broadcast %broadcast_in_dim3A_551 : i1 to vector<16xi1>
    %masked_cumsum3A_553 = tpu.scan <sum>, %convert_element_type3A_550 masked %broadcast_in_dim3A_552 : vector<16xi32>, vector<16xi1> -> vector<16xi32>
    %eq3A_554 = arith.constant 7 : i32
    %eq3A_555 = vector.broadcast %eq3A_554 : i32 to vector<16xi32>
    %eq3A_556 = arith.cmpi eq, %iota3A, %eq3A_555 : vector<16xi32>
    %jit3A_557 = arith.constant 0 : i32
    %broadcast_in_dim3A_558 = vector.broadcast %jit3A_557 : i32 to vector<16xi32>
    %select_n3A_559 = arith.select %eq3A_556, %add3A_546, %broadcast_in_dim3A_558 : vector<16xi1>, vector<16xi32>
    %reduce_sum3A_560 = arith.constant true
    %reduce_sum3A_561 = vector.broadcast %reduce_sum3A_560 : i1 to vector<16xi1>
    %reduce_sum3A_562 = tpu.scan <sum>, %select_n3A_559 masked %reduce_sum3A_561 : vector<16xi32>, vector<16xi1> -> vector<16xi32>
    %reduce_sum3A_563 = vector.extract %reduce_sum3A_562[15] : i32 from vector<16xi32>
    %add3A_564 = vector.broadcast %reduce_sum3A_563 : i32 to vector<16xi32>
    %add3A_565 = arith.addi %add3A_564, %masked_cumsum3A_553 : vector<16xi32>
    %sub3A_566 = arith.constant 1 : i32
    %sub3A_567 = vector.broadcast %sub3A_566 : i32 to vector<16xi32>
    %sub3A_568 = arith.subi %add3A_565, %sub3A_567 : vector<16xi32>
    %select_n3A_569 = arith.select %eq3A_549, %sub3A_568, %select_n3A_534 : vector<16xi1>, vector<16xi32>
    %eq3A_570 = arith.constant 7 : i32
    %eq3A_571 = vector.broadcast %eq3A_570 : i32 to vector<16xi32>
    %eq3A_572 = arith.cmpi eq, %iota3A, %eq3A_571 : vector<16xi32>
    %reduce_sum3A_573 = arith.constant true
    %reduce_sum3A_574 = vector.broadcast %reduce_sum3A_573 : i1 to vector<16xi1>
    %reduce_sum3A_575 = tpu.scan <sum>, %convert_element_type3A_550 masked %reduce_sum3A_574 : vector<16xi32>, vector<16xi1> -> vector<16xi32>
    %reduce_sum3A_576 = vector.extract %reduce_sum3A_575[15] : i32 from vector<16xi32>
    %jit3A_577 = arith.constant 0 : i32
    %broadcast_in_dim3A_578 = vector.broadcast %reduce_sum3A_576 : i32 to vector<16xi32>
    %broadcast_in_dim3A_579 = vector.broadcast %jit3A_577 : i32 to vector<16xi32>
    %select_n3A_580 = arith.select %eq3A_572, %broadcast_in_dim3A_578, %broadcast_in_dim3A_579 : vector<16xi1>, vector<16xi32>
    %add3A_581 = arith.addi %add3A_546, %select_n3A_580 : vector<16xi32>
    %swap3A_582 = arith.constant 0 : index
    %swap3A_583 = tpu.vector_load %arg16[%swap3A_582] {strides = array<i32>} : memref<64xi32, #tpu.memory_space<vmem>>, vector<16xi32>,
    tpu.vector_store %arg16[%swap3A_582], %select_n3A_569 {strides = array<i32>} : memref<64xi32, #tpu.memory_space<vmem>>, vector<16xi32>,
    %get3A_584 = arith.constant 16 : index
    %get3A_585 = tpu.vector_load %arg13[%get3A_584] {strides = array<i32>} : memref<64xi32, #tpu.memory_space<vmem>>, vector<16xi32>,
    %eq3A_586 = arith.constant 0 : i32
    %eq3A_587 = vector.broadcast %eq3A_586 : i32 to vector<16xi32>
    %eq3A_588 = arith.cmpi eq, %get3A_585, %eq3A_587 : vector<16xi32>
    %convert_element_type3A_589 = arith.extui %eq3A_588 : vector<16xi1> to vector<16xi32>
    %broadcast_in_dim3A_590 = arith.constant true
    %broadcast_in_dim3A_591 = vector.broadcast %broadcast_in_dim3A_590 : i1 to vector<16xi1>
    %masked_cumsum3A_592 = tpu.scan <sum>, %convert_element_type3A_589 masked %broadcast_in_dim3A_591 : vector<16xi32>, vector<16xi1> -> vector<16xi32>
    %eq3A_593 = arith.constant 0 : i32
    %eq3A_594 = vector.broadcast %eq3A_593 : i32 to vector<16xi32>
    %eq3A_595 = arith.cmpi eq, %iota3A, %eq3A_594 : vector<16xi32>
    %jit3A_596 = arith.constant 0 : i32
    %broadcast_in_dim3A_597 = vector.broadcast %jit3A_596 : i32 to vector<16xi32>
    %select_n3A_598 = arith.select %eq3A_595, %add3A_581, %broadcast_in_dim3A_597 : vector<16xi1>, vector<16xi32>
    %reduce_sum3A_599 = arith.constant true
    %reduce_sum3A_600 = vector.broadcast %reduce_sum3A_599 : i1 to vector<16xi1>
    %reduce_sum3A_601 = tpu.scan <sum>, %select_n3A_598 masked %reduce_sum3A_600 : vector<16xi32>, vector<16xi1> -> vector<16xi32>
    %reduce_sum3A_602 = vector.extract %reduce_sum3A_601[15] : i32 from vector<16xi32>
    %add3A_603 = vector.broadcast %reduce_sum3A_602 : i32 to vector<16xi32>
    %add3A_604 = arith.addi %add3A_603, %masked_cumsum3A_592 : vector<16xi32>
    %sub3A_605 = arith.constant 1 : i32
    %sub3A_606 = vector.broadcast %sub3A_605 : i32 to vector<16xi32>
    %sub3A_607 = arith.subi %add3A_604, %sub3A_606 : vector<16xi32>
    %select_n3A_608 = arith.select %eq3A_588, %sub3A_607, %broadcast_in_dim3A_6 : vector<16xi1>, vector<16xi32>
    %eq3A_609 = arith.constant 0 : i32
    %eq3A_610 = vector.broadcast %eq3A_609 : i32 to vector<16xi32>
    %eq3A_611 = arith.cmpi eq, %iota3A, %eq3A_610 : vector<16xi32>
    %reduce_sum3A_612 = arith.constant true
    %reduce_sum3A_613 = vector.broadcast %reduce_sum3A_612 : i1 to vector<16xi1>
    %reduce_sum3A_614 = tpu.scan <sum>, %convert_element_type3A_589 masked %reduce_sum3A_613 : vector<16xi32>, vector<16xi1> -> vector<16xi32>
    %reduce_sum3A_615 = vector.extract %reduce_sum3A_614[15] : i32 from vector<16xi32>
    %jit3A_616 = arith.constant 0 : i32
    %broadcast_in_dim3A_617 = vector.broadcast %reduce_sum3A_615 : i32 to vector<16xi32>
    %broadcast_in_dim3A_618 = vector.broadcast %jit3A_616 : i32 to vector<16xi32>
    %select_n3A_619 = arith.select %eq3A_611, %broadcast_in_dim3A_617, %broadcast_in_dim3A_618 : vector<16xi1>, vector<16xi32>
    %add3A_620 = arith.addi %add3A_581, %select_n3A_619 : vector<16xi32>
    %eq3A_621 = arith.constant 1 : i32
    %eq3A_622 = vector.broadcast %eq3A_621 : i32 to vector<16xi32>
    %eq3A_623 = arith.cmpi eq, %get3A_585, %eq3A_622 : vector<16xi32>
    %convert_element_type3A_624 = arith.extui %eq3A_623 : vector<16xi1> to vector<16xi32>
    %broadcast_in_dim3A_625 = arith.constant true
    %broadcast_in_dim3A_626 = vector.broadcast %broadcast_in_dim3A_625 : i1 to vector<16xi1>
    %masked_cumsum3A_627 = tpu.scan <sum>, %convert_element_type3A_624 masked %broadcast_in_dim3A_626 : vector<16xi32>, vector<16xi1> -> vector<16xi32>
    %eq3A_628 = arith.constant 1 : i32
    %eq3A_629 = vector.broadcast %eq3A_628 : i32 to vector<16xi32>
    %eq3A_630 = arith.cmpi eq, %iota3A, %eq3A_629 : vector<16xi32>
    %jit3A_631 = arith.constant 0 : i32
    %broadcast_in_dim3A_632 = vector.broadcast %jit3A_631 : i32 to vector<16xi32>
    %select_n3A_633 = arith.select %eq3A_630, %add3A_620, %broadcast_in_dim3A_632 : vector<16xi1>, vector<16xi32>
    %reduce_sum3A_634 = arith.constant true
    %reduce_sum3A_635 = vector.broadcast %reduce_sum3A_634 : i1 to vector<16xi1>
    %reduce_sum3A_636 = tpu.scan <sum>, %select_n3A_633 masked %reduce_sum3A_635 : vector<16xi32>, vector<16xi1> -> vector<16xi32>
    %reduce_sum3A_637 = vector.extract %reduce_sum3A_636[15] : i32 from vector<16xi32>
    %add3A_638 = vector.broadcast %reduce_sum3A_637 : i32 to vector<16xi32>
    %add3A_639 = arith.addi %add3A_638, %masked_cumsum3A_627 : vector<16xi32>
    %sub3A_640 = arith.constant 1 : i32
    %sub3A_641 = vector.broadcast %sub3A_640 : i32 to vector<16xi32>
    %sub3A_642 = arith.subi %add3A_639, %sub3A_641 : vector<16xi32>
    %select_n3A_643 = arith.select %eq3A_623, %sub3A_642, %select_n3A_608 : vector<16xi1>, vector<16xi32>
    %eq3A_644 = arith.constant 1 : i32
    %eq3A_645 = vector.broadcast %eq3A_644 : i32 to vector<16xi32>
    %eq3A_646 = arith.cmpi eq, %iota3A, %eq3A_645 : vector<16xi32>
    %reduce_sum3A_647 = arith.constant true
    %reduce_sum3A_648 = vector.broadcast %reduce_sum3A_647 : i1 to vector<16xi1>
    %reduce_sum3A_649 = tpu.scan <sum>, %convert_element_type3A_624 masked %reduce_sum3A_648 : vector<16xi32>, vector<16xi1> -> vector<16xi32>
    %reduce_sum3A_650 = vector.extract %reduce_sum3A_649[15] : i32 from vector<16xi32>
    %jit3A_651 = arith.constant 0 : i32
    %broadcast_in_dim3A_652 = vector.broadcast %reduce_sum3A_650 : i32 to vector<16xi32>
    %broadcast_in_dim3A_653 = vector.broadcast %jit3A_651 : i32 to vector<16xi32>
    %select_n3A_654 = arith.select %eq3A_646, %broadcast_in_dim3A_652, %broadcast_in_dim3A_653 : vector<16xi1>, vector<16xi32>
    %add3A_655 = arith.addi %add3A_620, %select_n3A_654 : vector<16xi32>
    %eq3A_656 = arith.constant 2 : i32
    %eq3A_657 = vector.broadcast %eq3A_656 : i32 to vector<16xi32>
    %eq3A_658 = arith.cmpi eq, %get3A_585, %eq3A_657 : vector<16xi32>
    %convert_element_type3A_659 = arith.extui %eq3A_658 : vector<16xi1> to vector<16xi32>
    %broadcast_in_dim3A_660 = arith.constant true
    %broadcast_in_dim3A_661 = vector.broadcast %broadcast_in_dim3A_660 : i1 to vector<16xi1>
    %masked_cumsum3A_662 = tpu.scan <sum>, %convert_element_type3A_659 masked %broadcast_in_dim3A_661 : vector<16xi32>, vector<16xi1> -> vector<16xi32>
    %eq3A_663 = arith.constant 2 : i32
    %eq3A_664 = vector.broadcast %eq3A_663 : i32 to vector<16xi32>
    %eq3A_665 = arith.cmpi eq, %iota3A, %eq3A_664 : vector<16xi32>
    %jit3A_666 = arith.constant 0 : i32
    %broadcast_in_dim3A_667 = vector.broadcast %jit3A_666 : i32 to vector<16xi32>
    %select_n3A_668 = arith.select %eq3A_665, %add3A_655, %broadcast_in_dim3A_667 : vector<16xi1>, vector<16xi32>
    %reduce_sum3A_669 = arith.constant true
    %reduce_sum3A_670 = vector.broadcast %reduce_sum3A_669 : i1 to vector<16xi1>
    %reduce_sum3A_671 = tpu.scan <sum>, %select_n3A_668 masked %reduce_sum3A_670 : vector<16xi32>, vector<16xi1> -> vector<16xi32>
    %reduce_sum3A_672 = vector.extract %reduce_sum3A_671[15] : i32 from vector<16xi32>
    %add3A_673 = vector.broadcast %reduce_sum3A_672 : i32 to vector<16xi32>
    %add3A_674 = arith.addi %add3A_673, %masked_cumsum3A_662 : vector<16xi32>
    %sub3A_675 = arith.constant 1 : i32
    %sub3A_676 = vector.broadcast %sub3A_675 : i32 to vector<16xi32>
    %sub3A_677 = arith.subi %add3A_674, %sub3A_676 : vector<16xi32>
    %select_n3A_678 = arith.select %eq3A_658, %sub3A_677, %select_n3A_643 : vector<16xi1>, vector<16xi32>
    %eq3A_679 = arith.constant 2 : i32
    %eq3A_680 = vector.broadcast %eq3A_679 : i32 to vector<16xi32>
    %eq3A_681 = arith.cmpi eq, %iota3A, %eq3A_680 : vector<16xi32>
    %reduce_sum3A_682 = arith.constant true
    %reduce_sum3A_683 = vector.broadcast %reduce_sum3A_682 : i1 to vector<16xi1>
    %reduce_sum3A_684 = tpu.scan <sum>, %convert_element_type3A_659 masked %reduce_sum3A_683 : vector<16xi32>, vector<16xi1> -> vector<16xi32>
    %reduce_sum3A_685 = vector.extract %reduce_sum3A_684[15] : i32 from vector<16xi32>
    %jit3A_686 = arith.constant 0 : i32
    %broadcast_in_dim3A_687 = vector.broadcast %reduce_sum3A_685 : i32 to vector<16xi32>
    %broadcast_in_dim3A_688 = vector.broadcast %jit3A_686 : i32 to vector<16xi32>
    %select_n3A_689 = arith.select %eq3A_681, %broadcast_in_dim3A_687, %broadcast_in_dim3A_688 : vector<16xi1>, vector<16xi32>
    %add3A_690 = arith.addi %add3A_655, %select_n3A_689 : vector<16xi32>
    %eq3A_691 = arith.constant 3 : i32
    %eq3A_692 = vector.broadcast %eq3A_691 : i32 to vector<16xi32>
    %eq3A_693 = arith.cmpi eq, %get3A_585, %eq3A_692 : vector<16xi32>
    %convert_element_type3A_694 = arith.extui %eq3A_693 : vector<16xi1> to vector<16xi32>
    %broadcast_in_dim3A_695 = arith.constant true
    %broadcast_in_dim3A_696 = vector.broadcast %broadcast_in_dim3A_695 : i1 to vector<16xi1>
    %masked_cumsum3A_697 = tpu.scan <sum>, %convert_element_type3A_694 masked %broadcast_in_dim3A_696 : vector<16xi32>, vector<16xi1> -> vector<16xi32>
    %eq3A_698 = arith.constant 3 : i32
    %eq3A_699 = vector.broadcast %eq3A_698 : i32 to vector<16xi32>
    %eq3A_700 = arith.cmpi eq, %iota3A, %eq3A_699 : vector<16xi32>
    %jit3A_701 = arith.constant 0 : i32
    %broadcast_in_dim3A_702 = vector.broadcast %jit3A_701 : i32 to vector<16xi32>
    %select_n3A_703 = arith.select %eq3A_700, %add3A_690, %broadcast_in_dim3A_702 : vector<16xi1>, vector<16xi32>
    %reduce_sum3A_704 = arith.constant true
    %reduce_sum3A_705 = vector.broadcast %reduce_sum3A_704 : i1 to vector<16xi1>
    %reduce_sum3A_706 = tpu.scan <sum>, %select_n3A_703 masked %reduce_sum3A_705 : vector<16xi32>, vector<16xi1> -> vector<16xi32>
    %reduce_sum3A_707 = vector.extract %reduce_sum3A_706[15] : i32 from vector<16xi32>
    %add3A_708 = vector.broadcast %reduce_sum3A_707 : i32 to vector<16xi32>
    %add3A_709 = arith.addi %add3A_708, %masked_cumsum3A_697 : vector<16xi32>
    %sub3A_710 = arith.constant 1 : i32
    %sub3A_711 = vector.broadcast %sub3A_710 : i32 to vector<16xi32>
    %sub3A_712 = arith.subi %add3A_709, %sub3A_711 : vector<16xi32>
    %select_n3A_713 = arith.select %eq3A_693, %sub3A_712, %select_n3A_678 : vector<16xi1>, vector<16xi32>
    %eq3A_714 = arith.constant 3 : i32
    %eq3A_715 = vector.broadcast %eq3A_714 : i32 to vector<16xi32>
    %eq3A_716 = arith.cmpi eq, %iota3A, %eq3A_715 : vector<16xi32>
    %reduce_sum3A_717 = arith.constant true
    %reduce_sum3A_718 = vector.broadcast %reduce_sum3A_717 : i1 to vector<16xi1>
    %reduce_sum3A_719 = tpu.scan <sum>, %convert_element_type3A_694 masked %reduce_sum3A_718 : vector<16xi32>, vector<16xi1> -> vector<16xi32>
    %reduce_sum3A_720 = vector.extract %reduce_sum3A_719[15] : i32 from vector<16xi32>
    %jit3A_721 = arith.constant 0 : i32
    %broadcast_in_dim3A_722 = vector.broadcast %reduce_sum3A_720 : i32 to vector<16xi32>
    %broadcast_in_dim3A_723 = vector.broadcast %jit3A_721 : i32 to vector<16xi32>
    %select_n3A_724 = arith.select %eq3A_716, %broadcast_in_dim3A_722, %broadcast_in_dim3A_723 : vector<16xi1>, vector<16xi32>
    %add3A_725 = arith.addi %add3A_690, %select_n3A_724 : vector<16xi32>
    %eq3A_726 = arith.constant 4 : i32
    %eq3A_727 = vector.broadcast %eq3A_726 : i32 to vector<16xi32>
    %eq3A_728 = arith.cmpi eq, %get3A_585, %eq3A_727 : vector<16xi32>
    %convert_element_type3A_729 = arith.extui %eq3A_728 : vector<16xi1> to vector<16xi32>
    %broadcast_in_dim3A_730 = arith.constant true
    %broadcast_in_dim3A_731 = vector.broadcast %broadcast_in_dim3A_730 : i1 to vector<16xi1>
    %masked_cumsum3A_732 = tpu.scan <sum>, %convert_element_type3A_729 masked %broadcast_in_dim3A_731 : vector<16xi32>, vector<16xi1> -> vector<16xi32>
    %eq3A_733 = arith.constant 4 : i32
    %eq3A_734 = vector.broadcast %eq3A_733 : i32 to vector<16xi32>
    %eq3A_735 = arith.cmpi eq, %iota3A, %eq3A_734 : vector<16xi32>
    %jit3A_736 = arith.constant 0 : i32
    %broadcast_in_dim3A_737 = vector.broadcast %jit3A_736 : i32 to vector<16xi32>
    %select_n3A_738 = arith.select %eq3A_735, %add3A_725, %broadcast_in_dim3A_737 : vector<16xi1>, vector<16xi32>
    %reduce_sum3A_739 = arith.constant true
    %reduce_sum3A_740 = vector.broadcast %reduce_sum3A_739 : i1 to vector<16xi1>
    %reduce_sum3A_741 = tpu.scan <sum>, %select_n3A_738 masked %reduce_sum3A_740 : vector<16xi32>, vector<16xi1> -> vector<16xi32>
    %reduce_sum3A_742 = vector.extract %reduce_sum3A_741[15] : i32 from vector<16xi32>
    %add3A_743 = vector.broadcast %reduce_sum3A_742 : i32 to vector<16xi32>
    %add3A_744 = arith.addi %add3A_743, %masked_cumsum3A_732 : vector<16xi32>
    %sub3A_745 = arith.constant 1 : i32
    %sub3A_746 = vector.broadcast %sub3A_745 : i32 to vector<16xi32>
    %sub3A_747 = arith.subi %add3A_744, %sub3A_746 : vector<16xi32>
    %select_n3A_748 = arith.select %eq3A_728, %sub3A_747, %select_n3A_713 : vector<16xi1>, vector<16xi32>
    %eq3A_749 = arith.constant 4 : i32
    %eq3A_750 = vector.broadcast %eq3A_749 : i32 to vector<16xi32>
    %eq3A_751 = arith.cmpi eq, %iota3A, %eq3A_750 : vector<16xi32>
    %reduce_sum3A_752 = arith.constant true
    %reduce_sum3A_753 = vector.broadcast %reduce_sum3A_752 : i1 to vector<16xi1>
    %reduce_sum3A_754 = tpu.scan <sum>, %convert_element_type3A_729 masked %reduce_sum3A_753 : vector<16xi32>, vector<16xi1> -> vector<16xi32>
    %reduce_sum3A_755 = vector.extract %reduce_sum3A_754[15] : i32 from vector<16xi32>
    %jit3A_756 = arith.constant 0 : i32
    %broadcast_in_dim3A_757 = vector.broadcast %reduce_sum3A_755 : i32 to vector<16xi32>
    %broadcast_in_dim3A_758 = vector.broadcast %jit3A_756 : i32 to vector<16xi32>
    %select_n3A_759 = arith.select %eq3A_751, %broadcast_in_dim3A_757, %broadcast_in_dim3A_758 : vector<16xi1>, vector<16xi32>
    %add3A_760 = arith.addi %add3A_725, %select_n3A_759 : vector<16xi32>
    %eq3A_761 = arith.constant 5 : i32
    %eq3A_762 = vector.broadcast %eq3A_761 : i32 to vector<16xi32>
    %eq3A_763 = arith.cmpi eq, %get3A_585, %eq3A_762 : vector<16xi32>
    %convert_element_type3A_764 = arith.extui %eq3A_763 : vector<16xi1> to vector<16xi32>
    %broadcast_in_dim3A_765 = arith.constant true
    %broadcast_in_dim3A_766 = vector.broadcast %broadcast_in_dim3A_765 : i1 to vector<16xi1>
    %masked_cumsum3A_767 = tpu.scan <sum>, %convert_element_type3A_764 masked %broadcast_in_dim3A_766 : vector<16xi32>, vector<16xi1> -> vector<16xi32>
    %eq3A_768 = arith.constant 5 : i32
    %eq3A_769 = vector.broadcast %eq3A_768 : i32 to vector<16xi32>
    %eq3A_770 = arith.cmpi eq, %iota3A, %eq3A_769 : vector<16xi32>
    %jit3A_771 = arith.constant 0 : i32
    %broadcast_in_dim3A_772 = vector.broadcast %jit3A_771 : i32 to vector<16xi32>
    %select_n3A_773 = arith.select %eq3A_770, %add3A_760, %broadcast_in_dim3A_772 : vector<16xi1>, vector<16xi32>
    %reduce_sum3A_774 = arith.constant true
    %reduce_sum3A_775 = vector.broadcast %reduce_sum3A_774 : i1 to vector<16xi1>
    %reduce_sum3A_776 = tpu.scan <sum>, %select_n3A_773 masked %reduce_sum3A_775 : vector<16xi32>, vector<16xi1> -> vector<16xi32>
    %reduce_sum3A_777 = vector.extract %reduce_sum3A_776[15] : i32 from vector<16xi32>
    %add3A_778 = vector.broadcast %reduce_sum3A_777 : i32 to vector<16xi32>
    %add3A_779 = arith.addi %add3A_778, %masked_cumsum3A_767 : vector<16xi32>
    %sub3A_780 = arith.constant 1 : i32
    %sub3A_781 = vector.broadcast %sub3A_780 : i32 to vector<16xi32>
    %sub3A_782 = arith.subi %add3A_779, %sub3A_781 : vector<16xi32>
    %select_n3A_783 = arith.select %eq3A_763, %sub3A_782, %select_n3A_748 : vector<16xi1>, vector<16xi32>
    %eq3A_784 = arith.constant 5 : i32
    %eq3A_785 = vector.broadcast %eq3A_784 : i32 to vector<16xi32>
    %eq3A_786 = arith.cmpi eq, %iota3A, %eq3A_785 : vector<16xi32>
    %reduce_sum3A_787 = arith.constant true
    %reduce_sum3A_788 = vector.broadcast %reduce_sum3A_787 : i1 to vector<16xi1>
    %reduce_sum3A_789 = tpu.scan <sum>, %convert_element_type3A_764 masked %reduce_sum3A_788 : vector<16xi32>, vector<16xi1> -> vector<16xi32>
    %reduce_sum3A_790 = vector.extract %reduce_sum3A_789[15] : i32 from vector<16xi32>
    %jit3A_791 = arith.constant 0 : i32
    %broadcast_in_dim3A_792 = vector.broadcast %reduce_sum3A_790 : i32 to vector<16xi32>
    %broadcast_in_dim3A_793 = vector.broadcast %jit3A_791 : i32 to vector<16xi32>
    %select_n3A_794 = arith.select %eq3A_786, %broadcast_in_dim3A_792, %broadcast_in_dim3A_793 : vector<16xi1>, vector<16xi32>
    %add3A_795 = arith.addi %add3A_760, %select_n3A_794 : vector<16xi32>
    %eq3A_796 = arith.constant 6 : i32
    %eq3A_797 = vector.broadcast %eq3A_796 : i32 to vector<16xi32>
    %eq3A_798 = arith.cmpi eq, %get3A_585, %eq3A_797 : vector<16xi32>
    %convert_element_type3A_799 = arith.extui %eq3A_798 : vector<16xi1> to vector<16xi32>
    %broadcast_in_dim3A_800 = arith.constant true
    %broadcast_in_dim3A_801 = vector.broadcast %broadcast_in_dim3A_800 : i1 to vector<16xi1>
    %masked_cumsum3A_802 = tpu.scan <sum>, %convert_element_type3A_799 masked %broadcast_in_dim3A_801 : vector<16xi32>, vector<16xi1> -> vector<16xi32>
    %eq3A_803 = arith.constant 6 : i32
    %eq3A_804 = vector.broadcast %eq3A_803 : i32 to vector<16xi32>
    %eq3A_805 = arith.cmpi eq, %iota3A, %eq3A_804 : vector<16xi32>
    %jit3A_806 = arith.constant 0 : i32
    %broadcast_in_dim3A_807 = vector.broadcast %jit3A_806 : i32 to vector<16xi32>
    %select_n3A_808 = arith.select %eq3A_805, %add3A_795, %broadcast_in_dim3A_807 : vector<16xi1>, vector<16xi32>
    %reduce_sum3A_809 = arith.constant true
    %reduce_sum3A_810 = vector.broadcast %reduce_sum3A_809 : i1 to vector<16xi1>
    %reduce_sum3A_811 = tpu.scan <sum>, %select_n3A_808 masked %reduce_sum3A_810 : vector<16xi32>, vector<16xi1> -> vector<16xi32>
    %reduce_sum3A_812 = vector.extract %reduce_sum3A_811[15] : i32 from vector<16xi32>
    %add3A_813 = vector.broadcast %reduce_sum3A_812 : i32 to vector<16xi32>
    %add3A_814 = arith.addi %add3A_813, %masked_cumsum3A_802 : vector<16xi32>
    %sub3A_815 = arith.constant 1 : i32
    %sub3A_816 = vector.broadcast %sub3A_815 : i32 to vector<16xi32>
    %sub3A_817 = arith.subi %add3A_814, %sub3A_816 : vector<16xi32>
    %select_n3A_818 = arith.select %eq3A_798, %sub3A_817, %select_n3A_783 : vector<16xi1>, vector<16xi32>
    %eq3A_819 = arith.constant 6 : i32
    %eq3A_820 = vector.broadcast %eq3A_819 : i32 to vector<16xi32>
    %eq3A_821 = arith.cmpi eq, %iota3A, %eq3A_820 : vector<16xi32>
    %reduce_sum3A_822 = arith.constant true
    %reduce_sum3A_823 = vector.broadcast %reduce_sum3A_822 : i1 to vector<16xi1>
    %reduce_sum3A_824 = tpu.scan <sum>, %convert_element_type3A_799 masked %reduce_sum3A_823 : vector<16xi32>, vector<16xi1> -> vector<16xi32>
    %reduce_sum3A_825 = vector.extract %reduce_sum3A_824[15] : i32 from vector<16xi32>
    %jit3A_826 = arith.constant 0 : i32
    %broadcast_in_dim3A_827 = vector.broadcast %reduce_sum3A_825 : i32 to vector<16xi32>
    %broadcast_in_dim3A_828 = vector.broadcast %jit3A_826 : i32 to vector<16xi32>
    %select_n3A_829 = arith.select %eq3A_821, %broadcast_in_dim3A_827, %broadcast_in_dim3A_828 : vector<16xi1>, vector<16xi32>
    %add3A_830 = arith.addi %add3A_795, %select_n3A_829 : vector<16xi32>
    %eq3A_831 = arith.constant 7 : i32
    %eq3A_832 = vector.broadcast %eq3A_831 : i32 to vector<16xi32>
    %eq3A_833 = arith.cmpi eq, %get3A_585, %eq3A_832 : vector<16xi32>
    %convert_element_type3A_834 = arith.extui %eq3A_833 : vector<16xi1> to vector<16xi32>
    %broadcast_in_dim3A_835 = arith.constant true
    %broadcast_in_dim3A_836 = vector.broadcast %broadcast_in_dim3A_835 : i1 to vector<16xi1>
    %masked_cumsum3A_837 = tpu.scan <sum>, %convert_element_type3A_834 masked %broadcast_in_dim3A_836 : vector<16xi32>, vector<16xi1> -> vector<16xi32>
    %eq3A_838 = arith.constant 7 : i32
    %eq3A_839 = vector.broadcast %eq3A_838 : i32 to vector<16xi32>
    %eq3A_840 = arith.cmpi eq, %iota3A, %eq3A_839 : vector<16xi32>
    %jit3A_841 = arith.constant 0 : i32
    %broadcast_in_dim3A_842 = vector.broadcast %jit3A_841 : i32 to vector<16xi32>
    %select_n3A_843 = arith.select %eq3A_840, %add3A_830, %broadcast_in_dim3A_842 : vector<16xi1>, vector<16xi32>
    %reduce_sum3A_844 = arith.constant true
    %reduce_sum3A_845 = vector.broadcast %reduce_sum3A_844 : i1 to vector<16xi1>
    %reduce_sum3A_846 = tpu.scan <sum>, %select_n3A_843 masked %reduce_sum3A_845 : vector<16xi32>, vector<16xi1> -> vector<16xi32>
    %reduce_sum3A_847 = vector.extract %reduce_sum3A_846[15] : i32 from vector<16xi32>
    %add3A_848 = vector.broadcast %reduce_sum3A_847 : i32 to vector<16xi32>
    %add3A_849 = arith.addi %add3A_848, %masked_cumsum3A_837 : vector<16xi32>
    %sub3A_850 = arith.constant 1 : i32
    %sub3A_851 = vector.broadcast %sub3A_850 : i32 to vector<16xi32>
    %sub3A_852 = arith.subi %add3A_849, %sub3A_851 : vector<16xi32>
    %select_n3A_853 = arith.select %eq3A_833, %sub3A_852, %select_n3A_818 : vector<16xi1>, vector<16xi32>
    %eq3A_854 = arith.constant 7 : i32
    %eq3A_855 = vector.broadcast %eq3A_854 : i32 to vector<16xi32>
    %eq3A_856 = arith.cmpi eq, %iota3A, %eq3A_855 : vector<16xi32>
    %reduce_sum3A_857 = arith.constant true
    %reduce_sum3A_858 = vector.broadcast %reduce_sum3A_857 : i1 to vector<16xi1>
    %reduce_sum3A_859 = tpu.scan <sum>, %convert_element_type3A_834 masked %reduce_sum3A_858 : vector<16xi32>, vector<16xi1> -> vector<16xi32>
    %reduce_sum3A_860 = vector.extract %reduce_sum3A_859[15] : i32 from vector<16xi32>
    %jit3A_861 = arith.constant 0 : i32
    %broadcast_in_dim3A_862 = vector.broadcast %reduce_sum3A_860 : i32 to vector<16xi32>
    %broadcast_in_dim3A_863 = vector.broadcast %jit3A_861 : i32 to vector<16xi32>
    %select_n3A_864 = arith.select %eq3A_856, %broadcast_in_dim3A_862, %broadcast_in_dim3A_863 : vector<16xi1>, vector<16xi32>
    %add3A_865 = arith.addi %add3A_830, %select_n3A_864 : vector<16xi32>
    %swap3A_866 = arith.constant 16 : index
    %swap3A_867 = tpu.vector_load %arg15[%swap3A_866] {strides = array<i32>} : memref<64xi32, #tpu.memory_space<vmem>>, vector<16xi32>,
    tpu.vector_store %arg15[%swap3A_866], %select_n3A_853 {strides = array<i32>} : memref<64xi32, #tpu.memory_space<vmem>>, vector<16xi32>,
    %get3A_868 = arith.constant 16 : index
    %get3A_869 = tpu.vector_load %arg14[%get3A_868] {strides = array<i32>} : memref<64xi32, #tpu.memory_space<vmem>>, vector<16xi32>,
    %eq3A_870 = arith.constant 0 : i32
    %eq3A_871 = vector.broadcast %eq3A_870 : i32 to vector<16xi32>
    %eq3A_872 = arith.cmpi eq, %get3A_869, %eq3A_871 : vector<16xi32>
    %convert_element_type3A_873 = arith.extui %eq3A_872 : vector<16xi1> to vector<16xi32>
    %broadcast_in_dim3A_874 = arith.constant true
    %broadcast_in_dim3A_875 = vector.broadcast %broadcast_in_dim3A_874 : i1 to vector<16xi1>
    %masked_cumsum3A_876 = tpu.scan <sum>, %convert_element_type3A_873 masked %broadcast_in_dim3A_875 : vector<16xi32>, vector<16xi1> -> vector<16xi32>
    %eq3A_877 = arith.constant 0 : i32
    %eq3A_878 = vector.broadcast %eq3A_877 : i32 to vector<16xi32>
    %eq3A_879 = arith.cmpi eq, %iota3A, %eq3A_878 : vector<16xi32>
    %jit3A_880 = arith.constant 0 : i32
    %broadcast_in_dim3A_881 = vector.broadcast %jit3A_880 : i32 to vector<16xi32>
    %select_n3A_882 = arith.select %eq3A_879, %add3A_865, %broadcast_in_dim3A_881 : vector<16xi1>, vector<16xi32>
    %reduce_sum3A_883 = arith.constant true
    %reduce_sum3A_884 = vector.broadcast %reduce_sum3A_883 : i1 to vector<16xi1>
    %reduce_sum3A_885 = tpu.scan <sum>, %select_n3A_882 masked %reduce_sum3A_884 : vector<16xi32>, vector<16xi1> -> vector<16xi32>
    %reduce_sum3A_886 = vector.extract %reduce_sum3A_885[15] : i32 from vector<16xi32>
    %add3A_887 = vector.broadcast %reduce_sum3A_886 : i32 to vector<16xi32>
    %add3A_888 = arith.addi %add3A_887, %masked_cumsum3A_876 : vector<16xi32>
    %sub3A_889 = arith.constant 1 : i32
    %sub3A_890 = vector.broadcast %sub3A_889 : i32 to vector<16xi32>
    %sub3A_891 = arith.subi %add3A_888, %sub3A_890 : vector<16xi32>
    %select_n3A_892 = arith.select %eq3A_872, %sub3A_891, %broadcast_in_dim3A_6 : vector<16xi1>, vector<16xi32>
    %eq3A_893 = arith.constant 0 : i32
    %eq3A_894 = vector.broadcast %eq3A_893 : i32 to vector<16xi32>
    %eq3A_895 = arith.cmpi eq, %iota3A, %eq3A_894 : vector<16xi32>
    %reduce_sum3A_896 = arith.constant true
    %reduce_sum3A_897 = vector.broadcast %reduce_sum3A_896 : i1 to vector<16xi1>
    %reduce_sum3A_898 = tpu.scan <sum>, %convert_element_type3A_873 masked %reduce_sum3A_897 : vector<16xi32>, vector<16xi1> -> vector<16xi32>
    %reduce_sum3A_899 = vector.extract %reduce_sum3A_898[15] : i32 from vector<16xi32>
    %jit3A_900 = arith.constant 0 : i32
    %broadcast_in_dim3A_901 = vector.broadcast %reduce_sum3A_899 : i32 to vector<16xi32>
    %broadcast_in_dim3A_902 = vector.broadcast %jit3A_900 : i32 to vector<16xi32>
    %select_n3A_903 = arith.select %eq3A_895, %broadcast_in_dim3A_901, %broadcast_in_dim3A_902 : vector<16xi1>, vector<16xi32>
    %add3A_904 = arith.addi %add3A_865, %select_n3A_903 : vector<16xi32>
    %eq3A_905 = arith.constant 1 : i32
    %eq3A_906 = vector.broadcast %eq3A_905 : i32 to vector<16xi32>
    %eq3A_907 = arith.cmpi eq, %get3A_869, %eq3A_906 : vector<16xi32>
    %convert_element_type3A_908 = arith.extui %eq3A_907 : vector<16xi1> to vector<16xi32>
    %broadcast_in_dim3A_909 = arith.constant true
    %broadcast_in_dim3A_910 = vector.broadcast %broadcast_in_dim3A_909 : i1 to vector<16xi1>
    %masked_cumsum3A_911 = tpu.scan <sum>, %convert_element_type3A_908 masked %broadcast_in_dim3A_910 : vector<16xi32>, vector<16xi1> -> vector<16xi32>
    %eq3A_912 = arith.constant 1 : i32
    %eq3A_913 = vector.broadcast %eq3A_912 : i32 to vector<16xi32>
    %eq3A_914 = arith.cmpi eq, %iota3A, %eq3A_913 : vector<16xi32>
    %jit3A_915 = arith.constant 0 : i32
    %broadcast_in_dim3A_916 = vector.broadcast %jit3A_915 : i32 to vector<16xi32>
    %select_n3A_917 = arith.select %eq3A_914, %add3A_904, %broadcast_in_dim3A_916 : vector<16xi1>, vector<16xi32>
    %reduce_sum3A_918 = arith.constant true
    %reduce_sum3A_919 = vector.broadcast %reduce_sum3A_918 : i1 to vector<16xi1>
    %reduce_sum3A_920 = tpu.scan <sum>, %select_n3A_917 masked %reduce_sum3A_919 : vector<16xi32>, vector<16xi1> -> vector<16xi32>
    %reduce_sum3A_921 = vector.extract %reduce_sum3A_920[15] : i32 from vector<16xi32>
    %add3A_922 = vector.broadcast %reduce_sum3A_921 : i32 to vector<16xi32>
    %add3A_923 = arith.addi %add3A_922, %masked_cumsum3A_911 : vector<16xi32>
    %sub3A_924 = arith.constant 1 : i32
    %sub3A_925 = vector.broadcast %sub3A_924 : i32 to vector<16xi32>
    %sub3A_926 = arith.subi %add3A_923, %sub3A_925 : vector<16xi32>
    %select_n3A_927 = arith.select %eq3A_907, %sub3A_926, %select_n3A_892 : vector<16xi1>, vector<16xi32>
    %eq3A_928 = arith.constant 1 : i32
    %eq3A_929 = vector.broadcast %eq3A_928 : i32 to vector<16xi32>
    %eq3A_930 = arith.cmpi eq, %iota3A, %eq3A_929 : vector<16xi32>
    %reduce_sum3A_931 = arith.constant true
    %reduce_sum3A_932 = vector.broadcast %reduce_sum3A_931 : i1 to vector<16xi1>
    %reduce_sum3A_933 = tpu.scan <sum>, %convert_element_type3A_908 masked %reduce_sum3A_932 : vector<16xi32>, vector<16xi1> -> vector<16xi32>
    %reduce_sum3A_934 = vector.extract %reduce_sum3A_933[15] : i32 from vector<16xi32>
    %jit3A_935 = arith.constant 0 : i32
    %broadcast_in_dim3A_936 = vector.broadcast %reduce_sum3A_934 : i32 to vector<16xi32>
    %broadcast_in_dim3A_937 = vector.broadcast %jit3A_935 : i32 to vector<16xi32>
    %select_n3A_938 = arith.select %eq3A_930, %broadcast_in_dim3A_936, %broadcast_in_dim3A_937 : vector<16xi1>, vector<16xi32>
    %add3A_939 = arith.addi %add3A_904, %select_n3A_938 : vector<16xi32>
    %eq3A_940 = arith.constant 2 : i32
    %eq3A_941 = vector.broadcast %eq3A_940 : i32 to vector<16xi32>
    %eq3A_942 = arith.cmpi eq, %get3A_869, %eq3A_941 : vector<16xi32>
    %convert_element_type3A_943 = arith.extui %eq3A_942 : vector<16xi1> to vector<16xi32>
    %broadcast_in_dim3A_944 = arith.constant true
    %broadcast_in_dim3A_945 = vector.broadcast %broadcast_in_dim3A_944 : i1 to vector<16xi1>
    %masked_cumsum3A_946 = tpu.scan <sum>, %convert_element_type3A_943 masked %broadcast_in_dim3A_945 : vector<16xi32>, vector<16xi1> -> vector<16xi32>
    %eq3A_947 = arith.constant 2 : i32
    %eq3A_948 = vector.broadcast %eq3A_947 : i32 to vector<16xi32>
    %eq3A_949 = arith.cmpi eq, %iota3A, %eq3A_948 : vector<16xi32>
    %jit3A_950 = arith.constant 0 : i32
    %broadcast_in_dim3A_951 = vector.broadcast %jit3A_950 : i32 to vector<16xi32>
    %select_n3A_952 = arith.select %eq3A_949, %add3A_939, %broadcast_in_dim3A_951 : vector<16xi1>, vector<16xi32>
    %reduce_sum3A_953 = arith.constant true
    %reduce_sum3A_954 = vector.broadcast %reduce_sum3A_953 : i1 to vector<16xi1>
    %reduce_sum3A_955 = tpu.scan <sum>, %select_n3A_952 masked %reduce_sum3A_954 : vector<16xi32>, vector<16xi1> -> vector<16xi32>
    %reduce_sum3A_956 = vector.extract %reduce_sum3A_955[15] : i32 from vector<16xi32>
    %add3A_957 = vector.broadcast %reduce_sum3A_956 : i32 to vector<16xi32>
    %add3A_958 = arith.addi %add3A_957, %masked_cumsum3A_946 : vector<16xi32>
    %sub3A_959 = arith.constant 1 : i32
    %sub3A_960 = vector.broadcast %sub3A_959 : i32 to vector<16xi32>
    %sub3A_961 = arith.subi %add3A_958, %sub3A_960 : vector<16xi32>
    %select_n3A_962 = arith.select %eq3A_942, %sub3A_961, %select_n3A_927 : vector<16xi1>, vector<16xi32>
    %eq3A_963 = arith.constant 2 : i32
    %eq3A_964 = vector.broadcast %eq3A_963 : i32 to vector<16xi32>
    %eq3A_965 = arith.cmpi eq, %iota3A, %eq3A_964 : vector<16xi32>
    %reduce_sum3A_966 = arith.constant true
    %reduce_sum3A_967 = vector.broadcast %reduce_sum3A_966 : i1 to vector<16xi1>
    %reduce_sum3A_968 = tpu.scan <sum>, %convert_element_type3A_943 masked %reduce_sum3A_967 : vector<16xi32>, vector<16xi1> -> vector<16xi32>
    %reduce_sum3A_969 = vector.extract %reduce_sum3A_968[15] : i32 from vector<16xi32>
    %jit3A_970 = arith.constant 0 : i32
    %broadcast_in_dim3A_971 = vector.broadcast %reduce_sum3A_969 : i32 to vector<16xi32>
    %broadcast_in_dim3A_972 = vector.broadcast %jit3A_970 : i32 to vector<16xi32>
    %select_n3A_973 = arith.select %eq3A_965, %broadcast_in_dim3A_971, %broadcast_in_dim3A_972 : vector<16xi1>, vector<16xi32>
    %add3A_974 = arith.addi %add3A_939, %select_n3A_973 : vector<16xi32>
    %eq3A_975 = arith.constant 3 : i32
    %eq3A_976 = vector.broadcast %eq3A_975 : i32 to vector<16xi32>
    %eq3A_977 = arith.cmpi eq, %get3A_869, %eq3A_976 : vector<16xi32>
    %convert_element_type3A_978 = arith.extui %eq3A_977 : vector<16xi1> to vector<16xi32>
    %broadcast_in_dim3A_979 = arith.constant true
    %broadcast_in_dim3A_980 = vector.broadcast %broadcast_in_dim3A_979 : i1 to vector<16xi1>
    %masked_cumsum3A_981 = tpu.scan <sum>, %convert_element_type3A_978 masked %broadcast_in_dim3A_980 : vector<16xi32>, vector<16xi1> -> vector<16xi32>
    %eq3A_982 = arith.constant 3 : i32
    %eq3A_983 = vector.broadcast %eq3A_982 : i32 to vector<16xi32>
    %eq3A_984 = arith.cmpi eq, %iota3A, %eq3A_983 : vector<16xi32>
    %jit3A_985 = arith.constant 0 : i32
    %broadcast_in_dim3A_986 = vector.broadcast %jit3A_985 : i32 to vector<16xi32>
    %select_n3A_987 = arith.select %eq3A_984, %add3A_974, %broadcast_in_dim3A_986 : vector<16xi1>, vector<16xi32>
    %reduce_sum3A_988 = arith.constant true
    %reduce_sum3A_989 = vector.broadcast %reduce_sum3A_988 : i1 to vector<16xi1>
    %reduce_sum3A_990 = tpu.scan <sum>, %select_n3A_987 masked %reduce_sum3A_989 : vector<16xi32>, vector<16xi1> -> vector<16xi32>
    %reduce_sum3A_991 = vector.extract %reduce_sum3A_990[15] : i32 from vector<16xi32>
    %add3A_992 = vector.broadcast %reduce_sum3A_991 : i32 to vector<16xi32>
    %add3A_993 = arith.addi %add3A_992, %masked_cumsum3A_981 : vector<16xi32>
    %sub3A_994 = arith.constant 1 : i32
    %sub3A_995 = vector.broadcast %sub3A_994 : i32 to vector<16xi32>
    %sub3A_996 = arith.subi %add3A_993, %sub3A_995 : vector<16xi32>
    %select_n3A_997 = arith.select %eq3A_977, %sub3A_996, %select_n3A_962 : vector<16xi1>, vector<16xi32>
    %eq3A_998 = arith.constant 3 : i32
    %eq3A_999 = vector.broadcast %eq3A_998 : i32 to vector<16xi32>
    %eq3A_1000 = arith.cmpi eq, %iota3A, %eq3A_999 : vector<16xi32>
    %reduce_sum3A_1001 = arith.constant true
    %reduce_sum3A_1002 = vector.broadcast %reduce_sum3A_1001 : i1 to vector<16xi1>
    %reduce_sum3A_1003 = tpu.scan <sum>, %convert_element_type3A_978 masked %reduce_sum3A_1002 : vector<16xi32>, vector<16xi1> -> vector<16xi32>
    %reduce_sum3A_1004 = vector.extract %reduce_sum3A_1003[15] : i32 from vector<16xi32>
    %jit3A_1005 = arith.constant 0 : i32
    %broadcast_in_dim3A_1006 = vector.broadcast %reduce_sum3A_1004 : i32 to vector<16xi32>
    %broadcast_in_dim3A_1007 = vector.broadcast %jit3A_1005 : i32 to vector<16xi32>
    %select_n3A_1008 = arith.select %eq3A_1000, %broadcast_in_dim3A_1006, %broadcast_in_dim3A_1007 : vector<16xi1>, vector<16xi32>
    %add3A_1009 = arith.addi %add3A_974, %select_n3A_1008 : vector<16xi32>
    %eq3A_1010 = arith.constant 4 : i32
    %eq3A_1011 = vector.broadcast %eq3A_1010 : i32 to vector<16xi32>
    %eq3A_1012 = arith.cmpi eq, %get3A_869, %eq3A_1011 : vector<16xi32>
    %convert_element_type3A_1013 = arith.extui %eq3A_1012 : vector<16xi1> to vector<16xi32>
    %broadcast_in_dim3A_1014 = arith.constant true
    %broadcast_in_dim3A_1015 = vector.broadcast %broadcast_in_dim3A_1014 : i1 to vector<16xi1>
    %masked_cumsum3A_1016 = tpu.scan <sum>, %convert_element_type3A_1013 masked %broadcast_in_dim3A_1015 : vector<16xi32>, vector<16xi1> -> vector<16xi32>
    %eq3A_1017 = arith.constant 4 : i32
    %eq3A_1018 = vector.broadcast %eq3A_1017 : i32 to vector<16xi32>
    %eq3A_1019 = arith.cmpi eq, %iota3A, %eq3A_1018 : vector<16xi32>
    %jit3A_1020 = arith.constant 0 : i32
    %broadcast_in_dim3A_1021 = vector.broadcast %jit3A_1020 : i32 to vector<16xi32>
    %select_n3A_1022 = arith.select %eq3A_1019, %add3A_1009, %broadcast_in_dim3A_1021 : vector<16xi1>, vector<16xi32>
    %reduce_sum3A_1023 = arith.constant true
    %reduce_sum3A_1024 = vector.broadcast %reduce_sum3A_1023 : i1 to vector<16xi1>
    %reduce_sum3A_1025 = tpu.scan <sum>, %select_n3A_1022 masked %reduce_sum3A_1024 : vector<16xi32>, vector<16xi1> -> vector<16xi32>
    %reduce_sum3A_1026 = vector.extract %reduce_sum3A_1025[15] : i32 from vector<16xi32>
    %add3A_1027 = vector.broadcast %reduce_sum3A_1026 : i32 to vector<16xi32>
    %add3A_1028 = arith.addi %add3A_1027, %masked_cumsum3A_1016 : vector<16xi32>
    %sub3A_1029 = arith.constant 1 : i32
    %sub3A_1030 = vector.broadcast %sub3A_1029 : i32 to vector<16xi32>
    %sub3A_1031 = arith.subi %add3A_1028, %sub3A_1030 : vector<16xi32>
    %select_n3A_1032 = arith.select %eq3A_1012, %sub3A_1031, %select_n3A_997 : vector<16xi1>, vector<16xi32>
    %eq3A_1033 = arith.constant 4 : i32
    %eq3A_1034 = vector.broadcast %eq3A_1033 : i32 to vector<16xi32>
    %eq3A_1035 = arith.cmpi eq, %iota3A, %eq3A_1034 : vector<16xi32>
    %reduce_sum3A_1036 = arith.constant true
    %reduce_sum3A_1037 = vector.broadcast %reduce_sum3A_1036 : i1 to vector<16xi1>
    %reduce_sum3A_1038 = tpu.scan <sum>, %convert_element_type3A_1013 masked %reduce_sum3A_1037 : vector<16xi32>, vector<16xi1> -> vector<16xi32>
    %reduce_sum3A_1039 = vector.extract %reduce_sum3A_1038[15] : i32 from vector<16xi32>
    %jit3A_1040 = arith.constant 0 : i32
    %broadcast_in_dim3A_1041 = vector.broadcast %reduce_sum3A_1039 : i32 to vector<16xi32>
    %broadcast_in_dim3A_1042 = vector.broadcast %jit3A_1040 : i32 to vector<16xi32>
    %select_n3A_1043 = arith.select %eq3A_1035, %broadcast_in_dim3A_1041, %broadcast_in_dim3A_1042 : vector<16xi1>, vector<16xi32>
    %add3A_1044 = arith.addi %add3A_1009, %select_n3A_1043 : vector<16xi32>
    %eq3A_1045 = arith.constant 5 : i32
    %eq3A_1046 = vector.broadcast %eq3A_1045 : i32 to vector<16xi32>
    %eq3A_1047 = arith.cmpi eq, %get3A_869, %eq3A_1046 : vector<16xi32>
    %convert_element_type3A_1048 = arith.extui %eq3A_1047 : vector<16xi1> to vector<16xi32>
    %broadcast_in_dim3A_1049 = arith.constant true
    %broadcast_in_dim3A_1050 = vector.broadcast %broadcast_in_dim3A_1049 : i1 to vector<16xi1>
    %masked_cumsum3A_1051 = tpu.scan <sum>, %convert_element_type3A_1048 masked %broadcast_in_dim3A_1050 : vector<16xi32>, vector<16xi1> -> vector<16xi32>
    %eq3A_1052 = arith.constant 5 : i32
    %eq3A_1053 = vector.broadcast %eq3A_1052 : i32 to vector<16xi32>
    %eq3A_1054 = arith.cmpi eq, %iota3A, %eq3A_1053 : vector<16xi32>
    %jit3A_1055 = arith.constant 0 : i32
    %broadcast_in_dim3A_1056 = vector.broadcast %jit3A_1055 : i32 to vector<16xi32>
    %select_n3A_1057 = arith.select %eq3A_1054, %add3A_1044, %broadcast_in_dim3A_1056 : vector<16xi1>, vector<16xi32>
    %reduce_sum3A_1058 = arith.constant true
    %reduce_sum3A_1059 = vector.broadcast %reduce_sum3A_1058 : i1 to vector<16xi1>
    %reduce_sum3A_1060 = tpu.scan <sum>, %select_n3A_1057 masked %reduce_sum3A_1059 : vector<16xi32>, vector<16xi1> -> vector<16xi32>
    %reduce_sum3A_1061 = vector.extract %reduce_sum3A_1060[15] : i32 from vector<16xi32>
    %add3A_1062 = vector.broadcast %reduce_sum3A_1061 : i32 to vector<16xi32>
    %add3A_1063 = arith.addi %add3A_1062, %masked_cumsum3A_1051 : vector<16xi32>
    %sub3A_1064 = arith.constant 1 : i32
    %sub3A_1065 = vector.broadcast %sub3A_1064 : i32 to vector<16xi32>
    %sub3A_1066 = arith.subi %add3A_1063, %sub3A_1065 : vector<16xi32>
    %select_n3A_1067 = arith.select %eq3A_1047, %sub3A_1066, %select_n3A_1032 : vector<16xi1>, vector<16xi32>
    %eq3A_1068 = arith.constant 5 : i32
    %eq3A_1069 = vector.broadcast %eq3A_1068 : i32 to vector<16xi32>
    %eq3A_1070 = arith.cmpi eq, %iota3A, %eq3A_1069 : vector<16xi32>
    %reduce_sum3A_1071 = arith.constant true
    %reduce_sum3A_1072 = vector.broadcast %reduce_sum3A_1071 : i1 to vector<16xi1>
    %reduce_sum3A_1073 = tpu.scan <sum>, %convert_element_type3A_1048 masked %reduce_sum3A_1072 : vector<16xi32>, vector<16xi1> -> vector<16xi32>
    %reduce_sum3A_1074 = vector.extract %reduce_sum3A_1073[15] : i32 from vector<16xi32>
    %jit3A_1075 = arith.constant 0 : i32
    %broadcast_in_dim3A_1076 = vector.broadcast %reduce_sum3A_1074 : i32 to vector<16xi32>
    %broadcast_in_dim3A_1077 = vector.broadcast %jit3A_1075 : i32 to vector<16xi32>
    %select_n3A_1078 = arith.select %eq3A_1070, %broadcast_in_dim3A_1076, %broadcast_in_dim3A_1077 : vector<16xi1>, vector<16xi32>
    %add3A_1079 = arith.addi %add3A_1044, %select_n3A_1078 : vector<16xi32>
    %eq3A_1080 = arith.constant 6 : i32
    %eq3A_1081 = vector.broadcast %eq3A_1080 : i32 to vector<16xi32>
    %eq3A_1082 = arith.cmpi eq, %get3A_869, %eq3A_1081 : vector<16xi32>
    %convert_element_type3A_1083 = arith.extui %eq3A_1082 : vector<16xi1> to vector<16xi32>
    %broadcast_in_dim3A_1084 = arith.constant true
    %broadcast_in_dim3A_1085 = vector.broadcast %broadcast_in_dim3A_1084 : i1 to vector<16xi1>
    %masked_cumsum3A_1086 = tpu.scan <sum>, %convert_element_type3A_1083 masked %broadcast_in_dim3A_1085 : vector<16xi32>, vector<16xi1> -> vector<16xi32>
    %eq3A_1087 = arith.constant 6 : i32
    %eq3A_1088 = vector.broadcast %eq3A_1087 : i32 to vector<16xi32>
    %eq3A_1089 = arith.cmpi eq, %iota3A, %eq3A_1088 : vector<16xi32>
    %jit3A_1090 = arith.constant 0 : i32
    %broadcast_in_dim3A_1091 = vector.broadcast %jit3A_1090 : i32 to vector<16xi32>
    %select_n3A_1092 = arith.select %eq3A_1089, %add3A_1079, %broadcast_in_dim3A_1091 : vector<16xi1>, vector<16xi32>
    %reduce_sum3A_1093 = arith.constant true
    %reduce_sum3A_1094 = vector.broadcast %reduce_sum3A_1093 : i1 to vector<16xi1>
    %reduce_sum3A_1095 = tpu.scan <sum>, %select_n3A_1092 masked %reduce_sum3A_1094 : vector<16xi32>, vector<16xi1> -> vector<16xi32>
    %reduce_sum3A_1096 = vector.extract %reduce_sum3A_1095[15] : i32 from vector<16xi32>
    %add3A_1097 = vector.broadcast %reduce_sum3A_1096 : i32 to vector<16xi32>
    %add3A_1098 = arith.addi %add3A_1097, %masked_cumsum3A_1086 : vector<16xi32>
    %sub3A_1099 = arith.constant 1 : i32
    %sub3A_1100 = vector.broadcast %sub3A_1099 : i32 to vector<16xi32>
    %sub3A_1101 = arith.subi %add3A_1098, %sub3A_1100 : vector<16xi32>
    %select_n3A_1102 = arith.select %eq3A_1082, %sub3A_1101, %select_n3A_1067 : vector<16xi1>, vector<16xi32>
    %eq3A_1103 = arith.constant 6 : i32
    %eq3A_1104 = vector.broadcast %eq3A_1103 : i32 to vector<16xi32>
    %eq3A_1105 = arith.cmpi eq, %iota3A, %eq3A_1104 : vector<16xi32>
    %reduce_sum3A_1106 = arith.constant true
    %reduce_sum3A_1107 = vector.broadcast %reduce_sum3A_1106 : i1 to vector<16xi1>
    %reduce_sum3A_1108 = tpu.scan <sum>, %convert_element_type3A_1083 masked %reduce_sum3A_1107 : vector<16xi32>, vector<16xi1> -> vector<16xi32>
    %reduce_sum3A_1109 = vector.extract %reduce_sum3A_1108[15] : i32 from vector<16xi32>
    %jit3A_1110 = arith.constant 0 : i32
    %broadcast_in_dim3A_1111 = vector.broadcast %reduce_sum3A_1109 : i32 to vector<16xi32>
    %broadcast_in_dim3A_1112 = vector.broadcast %jit3A_1110 : i32 to vector<16xi32>
    %select_n3A_1113 = arith.select %eq3A_1105, %broadcast_in_dim3A_1111, %broadcast_in_dim3A_1112 : vector<16xi1>, vector<16xi32>
    %add3A_1114 = arith.addi %add3A_1079, %select_n3A_1113 : vector<16xi32>
    %eq3A_1115 = arith.constant 7 : i32
    %eq3A_1116 = vector.broadcast %eq3A_1115 : i32 to vector<16xi32>
    %eq3A_1117 = arith.cmpi eq, %get3A_869, %eq3A_1116 : vector<16xi32>
    %convert_element_type3A_1118 = arith.extui %eq3A_1117 : vector<16xi1> to vector<16xi32>
    %broadcast_in_dim3A_1119 = arith.constant true
    %broadcast_in_dim3A_1120 = vector.broadcast %broadcast_in_dim3A_1119 : i1 to vector<16xi1>
    %masked_cumsum3A_1121 = tpu.scan <sum>, %convert_element_type3A_1118 masked %broadcast_in_dim3A_1120 : vector<16xi32>, vector<16xi1> -> vector<16xi32>
    %eq3A_1122 = arith.constant 7 : i32
    %eq3A_1123 = vector.broadcast %eq3A_1122 : i32 to vector<16xi32>
    %eq3A_1124 = arith.cmpi eq, %iota3A, %eq3A_1123 : vector<16xi32>
    %jit3A_1125 = arith.constant 0 : i32
    %broadcast_in_dim3A_1126 = vector.broadcast %jit3A_1125 : i32 to vector<16xi32>
    %select_n3A_1127 = arith.select %eq3A_1124, %add3A_1114, %broadcast_in_dim3A_1126 : vector<16xi1>, vector<16xi32>
    %reduce_sum3A_1128 = arith.constant true
    %reduce_sum3A_1129 = vector.broadcast %reduce_sum3A_1128 : i1 to vector<16xi1>
    %reduce_sum3A_1130 = tpu.scan <sum>, %select_n3A_1127 masked %reduce_sum3A_1129 : vector<16xi32>, vector<16xi1> -> vector<16xi32>
    %reduce_sum3A_1131 = vector.extract %reduce_sum3A_1130[15] : i32 from vector<16xi32>
    %add3A_1132 = vector.broadcast %reduce_sum3A_1131 : i32 to vector<16xi32>
    %add3A_1133 = arith.addi %add3A_1132, %masked_cumsum3A_1121 : vector<16xi32>
    %sub3A_1134 = arith.constant 1 : i32
    %sub3A_1135 = vector.broadcast %sub3A_1134 : i32 to vector<16xi32>
    %sub3A_1136 = arith.subi %add3A_1133, %sub3A_1135 : vector<16xi32>
    %select_n3A_1137 = arith.select %eq3A_1117, %sub3A_1136, %select_n3A_1102 : vector<16xi1>, vector<16xi32>
    %eq3A_1138 = arith.constant 7 : i32
    %eq3A_1139 = vector.broadcast %eq3A_1138 : i32 to vector<16xi32>
    %eq3A_1140 = arith.cmpi eq, %iota3A, %eq3A_1139 : vector<16xi32>
    %reduce_sum3A_1141 = arith.constant true
    %reduce_sum3A_1142 = vector.broadcast %reduce_sum3A_1141 : i1 to vector<16xi1>
    %reduce_sum3A_1143 = tpu.scan <sum>, %convert_element_type3A_1118 masked %reduce_sum3A_1142 : vector<16xi32>, vector<16xi1> -> vector<16xi32>
    %reduce_sum3A_1144 = vector.extract %reduce_sum3A_1143[15] : i32 from vector<16xi32>
    %jit3A_1145 = arith.constant 0 : i32
    %broadcast_in_dim3A_1146 = vector.broadcast %reduce_sum3A_1144 : i32 to vector<16xi32>
    %broadcast_in_dim3A_1147 = vector.broadcast %jit3A_1145 : i32 to vector<16xi32>
    %select_n3A_1148 = arith.select %eq3A_1140, %broadcast_in_dim3A_1146, %broadcast_in_dim3A_1147 : vector<16xi1>, vector<16xi32>
    %add3A_1149 = arith.addi %add3A_1114, %select_n3A_1148 : vector<16xi32>
    %swap3A_1150 = arith.constant 16 : index
    %swap3A_1151 = tpu.vector_load %arg16[%swap3A_1150] {strides = array<i32>} : memref<64xi32, #tpu.memory_space<vmem>>, vector<16xi32>,
    tpu.vector_store %arg16[%swap3A_1150], %select_n3A_1137 {strides = array<i32>} : memref<64xi32, #tpu.memory_space<vmem>>, vector<16xi32>,
    %get3A_1152 = arith.constant 32 : index
    %get3A_1153 = tpu.vector_load %arg13[%get3A_1152] {strides = array<i32>} : memref<64xi32, #tpu.memory_space<vmem>>, vector<16xi32>,
    %eq3A_1154 = arith.constant 0 : i32
    %eq3A_1155 = vector.broadcast %eq3A_1154 : i32 to vector<16xi32>
    %eq3A_1156 = arith.cmpi eq, %get3A_1153, %eq3A_1155 : vector<16xi32>
    %convert_element_type3A_1157 = arith.extui %eq3A_1156 : vector<16xi1> to vector<16xi32>
    %broadcast_in_dim3A_1158 = arith.constant true
    %broadcast_in_dim3A_1159 = vector.broadcast %broadcast_in_dim3A_1158 : i1 to vector<16xi1>
    %masked_cumsum3A_1160 = tpu.scan <sum>, %convert_element_type3A_1157 masked %broadcast_in_dim3A_1159 : vector<16xi32>, vector<16xi1> -> vector<16xi32>
    %eq3A_1161 = arith.constant 0 : i32
    %eq3A_1162 = vector.broadcast %eq3A_1161 : i32 to vector<16xi32>
    %eq3A_1163 = arith.cmpi eq, %iota3A, %eq3A_1162 : vector<16xi32>
    %jit3A_1164 = arith.constant 0 : i32
    %broadcast_in_dim3A_1165 = vector.broadcast %jit3A_1164 : i32 to vector<16xi32>
    %select_n3A_1166 = arith.select %eq3A_1163, %add3A_1149, %broadcast_in_dim3A_1165 : vector<16xi1>, vector<16xi32>
    %reduce_sum3A_1167 = arith.constant true
    %reduce_sum3A_1168 = vector.broadcast %reduce_sum3A_1167 : i1 to vector<16xi1>
    %reduce_sum3A_1169 = tpu.scan <sum>, %select_n3A_1166 masked %reduce_sum3A_1168 : vector<16xi32>, vector<16xi1> -> vector<16xi32>
    %reduce_sum3A_1170 = vector.extract %reduce_sum3A_1169[15] : i32 from vector<16xi32>
    %add3A_1171 = vector.broadcast %reduce_sum3A_1170 : i32 to vector<16xi32>
    %add3A_1172 = arith.addi %add3A_1171, %masked_cumsum3A_1160 : vector<16xi32>
    %sub3A_1173 = arith.constant 1 : i32
    %sub3A_1174 = vector.broadcast %sub3A_1173 : i32 to vector<16xi32>
    %sub3A_1175 = arith.subi %add3A_1172, %sub3A_1174 : vector<16xi32>
    %select_n3A_1176 = arith.select %eq3A_1156, %sub3A_1175, %broadcast_in_dim3A_6 : vector<16xi1>, vector<16xi32>
    %eq3A_1177 = arith.constant 0 : i32
    %eq3A_1178 = vector.broadcast %eq3A_1177 : i32 to vector<16xi32>
    %eq3A_1179 = arith.cmpi eq, %iota3A, %eq3A_1178 : vector<16xi32>
    %reduce_sum3A_1180 = arith.constant true
    %reduce_sum3A_1181 = vector.broadcast %reduce_sum3A_1180 : i1 to vector<16xi1>
    %reduce_sum3A_1182 = tpu.scan <sum>, %convert_element_type3A_1157 masked %reduce_sum3A_1181 : vector<16xi32>, vector<16xi1> -> vector<16xi32>
    %reduce_sum3A_1183 = vector.extract %reduce_sum3A_1182[15] : i32 from vector<16xi32>
    %jit3A_1184 = arith.constant 0 : i32
    %broadcast_in_dim3A_1185 = vector.broadcast %reduce_sum3A_1183 : i32 to vector<16xi32>
    %broadcast_in_dim3A_1186 = vector.broadcast %jit3A_1184 : i32 to vector<16xi32>
    %select_n3A_1187 = arith.select %eq3A_1179, %broadcast_in_dim3A_1185, %broadcast_in_dim3A_1186 : vector<16xi1>, vector<16xi32>
    %add3A_1188 = arith.addi %add3A_1149, %select_n3A_1187 : vector<16xi32>
    %eq3A_1189 = arith.constant 1 : i32
    %eq3A_1190 = vector.broadcast %eq3A_1189 : i32 to vector<16xi32>
    %eq3A_1191 = arith.cmpi eq, %get3A_1153, %eq3A_1190 : vector<16xi32>
    %convert_element_type3A_1192 = arith.extui %eq3A_1191 : vector<16xi1> to vector<16xi32>
    %broadcast_in_dim3A_1193 = arith.constant true
    %broadcast_in_dim3A_1194 = vector.broadcast %broadcast_in_dim3A_1193 : i1 to vector<16xi1>
    %masked_cumsum3A_1195 = tpu.scan <sum>, %convert_element_type3A_1192 masked %broadcast_in_dim3A_1194 : vector<16xi32>, vector<16xi1> -> vector<16xi32>
    %eq3A_1196 = arith.constant 1 : i32
    %eq3A_1197 = vector.broadcast %eq3A_1196 : i32 to vector<16xi32>
    %eq3A_1198 = arith.cmpi eq, %iota3A, %eq3A_1197 : vector<16xi32>
    %jit3A_1199 = arith.constant 0 : i32
    %broadcast_in_dim3A_1200 = vector.broadcast %jit3A_1199 : i32 to vector<16xi32>
    %select_n3A_1201 = arith.select %eq3A_1198, %add3A_1188, %broadcast_in_dim3A_1200 : vector<16xi1>, vector<16xi32>
    %reduce_sum3A_1202 = arith.constant true
    %reduce_sum3A_1203 = vector.broadcast %reduce_sum3A_1202 : i1 to vector<16xi1>
    %reduce_sum3A_1204 = tpu.scan <sum>, %select_n3A_1201 masked %reduce_sum3A_1203 : vector<16xi32>, vector<16xi1> -> vector<16xi32>
    %reduce_sum3A_1205 = vector.extract %reduce_sum3A_1204[15] : i32 from vector<16xi32>
    %add3A_1206 = vector.broadcast %reduce_sum3A_1205 : i32 to vector<16xi32>
    %add3A_1207 = arith.addi %add3A_1206, %masked_cumsum3A_1195 : vector<16xi32>
    %sub3A_1208 = arith.constant 1 : i32
    %sub3A_1209 = vector.broadcast %sub3A_1208 : i32 to vector<16xi32>
    %sub3A_1210 = arith.subi %add3A_1207, %sub3A_1209 : vector<16xi32>
    %select_n3A_1211 = arith.select %eq3A_1191, %sub3A_1210, %select_n3A_1176 : vector<16xi1>, vector<16xi32>
    %eq3A_1212 = arith.constant 1 : i32
    %eq3A_1213 = vector.broadcast %eq3A_1212 : i32 to vector<16xi32>
    %eq3A_1214 = arith.cmpi eq, %iota3A, %eq3A_1213 : vector<16xi32>
    %reduce_sum3A_1215 = arith.constant true
    %reduce_sum3A_1216 = vector.broadcast %reduce_sum3A_1215 : i1 to vector<16xi1>
    %reduce_sum3A_1217 = tpu.scan <sum>, %convert_element_type3A_1192 masked %reduce_sum3A_1216 : vector<16xi32>, vector<16xi1> -> vector<16xi32>
    %reduce_sum3A_1218 = vector.extract %reduce_sum3A_1217[15] : i32 from vector<16xi32>
    %jit3A_1219 = arith.constant 0 : i32
    %broadcast_in_dim3A_1220 = vector.broadcast %reduce_sum3A_1218 : i32 to vector<16xi32>
    %broadcast_in_dim3A_1221 = vector.broadcast %jit3A_1219 : i32 to vector<16xi32>
    %select_n3A_1222 = arith.select %eq3A_1214, %broadcast_in_dim3A_1220, %broadcast_in_dim3A_1221 : vector<16xi1>, vector<16xi32>
    %add3A_1223 = arith.addi %add3A_1188, %select_n3A_1222 : vector<16xi32>
    %eq3A_1224 = arith.constant 2 : i32
    %eq3A_1225 = vector.broadcast %eq3A_1224 : i32 to vector<16xi32>
    %eq3A_1226 = arith.cmpi eq, %get3A_1153, %eq3A_1225 : vector<16xi32>
    %convert_element_type3A_1227 = arith.extui %eq3A_1226 : vector<16xi1> to vector<16xi32>
    %broadcast_in_dim3A_1228 = arith.constant true
    %broadcast_in_dim3A_1229 = vector.broadcast %broadcast_in_dim3A_1228 : i1 to vector<16xi1>
    %masked_cumsum3A_1230 = tpu.scan <sum>, %convert_element_type3A_1227 masked %broadcast_in_dim3A_1229 : vector<16xi32>, vector<16xi1> -> vector<16xi32>
    %eq3A_1231 = arith.constant 2 : i32
    %eq3A_1232 = vector.broadcast %eq3A_1231 : i32 to vector<16xi32>
    %eq3A_1233 = arith.cmpi eq, %iota3A, %eq3A_1232 : vector<16xi32>
    %jit3A_1234 = arith.constant 0 : i32
    %broadcast_in_dim3A_1235 = vector.broadcast %jit3A_1234 : i32 to vector<16xi32>
    %select_n3A_1236 = arith.select %eq3A_1233, %add3A_1223, %broadcast_in_dim3A_1235 : vector<16xi1>, vector<16xi32>
    %reduce_sum3A_1237 = arith.constant true
    %reduce_sum3A_1238 = vector.broadcast %reduce_sum3A_1237 : i1 to vector<16xi1>
    %reduce_sum3A_1239 = tpu.scan <sum>, %select_n3A_1236 masked %reduce_sum3A_1238 : vector<16xi32>, vector<16xi1> -> vector<16xi32>
    %reduce_sum3A_1240 = vector.extract %reduce_sum3A_1239[15] : i32 from vector<16xi32>
    %add3A_1241 = vector.broadcast %reduce_sum3A_1240 : i32 to vector<16xi32>
    %add3A_1242 = arith.addi %add3A_1241, %masked_cumsum3A_1230 : vector<16xi32>
    %sub3A_1243 = arith.constant 1 : i32
    %sub3A_1244 = vector.broadcast %sub3A_1243 : i32 to vector<16xi32>
    %sub3A_1245 = arith.subi %add3A_1242, %sub3A_1244 : vector<16xi32>
    %select_n3A_1246 = arith.select %eq3A_1226, %sub3A_1245, %select_n3A_1211 : vector<16xi1>, vector<16xi32>
    %eq3A_1247 = arith.constant 2 : i32
    %eq3A_1248 = vector.broadcast %eq3A_1247 : i32 to vector<16xi32>
    %eq3A_1249 = arith.cmpi eq, %iota3A, %eq3A_1248 : vector<16xi32>
    %reduce_sum3A_1250 = arith.constant true
    %reduce_sum3A_1251 = vector.broadcast %reduce_sum3A_1250 : i1 to vector<16xi1>
    %reduce_sum3A_1252 = tpu.scan <sum>, %convert_element_type3A_1227 masked %reduce_sum3A_1251 : vector<16xi32>, vector<16xi1> -> vector<16xi32>
    %reduce_sum3A_1253 = vector.extract %reduce_sum3A_1252[15] : i32 from vector<16xi32>
    %jit3A_1254 = arith.constant 0 : i32
    %broadcast_in_dim3A_1255 = vector.broadcast %reduce_sum3A_1253 : i32 to vector<16xi32>
    %broadcast_in_dim3A_1256 = vector.broadcast %jit3A_1254 : i32 to vector<16xi32>
    %select_n3A_1257 = arith.select %eq3A_1249, %broadcast_in_dim3A_1255, %broadcast_in_dim3A_1256 : vector<16xi1>, vector<16xi32>
    %add3A_1258 = arith.addi %add3A_1223, %select_n3A_1257 : vector<16xi32>
    %eq3A_1259 = arith.constant 3 : i32
    %eq3A_1260 = vector.broadcast %eq3A_1259 : i32 to vector<16xi32>
    %eq3A_1261 = arith.cmpi eq, %get3A_1153, %eq3A_1260 : vector<16xi32>
    %convert_element_type3A_1262 = arith.extui %eq3A_1261 : vector<16xi1> to vector<16xi32>
    %broadcast_in_dim3A_1263 = arith.constant true
    %broadcast_in_dim3A_1264 = vector.broadcast %broadcast_in_dim3A_1263 : i1 to vector<16xi1>
    %masked_cumsum3A_1265 = tpu.scan <sum>, %convert_element_type3A_1262 masked %broadcast_in_dim3A_1264 : vector<16xi32>, vector<16xi1> -> vector<16xi32>
    %eq3A_1266 = arith.constant 3 : i32
    %eq3A_1267 = vector.broadcast %eq3A_1266 : i32 to vector<16xi32>
    %eq3A_1268 = arith.cmpi eq, %iota3A, %eq3A_1267 : vector<16xi32>
    %jit3A_1269 = arith.constant 0 : i32
    %broadcast_in_dim3A_1270 = vector.broadcast %jit3A_1269 : i32 to vector<16xi32>
    %select_n3A_1271 = arith.select %eq3A_1268, %add3A_1258, %broadcast_in_dim3A_1270 : vector<16xi1>, vector<16xi32>
    %reduce_sum3A_1272 = arith.constant true
    %reduce_sum3A_1273 = vector.broadcast %reduce_sum3A_1272 : i1 to vector<16xi1>
    %reduce_sum3A_1274 = tpu.scan <sum>, %select_n3A_1271 masked %reduce_sum3A_1273 : vector<16xi32>, vector<16xi1> -> vector<16xi32>
    %reduce_sum3A_1275 = vector.extract %reduce_sum3A_1274[15] : i32 from vector<16xi32>
    %add3A_1276 = vector.broadcast %reduce_sum3A_1275 : i32 to vector<16xi32>
    %add3A_1277 = arith.addi %add3A_1276, %masked_cumsum3A_1265 : vector<16xi32>
    %sub3A_1278 = arith.constant 1 : i32
    %sub3A_1279 = vector.broadcast %sub3A_1278 : i32 to vector<16xi32>
    %sub3A_1280 = arith.subi %add3A_1277, %sub3A_1279 : vector<16xi32>
    %select_n3A_1281 = arith.select %eq3A_1261, %sub3A_1280, %select_n3A_1246 : vector<16xi1>, vector<16xi32>
    %eq3A_1282 = arith.constant 3 : i32
    %eq3A_1283 = vector.broadcast %eq3A_1282 : i32 to vector<16xi32>
    %eq3A_1284 = arith.cmpi eq, %iota3A, %eq3A_1283 : vector<16xi32>
    %reduce_sum3A_1285 = arith.constant true
    %reduce_sum3A_1286 = vector.broadcast %reduce_sum3A_1285 : i1 to vector<16xi1>
    %reduce_sum3A_1287 = tpu.scan <sum>, %convert_element_type3A_1262 masked %reduce_sum3A_1286 : vector<16xi32>, vector<16xi1> -> vector<16xi32>
    %reduce_sum3A_1288 = vector.extract %reduce_sum3A_1287[15] : i32 from vector<16xi32>
    %jit3A_1289 = arith.constant 0 : i32
    %broadcast_in_dim3A_1290 = vector.broadcast %reduce_sum3A_1288 : i32 to vector<16xi32>
    %broadcast_in_dim3A_1291 = vector.broadcast %jit3A_1289 : i32 to vector<16xi32>
    %select_n3A_1292 = arith.select %eq3A_1284, %broadcast_in_dim3A_1290, %broadcast_in_dim3A_1291 : vector<16xi1>, vector<16xi32>
    %add3A_1293 = arith.addi %add3A_1258, %select_n3A_1292 : vector<16xi32>
    %eq3A_1294 = arith.constant 4 : i32
    %eq3A_1295 = vector.broadcast %eq3A_1294 : i32 to vector<16xi32>
    %eq3A_1296 = arith.cmpi eq, %get3A_1153, %eq3A_1295 : vector<16xi32>
    %convert_element_type3A_1297 = arith.extui %eq3A_1296 : vector<16xi1> to vector<16xi32>
    %broadcast_in_dim3A_1298 = arith.constant true
    %broadcast_in_dim3A_1299 = vector.broadcast %broadcast_in_dim3A_1298 : i1 to vector<16xi1>
    %masked_cumsum3A_1300 = tpu.scan <sum>, %convert_element_type3A_1297 masked %broadcast_in_dim3A_1299 : vector<16xi32>, vector<16xi1> -> vector<16xi32>
    %eq3A_1301 = arith.constant 4 : i32
    %eq3A_1302 = vector.broadcast %eq3A_1301 : i32 to vector<16xi32>
    %eq3A_1303 = arith.cmpi eq, %iota3A, %eq3A_1302 : vector<16xi32>
    %jit3A_1304 = arith.constant 0 : i32
    %broadcast_in_dim3A_1305 = vector.broadcast %jit3A_1304 : i32 to vector<16xi32>
    %select_n3A_1306 = arith.select %eq3A_1303, %add3A_1293, %broadcast_in_dim3A_1305 : vector<16xi1>, vector<16xi32>
    %reduce_sum3A_1307 = arith.constant true
    %reduce_sum3A_1308 = vector.broadcast %reduce_sum3A_1307 : i1 to vector<16xi1>
    %reduce_sum3A_1309 = tpu.scan <sum>, %select_n3A_1306 masked %reduce_sum3A_1308 : vector<16xi32>, vector<16xi1> -> vector<16xi32>
    %reduce_sum3A_1310 = vector.extract %reduce_sum3A_1309[15] : i32 from vector<16xi32>
    %add3A_1311 = vector.broadcast %reduce_sum3A_1310 : i32 to vector<16xi32>
    %add3A_1312 = arith.addi %add3A_1311, %masked_cumsum3A_1300 : vector<16xi32>
    %sub3A_1313 = arith.constant 1 : i32
    %sub3A_1314 = vector.broadcast %sub3A_1313 : i32 to vector<16xi32>
    %sub3A_1315 = arith.subi %add3A_1312, %sub3A_1314 : vector<16xi32>
    %select_n3A_1316 = arith.select %eq3A_1296, %sub3A_1315, %select_n3A_1281 : vector<16xi1>, vector<16xi32>
    %eq3A_1317 = arith.constant 4 : i32
    %eq3A_1318 = vector.broadcast %eq3A_1317 : i32 to vector<16xi32>
    %eq3A_1319 = arith.cmpi eq, %iota3A, %eq3A_1318 : vector<16xi32>
    %reduce_sum3A_1320 = arith.constant true
    %reduce_sum3A_1321 = vector.broadcast %reduce_sum3A_1320 : i1 to vector<16xi1>
    %reduce_sum3A_1322 = tpu.scan <sum>, %convert_element_type3A_1297 masked %reduce_sum3A_1321 : vector<16xi32>, vector<16xi1> -> vector<16xi32>
    %reduce_sum3A_1323 = vector.extract %reduce_sum3A_1322[15] : i32 from vector<16xi32>
    %jit3A_1324 = arith.constant 0 : i32
    %broadcast_in_dim3A_1325 = vector.broadcast %reduce_sum3A_1323 : i32 to vector<16xi32>
    %broadcast_in_dim3A_1326 = vector.broadcast %jit3A_1324 : i32 to vector<16xi32>
    %select_n3A_1327 = arith.select %eq3A_1319, %broadcast_in_dim3A_1325, %broadcast_in_dim3A_1326 : vector<16xi1>, vector<16xi32>
    %add3A_1328 = arith.addi %add3A_1293, %select_n3A_1327 : vector<16xi32>
    %eq3A_1329 = arith.constant 5 : i32
    %eq3A_1330 = vector.broadcast %eq3A_1329 : i32 to vector<16xi32>
    %eq3A_1331 = arith.cmpi eq, %get3A_1153, %eq3A_1330 : vector<16xi32>
    %convert_element_type3A_1332 = arith.extui %eq3A_1331 : vector<16xi1> to vector<16xi32>
    %broadcast_in_dim3A_1333 = arith.constant true
    %broadcast_in_dim3A_1334 = vector.broadcast %broadcast_in_dim3A_1333 : i1 to vector<16xi1>
    %masked_cumsum3A_1335 = tpu.scan <sum>, %convert_element_type3A_1332 masked %broadcast_in_dim3A_1334 : vector<16xi32>, vector<16xi1> -> vector<16xi32>
    %eq3A_1336 = arith.constant 5 : i32
    %eq3A_1337 = vector.broadcast %eq3A_1336 : i32 to vector<16xi32>
    %eq3A_1338 = arith.cmpi eq, %iota3A, %eq3A_1337 : vector<16xi32>
    %jit3A_1339 = arith.constant 0 : i32
    %broadcast_in_dim3A_1340 = vector.broadcast %jit3A_1339 : i32 to vector<16xi32>
    %select_n3A_1341 = arith.select %eq3A_1338, %add3A_1328, %broadcast_in_dim3A_1340 : vector<16xi1>, vector<16xi32>
    %reduce_sum3A_1342 = arith.constant true
    %reduce_sum3A_1343 = vector.broadcast %reduce_sum3A_1342 : i1 to vector<16xi1>
    %reduce_sum3A_1344 = tpu.scan <sum>, %select_n3A_1341 masked %reduce_sum3A_1343 : vector<16xi32>, vector<16xi1> -> vector<16xi32>
    %reduce_sum3A_1345 = vector.extract %reduce_sum3A_1344[15] : i32 from vector<16xi32>
    %add3A_1346 = vector.broadcast %reduce_sum3A_1345 : i32 to vector<16xi32>
    %add3A_1347 = arith.addi %add3A_1346, %masked_cumsum3A_1335 : vector<16xi32>
    %sub3A_1348 = arith.constant 1 : i32
    %sub3A_1349 = vector.broadcast %sub3A_1348 : i32 to vector<16xi32>
    %sub3A_1350 = arith.subi %add3A_1347, %sub3A_1349 : vector<16xi32>
    %select_n3A_1351 = arith.select %eq3A_1331, %sub3A_1350, %select_n3A_1316 : vector<16xi1>, vector<16xi32>
    %eq3A_1352 = arith.constant 5 : i32
    %eq3A_1353 = vector.broadcast %eq3A_1352 : i32 to vector<16xi32>
    %eq3A_1354 = arith.cmpi eq, %iota3A, %eq3A_1353 : vector<16xi32>
    %reduce_sum3A_1355 = arith.constant true
    %reduce_sum3A_1356 = vector.broadcast %reduce_sum3A_1355 : i1 to vector<16xi1>
    %reduce_sum3A_1357 = tpu.scan <sum>, %convert_element_type3A_1332 masked %reduce_sum3A_1356 : vector<16xi32>, vector<16xi1> -> vector<16xi32>
    %reduce_sum3A_1358 = vector.extract %reduce_sum3A_1357[15] : i32 from vector<16xi32>
    %jit3A_1359 = arith.constant 0 : i32
    %broadcast_in_dim3A_1360 = vector.broadcast %reduce_sum3A_1358 : i32 to vector<16xi32>
    %broadcast_in_dim3A_1361 = vector.broadcast %jit3A_1359 : i32 to vector<16xi32>
    %select_n3A_1362 = arith.select %eq3A_1354, %broadcast_in_dim3A_1360, %broadcast_in_dim3A_1361 : vector<16xi1>, vector<16xi32>
    %add3A_1363 = arith.addi %add3A_1328, %select_n3A_1362 : vector<16xi32>
    %eq3A_1364 = arith.constant 6 : i32
    %eq3A_1365 = vector.broadcast %eq3A_1364 : i32 to vector<16xi32>
    %eq3A_1366 = arith.cmpi eq, %get3A_1153, %eq3A_1365 : vector<16xi32>
    %convert_element_type3A_1367 = arith.extui %eq3A_1366 : vector<16xi1> to vector<16xi32>
    %broadcast_in_dim3A_1368 = arith.constant true
    %broadcast_in_dim3A_1369 = vector.broadcast %broadcast_in_dim3A_1368 : i1 to vector<16xi1>
    %masked_cumsum3A_1370 = tpu.scan <sum>, %convert_element_type3A_1367 masked %broadcast_in_dim3A_1369 : vector<16xi32>, vector<16xi1> -> vector<16xi32>
    %eq3A_1371 = arith.constant 6 : i32
    %eq3A_1372 = vector.broadcast %eq3A_1371 : i32 to vector<16xi32>
    %eq3A_1373 = arith.cmpi eq, %iota3A, %eq3A_1372 : vector<16xi32>
    %jit3A_1374 = arith.constant 0 : i32
    %broadcast_in_dim3A_1375 = vector.broadcast %jit3A_1374 : i32 to vector<16xi32>
    %select_n3A_1376 = arith.select %eq3A_1373, %add3A_1363, %broadcast_in_dim3A_1375 : vector<16xi1>, vector<16xi32>
    %reduce_sum3A_1377 = arith.constant true
    %reduce_sum3A_1378 = vector.broadcast %reduce_sum3A_1377 : i1 to vector<16xi1>
    %reduce_sum3A_1379 = tpu.scan <sum>, %select_n3A_1376 masked %reduce_sum3A_1378 : vector<16xi32>, vector<16xi1> -> vector<16xi32>
    %reduce_sum3A_1380 = vector.extract %reduce_sum3A_1379[15] : i32 from vector<16xi32>
    %add3A_1381 = vector.broadcast %reduce_sum3A_1380 : i32 to vector<16xi32>
    %add3A_1382 = arith.addi %add3A_1381, %masked_cumsum3A_1370 : vector<16xi32>
    %sub3A_1383 = arith.constant 1 : i32
    %sub3A_1384 = vector.broadcast %sub3A_1383 : i32 to vector<16xi32>
    %sub3A_1385 = arith.subi %add3A_1382, %sub3A_1384 : vector<16xi32>
    %select_n3A_1386 = arith.select %eq3A_1366, %sub3A_1385, %select_n3A_1351 : vector<16xi1>, vector<16xi32>
    %eq3A_1387 = arith.constant 6 : i32
    %eq3A_1388 = vector.broadcast %eq3A_1387 : i32 to vector<16xi32>
    %eq3A_1389 = arith.cmpi eq, %iota3A, %eq3A_1388 : vector<16xi32>
    %reduce_sum3A_1390 = arith.constant true
    %reduce_sum3A_1391 = vector.broadcast %reduce_sum3A_1390 : i1 to vector<16xi1>
    %reduce_sum3A_1392 = tpu.scan <sum>, %convert_element_type3A_1367 masked %reduce_sum3A_1391 : vector<16xi32>, vector<16xi1> -> vector<16xi32>
    %reduce_sum3A_1393 = vector.extract %reduce_sum3A_1392[15] : i32 from vector<16xi32>
    %jit3A_1394 = arith.constant 0 : i32
    %broadcast_in_dim3A_1395 = vector.broadcast %reduce_sum3A_1393 : i32 to vector<16xi32>
    %broadcast_in_dim3A_1396 = vector.broadcast %jit3A_1394 : i32 to vector<16xi32>
    %select_n3A_1397 = arith.select %eq3A_1389, %broadcast_in_dim3A_1395, %broadcast_in_dim3A_1396 : vector<16xi1>, vector<16xi32>
    %add3A_1398 = arith.addi %add3A_1363, %select_n3A_1397 : vector<16xi32>
    %eq3A_1399 = arith.constant 7 : i32
    %eq3A_1400 = vector.broadcast %eq3A_1399 : i32 to vector<16xi32>
    %eq3A_1401 = arith.cmpi eq, %get3A_1153, %eq3A_1400 : vector<16xi32>
    %convert_element_type3A_1402 = arith.extui %eq3A_1401 : vector<16xi1> to vector<16xi32>
    %broadcast_in_dim3A_1403 = arith.constant true
    %broadcast_in_dim3A_1404 = vector.broadcast %broadcast_in_dim3A_1403 : i1 to vector<16xi1>
    %masked_cumsum3A_1405 = tpu.scan <sum>, %convert_element_type3A_1402 masked %broadcast_in_dim3A_1404 : vector<16xi32>, vector<16xi1> -> vector<16xi32>
    %eq3A_1406 = arith.constant 7 : i32
    %eq3A_1407 = vector.broadcast %eq3A_1406 : i32 to vector<16xi32>
    %eq3A_1408 = arith.cmpi eq, %iota3A, %eq3A_1407 : vector<16xi32>
    %jit3A_1409 = arith.constant 0 : i32
    %broadcast_in_dim3A_1410 = vector.broadcast %jit3A_1409 : i32 to vector<16xi32>
    %select_n3A_1411 = arith.select %eq3A_1408, %add3A_1398, %broadcast_in_dim3A_1410 : vector<16xi1>, vector<16xi32>
    %reduce_sum3A_1412 = arith.constant true
    %reduce_sum3A_1413 = vector.broadcast %reduce_sum3A_1412 : i1 to vector<16xi1>
    %reduce_sum3A_1414 = tpu.scan <sum>, %select_n3A_1411 masked %reduce_sum3A_1413 : vector<16xi32>, vector<16xi1> -> vector<16xi32>
    %reduce_sum3A_1415 = vector.extract %reduce_sum3A_1414[15] : i32 from vector<16xi32>
    %add3A_1416 = vector.broadcast %reduce_sum3A_1415 : i32 to vector<16xi32>
    %add3A_1417 = arith.addi %add3A_1416, %masked_cumsum3A_1405 : vector<16xi32>
    %sub3A_1418 = arith.constant 1 : i32
    %sub3A_1419 = vector.broadcast %sub3A_1418 : i32 to vector<16xi32>
    %sub3A_1420 = arith.subi %add3A_1417, %sub3A_1419 : vector<16xi32>
    %select_n3A_1421 = arith.select %eq3A_1401, %sub3A_1420, %select_n3A_1386 : vector<16xi1>, vector<16xi32>
    %eq3A_1422 = arith.constant 7 : i32
    %eq3A_1423 = vector.broadcast %eq3A_1422 : i32 to vector<16xi32>
    %eq3A_1424 = arith.cmpi eq, %iota3A, %eq3A_1423 : vector<16xi32>
    %reduce_sum3A_1425 = arith.constant true
    %reduce_sum3A_1426 = vector.broadcast %reduce_sum3A_1425 : i1 to vector<16xi1>
    %reduce_sum3A_1427 = tpu.scan <sum>, %convert_element_type3A_1402 masked %reduce_sum3A_1426 : vector<16xi32>, vector<16xi1> -> vector<16xi32>
    %reduce_sum3A_1428 = vector.extract %reduce_sum3A_1427[15] : i32 from vector<16xi32>
    %jit3A_1429 = arith.constant 0 : i32
    %broadcast_in_dim3A_1430 = vector.broadcast %reduce_sum3A_1428 : i32 to vector<16xi32>
    %broadcast_in_dim3A_1431 = vector.broadcast %jit3A_1429 : i32 to vector<16xi32>
    %select_n3A_1432 = arith.select %eq3A_1424, %broadcast_in_dim3A_1430, %broadcast_in_dim3A_1431 : vector<16xi1>, vector<16xi32>
    %add3A_1433 = arith.addi %add3A_1398, %select_n3A_1432 : vector<16xi32>
    %swap3A_1434 = arith.constant 32 : index
    %swap3A_1435 = tpu.vector_load %arg15[%swap3A_1434] {strides = array<i32>} : memref<64xi32, #tpu.memory_space<vmem>>, vector<16xi32>,
    tpu.vector_store %arg15[%swap3A_1434], %select_n3A_1421 {strides = array<i32>} : memref<64xi32, #tpu.memory_space<vmem>>, vector<16xi32>,
    %get3A_1436 = arith.constant 32 : index
    %get3A_1437 = tpu.vector_load %arg14[%get3A_1436] {strides = array<i32>} : memref<64xi32, #tpu.memory_space<vmem>>, vector<16xi32>,
    %eq3A_1438 = arith.constant 0 : i32
    %eq3A_1439 = vector.broadcast %eq3A_1438 : i32 to vector<16xi32>
    %eq3A_1440 = arith.cmpi eq, %get3A_1437, %eq3A_1439 : vector<16xi32>
    %convert_element_type3A_1441 = arith.extui %eq3A_1440 : vector<16xi1> to vector<16xi32>
    %broadcast_in_dim3A_1442 = arith.constant true
    %broadcast_in_dim3A_1443 = vector.broadcast %broadcast_in_dim3A_1442 : i1 to vector<16xi1>
    %masked_cumsum3A_1444 = tpu.scan <sum>, %convert_element_type3A_1441 masked %broadcast_in_dim3A_1443 : vector<16xi32>, vector<16xi1> -> vector<16xi32>
    %eq3A_1445 = arith.constant 0 : i32
    %eq3A_1446 = vector.broadcast %eq3A_1445 : i32 to vector<16xi32>
    %eq3A_1447 = arith.cmpi eq, %iota3A, %eq3A_1446 : vector<16xi32>
    %jit3A_1448 = arith.constant 0 : i32
    %broadcast_in_dim3A_1449 = vector.broadcast %jit3A_1448 : i32 to vector<16xi32>
    %select_n3A_1450 = arith.select %eq3A_1447, %add3A_1433, %broadcast_in_dim3A_1449 : vector<16xi1>, vector<16xi32>
    %reduce_sum3A_1451 = arith.constant true
    %reduce_sum3A_1452 = vector.broadcast %reduce_sum3A_1451 : i1 to vector<16xi1>
    %reduce_sum3A_1453 = tpu.scan <sum>, %select_n3A_1450 masked %reduce_sum3A_1452 : vector<16xi32>, vector<16xi1> -> vector<16xi32>
    %reduce_sum3A_1454 = vector.extract %reduce_sum3A_1453[15] : i32 from vector<16xi32>
    %add3A_1455 = vector.broadcast %reduce_sum3A_1454 : i32 to vector<16xi32>
    %add3A_1456 = arith.addi %add3A_1455, %masked_cumsum3A_1444 : vector<16xi32>
    %sub3A_1457 = arith.constant 1 : i32
    %sub3A_1458 = vector.broadcast %sub3A_1457 : i32 to vector<16xi32>
    %sub3A_1459 = arith.subi %add3A_1456, %sub3A_1458 : vector<16xi32>
    %select_n3A_1460 = arith.select %eq3A_1440, %sub3A_1459, %broadcast_in_dim3A_6 : vector<16xi1>, vector<16xi32>
    %eq3A_1461 = arith.constant 0 : i32
    %eq3A_1462 = vector.broadcast %eq3A_1461 : i32 to vector<16xi32>
    %eq3A_1463 = arith.cmpi eq, %iota3A, %eq3A_1462 : vector<16xi32>
    %reduce_sum3A_1464 = arith.constant true
    %reduce_sum3A_1465 = vector.broadcast %reduce_sum3A_1464 : i1 to vector<16xi1>
    %reduce_sum3A_1466 = tpu.scan <sum>, %convert_element_type3A_1441 masked %reduce_sum3A_1465 : vector<16xi32>, vector<16xi1> -> vector<16xi32>
    %reduce_sum3A_1467 = vector.extract %reduce_sum3A_1466[15] : i32 from vector<16xi32>
    %jit3A_1468 = arith.constant 0 : i32
    %broadcast_in_dim3A_1469 = vector.broadcast %reduce_sum3A_1467 : i32 to vector<16xi32>
    %broadcast_in_dim3A_1470 = vector.broadcast %jit3A_1468 : i32 to vector<16xi32>
    %select_n3A_1471 = arith.select %eq3A_1463, %broadcast_in_dim3A_1469, %broadcast_in_dim3A_1470 : vector<16xi1>, vector<16xi32>
    %add3A_1472 = arith.addi %add3A_1433, %select_n3A_1471 : vector<16xi32>
    %eq3A_1473 = arith.constant 1 : i32
    %eq3A_1474 = vector.broadcast %eq3A_1473 : i32 to vector<16xi32>
    %eq3A_1475 = arith.cmpi eq, %get3A_1437, %eq3A_1474 : vector<16xi32>
    %convert_element_type3A_1476 = arith.extui %eq3A_1475 : vector<16xi1> to vector<16xi32>
    %broadcast_in_dim3A_1477 = arith.constant true
    %broadcast_in_dim3A_1478 = vector.broadcast %broadcast_in_dim3A_1477 : i1 to vector<16xi1>
    %masked_cumsum3A_1479 = tpu.scan <sum>, %convert_element_type3A_1476 masked %broadcast_in_dim3A_1478 : vector<16xi32>, vector<16xi1> -> vector<16xi32>
    %eq3A_1480 = arith.constant 1 : i32
    %eq3A_1481 = vector.broadcast %eq3A_1480 : i32 to vector<16xi32>
    %eq3A_1482 = arith.cmpi eq, %iota3A, %eq3A_1481 : vector<16xi32>
    %jit3A_1483 = arith.constant 0 : i32
    %broadcast_in_dim3A_1484 = vector.broadcast %jit3A_1483 : i32 to vector<16xi32>
    %select_n3A_1485 = arith.select %eq3A_1482, %add3A_1472, %broadcast_in_dim3A_1484 : vector<16xi1>, vector<16xi32>
    %reduce_sum3A_1486 = arith.constant true
    %reduce_sum3A_1487 = vector.broadcast %reduce_sum3A_1486 : i1 to vector<16xi1>
    %reduce_sum3A_1488 = tpu.scan <sum>, %select_n3A_1485 masked %reduce_sum3A_1487 : vector<16xi32>, vector<16xi1> -> vector<16xi32>
    %reduce_sum3A_1489 = vector.extract %reduce_sum3A_1488[15] : i32 from vector<16xi32>
    %add3A_1490 = vector.broadcast %reduce_sum3A_1489 : i32 to vector<16xi32>
    %add3A_1491 = arith.addi %add3A_1490, %masked_cumsum3A_1479 : vector<16xi32>
    %sub3A_1492 = arith.constant 1 : i32
    %sub3A_1493 = vector.broadcast %sub3A_1492 : i32 to vector<16xi32>
    %sub3A_1494 = arith.subi %add3A_1491, %sub3A_1493 : vector<16xi32>
    %select_n3A_1495 = arith.select %eq3A_1475, %sub3A_1494, %select_n3A_1460 : vector<16xi1>, vector<16xi32>
    %eq3A_1496 = arith.constant 1 : i32
    %eq3A_1497 = vector.broadcast %eq3A_1496 : i32 to vector<16xi32>
    %eq3A_1498 = arith.cmpi eq, %iota3A, %eq3A_1497 : vector<16xi32>
    %reduce_sum3A_1499 = arith.constant true
    %reduce_sum3A_1500 = vector.broadcast %reduce_sum3A_1499 : i1 to vector<16xi1>
    %reduce_sum3A_1501 = tpu.scan <sum>, %convert_element_type3A_1476 masked %reduce_sum3A_1500 : vector<16xi32>, vector<16xi1> -> vector<16xi32>
    %reduce_sum3A_1502 = vector.extract %reduce_sum3A_1501[15] : i32 from vector<16xi32>
    %jit3A_1503 = arith.constant 0 : i32
    %broadcast_in_dim3A_1504 = vector.broadcast %reduce_sum3A_1502 : i32 to vector<16xi32>
    %broadcast_in_dim3A_1505 = vector.broadcast %jit3A_1503 : i32 to vector<16xi32>
    %select_n3A_1506 = arith.select %eq3A_1498, %broadcast_in_dim3A_1504, %broadcast_in_dim3A_1505 : vector<16xi1>, vector<16xi32>
    %add3A_1507 = arith.addi %add3A_1472, %select_n3A_1506 : vector<16xi32>
    %eq3A_1508 = arith.constant 2 : i32
    %eq3A_1509 = vector.broadcast %eq3A_1508 : i32 to vector<16xi32>
    %eq3A_1510 = arith.cmpi eq, %get3A_1437, %eq3A_1509 : vector<16xi32>
    %convert_element_type3A_1511 = arith.extui %eq3A_1510 : vector<16xi1> to vector<16xi32>
    %broadcast_in_dim3A_1512 = arith.constant true
    %broadcast_in_dim3A_1513 = vector.broadcast %broadcast_in_dim3A_1512 : i1 to vector<16xi1>
    %masked_cumsum3A_1514 = tpu.scan <sum>, %convert_element_type3A_1511 masked %broadcast_in_dim3A_1513 : vector<16xi32>, vector<16xi1> -> vector<16xi32>
    %eq3A_1515 = arith.constant 2 : i32
    %eq3A_1516 = vector.broadcast %eq3A_1515 : i32 to vector<16xi32>
    %eq3A_1517 = arith.cmpi eq, %iota3A, %eq3A_1516 : vector<16xi32>
    %jit3A_1518 = arith.constant 0 : i32
    %broadcast_in_dim3A_1519 = vector.broadcast %jit3A_1518 : i32 to vector<16xi32>
    %select_n3A_1520 = arith.select %eq3A_1517, %add3A_1507, %broadcast_in_dim3A_1519 : vector<16xi1>, vector<16xi32>
    %reduce_sum3A_1521 = arith.constant true
    %reduce_sum3A_1522 = vector.broadcast %reduce_sum3A_1521 : i1 to vector<16xi1>
    %reduce_sum3A_1523 = tpu.scan <sum>, %select_n3A_1520 masked %reduce_sum3A_1522 : vector<16xi32>, vector<16xi1> -> vector<16xi32>
    %reduce_sum3A_1524 = vector.extract %reduce_sum3A_1523[15] : i32 from vector<16xi32>
    %add3A_1525 = vector.broadcast %reduce_sum3A_1524 : i32 to vector<16xi32>
    %add3A_1526 = arith.addi %add3A_1525, %masked_cumsum3A_1514 : vector<16xi32>
    %sub3A_1527 = arith.constant 1 : i32
    %sub3A_1528 = vector.broadcast %sub3A_1527 : i32 to vector<16xi32>
    %sub3A_1529 = arith.subi %add3A_1526, %sub3A_1528 : vector<16xi32>
    %select_n3A_1530 = arith.select %eq3A_1510, %sub3A_1529, %select_n3A_1495 : vector<16xi1>, vector<16xi32>
    %eq3A_1531 = arith.constant 2 : i32
    %eq3A_1532 = vector.broadcast %eq3A_1531 : i32 to vector<16xi32>
    %eq3A_1533 = arith.cmpi eq, %iota3A, %eq3A_1532 : vector<16xi32>
    %reduce_sum3A_1534 = arith.constant true
    %reduce_sum3A_1535 = vector.broadcast %reduce_sum3A_1534 : i1 to vector<16xi1>
    %reduce_sum3A_1536 = tpu.scan <sum>, %convert_element_type3A_1511 masked %reduce_sum3A_1535 : vector<16xi32>, vector<16xi1> -> vector<16xi32>
    %reduce_sum3A_1537 = vector.extract %reduce_sum3A_1536[15] : i32 from vector<16xi32>
    %jit3A_1538 = arith.constant 0 : i32
    %broadcast_in_dim3A_1539 = vector.broadcast %reduce_sum3A_1537 : i32 to vector<16xi32>
    %broadcast_in_dim3A_1540 = vector.broadcast %jit3A_1538 : i32 to vector<16xi32>
    %select_n3A_1541 = arith.select %eq3A_1533, %broadcast_in_dim3A_1539, %broadcast_in_dim3A_1540 : vector<16xi1>, vector<16xi32>
    %add3A_1542 = arith.addi %add3A_1507, %select_n3A_1541 : vector<16xi32>
    %eq3A_1543 = arith.constant 3 : i32
    %eq3A_1544 = vector.broadcast %eq3A_1543 : i32 to vector<16xi32>
    %eq3A_1545 = arith.cmpi eq, %get3A_1437, %eq3A_1544 : vector<16xi32>
    %convert_element_type3A_1546 = arith.extui %eq3A_1545 : vector<16xi1> to vector<16xi32>
    %broadcast_in_dim3A_1547 = arith.constant true
    %broadcast_in_dim3A_1548 = vector.broadcast %broadcast_in_dim3A_1547 : i1 to vector<16xi1>
    %masked_cumsum3A_1549 = tpu.scan <sum>, %convert_element_type3A_1546 masked %broadcast_in_dim3A_1548 : vector<16xi32>, vector<16xi1> -> vector<16xi32>
    %eq3A_1550 = arith.constant 3 : i32
    %eq3A_1551 = vector.broadcast %eq3A_1550 : i32 to vector<16xi32>
    %eq3A_1552 = arith.cmpi eq, %iota3A, %eq3A_1551 : vector<16xi32>
    %jit3A_1553 = arith.constant 0 : i32
    %broadcast_in_dim3A_1554 = vector.broadcast %jit3A_1553 : i32 to vector<16xi32>
    %select_n3A_1555 = arith.select %eq3A_1552, %add3A_1542, %broadcast_in_dim3A_1554 : vector<16xi1>, vector<16xi32>
    %reduce_sum3A_1556 = arith.constant true
    %reduce_sum3A_1557 = vector.broadcast %reduce_sum3A_1556 : i1 to vector<16xi1>
    %reduce_sum3A_1558 = tpu.scan <sum>, %select_n3A_1555 masked %reduce_sum3A_1557 : vector<16xi32>, vector<16xi1> -> vector<16xi32>
    %reduce_sum3A_1559 = vector.extract %reduce_sum3A_1558[15] : i32 from vector<16xi32>
    %add3A_1560 = vector.broadcast %reduce_sum3A_1559 : i32 to vector<16xi32>
    %add3A_1561 = arith.addi %add3A_1560, %masked_cumsum3A_1549 : vector<16xi32>
    %sub3A_1562 = arith.constant 1 : i32
    %sub3A_1563 = vector.broadcast %sub3A_1562 : i32 to vector<16xi32>
    %sub3A_1564 = arith.subi %add3A_1561, %sub3A_1563 : vector<16xi32>
    %select_n3A_1565 = arith.select %eq3A_1545, %sub3A_1564, %select_n3A_1530 : vector<16xi1>, vector<16xi32>
    %eq3A_1566 = arith.constant 3 : i32
    %eq3A_1567 = vector.broadcast %eq3A_1566 : i32 to vector<16xi32>
    %eq3A_1568 = arith.cmpi eq, %iota3A, %eq3A_1567 : vector<16xi32>
    %reduce_sum3A_1569 = arith.constant true
    %reduce_sum3A_1570 = vector.broadcast %reduce_sum3A_1569 : i1 to vector<16xi1>
    %reduce_sum3A_1571 = tpu.scan <sum>, %convert_element_type3A_1546 masked %reduce_sum3A_1570 : vector<16xi32>, vector<16xi1> -> vector<16xi32>
    %reduce_sum3A_1572 = vector.extract %reduce_sum3A_1571[15] : i32 from vector<16xi32>
    %jit3A_1573 = arith.constant 0 : i32
    %broadcast_in_dim3A_1574 = vector.broadcast %reduce_sum3A_1572 : i32 to vector<16xi32>
    %broadcast_in_dim3A_1575 = vector.broadcast %jit3A_1573 : i32 to vector<16xi32>
    %select_n3A_1576 = arith.select %eq3A_1568, %broadcast_in_dim3A_1574, %broadcast_in_dim3A_1575 : vector<16xi1>, vector<16xi32>
    %add3A_1577 = arith.addi %add3A_1542, %select_n3A_1576 : vector<16xi32>
    %eq3A_1578 = arith.constant 4 : i32
    %eq3A_1579 = vector.broadcast %eq3A_1578 : i32 to vector<16xi32>
    %eq3A_1580 = arith.cmpi eq, %get3A_1437, %eq3A_1579 : vector<16xi32>
    %convert_element_type3A_1581 = arith.extui %eq3A_1580 : vector<16xi1> to vector<16xi32>
    %broadcast_in_dim3A_1582 = arith.constant true
    %broadcast_in_dim3A_1583 = vector.broadcast %broadcast_in_dim3A_1582 : i1 to vector<16xi1>
    %masked_cumsum3A_1584 = tpu.scan <sum>, %convert_element_type3A_1581 masked %broadcast_in_dim3A_1583 : vector<16xi32>, vector<16xi1> -> vector<16xi32>
    %eq3A_1585 = arith.constant 4 : i32
    %eq3A_1586 = vector.broadcast %eq3A_1585 : i32 to vector<16xi32>
    %eq3A_1587 = arith.cmpi eq, %iota3A, %eq3A_1586 : vector<16xi32>
    %jit3A_1588 = arith.constant 0 : i32
    %broadcast_in_dim3A_1589 = vector.broadcast %jit3A_1588 : i32 to vector<16xi32>
    %select_n3A_1590 = arith.select %eq3A_1587, %add3A_1577, %broadcast_in_dim3A_1589 : vector<16xi1>, vector<16xi32>
    %reduce_sum3A_1591 = arith.constant true
    %reduce_sum3A_1592 = vector.broadcast %reduce_sum3A_1591 : i1 to vector<16xi1>
    %reduce_sum3A_1593 = tpu.scan <sum>, %select_n3A_1590 masked %reduce_sum3A_1592 : vector<16xi32>, vector<16xi1> -> vector<16xi32>
    %reduce_sum3A_1594 = vector.extract %reduce_sum3A_1593[15] : i32 from vector<16xi32>
    %add3A_1595 = vector.broadcast %reduce_sum3A_1594 : i32 to vector<16xi32>
    %add3A_1596 = arith.addi %add3A_1595, %masked_cumsum3A_1584 : vector<16xi32>
    %sub3A_1597 = arith.constant 1 : i32
    %sub3A_1598 = vector.broadcast %sub3A_1597 : i32 to vector<16xi32>
    %sub3A_1599 = arith.subi %add3A_1596, %sub3A_1598 : vector<16xi32>
    %select_n3A_1600 = arith.select %eq3A_1580, %sub3A_1599, %select_n3A_1565 : vector<16xi1>, vector<16xi32>
    %eq3A_1601 = arith.constant 4 : i32
    %eq3A_1602 = vector.broadcast %eq3A_1601 : i32 to vector<16xi32>
    %eq3A_1603 = arith.cmpi eq, %iota3A, %eq3A_1602 : vector<16xi32>
    %reduce_sum3A_1604 = arith.constant true
    %reduce_sum3A_1605 = vector.broadcast %reduce_sum3A_1604 : i1 to vector<16xi1>
    %reduce_sum3A_1606 = tpu.scan <sum>, %convert_element_type3A_1581 masked %reduce_sum3A_1605 : vector<16xi32>, vector<16xi1> -> vector<16xi32>
    %reduce_sum3A_1607 = vector.extract %reduce_sum3A_1606[15] : i32 from vector<16xi32>
    %jit3A_1608 = arith.constant 0 : i32
    %broadcast_in_dim3A_1609 = vector.broadcast %reduce_sum3A_1607 : i32 to vector<16xi32>
    %broadcast_in_dim3A_1610 = vector.broadcast %jit3A_1608 : i32 to vector<16xi32>
    %select_n3A_1611 = arith.select %eq3A_1603, %broadcast_in_dim3A_1609, %broadcast_in_dim3A_1610 : vector<16xi1>, vector<16xi32>
    %add3A_1612 = arith.addi %add3A_1577, %select_n3A_1611 : vector<16xi32>
    %eq3A_1613 = arith.constant 5 : i32
    %eq3A_1614 = vector.broadcast %eq3A_1613 : i32 to vector<16xi32>
    %eq3A_1615 = arith.cmpi eq, %get3A_1437, %eq3A_1614 : vector<16xi32>
    %convert_element_type3A_1616 = arith.extui %eq3A_1615 : vector<16xi1> to vector<16xi32>
    %broadcast_in_dim3A_1617 = arith.constant true
    %broadcast_in_dim3A_1618 = vector.broadcast %broadcast_in_dim3A_1617 : i1 to vector<16xi1>
    %masked_cumsum3A_1619 = tpu.scan <sum>, %convert_element_type3A_1616 masked %broadcast_in_dim3A_1618 : vector<16xi32>, vector<16xi1> -> vector<16xi32>
    %eq3A_1620 = arith.constant 5 : i32
    %eq3A_1621 = vector.broadcast %eq3A_1620 : i32 to vector<16xi32>
    %eq3A_1622 = arith.cmpi eq, %iota3A, %eq3A_1621 : vector<16xi32>
    %jit3A_1623 = arith.constant 0 : i32
    %broadcast_in_dim3A_1624 = vector.broadcast %jit3A_1623 : i32 to vector<16xi32>
    %select_n3A_1625 = arith.select %eq3A_1622, %add3A_1612, %broadcast_in_dim3A_1624 : vector<16xi1>, vector<16xi32>
    %reduce_sum3A_1626 = arith.constant true
    %reduce_sum3A_1627 = vector.broadcast %reduce_sum3A_1626 : i1 to vector<16xi1>
    %reduce_sum3A_1628 = tpu.scan <sum>, %select_n3A_1625 masked %reduce_sum3A_1627 : vector<16xi32>, vector<16xi1> -> vector<16xi32>
    %reduce_sum3A_1629 = vector.extract %reduce_sum3A_1628[15] : i32 from vector<16xi32>
    %add3A_1630 = vector.broadcast %reduce_sum3A_1629 : i32 to vector<16xi32>
    %add3A_1631 = arith.addi %add3A_1630, %masked_cumsum3A_1619 : vector<16xi32>
    %sub3A_1632 = arith.constant 1 : i32
    %sub3A_1633 = vector.broadcast %sub3A_1632 : i32 to vector<16xi32>
    %sub3A_1634 = arith.subi %add3A_1631, %sub3A_1633 : vector<16xi32>
    %select_n3A_1635 = arith.select %eq3A_1615, %sub3A_1634, %select_n3A_1600 : vector<16xi1>, vector<16xi32>
    %eq3A_1636 = arith.constant 5 : i32
    %eq3A_1637 = vector.broadcast %eq3A_1636 : i32 to vector<16xi32>
    %eq3A_1638 = arith.cmpi eq, %iota3A, %eq3A_1637 : vector<16xi32>
    %reduce_sum3A_1639 = arith.constant true
    %reduce_sum3A_1640 = vector.broadcast %reduce_sum3A_1639 : i1 to vector<16xi1>
    %reduce_sum3A_1641 = tpu.scan <sum>, %convert_element_type3A_1616 masked %reduce_sum3A_1640 : vector<16xi32>, vector<16xi1> -> vector<16xi32>
    %reduce_sum3A_1642 = vector.extract %reduce_sum3A_1641[15] : i32 from vector<16xi32>
    %jit3A_1643 = arith.constant 0 : i32
    %broadcast_in_dim3A_1644 = vector.broadcast %reduce_sum3A_1642 : i32 to vector<16xi32>
    %broadcast_in_dim3A_1645 = vector.broadcast %jit3A_1643 : i32 to vector<16xi32>
    %select_n3A_1646 = arith.select %eq3A_1638, %broadcast_in_dim3A_1644, %broadcast_in_dim3A_1645 : vector<16xi1>, vector<16xi32>
    %add3A_1647 = arith.addi %add3A_1612, %select_n3A_1646 : vector<16xi32>
    %eq3A_1648 = arith.constant 6 : i32
    %eq3A_1649 = vector.broadcast %eq3A_1648 : i32 to vector<16xi32>
    %eq3A_1650 = arith.cmpi eq, %get3A_1437, %eq3A_1649 : vector<16xi32>
    %convert_element_type3A_1651 = arith.extui %eq3A_1650 : vector<16xi1> to vector<16xi32>
    %broadcast_in_dim3A_1652 = arith.constant true
    %broadcast_in_dim3A_1653 = vector.broadcast %broadcast_in_dim3A_1652 : i1 to vector<16xi1>
    %masked_cumsum3A_1654 = tpu.scan <sum>, %convert_element_type3A_1651 masked %broadcast_in_dim3A_1653 : vector<16xi32>, vector<16xi1> -> vector<16xi32>
    %eq3A_1655 = arith.constant 6 : i32
    %eq3A_1656 = vector.broadcast %eq3A_1655 : i32 to vector<16xi32>
    %eq3A_1657 = arith.cmpi eq, %iota3A, %eq3A_1656 : vector<16xi32>
    %jit3A_1658 = arith.constant 0 : i32
    %broadcast_in_dim3A_1659 = vector.broadcast %jit3A_1658 : i32 to vector<16xi32>
    %select_n3A_1660 = arith.select %eq3A_1657, %add3A_1647, %broadcast_in_dim3A_1659 : vector<16xi1>, vector<16xi32>
    %reduce_sum3A_1661 = arith.constant true
    %reduce_sum3A_1662 = vector.broadcast %reduce_sum3A_1661 : i1 to vector<16xi1>
    %reduce_sum3A_1663 = tpu.scan <sum>, %select_n3A_1660 masked %reduce_sum3A_1662 : vector<16xi32>, vector<16xi1> -> vector<16xi32>
    %reduce_sum3A_1664 = vector.extract %reduce_sum3A_1663[15] : i32 from vector<16xi32>
    %add3A_1665 = vector.broadcast %reduce_sum3A_1664 : i32 to vector<16xi32>
    %add3A_1666 = arith.addi %add3A_1665, %masked_cumsum3A_1654 : vector<16xi32>
    %sub3A_1667 = arith.constant 1 : i32
    %sub3A_1668 = vector.broadcast %sub3A_1667 : i32 to vector<16xi32>
    %sub3A_1669 = arith.subi %add3A_1666, %sub3A_1668 : vector<16xi32>
    %select_n3A_1670 = arith.select %eq3A_1650, %sub3A_1669, %select_n3A_1635 : vector<16xi1>, vector<16xi32>
    %eq3A_1671 = arith.constant 6 : i32
    %eq3A_1672 = vector.broadcast %eq3A_1671 : i32 to vector<16xi32>
    %eq3A_1673 = arith.cmpi eq, %iota3A, %eq3A_1672 : vector<16xi32>
    %reduce_sum3A_1674 = arith.constant true
    %reduce_sum3A_1675 = vector.broadcast %reduce_sum3A_1674 : i1 to vector<16xi1>
    %reduce_sum3A_1676 = tpu.scan <sum>, %convert_element_type3A_1651 masked %reduce_sum3A_1675 : vector<16xi32>, vector<16xi1> -> vector<16xi32>
    %reduce_sum3A_1677 = vector.extract %reduce_sum3A_1676[15] : i32 from vector<16xi32>
    %jit3A_1678 = arith.constant 0 : i32
    %broadcast_in_dim3A_1679 = vector.broadcast %reduce_sum3A_1677 : i32 to vector<16xi32>
    %broadcast_in_dim3A_1680 = vector.broadcast %jit3A_1678 : i32 to vector<16xi32>
    %select_n3A_1681 = arith.select %eq3A_1673, %broadcast_in_dim3A_1679, %broadcast_in_dim3A_1680 : vector<16xi1>, vector<16xi32>
    %add3A_1682 = arith.addi %add3A_1647, %select_n3A_1681 : vector<16xi32>
    %eq3A_1683 = arith.constant 7 : i32
    %eq3A_1684 = vector.broadcast %eq3A_1683 : i32 to vector<16xi32>
    %eq3A_1685 = arith.cmpi eq, %get3A_1437, %eq3A_1684 : vector<16xi32>
    %convert_element_type3A_1686 = arith.extui %eq3A_1685 : vector<16xi1> to vector<16xi32>
    %broadcast_in_dim3A_1687 = arith.constant true
    %broadcast_in_dim3A_1688 = vector.broadcast %broadcast_in_dim3A_1687 : i1 to vector<16xi1>
    %masked_cumsum3A_1689 = tpu.scan <sum>, %convert_element_type3A_1686 masked %broadcast_in_dim3A_1688 : vector<16xi32>, vector<16xi1> -> vector<16xi32>
    %eq3A_1690 = arith.constant 7 : i32
    %eq3A_1691 = vector.broadcast %eq3A_1690 : i32 to vector<16xi32>
    %eq3A_1692 = arith.cmpi eq, %iota3A, %eq3A_1691 : vector<16xi32>
    %jit3A_1693 = arith.constant 0 : i32
    %broadcast_in_dim3A_1694 = vector.broadcast %jit3A_1693 : i32 to vector<16xi32>
    %select_n3A_1695 = arith.select %eq3A_1692, %add3A_1682, %broadcast_in_dim3A_1694 : vector<16xi1>, vector<16xi32>
    %reduce_sum3A_1696 = arith.constant true
    %reduce_sum3A_1697 = vector.broadcast %reduce_sum3A_1696 : i1 to vector<16xi1>
    %reduce_sum3A_1698 = tpu.scan <sum>, %select_n3A_1695 masked %reduce_sum3A_1697 : vector<16xi32>, vector<16xi1> -> vector<16xi32>
    %reduce_sum3A_1699 = vector.extract %reduce_sum3A_1698[15] : i32 from vector<16xi32>
    %add3A_1700 = vector.broadcast %reduce_sum3A_1699 : i32 to vector<16xi32>
    %add3A_1701 = arith.addi %add3A_1700, %masked_cumsum3A_1689 : vector<16xi32>
    %sub3A_1702 = arith.constant 1 : i32
    %sub3A_1703 = vector.broadcast %sub3A_1702 : i32 to vector<16xi32>
    %sub3A_1704 = arith.subi %add3A_1701, %sub3A_1703 : vector<16xi32>
    %select_n3A_1705 = arith.select %eq3A_1685, %sub3A_1704, %select_n3A_1670 : vector<16xi1>, vector<16xi32>
    %eq3A_1706 = arith.constant 7 : i32
    %eq3A_1707 = vector.broadcast %eq3A_1706 : i32 to vector<16xi32>
    %eq3A_1708 = arith.cmpi eq, %iota3A, %eq3A_1707 : vector<16xi32>
    %reduce_sum3A_1709 = arith.constant true
    %reduce_sum3A_1710 = vector.broadcast %reduce_sum3A_1709 : i1 to vector<16xi1>
    %reduce_sum3A_1711 = tpu.scan <sum>, %convert_element_type3A_1686 masked %reduce_sum3A_1710 : vector<16xi32>, vector<16xi1> -> vector<16xi32>
    %reduce_sum3A_1712 = vector.extract %reduce_sum3A_1711[15] : i32 from vector<16xi32>
    %jit3A_1713 = arith.constant 0 : i32
    %broadcast_in_dim3A_1714 = vector.broadcast %reduce_sum3A_1712 : i32 to vector<16xi32>
    %broadcast_in_dim3A_1715 = vector.broadcast %jit3A_1713 : i32 to vector<16xi32>
    %select_n3A_1716 = arith.select %eq3A_1708, %broadcast_in_dim3A_1714, %broadcast_in_dim3A_1715 : vector<16xi1>, vector<16xi32>
    %add3A_1717 = arith.addi %add3A_1682, %select_n3A_1716 : vector<16xi32>
    %swap3A_1718 = arith.constant 32 : index
    %swap3A_1719 = tpu.vector_load %arg16[%swap3A_1718] {strides = array<i32>} : memref<64xi32, #tpu.memory_space<vmem>>, vector<16xi32>,
    tpu.vector_store %arg16[%swap3A_1718], %select_n3A_1705 {strides = array<i32>} : memref<64xi32, #tpu.memory_space<vmem>>, vector<16xi32>,
    %get3A_1720 = arith.constant 48 : index
    %get3A_1721 = tpu.vector_load %arg13[%get3A_1720] {strides = array<i32>} : memref<64xi32, #tpu.memory_space<vmem>>, vector<16xi32>,
    %eq3A_1722 = arith.constant 0 : i32
    %eq3A_1723 = vector.broadcast %eq3A_1722 : i32 to vector<16xi32>
    %eq3A_1724 = arith.cmpi eq, %get3A_1721, %eq3A_1723 : vector<16xi32>
    %convert_element_type3A_1725 = arith.extui %eq3A_1724 : vector<16xi1> to vector<16xi32>
    %broadcast_in_dim3A_1726 = arith.constant true
    %broadcast_in_dim3A_1727 = vector.broadcast %broadcast_in_dim3A_1726 : i1 to vector<16xi1>
    %masked_cumsum3A_1728 = tpu.scan <sum>, %convert_element_type3A_1725 masked %broadcast_in_dim3A_1727 : vector<16xi32>, vector<16xi1> -> vector<16xi32>
    %eq3A_1729 = arith.constant 0 : i32
    %eq3A_1730 = vector.broadcast %eq3A_1729 : i32 to vector<16xi32>
    %eq3A_1731 = arith.cmpi eq, %iota3A, %eq3A_1730 : vector<16xi32>
    %jit3A_1732 = arith.constant 0 : i32
    %broadcast_in_dim3A_1733 = vector.broadcast %jit3A_1732 : i32 to vector<16xi32>
    %select_n3A_1734 = arith.select %eq3A_1731, %add3A_1717, %broadcast_in_dim3A_1733 : vector<16xi1>, vector<16xi32>
    %reduce_sum3A_1735 = arith.constant true
    %reduce_sum3A_1736 = vector.broadcast %reduce_sum3A_1735 : i1 to vector<16xi1>
    %reduce_sum3A_1737 = tpu.scan <sum>, %select_n3A_1734 masked %reduce_sum3A_1736 : vector<16xi32>, vector<16xi1> -> vector<16xi32>
    %reduce_sum3A_1738 = vector.extract %reduce_sum3A_1737[15] : i32 from vector<16xi32>
    %add3A_1739 = vector.broadcast %reduce_sum3A_1738 : i32 to vector<16xi32>
    %add3A_1740 = arith.addi %add3A_1739, %masked_cumsum3A_1728 : vector<16xi32>
    %sub3A_1741 = arith.constant 1 : i32
    %sub3A_1742 = vector.broadcast %sub3A_1741 : i32 to vector<16xi32>
    %sub3A_1743 = arith.subi %add3A_1740, %sub3A_1742 : vector<16xi32>
    %select_n3A_1744 = arith.select %eq3A_1724, %sub3A_1743, %broadcast_in_dim3A_6 : vector<16xi1>, vector<16xi32>
    %eq3A_1745 = arith.constant 0 : i32
    %eq3A_1746 = vector.broadcast %eq3A_1745 : i32 to vector<16xi32>
    %eq3A_1747 = arith.cmpi eq, %iota3A, %eq3A_1746 : vector<16xi32>
    %reduce_sum3A_1748 = arith.constant true
    %reduce_sum3A_1749 = vector.broadcast %reduce_sum3A_1748 : i1 to vector<16xi1>
    %reduce_sum3A_1750 = tpu.scan <sum>, %convert_element_type3A_1725 masked %reduce_sum3A_1749 : vector<16xi32>, vector<16xi1> -> vector<16xi32>
    %reduce_sum3A_1751 = vector.extract %reduce_sum3A_1750[15] : i32 from vector<16xi32>
    %jit3A_1752 = arith.constant 0 : i32
    %broadcast_in_dim3A_1753 = vector.broadcast %reduce_sum3A_1751 : i32 to vector<16xi32>
    %broadcast_in_dim3A_1754 = vector.broadcast %jit3A_1752 : i32 to vector<16xi32>
    %select_n3A_1755 = arith.select %eq3A_1747, %broadcast_in_dim3A_1753, %broadcast_in_dim3A_1754 : vector<16xi1>, vector<16xi32>
    %add3A_1756 = arith.addi %add3A_1717, %select_n3A_1755 : vector<16xi32>
    %eq3A_1757 = arith.constant 1 : i32
    %eq3A_1758 = vector.broadcast %eq3A_1757 : i32 to vector<16xi32>
    %eq3A_1759 = arith.cmpi eq, %get3A_1721, %eq3A_1758 : vector<16xi32>
    %convert_element_type3A_1760 = arith.extui %eq3A_1759 : vector<16xi1> to vector<16xi32>
    %broadcast_in_dim3A_1761 = arith.constant true
    %broadcast_in_dim3A_1762 = vector.broadcast %broadcast_in_dim3A_1761 : i1 to vector<16xi1>
    %masked_cumsum3A_1763 = tpu.scan <sum>, %convert_element_type3A_1760 masked %broadcast_in_dim3A_1762 : vector<16xi32>, vector<16xi1> -> vector<16xi32>
    %eq3A_1764 = arith.constant 1 : i32
    %eq3A_1765 = vector.broadcast %eq3A_1764 : i32 to vector<16xi32>
    %eq3A_1766 = arith.cmpi eq, %iota3A, %eq3A_1765 : vector<16xi32>
    %jit3A_1767 = arith.constant 0 : i32
    %broadcast_in_dim3A_1768 = vector.broadcast %jit3A_1767 : i32 to vector<16xi32>
    %select_n3A_1769 = arith.select %eq3A_1766, %add3A_1756, %broadcast_in_dim3A_1768 : vector<16xi1>, vector<16xi32>
    %reduce_sum3A_1770 = arith.constant true
    %reduce_sum3A_1771 = vector.broadcast %reduce_sum3A_1770 : i1 to vector<16xi1>
    %reduce_sum3A_1772 = tpu.scan <sum>, %select_n3A_1769 masked %reduce_sum3A_1771 : vector<16xi32>, vector<16xi1> -> vector<16xi32>
    %reduce_sum3A_1773 = vector.extract %reduce_sum3A_1772[15] : i32 from vector<16xi32>
    %add3A_1774 = vector.broadcast %reduce_sum3A_1773 : i32 to vector<16xi32>
    %add3A_1775 = arith.addi %add3A_1774, %masked_cumsum3A_1763 : vector<16xi32>
    %sub3A_1776 = arith.constant 1 : i32
    %sub3A_1777 = vector.broadcast %sub3A_1776 : i32 to vector<16xi32>
    %sub3A_1778 = arith.subi %add3A_1775, %sub3A_1777 : vector<16xi32>
    %select_n3A_1779 = arith.select %eq3A_1759, %sub3A_1778, %select_n3A_1744 : vector<16xi1>, vector<16xi32>
    %eq3A_1780 = arith.constant 1 : i32
    %eq3A_1781 = vector.broadcast %eq3A_1780 : i32 to vector<16xi32>
    %eq3A_1782 = arith.cmpi eq, %iota3A, %eq3A_1781 : vector<16xi32>
    %reduce_sum3A_1783 = arith.constant true
    %reduce_sum3A_1784 = vector.broadcast %reduce_sum3A_1783 : i1 to vector<16xi1>
    %reduce_sum3A_1785 = tpu.scan <sum>, %convert_element_type3A_1760 masked %reduce_sum3A_1784 : vector<16xi32>, vector<16xi1> -> vector<16xi32>
    %reduce_sum3A_1786 = vector.extract %reduce_sum3A_1785[15] : i32 from vector<16xi32>
    %jit3A_1787 = arith.constant 0 : i32
    %broadcast_in_dim3A_1788 = vector.broadcast %reduce_sum3A_1786 : i32 to vector<16xi32>
    %broadcast_in_dim3A_1789 = vector.broadcast %jit3A_1787 : i32 to vector<16xi32>
    %select_n3A_1790 = arith.select %eq3A_1782, %broadcast_in_dim3A_1788, %broadcast_in_dim3A_1789 : vector<16xi1>, vector<16xi32>
    %add3A_1791 = arith.addi %add3A_1756, %select_n3A_1790 : vector<16xi32>
    %eq3A_1792 = arith.constant 2 : i32
    %eq3A_1793 = vector.broadcast %eq3A_1792 : i32 to vector<16xi32>
    %eq3A_1794 = arith.cmpi eq, %get3A_1721, %eq3A_1793 : vector<16xi32>
    %convert_element_type3A_1795 = arith.extui %eq3A_1794 : vector<16xi1> to vector<16xi32>
    %broadcast_in_dim3A_1796 = arith.constant true
    %broadcast_in_dim3A_1797 = vector.broadcast %broadcast_in_dim3A_1796 : i1 to vector<16xi1>
    %masked_cumsum3A_1798 = tpu.scan <sum>, %convert_element_type3A_1795 masked %broadcast_in_dim3A_1797 : vector<16xi32>, vector<16xi1> -> vector<16xi32>
    %eq3A_1799 = arith.constant 2 : i32
    %eq3A_1800 = vector.broadcast %eq3A_1799 : i32 to vector<16xi32>
    %eq3A_1801 = arith.cmpi eq, %iota3A, %eq3A_1800 : vector<16xi32>
    %jit3A_1802 = arith.constant 0 : i32
    %broadcast_in_dim3A_1803 = vector.broadcast %jit3A_1802 : i32 to vector<16xi32>
    %select_n3A_1804 = arith.select %eq3A_1801, %add3A_1791, %broadcast_in_dim3A_1803 : vector<16xi1>, vector<16xi32>
    %reduce_sum3A_1805 = arith.constant true
    %reduce_sum3A_1806 = vector.broadcast %reduce_sum3A_1805 : i1 to vector<16xi1>
    %reduce_sum3A_1807 = tpu.scan <sum>, %select_n3A_1804 masked %reduce_sum3A_1806 : vector<16xi32>, vector<16xi1> -> vector<16xi32>
    %reduce_sum3A_1808 = vector.extract %reduce_sum3A_1807[15] : i32 from vector<16xi32>
    %add3A_1809 = vector.broadcast %reduce_sum3A_1808 : i32 to vector<16xi32>
    %add3A_1810 = arith.addi %add3A_1809, %masked_cumsum3A_1798 : vector<16xi32>
    %sub3A_1811 = arith.constant 1 : i32
    %sub3A_1812 = vector.broadcast %sub3A_1811 : i32 to vector<16xi32>
    %sub3A_1813 = arith.subi %add3A_1810, %sub3A_1812 : vector<16xi32>
    %select_n3A_1814 = arith.select %eq3A_1794, %sub3A_1813, %select_n3A_1779 : vector<16xi1>, vector<16xi32>
    %eq3A_1815 = arith.constant 2 : i32
    %eq3A_1816 = vector.broadcast %eq3A_1815 : i32 to vector<16xi32>
    %eq3A_1817 = arith.cmpi eq, %iota3A, %eq3A_1816 : vector<16xi32>
    %reduce_sum3A_1818 = arith.constant true
    %reduce_sum3A_1819 = vector.broadcast %reduce_sum3A_1818 : i1 to vector<16xi1>
    %reduce_sum3A_1820 = tpu.scan <sum>, %convert_element_type3A_1795 masked %reduce_sum3A_1819 : vector<16xi32>, vector<16xi1> -> vector<16xi32>
    %reduce_sum3A_1821 = vector.extract %reduce_sum3A_1820[15] : i32 from vector<16xi32>
    %jit3A_1822 = arith.constant 0 : i32
    %broadcast_in_dim3A_1823 = vector.broadcast %reduce_sum3A_1821 : i32 to vector<16xi32>
    %broadcast_in_dim3A_1824 = vector.broadcast %jit3A_1822 : i32 to vector<16xi32>
    %select_n3A_1825 = arith.select %eq3A_1817, %broadcast_in_dim3A_1823, %broadcast_in_dim3A_1824 : vector<16xi1>, vector<16xi32>
    %add3A_1826 = arith.addi %add3A_1791, %select_n3A_1825 : vector<16xi32>
    %eq3A_1827 = arith.constant 3 : i32
    %eq3A_1828 = vector.broadcast %eq3A_1827 : i32 to vector<16xi32>
    %eq3A_1829 = arith.cmpi eq, %get3A_1721, %eq3A_1828 : vector<16xi32>
    %convert_element_type3A_1830 = arith.extui %eq3A_1829 : vector<16xi1> to vector<16xi32>
    %broadcast_in_dim3A_1831 = arith.constant true
    %broadcast_in_dim3A_1832 = vector.broadcast %broadcast_in_dim3A_1831 : i1 to vector<16xi1>
    %masked_cumsum3A_1833 = tpu.scan <sum>, %convert_element_type3A_1830 masked %broadcast_in_dim3A_1832 : vector<16xi32>, vector<16xi1> -> vector<16xi32>
    %eq3A_1834 = arith.constant 3 : i32
    %eq3A_1835 = vector.broadcast %eq3A_1834 : i32 to vector<16xi32>
    %eq3A_1836 = arith.cmpi eq, %iota3A, %eq3A_1835 : vector<16xi32>
    %jit3A_1837 = arith.constant 0 : i32
    %broadcast_in_dim3A_1838 = vector.broadcast %jit3A_1837 : i32 to vector<16xi32>
    %select_n3A_1839 = arith.select %eq3A_1836, %add3A_1826, %broadcast_in_dim3A_1838 : vector<16xi1>, vector<16xi32>
    %reduce_sum3A_1840 = arith.constant true
    %reduce_sum3A_1841 = vector.broadcast %reduce_sum3A_1840 : i1 to vector<16xi1>
    %reduce_sum3A_1842 = tpu.scan <sum>, %select_n3A_1839 masked %reduce_sum3A_1841 : vector<16xi32>, vector<16xi1> -> vector<16xi32>
    %reduce_sum3A_1843 = vector.extract %reduce_sum3A_1842[15] : i32 from vector<16xi32>
    %add3A_1844 = vector.broadcast %reduce_sum3A_1843 : i32 to vector<16xi32>
    %add3A_1845 = arith.addi %add3A_1844, %masked_cumsum3A_1833 : vector<16xi32>
    %sub3A_1846 = arith.constant 1 : i32
    %sub3A_1847 = vector.broadcast %sub3A_1846 : i32 to vector<16xi32>
    %sub3A_1848 = arith.subi %add3A_1845, %sub3A_1847 : vector<16xi32>
    %select_n3A_1849 = arith.select %eq3A_1829, %sub3A_1848, %select_n3A_1814 : vector<16xi1>, vector<16xi32>
    %eq3A_1850 = arith.constant 3 : i32
    %eq3A_1851 = vector.broadcast %eq3A_1850 : i32 to vector<16xi32>
    %eq3A_1852 = arith.cmpi eq, %iota3A, %eq3A_1851 : vector<16xi32>
    %reduce_sum3A_1853 = arith.constant true
    %reduce_sum3A_1854 = vector.broadcast %reduce_sum3A_1853 : i1 to vector<16xi1>
    %reduce_sum3A_1855 = tpu.scan <sum>, %convert_element_type3A_1830 masked %reduce_sum3A_1854 : vector<16xi32>, vector<16xi1> -> vector<16xi32>
    %reduce_sum3A_1856 = vector.extract %reduce_sum3A_1855[15] : i32 from vector<16xi32>
    %jit3A_1857 = arith.constant 0 : i32
    %broadcast_in_dim3A_1858 = vector.broadcast %reduce_sum3A_1856 : i32 to vector<16xi32>
    %broadcast_in_dim3A_1859 = vector.broadcast %jit3A_1857 : i32 to vector<16xi32>
    %select_n3A_1860 = arith.select %eq3A_1852, %broadcast_in_dim3A_1858, %broadcast_in_dim3A_1859 : vector<16xi1>, vector<16xi32>
    %add3A_1861 = arith.addi %add3A_1826, %select_n3A_1860 : vector<16xi32>
    %eq3A_1862 = arith.constant 4 : i32
    %eq3A_1863 = vector.broadcast %eq3A_1862 : i32 to vector<16xi32>
    %eq3A_1864 = arith.cmpi eq, %get3A_1721, %eq3A_1863 : vector<16xi32>
    %convert_element_type3A_1865 = arith.extui %eq3A_1864 : vector<16xi1> to vector<16xi32>
    %broadcast_in_dim3A_1866 = arith.constant true
    %broadcast_in_dim3A_1867 = vector.broadcast %broadcast_in_dim3A_1866 : i1 to vector<16xi1>
    %masked_cumsum3A_1868 = tpu.scan <sum>, %convert_element_type3A_1865 masked %broadcast_in_dim3A_1867 : vector<16xi32>, vector<16xi1> -> vector<16xi32>
    %eq3A_1869 = arith.constant 4 : i32
    %eq3A_1870 = vector.broadcast %eq3A_1869 : i32 to vector<16xi32>
    %eq3A_1871 = arith.cmpi eq, %iota3A, %eq3A_1870 : vector<16xi32>
    %jit3A_1872 = arith.constant 0 : i32
    %broadcast_in_dim3A_1873 = vector.broadcast %jit3A_1872 : i32 to vector<16xi32>
    %select_n3A_1874 = arith.select %eq3A_1871, %add3A_1861, %broadcast_in_dim3A_1873 : vector<16xi1>, vector<16xi32>
    %reduce_sum3A_1875 = arith.constant true
    %reduce_sum3A_1876 = vector.broadcast %reduce_sum3A_1875 : i1 to vector<16xi1>
    %reduce_sum3A_1877 = tpu.scan <sum>, %select_n3A_1874 masked %reduce_sum3A_1876 : vector<16xi32>, vector<16xi1> -> vector<16xi32>
    %reduce_sum3A_1878 = vector.extract %reduce_sum3A_1877[15] : i32 from vector<16xi32>
    %add3A_1879 = vector.broadcast %reduce_sum3A_1878 : i32 to vector<16xi32>
    %add3A_1880 = arith.addi %add3A_1879, %masked_cumsum3A_1868 : vector<16xi32>
    %sub3A_1881 = arith.constant 1 : i32
    %sub3A_1882 = vector.broadcast %sub3A_1881 : i32 to vector<16xi32>
    %sub3A_1883 = arith.subi %add3A_1880, %sub3A_1882 : vector<16xi32>
    %select_n3A_1884 = arith.select %eq3A_1864, %sub3A_1883, %select_n3A_1849 : vector<16xi1>, vector<16xi32>
    %eq3A_1885 = arith.constant 4 : i32
    %eq3A_1886 = vector.broadcast %eq3A_1885 : i32 to vector<16xi32>
    %eq3A_1887 = arith.cmpi eq, %iota3A, %eq3A_1886 : vector<16xi32>
    %reduce_sum3A_1888 = arith.constant true
    %reduce_sum3A_1889 = vector.broadcast %reduce_sum3A_1888 : i1 to vector<16xi1>
    %reduce_sum3A_1890 = tpu.scan <sum>, %convert_element_type3A_1865 masked %reduce_sum3A_1889 : vector<16xi32>, vector<16xi1> -> vector<16xi32>
    %reduce_sum3A_1891 = vector.extract %reduce_sum3A_1890[15] : i32 from vector<16xi32>
    %jit3A_1892 = arith.constant 0 : i32
    %broadcast_in_dim3A_1893 = vector.broadcast %reduce_sum3A_1891 : i32 to vector<16xi32>
    %broadcast_in_dim3A_1894 = vector.broadcast %jit3A_1892 : i32 to vector<16xi32>
    %select_n3A_1895 = arith.select %eq3A_1887, %broadcast_in_dim3A_1893, %broadcast_in_dim3A_1894 : vector<16xi1>, vector<16xi32>
    %add3A_1896 = arith.addi %add3A_1861, %select_n3A_1895 : vector<16xi32>
    %eq3A_1897 = arith.constant 5 : i32
    %eq3A_1898 = vector.broadcast %eq3A_1897 : i32 to vector<16xi32>
    %eq3A_1899 = arith.cmpi eq, %get3A_1721, %eq3A_1898 : vector<16xi32>
    %convert_element_type3A_1900 = arith.extui %eq3A_1899 : vector<16xi1> to vector<16xi32>
    %broadcast_in_dim3A_1901 = arith.constant true
    %broadcast_in_dim3A_1902 = vector.broadcast %broadcast_in_dim3A_1901 : i1 to vector<16xi1>
    %masked_cumsum3A_1903 = tpu.scan <sum>, %convert_element_type3A_1900 masked %broadcast_in_dim3A_1902 : vector<16xi32>, vector<16xi1> -> vector<16xi32>
    %eq3A_1904 = arith.constant 5 : i32
    %eq3A_1905 = vector.broadcast %eq3A_1904 : i32 to vector<16xi32>
    %eq3A_1906 = arith.cmpi eq, %iota3A, %eq3A_1905 : vector<16xi32>
    %jit3A_1907 = arith.constant 0 : i32
    %broadcast_in_dim3A_1908 = vector.broadcast %jit3A_1907 : i32 to vector<16xi32>
    %select_n3A_1909 = arith.select %eq3A_1906, %add3A_1896, %broadcast_in_dim3A_1908 : vector<16xi1>, vector<16xi32>
    %reduce_sum3A_1910 = arith.constant true
    %reduce_sum3A_1911 = vector.broadcast %reduce_sum3A_1910 : i1 to vector<16xi1>
    %reduce_sum3A_1912 = tpu.scan <sum>, %select_n3A_1909 masked %reduce_sum3A_1911 : vector<16xi32>, vector<16xi1> -> vector<16xi32>
    %reduce_sum3A_1913 = vector.extract %reduce_sum3A_1912[15] : i32 from vector<16xi32>
    %add3A_1914 = vector.broadcast %reduce_sum3A_1913 : i32 to vector<16xi32>
    %add3A_1915 = arith.addi %add3A_1914, %masked_cumsum3A_1903 : vector<16xi32>
    %sub3A_1916 = arith.constant 1 : i32
    %sub3A_1917 = vector.broadcast %sub3A_1916 : i32 to vector<16xi32>
    %sub3A_1918 = arith.subi %add3A_1915, %sub3A_1917 : vector<16xi32>
    %select_n3A_1919 = arith.select %eq3A_1899, %sub3A_1918, %select_n3A_1884 : vector<16xi1>, vector<16xi32>
    %eq3A_1920 = arith.constant 5 : i32
    %eq3A_1921 = vector.broadcast %eq3A_1920 : i32 to vector<16xi32>
    %eq3A_1922 = arith.cmpi eq, %iota3A, %eq3A_1921 : vector<16xi32>
    %reduce_sum3A_1923 = arith.constant true
    %reduce_sum3A_1924 = vector.broadcast %reduce_sum3A_1923 : i1 to vector<16xi1>
    %reduce_sum3A_1925 = tpu.scan <sum>, %convert_element_type3A_1900 masked %reduce_sum3A_1924 : vector<16xi32>, vector<16xi1> -> vector<16xi32>
    %reduce_sum3A_1926 = vector.extract %reduce_sum3A_1925[15] : i32 from vector<16xi32>
    %jit3A_1927 = arith.constant 0 : i32
    %broadcast_in_dim3A_1928 = vector.broadcast %reduce_sum3A_1926 : i32 to vector<16xi32>
    %broadcast_in_dim3A_1929 = vector.broadcast %jit3A_1927 : i32 to vector<16xi32>
    %select_n3A_1930 = arith.select %eq3A_1922, %broadcast_in_dim3A_1928, %broadcast_in_dim3A_1929 : vector<16xi1>, vector<16xi32>
    %add3A_1931 = arith.addi %add3A_1896, %select_n3A_1930 : vector<16xi32>
    %eq3A_1932 = arith.constant 6 : i32
    %eq3A_1933 = vector.broadcast %eq3A_1932 : i32 to vector<16xi32>
    %eq3A_1934 = arith.cmpi eq, %get3A_1721, %eq3A_1933 : vector<16xi32>
    %convert_element_type3A_1935 = arith.extui %eq3A_1934 : vector<16xi1> to vector<16xi32>
    %broadcast_in_dim3A_1936 = arith.constant true
    %broadcast_in_dim3A_1937 = vector.broadcast %broadcast_in_dim3A_1936 : i1 to vector<16xi1>
    %masked_cumsum3A_1938 = tpu.scan <sum>, %convert_element_type3A_1935 masked %broadcast_in_dim3A_1937 : vector<16xi32>, vector<16xi1> -> vector<16xi32>
    %eq3A_1939 = arith.constant 6 : i32
    %eq3A_1940 = vector.broadcast %eq3A_1939 : i32 to vector<16xi32>
    %eq3A_1941 = arith.cmpi eq, %iota3A, %eq3A_1940 : vector<16xi32>
    %jit3A_1942 = arith.constant 0 : i32
    %broadcast_in_dim3A_1943 = vector.broadcast %jit3A_1942 : i32 to vector<16xi32>
    %select_n3A_1944 = arith.select %eq3A_1941, %add3A_1931, %broadcast_in_dim3A_1943 : vector<16xi1>, vector<16xi32>
    %reduce_sum3A_1945 = arith.constant true
    %reduce_sum3A_1946 = vector.broadcast %reduce_sum3A_1945 : i1 to vector<16xi1>
    %reduce_sum3A_1947 = tpu.scan <sum>, %select_n3A_1944 masked %reduce_sum3A_1946 : vector<16xi32>, vector<16xi1> -> vector<16xi32>
    %reduce_sum3A_1948 = vector.extract %reduce_sum3A_1947[15] : i32 from vector<16xi32>
    %add3A_1949 = vector.broadcast %reduce_sum3A_1948 : i32 to vector<16xi32>
    %add3A_1950 = arith.addi %add3A_1949, %masked_cumsum3A_1938 : vector<16xi32>
    %sub3A_1951 = arith.constant 1 : i32
    %sub3A_1952 = vector.broadcast %sub3A_1951 : i32 to vector<16xi32>
    %sub3A_1953 = arith.subi %add3A_1950, %sub3A_1952 : vector<16xi32>
    %select_n3A_1954 = arith.select %eq3A_1934, %sub3A_1953, %select_n3A_1919 : vector<16xi1>, vector<16xi32>
    %eq3A_1955 = arith.constant 6 : i32
    %eq3A_1956 = vector.broadcast %eq3A_1955 : i32 to vector<16xi32>
    %eq3A_1957 = arith.cmpi eq, %iota3A, %eq3A_1956 : vector<16xi32>
    %reduce_sum3A_1958 = arith.constant true
    %reduce_sum3A_1959 = vector.broadcast %reduce_sum3A_1958 : i1 to vector<16xi1>
    %reduce_sum3A_1960 = tpu.scan <sum>, %convert_element_type3A_1935 masked %reduce_sum3A_1959 : vector<16xi32>, vector<16xi1> -> vector<16xi32>
    %reduce_sum3A_1961 = vector.extract %reduce_sum3A_1960[15] : i32 from vector<16xi32>
    %jit3A_1962 = arith.constant 0 : i32
    %broadcast_in_dim3A_1963 = vector.broadcast %reduce_sum3A_1961 : i32 to vector<16xi32>
    %broadcast_in_dim3A_1964 = vector.broadcast %jit3A_1962 : i32 to vector<16xi32>
    %select_n3A_1965 = arith.select %eq3A_1957, %broadcast_in_dim3A_1963, %broadcast_in_dim3A_1964 : vector<16xi1>, vector<16xi32>
    %add3A_1966 = arith.addi %add3A_1931, %select_n3A_1965 : vector<16xi32>
    %eq3A_1967 = arith.constant 7 : i32
    %eq3A_1968 = vector.broadcast %eq3A_1967 : i32 to vector<16xi32>
    %eq3A_1969 = arith.cmpi eq, %get3A_1721, %eq3A_1968 : vector<16xi32>
    %convert_element_type3A_1970 = arith.extui %eq3A_1969 : vector<16xi1> to vector<16xi32>
    %broadcast_in_dim3A_1971 = arith.constant true
    %broadcast_in_dim3A_1972 = vector.broadcast %broadcast_in_dim3A_1971 : i1 to vector<16xi1>
    %masked_cumsum3A_1973 = tpu.scan <sum>, %convert_element_type3A_1970 masked %broadcast_in_dim3A_1972 : vector<16xi32>, vector<16xi1> -> vector<16xi32>
    %eq3A_1974 = arith.constant 7 : i32
    %eq3A_1975 = vector.broadcast %eq3A_1974 : i32 to vector<16xi32>
    %eq3A_1976 = arith.cmpi eq, %iota3A, %eq3A_1975 : vector<16xi32>
    %jit3A_1977 = arith.constant 0 : i32
    %broadcast_in_dim3A_1978 = vector.broadcast %jit3A_1977 : i32 to vector<16xi32>
    %select_n3A_1979 = arith.select %eq3A_1976, %add3A_1966, %broadcast_in_dim3A_1978 : vector<16xi1>, vector<16xi32>
    %reduce_sum3A_1980 = arith.constant true
    %reduce_sum3A_1981 = vector.broadcast %reduce_sum3A_1980 : i1 to vector<16xi1>
    %reduce_sum3A_1982 = tpu.scan <sum>, %select_n3A_1979 masked %reduce_sum3A_1981 : vector<16xi32>, vector<16xi1> -> vector<16xi32>
    %reduce_sum3A_1983 = vector.extract %reduce_sum3A_1982[15] : i32 from vector<16xi32>
    %add3A_1984 = vector.broadcast %reduce_sum3A_1983 : i32 to vector<16xi32>
    %add3A_1985 = arith.addi %add3A_1984, %masked_cumsum3A_1973 : vector<16xi32>
    %sub3A_1986 = arith.constant 1 : i32
    %sub3A_1987 = vector.broadcast %sub3A_1986 : i32 to vector<16xi32>
    %sub3A_1988 = arith.subi %add3A_1985, %sub3A_1987 : vector<16xi32>
    %select_n3A_1989 = arith.select %eq3A_1969, %sub3A_1988, %select_n3A_1954 : vector<16xi1>, vector<16xi32>
    %eq3A_1990 = arith.constant 7 : i32
    %eq3A_1991 = vector.broadcast %eq3A_1990 : i32 to vector<16xi32>
    %eq3A_1992 = arith.cmpi eq, %iota3A, %eq3A_1991 : vector<16xi32>
    %reduce_sum3A_1993 = arith.constant true
    %reduce_sum3A_1994 = vector.broadcast %reduce_sum3A_1993 : i1 to vector<16xi1>
    %reduce_sum3A_1995 = tpu.scan <sum>, %convert_element_type3A_1970 masked %reduce_sum3A_1994 : vector<16xi32>, vector<16xi1> -> vector<16xi32>
    %reduce_sum3A_1996 = vector.extract %reduce_sum3A_1995[15] : i32 from vector<16xi32>
    %jit3A_1997 = arith.constant 0 : i32
    %broadcast_in_dim3A_1998 = vector.broadcast %reduce_sum3A_1996 : i32 to vector<16xi32>
    %broadcast_in_dim3A_1999 = vector.broadcast %jit3A_1997 : i32 to vector<16xi32>
    %select_n3A_2000 = arith.select %eq3A_1992, %broadcast_in_dim3A_1998, %broadcast_in_dim3A_1999 : vector<16xi1>, vector<16xi32>
    %add3A_2001 = arith.addi %add3A_1966, %select_n3A_2000 : vector<16xi32>
    %swap3A_2002 = arith.constant 48 : index
    %swap3A_2003 = tpu.vector_load %arg15[%swap3A_2002] {strides = array<i32>} : memref<64xi32, #tpu.memory_space<vmem>>, vector<16xi32>,
    tpu.vector_store %arg15[%swap3A_2002], %select_n3A_1989 {strides = array<i32>} : memref<64xi32, #tpu.memory_space<vmem>>, vector<16xi32>,
    %get3A_2004 = arith.constant 48 : index
    %get3A_2005 = tpu.vector_load %arg14[%get3A_2004] {strides = array<i32>} : memref<64xi32, #tpu.memory_space<vmem>>, vector<16xi32>,
    %eq3A_2006 = arith.constant 0 : i32
    %eq3A_2007 = vector.broadcast %eq3A_2006 : i32 to vector<16xi32>
    %eq3A_2008 = arith.cmpi eq, %get3A_2005, %eq3A_2007 : vector<16xi32>
    %convert_element_type3A_2009 = arith.extui %eq3A_2008 : vector<16xi1> to vector<16xi32>
    %broadcast_in_dim3A_2010 = arith.constant true
    %broadcast_in_dim3A_2011 = vector.broadcast %broadcast_in_dim3A_2010 : i1 to vector<16xi1>
    %masked_cumsum3A_2012 = tpu.scan <sum>, %convert_element_type3A_2009 masked %broadcast_in_dim3A_2011 : vector<16xi32>, vector<16xi1> -> vector<16xi32>
    %eq3A_2013 = arith.constant 0 : i32
    %eq3A_2014 = vector.broadcast %eq3A_2013 : i32 to vector<16xi32>
    %eq3A_2015 = arith.cmpi eq, %iota3A, %eq3A_2014 : vector<16xi32>
    %jit3A_2016 = arith.constant 0 : i32
    %broadcast_in_dim3A_2017 = vector.broadcast %jit3A_2016 : i32 to vector<16xi32>
    %select_n3A_2018 = arith.select %eq3A_2015, %add3A_2001, %broadcast_in_dim3A_2017 : vector<16xi1>, vector<16xi32>
    %reduce_sum3A_2019 = arith.constant true
    %reduce_sum3A_2020 = vector.broadcast %reduce_sum3A_2019 : i1 to vector<16xi1>
    %reduce_sum3A_2021 = tpu.scan <sum>, %select_n3A_2018 masked %reduce_sum3A_2020 : vector<16xi32>, vector<16xi1> -> vector<16xi32>
    %reduce_sum3A_2022 = vector.extract %reduce_sum3A_2021[15] : i32 from vector<16xi32>
    %add3A_2023 = vector.broadcast %reduce_sum3A_2022 : i32 to vector<16xi32>
    %add3A_2024 = arith.addi %add3A_2023, %masked_cumsum3A_2012 : vector<16xi32>
    %sub3A_2025 = arith.constant 1 : i32
    %sub3A_2026 = vector.broadcast %sub3A_2025 : i32 to vector<16xi32>
    %sub3A_2027 = arith.subi %add3A_2024, %sub3A_2026 : vector<16xi32>
    %select_n3A_2028 = arith.select %eq3A_2008, %sub3A_2027, %broadcast_in_dim3A_6 : vector<16xi1>, vector<16xi32>
    %eq3A_2029 = arith.constant 0 : i32
    %eq3A_2030 = vector.broadcast %eq3A_2029 : i32 to vector<16xi32>
    %eq3A_2031 = arith.cmpi eq, %iota3A, %eq3A_2030 : vector<16xi32>
    %reduce_sum3A_2032 = arith.constant true
    %reduce_sum3A_2033 = vector.broadcast %reduce_sum3A_2032 : i1 to vector<16xi1>
    %reduce_sum3A_2034 = tpu.scan <sum>, %convert_element_type3A_2009 masked %reduce_sum3A_2033 : vector<16xi32>, vector<16xi1> -> vector<16xi32>
    %reduce_sum3A_2035 = vector.extract %reduce_sum3A_2034[15] : i32 from vector<16xi32>
    %jit3A_2036 = arith.constant 0 : i32
    %broadcast_in_dim3A_2037 = vector.broadcast %reduce_sum3A_2035 : i32 to vector<16xi32>
    %broadcast_in_dim3A_2038 = vector.broadcast %jit3A_2036 : i32 to vector<16xi32>
    %select_n3A_2039 = arith.select %eq3A_2031, %broadcast_in_dim3A_2037, %broadcast_in_dim3A_2038 : vector<16xi1>, vector<16xi32>
    %add3A_2040 = arith.addi %add3A_2001, %select_n3A_2039 : vector<16xi32>
    %eq3A_2041 = arith.constant 1 : i32
    %eq3A_2042 = vector.broadcast %eq3A_2041 : i32 to vector<16xi32>
    %eq3A_2043 = arith.cmpi eq, %get3A_2005, %eq3A_2042 : vector<16xi32>
    %convert_element_type3A_2044 = arith.extui %eq3A_2043 : vector<16xi1> to vector<16xi32>
    %broadcast_in_dim3A_2045 = arith.constant true
    %broadcast_in_dim3A_2046 = vector.broadcast %broadcast_in_dim3A_2045 : i1 to vector<16xi1>
    %masked_cumsum3A_2047 = tpu.scan <sum>, %convert_element_type3A_2044 masked %broadcast_in_dim3A_2046 : vector<16xi32>, vector<16xi1> -> vector<16xi32>
    %eq3A_2048 = arith.constant 1 : i32
    %eq3A_2049 = vector.broadcast %eq3A_2048 : i32 to vector<16xi32>
    %eq3A_2050 = arith.cmpi eq, %iota3A, %eq3A_2049 : vector<16xi32>
    %jit3A_2051 = arith.constant 0 : i32
    %broadcast_in_dim3A_2052 = vector.broadcast %jit3A_2051 : i32 to vector<16xi32>
    %select_n3A_2053 = arith.select %eq3A_2050, %add3A_2040, %broadcast_in_dim3A_2052 : vector<16xi1>, vector<16xi32>
    %reduce_sum3A_2054 = arith.constant true
    %reduce_sum3A_2055 = vector.broadcast %reduce_sum3A_2054 : i1 to vector<16xi1>
    %reduce_sum3A_2056 = tpu.scan <sum>, %select_n3A_2053 masked %reduce_sum3A_2055 : vector<16xi32>, vector<16xi1> -> vector<16xi32>
    %reduce_sum3A_2057 = vector.extract %reduce_sum3A_2056[15] : i32 from vector<16xi32>
    %add3A_2058 = vector.broadcast %reduce_sum3A_2057 : i32 to vector<16xi32>
    %add3A_2059 = arith.addi %add3A_2058, %masked_cumsum3A_2047 : vector<16xi32>
    %sub3A_2060 = arith.constant 1 : i32
    %sub3A_2061 = vector.broadcast %sub3A_2060 : i32 to vector<16xi32>
    %sub3A_2062 = arith.subi %add3A_2059, %sub3A_2061 : vector<16xi32>
    %select_n3A_2063 = arith.select %eq3A_2043, %sub3A_2062, %select_n3A_2028 : vector<16xi1>, vector<16xi32>
    %eq3A_2064 = arith.constant 1 : i32
    %eq3A_2065 = vector.broadcast %eq3A_2064 : i32 to vector<16xi32>
    %eq3A_2066 = arith.cmpi eq, %iota3A, %eq3A_2065 : vector<16xi32>
    %reduce_sum3A_2067 = arith.constant true
    %reduce_sum3A_2068 = vector.broadcast %reduce_sum3A_2067 : i1 to vector<16xi1>
    %reduce_sum3A_2069 = tpu.scan <sum>, %convert_element_type3A_2044 masked %reduce_sum3A_2068 : vector<16xi32>, vector<16xi1> -> vector<16xi32>
    %reduce_sum3A_2070 = vector.extract %reduce_sum3A_2069[15] : i32 from vector<16xi32>
    %jit3A_2071 = arith.constant 0 : i32
    %broadcast_in_dim3A_2072 = vector.broadcast %reduce_sum3A_2070 : i32 to vector<16xi32>
    %broadcast_in_dim3A_2073 = vector.broadcast %jit3A_2071 : i32 to vector<16xi32>
    %select_n3A_2074 = arith.select %eq3A_2066, %broadcast_in_dim3A_2072, %broadcast_in_dim3A_2073 : vector<16xi1>, vector<16xi32>
    %add3A_2075 = arith.addi %add3A_2040, %select_n3A_2074 : vector<16xi32>
    %eq3A_2076 = arith.constant 2 : i32
    %eq3A_2077 = vector.broadcast %eq3A_2076 : i32 to vector<16xi32>
    %eq3A_2078 = arith.cmpi eq, %get3A_2005, %eq3A_2077 : vector<16xi32>
    %convert_element_type3A_2079 = arith.extui %eq3A_2078 : vector<16xi1> to vector<16xi32>
    %broadcast_in_dim3A_2080 = arith.constant true
    %broadcast_in_dim3A_2081 = vector.broadcast %broadcast_in_dim3A_2080 : i1 to vector<16xi1>
    %masked_cumsum3A_2082 = tpu.scan <sum>, %convert_element_type3A_2079 masked %broadcast_in_dim3A_2081 : vector<16xi32>, vector<16xi1> -> vector<16xi32>
    %eq3A_2083 = arith.constant 2 : i32
    %eq3A_2084 = vector.broadcast %eq3A_2083 : i32 to vector<16xi32>
    %eq3A_2085 = arith.cmpi eq, %iota3A, %eq3A_2084 : vector<16xi32>
    %jit3A_2086 = arith.constant 0 : i32
    %broadcast_in_dim3A_2087 = vector.broadcast %jit3A_2086 : i32 to vector<16xi32>
    %select_n3A_2088 = arith.select %eq3A_2085, %add3A_2075, %broadcast_in_dim3A_2087 : vector<16xi1>, vector<16xi32>
    %reduce_sum3A_2089 = arith.constant true
    %reduce_sum3A_2090 = vector.broadcast %reduce_sum3A_2089 : i1 to vector<16xi1>
    %reduce_sum3A_2091 = tpu.scan <sum>, %select_n3A_2088 masked %reduce_sum3A_2090 : vector<16xi32>, vector<16xi1> -> vector<16xi32>
    %reduce_sum3A_2092 = vector.extract %reduce_sum3A_2091[15] : i32 from vector<16xi32>
    %add3A_2093 = vector.broadcast %reduce_sum3A_2092 : i32 to vector<16xi32>
    %add3A_2094 = arith.addi %add3A_2093, %masked_cumsum3A_2082 : vector<16xi32>
    %sub3A_2095 = arith.constant 1 : i32
    %sub3A_2096 = vector.broadcast %sub3A_2095 : i32 to vector<16xi32>
    %sub3A_2097 = arith.subi %add3A_2094, %sub3A_2096 : vector<16xi32>
    %select_n3A_2098 = arith.select %eq3A_2078, %sub3A_2097, %select_n3A_2063 : vector<16xi1>, vector<16xi32>
    %eq3A_2099 = arith.constant 2 : i32
    %eq3A_2100 = vector.broadcast %eq3A_2099 : i32 to vector<16xi32>
    %eq3A_2101 = arith.cmpi eq, %iota3A, %eq3A_2100 : vector<16xi32>
    %reduce_sum3A_2102 = arith.constant true
    %reduce_sum3A_2103 = vector.broadcast %reduce_sum3A_2102 : i1 to vector<16xi1>
    %reduce_sum3A_2104 = tpu.scan <sum>, %convert_element_type3A_2079 masked %reduce_sum3A_2103 : vector<16xi32>, vector<16xi1> -> vector<16xi32>
    %reduce_sum3A_2105 = vector.extract %reduce_sum3A_2104[15] : i32 from vector<16xi32>
    %jit3A_2106 = arith.constant 0 : i32
    %broadcast_in_dim3A_2107 = vector.broadcast %reduce_sum3A_2105 : i32 to vector<16xi32>
    %broadcast_in_dim3A_2108 = vector.broadcast %jit3A_2106 : i32 to vector<16xi32>
    %select_n3A_2109 = arith.select %eq3A_2101, %broadcast_in_dim3A_2107, %broadcast_in_dim3A_2108 : vector<16xi1>, vector<16xi32>
    %add3A_2110 = arith.addi %add3A_2075, %select_n3A_2109 : vector<16xi32>
    %eq3A_2111 = arith.constant 3 : i32
    %eq3A_2112 = vector.broadcast %eq3A_2111 : i32 to vector<16xi32>
    %eq3A_2113 = arith.cmpi eq, %get3A_2005, %eq3A_2112 : vector<16xi32>
    %convert_element_type3A_2114 = arith.extui %eq3A_2113 : vector<16xi1> to vector<16xi32>
    %broadcast_in_dim3A_2115 = arith.constant true
    %broadcast_in_dim3A_2116 = vector.broadcast %broadcast_in_dim3A_2115 : i1 to vector<16xi1>
    %masked_cumsum3A_2117 = tpu.scan <sum>, %convert_element_type3A_2114 masked %broadcast_in_dim3A_2116 : vector<16xi32>, vector<16xi1> -> vector<16xi32>
    %eq3A_2118 = arith.constant 3 : i32
    %eq3A_2119 = vector.broadcast %eq3A_2118 : i32 to vector<16xi32>
    %eq3A_2120 = arith.cmpi eq, %iota3A, %eq3A_2119 : vector<16xi32>
    %jit3A_2121 = arith.constant 0 : i32
    %broadcast_in_dim3A_2122 = vector.broadcast %jit3A_2121 : i32 to vector<16xi32>
    %select_n3A_2123 = arith.select %eq3A_2120, %add3A_2110, %broadcast_in_dim3A_2122 : vector<16xi1>, vector<16xi32>
    %reduce_sum3A_2124 = arith.constant true
    %reduce_sum3A_2125 = vector.broadcast %reduce_sum3A_2124 : i1 to vector<16xi1>
    %reduce_sum3A_2126 = tpu.scan <sum>, %select_n3A_2123 masked %reduce_sum3A_2125 : vector<16xi32>, vector<16xi1> -> vector<16xi32>
    %reduce_sum3A_2127 = vector.extract %reduce_sum3A_2126[15] : i32 from vector<16xi32>
    %add3A_2128 = vector.broadcast %reduce_sum3A_2127 : i32 to vector<16xi32>
    %add3A_2129 = arith.addi %add3A_2128, %masked_cumsum3A_2117 : vector<16xi32>
    %sub3A_2130 = arith.constant 1 : i32
    %sub3A_2131 = vector.broadcast %sub3A_2130 : i32 to vector<16xi32>
    %sub3A_2132 = arith.subi %add3A_2129, %sub3A_2131 : vector<16xi32>
    %select_n3A_2133 = arith.select %eq3A_2113, %sub3A_2132, %select_n3A_2098 : vector<16xi1>, vector<16xi32>
    %eq3A_2134 = arith.constant 3 : i32
    %eq3A_2135 = vector.broadcast %eq3A_2134 : i32 to vector<16xi32>
    %eq3A_2136 = arith.cmpi eq, %iota3A, %eq3A_2135 : vector<16xi32>
    %reduce_sum3A_2137 = arith.constant true
    %reduce_sum3A_2138 = vector.broadcast %reduce_sum3A_2137 : i1 to vector<16xi1>
    %reduce_sum3A_2139 = tpu.scan <sum>, %convert_element_type3A_2114 masked %reduce_sum3A_2138 : vector<16xi32>, vector<16xi1> -> vector<16xi32>
    %reduce_sum3A_2140 = vector.extract %reduce_sum3A_2139[15] : i32 from vector<16xi32>
    %jit3A_2141 = arith.constant 0 : i32
    %broadcast_in_dim3A_2142 = vector.broadcast %reduce_sum3A_2140 : i32 to vector<16xi32>
    %broadcast_in_dim3A_2143 = vector.broadcast %jit3A_2141 : i32 to vector<16xi32>
    %select_n3A_2144 = arith.select %eq3A_2136, %broadcast_in_dim3A_2142, %broadcast_in_dim3A_2143 : vector<16xi1>, vector<16xi32>
    %add3A_2145 = arith.addi %add3A_2110, %select_n3A_2144 : vector<16xi32>
    %eq3A_2146 = arith.constant 4 : i32
    %eq3A_2147 = vector.broadcast %eq3A_2146 : i32 to vector<16xi32>
    %eq3A_2148 = arith.cmpi eq, %get3A_2005, %eq3A_2147 : vector<16xi32>
    %convert_element_type3A_2149 = arith.extui %eq3A_2148 : vector<16xi1> to vector<16xi32>
    %broadcast_in_dim3A_2150 = arith.constant true
    %broadcast_in_dim3A_2151 = vector.broadcast %broadcast_in_dim3A_2150 : i1 to vector<16xi1>
    %masked_cumsum3A_2152 = tpu.scan <sum>, %convert_element_type3A_2149 masked %broadcast_in_dim3A_2151 : vector<16xi32>, vector<16xi1> -> vector<16xi32>
    %eq3A_2153 = arith.constant 4 : i32
    %eq3A_2154 = vector.broadcast %eq3A_2153 : i32 to vector<16xi32>
    %eq3A_2155 = arith.cmpi eq, %iota3A, %eq3A_2154 : vector<16xi32>
    %jit3A_2156 = arith.constant 0 : i32
    %broadcast_in_dim3A_2157 = vector.broadcast %jit3A_2156 : i32 to vector<16xi32>
    %select_n3A_2158 = arith.select %eq3A_2155, %add3A_2145, %broadcast_in_dim3A_2157 : vector<16xi1>, vector<16xi32>
    %reduce_sum3A_2159 = arith.constant true
    %reduce_sum3A_2160 = vector.broadcast %reduce_sum3A_2159 : i1 to vector<16xi1>
    %reduce_sum3A_2161 = tpu.scan <sum>, %select_n3A_2158 masked %reduce_sum3A_2160 : vector<16xi32>, vector<16xi1> -> vector<16xi32>
    %reduce_sum3A_2162 = vector.extract %reduce_sum3A_2161[15] : i32 from vector<16xi32>
    %add3A_2163 = vector.broadcast %reduce_sum3A_2162 : i32 to vector<16xi32>
    %add3A_2164 = arith.addi %add3A_2163, %masked_cumsum3A_2152 : vector<16xi32>
    %sub3A_2165 = arith.constant 1 : i32
    %sub3A_2166 = vector.broadcast %sub3A_2165 : i32 to vector<16xi32>
    %sub3A_2167 = arith.subi %add3A_2164, %sub3A_2166 : vector<16xi32>
    %select_n3A_2168 = arith.select %eq3A_2148, %sub3A_2167, %select_n3A_2133 : vector<16xi1>, vector<16xi32>
    %eq3A_2169 = arith.constant 4 : i32
    %eq3A_2170 = vector.broadcast %eq3A_2169 : i32 to vector<16xi32>
    %eq3A_2171 = arith.cmpi eq, %iota3A, %eq3A_2170 : vector<16xi32>
    %reduce_sum3A_2172 = arith.constant true
    %reduce_sum3A_2173 = vector.broadcast %reduce_sum3A_2172 : i1 to vector<16xi1>
    %reduce_sum3A_2174 = tpu.scan <sum>, %convert_element_type3A_2149 masked %reduce_sum3A_2173 : vector<16xi32>, vector<16xi1> -> vector<16xi32>
    %reduce_sum3A_2175 = vector.extract %reduce_sum3A_2174[15] : i32 from vector<16xi32>
    %jit3A_2176 = arith.constant 0 : i32
    %broadcast_in_dim3A_2177 = vector.broadcast %reduce_sum3A_2175 : i32 to vector<16xi32>
    %broadcast_in_dim3A_2178 = vector.broadcast %jit3A_2176 : i32 to vector<16xi32>
    %select_n3A_2179 = arith.select %eq3A_2171, %broadcast_in_dim3A_2177, %broadcast_in_dim3A_2178 : vector<16xi1>, vector<16xi32>
    %add3A_2180 = arith.addi %add3A_2145, %select_n3A_2179 : vector<16xi32>
    %eq3A_2181 = arith.constant 5 : i32
    %eq3A_2182 = vector.broadcast %eq3A_2181 : i32 to vector<16xi32>
    %eq3A_2183 = arith.cmpi eq, %get3A_2005, %eq3A_2182 : vector<16xi32>
    %convert_element_type3A_2184 = arith.extui %eq3A_2183 : vector<16xi1> to vector<16xi32>
    %broadcast_in_dim3A_2185 = arith.constant true
    %broadcast_in_dim3A_2186 = vector.broadcast %broadcast_in_dim3A_2185 : i1 to vector<16xi1>
    %masked_cumsum3A_2187 = tpu.scan <sum>, %convert_element_type3A_2184 masked %broadcast_in_dim3A_2186 : vector<16xi32>, vector<16xi1> -> vector<16xi32>
    %eq3A_2188 = arith.constant 5 : i32
    %eq3A_2189 = vector.broadcast %eq3A_2188 : i32 to vector<16xi32>
    %eq3A_2190 = arith.cmpi eq, %iota3A, %eq3A_2189 : vector<16xi32>
    %jit3A_2191 = arith.constant 0 : i32
    %broadcast_in_dim3A_2192 = vector.broadcast %jit3A_2191 : i32 to vector<16xi32>
    %select_n3A_2193 = arith.select %eq3A_2190, %add3A_2180, %broadcast_in_dim3A_2192 : vector<16xi1>, vector<16xi32>
    %reduce_sum3A_2194 = arith.constant true
    %reduce_sum3A_2195 = vector.broadcast %reduce_sum3A_2194 : i1 to vector<16xi1>
    %reduce_sum3A_2196 = tpu.scan <sum>, %select_n3A_2193 masked %reduce_sum3A_2195 : vector<16xi32>, vector<16xi1> -> vector<16xi32>
    %reduce_sum3A_2197 = vector.extract %reduce_sum3A_2196[15] : i32 from vector<16xi32>
    %add3A_2198 = vector.broadcast %reduce_sum3A_2197 : i32 to vector<16xi32>
    %add3A_2199 = arith.addi %add3A_2198, %masked_cumsum3A_2187 : vector<16xi32>
    %sub3A_2200 = arith.constant 1 : i32
    %sub3A_2201 = vector.broadcast %sub3A_2200 : i32 to vector<16xi32>
    %sub3A_2202 = arith.subi %add3A_2199, %sub3A_2201 : vector<16xi32>
    %select_n3A_2203 = arith.select %eq3A_2183, %sub3A_2202, %select_n3A_2168 : vector<16xi1>, vector<16xi32>
    %eq3A_2204 = arith.constant 5 : i32
    %eq3A_2205 = vector.broadcast %eq3A_2204 : i32 to vector<16xi32>
    %eq3A_2206 = arith.cmpi eq, %iota3A, %eq3A_2205 : vector<16xi32>
    %reduce_sum3A_2207 = arith.constant true
    %reduce_sum3A_2208 = vector.broadcast %reduce_sum3A_2207 : i1 to vector<16xi1>
    %reduce_sum3A_2209 = tpu.scan <sum>, %convert_element_type3A_2184 masked %reduce_sum3A_2208 : vector<16xi32>, vector<16xi1> -> vector<16xi32>
    %reduce_sum3A_2210 = vector.extract %reduce_sum3A_2209[15] : i32 from vector<16xi32>
    %jit3A_2211 = arith.constant 0 : i32
    %broadcast_in_dim3A_2212 = vector.broadcast %reduce_sum3A_2210 : i32 to vector<16xi32>
    %broadcast_in_dim3A_2213 = vector.broadcast %jit3A_2211 : i32 to vector<16xi32>
    %select_n3A_2214 = arith.select %eq3A_2206, %broadcast_in_dim3A_2212, %broadcast_in_dim3A_2213 : vector<16xi1>, vector<16xi32>
    %add3A_2215 = arith.addi %add3A_2180, %select_n3A_2214 : vector<16xi32>
    %eq3A_2216 = arith.constant 6 : i32
    %eq3A_2217 = vector.broadcast %eq3A_2216 : i32 to vector<16xi32>
    %eq3A_2218 = arith.cmpi eq, %get3A_2005, %eq3A_2217 : vector<16xi32>
    %convert_element_type3A_2219 = arith.extui %eq3A_2218 : vector<16xi1> to vector<16xi32>
    %broadcast_in_dim3A_2220 = arith.constant true
    %broadcast_in_dim3A_2221 = vector.broadcast %broadcast_in_dim3A_2220 : i1 to vector<16xi1>
    %masked_cumsum3A_2222 = tpu.scan <sum>, %convert_element_type3A_2219 masked %broadcast_in_dim3A_2221 : vector<16xi32>, vector<16xi1> -> vector<16xi32>
    %eq3A_2223 = arith.constant 6 : i32
    %eq3A_2224 = vector.broadcast %eq3A_2223 : i32 to vector<16xi32>
    %eq3A_2225 = arith.cmpi eq, %iota3A, %eq3A_2224 : vector<16xi32>
    %jit3A_2226 = arith.constant 0 : i32
    %broadcast_in_dim3A_2227 = vector.broadcast %jit3A_2226 : i32 to vector<16xi32>
    %select_n3A_2228 = arith.select %eq3A_2225, %add3A_2215, %broadcast_in_dim3A_2227 : vector<16xi1>, vector<16xi32>
    %reduce_sum3A_2229 = arith.constant true
    %reduce_sum3A_2230 = vector.broadcast %reduce_sum3A_2229 : i1 to vector<16xi1>
    %reduce_sum3A_2231 = tpu.scan <sum>, %select_n3A_2228 masked %reduce_sum3A_2230 : vector<16xi32>, vector<16xi1> -> vector<16xi32>
    %reduce_sum3A_2232 = vector.extract %reduce_sum3A_2231[15] : i32 from vector<16xi32>
    %add3A_2233 = vector.broadcast %reduce_sum3A_2232 : i32 to vector<16xi32>
    %add3A_2234 = arith.addi %add3A_2233, %masked_cumsum3A_2222 : vector<16xi32>
    %sub3A_2235 = arith.constant 1 : i32
    %sub3A_2236 = vector.broadcast %sub3A_2235 : i32 to vector<16xi32>
    %sub3A_2237 = arith.subi %add3A_2234, %sub3A_2236 : vector<16xi32>
    %select_n3A_2238 = arith.select %eq3A_2218, %sub3A_2237, %select_n3A_2203 : vector<16xi1>, vector<16xi32>
    %eq3A_2239 = arith.constant 6 : i32
    %eq3A_2240 = vector.broadcast %eq3A_2239 : i32 to vector<16xi32>
    %eq3A_2241 = arith.cmpi eq, %iota3A, %eq3A_2240 : vector<16xi32>
    %reduce_sum3A_2242 = arith.constant true
    %reduce_sum3A_2243 = vector.broadcast %reduce_sum3A_2242 : i1 to vector<16xi1>
    %reduce_sum3A_2244 = tpu.scan <sum>, %convert_element_type3A_2219 masked %reduce_sum3A_2243 : vector<16xi32>, vector<16xi1> -> vector<16xi32>
    %reduce_sum3A_2245 = vector.extract %reduce_sum3A_2244[15] : i32 from vector<16xi32>
    %jit3A_2246 = arith.constant 0 : i32
    %broadcast_in_dim3A_2247 = vector.broadcast %reduce_sum3A_2245 : i32 to vector<16xi32>
    %broadcast_in_dim3A_2248 = vector.broadcast %jit3A_2246 : i32 to vector<16xi32>
    %select_n3A_2249 = arith.select %eq3A_2241, %broadcast_in_dim3A_2247, %broadcast_in_dim3A_2248 : vector<16xi1>, vector<16xi32>
    %add3A_2250 = arith.addi %add3A_2215, %select_n3A_2249 : vector<16xi32>
    %eq3A_2251 = arith.constant 7 : i32
    %eq3A_2252 = vector.broadcast %eq3A_2251 : i32 to vector<16xi32>
    %eq3A_2253 = arith.cmpi eq, %get3A_2005, %eq3A_2252 : vector<16xi32>
    %convert_element_type3A_2254 = arith.extui %eq3A_2253 : vector<16xi1> to vector<16xi32>
    %broadcast_in_dim3A_2255 = arith.constant true
    %broadcast_in_dim3A_2256 = vector.broadcast %broadcast_in_dim3A_2255 : i1 to vector<16xi1>
    %masked_cumsum3A_2257 = tpu.scan <sum>, %convert_element_type3A_2254 masked %broadcast_in_dim3A_2256 : vector<16xi32>, vector<16xi1> -> vector<16xi32>
    %eq3A_2258 = arith.constant 7 : i32
    %eq3A_2259 = vector.broadcast %eq3A_2258 : i32 to vector<16xi32>
    %eq3A_2260 = arith.cmpi eq, %iota3A, %eq3A_2259 : vector<16xi32>
    %jit3A_2261 = arith.constant 0 : i32
    %broadcast_in_dim3A_2262 = vector.broadcast %jit3A_2261 : i32 to vector<16xi32>
    %select_n3A_2263 = arith.select %eq3A_2260, %add3A_2250, %broadcast_in_dim3A_2262 : vector<16xi1>, vector<16xi32>
    %reduce_sum3A_2264 = arith.constant true
    %reduce_sum3A_2265 = vector.broadcast %reduce_sum3A_2264 : i1 to vector<16xi1>
    %reduce_sum3A_2266 = tpu.scan <sum>, %select_n3A_2263 masked %reduce_sum3A_2265 : vector<16xi32>, vector<16xi1> -> vector<16xi32>
    %reduce_sum3A_2267 = vector.extract %reduce_sum3A_2266[15] : i32 from vector<16xi32>
    %add3A_2268 = vector.broadcast %reduce_sum3A_2267 : i32 to vector<16xi32>
    %add3A_2269 = arith.addi %add3A_2268, %masked_cumsum3A_2257 : vector<16xi32>
    %sub3A_2270 = arith.constant 1 : i32
    %sub3A_2271 = vector.broadcast %sub3A_2270 : i32 to vector<16xi32>
    %sub3A_2272 = arith.subi %add3A_2269, %sub3A_2271 : vector<16xi32>
    %select_n3A_2273 = arith.select %eq3A_2253, %sub3A_2272, %select_n3A_2238 : vector<16xi1>, vector<16xi32>
    %eq3A_2274 = arith.constant 7 : i32
    %eq3A_2275 = vector.broadcast %eq3A_2274 : i32 to vector<16xi32>
    %eq3A_2276 = arith.cmpi eq, %iota3A, %eq3A_2275 : vector<16xi32>
    %reduce_sum3A_2277 = arith.constant true
    %reduce_sum3A_2278 = vector.broadcast %reduce_sum3A_2277 : i1 to vector<16xi1>
    %reduce_sum3A_2279 = tpu.scan <sum>, %convert_element_type3A_2254 masked %reduce_sum3A_2278 : vector<16xi32>, vector<16xi1> -> vector<16xi32>
    %reduce_sum3A_2280 = vector.extract %reduce_sum3A_2279[15] : i32 from vector<16xi32>
    %jit3A_2281 = arith.constant 0 : i32
    %broadcast_in_dim3A_2282 = vector.broadcast %reduce_sum3A_2280 : i32 to vector<16xi32>
    %broadcast_in_dim3A_2283 = vector.broadcast %jit3A_2281 : i32 to vector<16xi32>
    %select_n3A_2284 = arith.select %eq3A_2276, %broadcast_in_dim3A_2282, %broadcast_in_dim3A_2283 : vector<16xi1>, vector<16xi32>
    %add3A_2285 = arith.addi %add3A_2250, %select_n3A_2284 : vector<16xi32>
    %swap3A_2286 = arith.constant 48 : index
    %swap3A_2287 = tpu.vector_load %arg16[%swap3A_2286] {strides = array<i32>} : memref<64xi32, #tpu.memory_space<vmem>>, vector<16xi32>,
    tpu.vector_store %arg16[%swap3A_2286], %select_n3A_2273 {strides = array<i32>} : memref<64xi32, #tpu.memory_space<vmem>>, vector<16xi32>,
    %dma_wait3A = arith.constant 0 : i32
    %dma_wait3A_2288 = tpu.memref_slice %arg6[%mul3A_2, %dma_wait3A] : memref<2048x1024xf32, #tpu.memory_space<hbm>> -> memref<64x1024xf32, #tpu.memory_space<hbm>>
    %dma_wait3A_2289 = arith.constant 0 : i32
    %dma_wait3A_2290 = tpu.memref_slice %arg6[%mul3A_2, %dma_wait3A_2289] : memref<2048x1024xf32, #tpu.memory_space<hbm>> -> memref<64x1024xf32, #tpu.memory_space<hbm>>
    tpu.wait_dma2 semaphore(%arg21 : memref<!tpu.dma_semaphore, #tpu.memory_space<semaphore_mem>>) src(%dma_wait3A_2290 : memref<64x1024xf32, #tpu.memory_space<hbm>>) dst(%arg17 : memref<64x1024xf32, #tpu.memory_space<vmem>>)
    %dma_start3A_2291 = arith.constant 0 : i32
    %dma_start3A_2292 = arith.constant 0 : i32
    %dma_start3A_2293 = tpu.memref_slice %arg7[%dma_start3A_2291, %dma_start3A_2292] : memref<6144x1024xf32, #tpu.memory_space<hbm>> -> memref<6144x1024xf32, #tpu.memory_space<hbm>>
    tpu.enqueue_indirect_dma source(%arg17 : memref<64x1024xf32, #tpu.memory_space<vmem>>) target(%dma_start3A_2293 : memref<6144x1024xf32, #tpu.memory_space<hbm>>) offsets(%arg15 : memref<64xi32, #tpu.memory_space<vmem>>) semaphore(%arg20 : memref<!tpu.dma_semaphore, #tpu.memory_space<semaphore_mem>>)
    %dma_start3A_2294 = arith.constant 0 : i32
    %dma_start3A_2295 = arith.constant 0 : i32
    %dma_start3A_2296 = tpu.memref_slice %arg7[%dma_start3A_2294, %dma_start3A_2295] : memref<6144x1024xf32, #tpu.memory_space<hbm>> -> memref<6144x1024xf32, #tpu.memory_space<hbm>>
    tpu.enqueue_indirect_dma source(%arg17 : memref<64x1024xf32, #tpu.memory_space<vmem>>) target(%dma_start3A_2296 : memref<6144x1024xf32, #tpu.memory_space<hbm>>) offsets(%arg16 : memref<64xi32, #tpu.memory_space<vmem>>) semaphore(%arg21 : memref<!tpu.dma_semaphore, #tpu.memory_space<semaphore_mem>>)
    "tpu.region"() ({
      %run_scoped3A = tpu.sem_alloc : memref<!tpu.dma_semaphore, #tpu.memory_space<semaphore_mem>>
      %dma_start3A_2309 = tpu.memref_slice %arg8[%mul3A_2] : memref<4096xi32, #tpu.memory_space<hbm>> -> memref<64xi32, #tpu.memory_space<hbm>>
      %dma_start3A_2310 = tpu.memref_slice %arg8[%mul3A_2] : memref<4096xi32, #tpu.memory_space<hbm>> -> memref<64xi32, #tpu.memory_space<hbm>>
      tpu.enqueue_dma source(%arg15 : memref<64xi32, #tpu.memory_space<vmem>>) target(%dma_start3A_2310 : memref<64xi32, #tpu.memory_space<hbm>>) target_semaphore(%run_scoped3A : memref<!tpu.dma_semaphore, #tpu.memory_space<semaphore_mem>>)
      %dma_wait3A_2311 = tpu.memref_slice %arg8[%mul3A_2] : memref<4096xi32, #tpu.memory_space<hbm>> -> memref<64xi32, #tpu.memory_space<hbm>>
      %dma_wait3A_2312 = tpu.memref_slice %arg8[%mul3A_2] : memref<4096xi32, #tpu.memory_space<hbm>> -> memref<64xi32, #tpu.memory_space<hbm>>
      tpu.wait_dma2 semaphore(%run_scoped3A : memref<!tpu.dma_semaphore, #tpu.memory_space<semaphore_mem>>) src(%arg15 : memref<64xi32, #tpu.memory_space<vmem>>) dst(%dma_wait3A_2312 : memref<64xi32, #tpu.memory_space<hbm>>)
      tpu.yield
    }) : () -> ()
    %add3A_2297 = arith.constant 2048 : i32
    %add3A_2298 = arith.addi %add3A_2297, %mul3A_2 : i32
    "tpu.region"() ({
      %run_scoped3A = tpu.sem_alloc : memref<!tpu.dma_semaphore, #tpu.memory_space<semaphore_mem>>
      %dma_start3A_2309 = tpu.memref_slice %arg8[%add3A_2298] : memref<4096xi32, #tpu.memory_space<hbm>> -> memref<64xi32, #tpu.memory_space<hbm>>
      %dma_start3A_2310 = tpu.memref_slice %arg8[%add3A_2298] : memref<4096xi32, #tpu.memory_space<hbm>> -> memref<64xi32, #tpu.memory_space<hbm>>
      tpu.enqueue_dma source(%arg16 : memref<64xi32, #tpu.memory_space<vmem>>) target(%dma_start3A_2310 : memref<64xi32, #tpu.memory_space<hbm>>) target_semaphore(%run_scoped3A : memref<!tpu.dma_semaphore, #tpu.memory_space<semaphore_mem>>)
      %dma_wait3A_2311 = tpu.memref_slice %arg8[%add3A_2298] : memref<4096xi32, #tpu.memory_space<hbm>> -> memref<64xi32, #tpu.memory_space<hbm>>
      %dma_wait3A_2312 = tpu.memref_slice %arg8[%add3A_2298] : memref<4096xi32, #tpu.memory_space<hbm>> -> memref<64xi32, #tpu.memory_space<hbm>>
      tpu.wait_dma2 semaphore(%run_scoped3A : memref<!tpu.dma_semaphore, #tpu.memory_space<semaphore_mem>>) src(%arg16 : memref<64xi32, #tpu.memory_space<vmem>>) dst(%dma_wait3A_2312 : memref<64xi32, #tpu.memory_space<hbm>>)
      tpu.yield
    }) : () -> ()
    %dma_wait3A_2299 = arith.constant 0 : i32
    %dma_wait3A_2300 = arith.constant 0 : i32
    %dma_wait3A_2301 = tpu.memref_slice %arg7[%dma_wait3A_2299, %dma_wait3A_2300] : memref<6144x1024xf32, #tpu.memory_space<hbm>> -> memref<6144x1024xf32, #tpu.memory_space<hbm>>
    tpu.wait_indirect_dma semaphore(%arg20 : memref<!tpu.dma_semaphore, #tpu.memory_space<semaphore_mem>>) src(%arg17 : memref<64x1024xf32, #tpu.memory_space<vmem>>) dst(%dma_wait3A_2301 : memref<6144x1024xf32, #tpu.memory_space<hbm>>)
    %dma_wait3A_2302 = arith.constant 0 : i32
    %dma_wait3A_2303 = arith.constant 0 : i32
    %dma_wait3A_2304 = tpu.memref_slice %arg7[%dma_wait3A_2302, %dma_wait3A_2303] : memref<6144x1024xf32, #tpu.memory_space<hbm>> -> memref<6144x1024xf32, #tpu.memory_space<hbm>>
    tpu.wait_indirect_dma semaphore(%arg21 : memref<!tpu.dma_semaphore, #tpu.memory_space<semaphore_mem>>) src(%arg17 : memref<64x1024xf32, #tpu.memory_space<vmem>>) dst(%dma_wait3A_2304 : memref<6144x1024xf32, #tpu.memory_space<hbm>>)
    %eq3A_2305 = arith.constant 0 : i32
    %eq3A_2306 = arith.cmpi eq, %add3A, %eq3A_2305 : i32
    %convert_element_type3A_2307 = arith.extui %eq3A_2306 : i1 to i32
    %cond3A = arith.constant 0 : i32
    %cond3A_2308 = arith.cmpi ne, %convert_element_type3A_2307, %cond3A : i32
    scf.if %cond3A_2308 {
      %eq3A_2309 = arith.constant 0 : i32
      %eq3A_2310 = vector.broadcast %eq3A_2309 : i32 to vector<16xi32>
      %eq3A_2311 = arith.cmpi eq, %iota3A, %eq3A_2310 : vector<16xi32>
      %jit3A_2312 = arith.constant 0 : i32
      %broadcast_in_dim3A_2313 = vector.broadcast %jit3A_2312 : i32 to vector<16xi32>
      %select_n3A_2314 = arith.select %eq3A_2311, %sub3A, %broadcast_in_dim3A_2313 : vector<16xi1>, vector<16xi32>
      %reduce_sum3A_2315 = arith.constant true
      %reduce_sum3A_2316 = vector.broadcast %reduce_sum3A_2315 : i1 to vector<16xi1>
      %reduce_sum3A_2317 = tpu.scan <sum>, %select_n3A_2314 masked %reduce_sum3A_2316 : vector<16xi32>, vector<16xi1> -> vector<16xi32>
      %reduce_sum3A_2318 = vector.extract %reduce_sum3A_2317[15] : i32 from vector<16xi32>
      %eq3A_2319 = arith.constant 1 : i32
      %eq3A_2320 = vector.broadcast %eq3A_2319 : i32 to vector<16xi32>
      %eq3A_2321 = arith.cmpi eq, %iota3A, %eq3A_2320 : vector<16xi32>
      %jit3A_2322 = arith.constant 0 : i32
      %broadcast_in_dim3A_2323 = vector.broadcast %jit3A_2322 : i32 to vector<16xi32>
      %select_n3A_2324 = arith.select %eq3A_2321, %sub3A, %broadcast_in_dim3A_2323 : vector<16xi1>, vector<16xi32>
      %reduce_sum3A_2325 = arith.constant true
      %reduce_sum3A_2326 = vector.broadcast %reduce_sum3A_2325 : i1 to vector<16xi1>
      %reduce_sum3A_2327 = tpu.scan <sum>, %select_n3A_2324 masked %reduce_sum3A_2326 : vector<16xi32>, vector<16xi1> -> vector<16xi32>
      %reduce_sum3A_2328 = vector.extract %reduce_sum3A_2327[15] : i32 from vector<16xi32>
      %eq3A_2329 = arith.constant 2 : i32
      %eq3A_2330 = vector.broadcast %eq3A_2329 : i32 to vector<16xi32>
      %eq3A_2331 = arith.cmpi eq, %iota3A, %eq3A_2330 : vector<16xi32>
      %jit3A_2332 = arith.constant 0 : i32
      %broadcast_in_dim3A_2333 = vector.broadcast %jit3A_2332 : i32 to vector<16xi32>
      %select_n3A_2334 = arith.select %eq3A_2331, %sub3A, %broadcast_in_dim3A_2333 : vector<16xi1>, vector<16xi32>
      %reduce_sum3A_2335 = arith.constant true
      %reduce_sum3A_2336 = vector.broadcast %reduce_sum3A_2335 : i1 to vector<16xi1>
      %reduce_sum3A_2337 = tpu.scan <sum>, %select_n3A_2334 masked %reduce_sum3A_2336 : vector<16xi32>, vector<16xi1> -> vector<16xi32>
      %reduce_sum3A_2338 = vector.extract %reduce_sum3A_2337[15] : i32 from vector<16xi32>
      %eq3A_2339 = arith.constant 3 : i32
      %eq3A_2340 = vector.broadcast %eq3A_2339 : i32 to vector<16xi32>
      %eq3A_2341 = arith.cmpi eq, %iota3A, %eq3A_2340 : vector<16xi32>
      %jit3A_2342 = arith.constant 0 : i32
      %broadcast_in_dim3A_2343 = vector.broadcast %jit3A_2342 : i32 to vector<16xi32>
      %select_n3A_2344 = arith.select %eq3A_2341, %sub3A, %broadcast_in_dim3A_2343 : vector<16xi1>, vector<16xi32>
      %reduce_sum3A_2345 = arith.constant true
      %reduce_sum3A_2346 = vector.broadcast %reduce_sum3A_2345 : i1 to vector<16xi1>
      %reduce_sum3A_2347 = tpu.scan <sum>, %select_n3A_2344 masked %reduce_sum3A_2346 : vector<16xi32>, vector<16xi1> -> vector<16xi32>
      %reduce_sum3A_2348 = vector.extract %reduce_sum3A_2347[15] : i32 from vector<16xi32>
      %eq3A_2349 = arith.constant 4 : i32
      %eq3A_2350 = vector.broadcast %eq3A_2349 : i32 to vector<16xi32>
      %eq3A_2351 = arith.cmpi eq, %iota3A, %eq3A_2350 : vector<16xi32>
      %jit3A_2352 = arith.constant 0 : i32
      %broadcast_in_dim3A_2353 = vector.broadcast %jit3A_2352 : i32 to vector<16xi32>
      %select_n3A_2354 = arith.select %eq3A_2351, %sub3A, %broadcast_in_dim3A_2353 : vector<16xi1>, vector<16xi32>
      %reduce_sum3A_2355 = arith.constant true
      %reduce_sum3A_2356 = vector.broadcast %reduce_sum3A_2355 : i1 to vector<16xi1>
      %reduce_sum3A_2357 = tpu.scan <sum>, %select_n3A_2354 masked %reduce_sum3A_2356 : vector<16xi32>, vector<16xi1> -> vector<16xi32>
      %reduce_sum3A_2358 = vector.extract %reduce_sum3A_2357[15] : i32 from vector<16xi32>
      %eq3A_2359 = arith.constant 5 : i32
      %eq3A_2360 = vector.broadcast %eq3A_2359 : i32 to vector<16xi32>
      %eq3A_2361 = arith.cmpi eq, %iota3A, %eq3A_2360 : vector<16xi32>
      %jit3A_2362 = arith.constant 0 : i32
      %broadcast_in_dim3A_2363 = vector.broadcast %jit3A_2362 : i32 to vector<16xi32>
      %select_n3A_2364 = arith.select %eq3A_2361, %sub3A, %broadcast_in_dim3A_2363 : vector<16xi1>, vector<16xi32>
      %reduce_sum3A_2365 = arith.constant true
      %reduce_sum3A_2366 = vector.broadcast %reduce_sum3A_2365 : i1 to vector<16xi1>
      %reduce_sum3A_2367 = tpu.scan <sum>, %select_n3A_2364 masked %reduce_sum3A_2366 : vector<16xi32>, vector<16xi1> -> vector<16xi32>
      %reduce_sum3A_2368 = vector.extract %reduce_sum3A_2367[15] : i32 from vector<16xi32>
      %eq3A_2369 = arith.constant 6 : i32
      %eq3A_2370 = vector.broadcast %eq3A_2369 : i32 to vector<16xi32>
      %eq3A_2371 = arith.cmpi eq, %iota3A, %eq3A_2370 : vector<16xi32>
      %jit3A_2372 = arith.constant 0 : i32
      %broadcast_in_dim3A_2373 = vector.broadcast %jit3A_2372 : i32 to vector<16xi32>
      %select_n3A_2374 = arith.select %eq3A_2371, %sub3A, %broadcast_in_dim3A_2373 : vector<16xi1>, vector<16xi32>
      %reduce_sum3A_2375 = arith.constant true
      %reduce_sum3A_2376 = vector.broadcast %reduce_sum3A_2375 : i1 to vector<16xi1>
      %reduce_sum3A_2377 = tpu.scan <sum>, %select_n3A_2374 masked %reduce_sum3A_2376 : vector<16xi32>, vector<16xi1> -> vector<16xi32>
      %reduce_sum3A_2378 = vector.extract %reduce_sum3A_2377[15] : i32 from vector<16xi32>
      %eq3A_2379 = arith.constant 7 : i32
      %eq3A_2380 = vector.broadcast %eq3A_2379 : i32 to vector<16xi32>
      %eq3A_2381 = arith.cmpi eq, %iota3A, %eq3A_2380 : vector<16xi32>
      %jit3A_2382 = arith.constant 0 : i32
      %broadcast_in_dim3A_2383 = vector.broadcast %jit3A_2382 : i32 to vector<16xi32>
      %select_n3A_2384 = arith.select %eq3A_2381, %sub3A, %broadcast_in_dim3A_2383 : vector<16xi1>, vector<16xi32>
      %reduce_sum3A_2385 = arith.constant true
      %reduce_sum3A_2386 = vector.broadcast %reduce_sum3A_2385 : i1 to vector<16xi1>
      %reduce_sum3A_2387 = tpu.scan <sum>, %select_n3A_2384 masked %reduce_sum3A_2386 : vector<16xi32>, vector<16xi1> -> vector<16xi32>
      %reduce_sum3A_2388 = vector.extract %reduce_sum3A_2387[15] : i32 from vector<16xi32>
      %eq3A_2389 = arith.constant 0 : i32
      %eq3A_2390 = vector.broadcast %eq3A_2389 : i32 to vector<16xi32>
      %eq3A_2391 = arith.cmpi eq, %iota3A, %eq3A_2390 : vector<16xi32>
      %jit3A_2392 = arith.constant 0 : i32
      %broadcast_in_dim3A_2393 = vector.broadcast %jit3A_2392 : i32 to vector<16xi32>
      %select_n3A_2394 = arith.select %eq3A_2391, %shift_right_arithmetic3A_16, %broadcast_in_dim3A_2393 : vector<16xi1>, vector<16xi32>
      %reduce_sum3A_2395 = arith.constant true
      %reduce_sum3A_2396 = vector.broadcast %reduce_sum3A_2395 : i1 to vector<16xi1>
      %reduce_sum3A_2397 = tpu.scan <sum>, %select_n3A_2394 masked %reduce_sum3A_2396 : vector<16xi32>, vector<16xi1> -> vector<16xi32>
      %reduce_sum3A_2398 = vector.extract %reduce_sum3A_2397[15] : i32 from vector<16xi32>
      %eq3A_2399 = arith.constant 1 : i32
      %eq3A_2400 = vector.broadcast %eq3A_2399 : i32 to vector<16xi32>
      %eq3A_2401 = arith.cmpi eq, %iota3A, %eq3A_2400 : vector<16xi32>
      %jit3A_2402 = arith.constant 0 : i32
      %broadcast_in_dim3A_2403 = vector.broadcast %jit3A_2402 : i32 to vector<16xi32>
      %select_n3A_2404 = arith.select %eq3A_2401, %shift_right_arithmetic3A_16, %broadcast_in_dim3A_2403 : vector<16xi1>, vector<16xi32>
      %reduce_sum3A_2405 = arith.constant true
      %reduce_sum3A_2406 = vector.broadcast %reduce_sum3A_2405 : i1 to vector<16xi1>
      %reduce_sum3A_2407 = tpu.scan <sum>, %select_n3A_2404 masked %reduce_sum3A_2406 : vector<16xi32>, vector<16xi1> -> vector<16xi32>
      %reduce_sum3A_2408 = vector.extract %reduce_sum3A_2407[15] : i32 from vector<16xi32>
      %eq3A_2409 = arith.constant 2 : i32
      %eq3A_2410 = vector.broadcast %eq3A_2409 : i32 to vector<16xi32>
      %eq3A_2411 = arith.cmpi eq, %iota3A, %eq3A_2410 : vector<16xi32>
      %jit3A_2412 = arith.constant 0 : i32
      %broadcast_in_dim3A_2413 = vector.broadcast %jit3A_2412 : i32 to vector<16xi32>
      %select_n3A_2414 = arith.select %eq3A_2411, %shift_right_arithmetic3A_16, %broadcast_in_dim3A_2413 : vector<16xi1>, vector<16xi32>
      %reduce_sum3A_2415 = arith.constant true
      %reduce_sum3A_2416 = vector.broadcast %reduce_sum3A_2415 : i1 to vector<16xi1>
      %reduce_sum3A_2417 = tpu.scan <sum>, %select_n3A_2414 masked %reduce_sum3A_2416 : vector<16xi32>, vector<16xi1> -> vector<16xi32>
      %reduce_sum3A_2418 = vector.extract %reduce_sum3A_2417[15] : i32 from vector<16xi32>
      %eq3A_2419 = arith.constant 3 : i32
      %eq3A_2420 = vector.broadcast %eq3A_2419 : i32 to vector<16xi32>
      %eq3A_2421 = arith.cmpi eq, %iota3A, %eq3A_2420 : vector<16xi32>
      %jit3A_2422 = arith.constant 0 : i32
      %broadcast_in_dim3A_2423 = vector.broadcast %jit3A_2422 : i32 to vector<16xi32>
      %select_n3A_2424 = arith.select %eq3A_2421, %shift_right_arithmetic3A_16, %broadcast_in_dim3A_2423 : vector<16xi1>, vector<16xi32>
      %reduce_sum3A_2425 = arith.constant true
      %reduce_sum3A_2426 = vector.broadcast %reduce_sum3A_2425 : i1 to vector<16xi1>
      %reduce_sum3A_2427 = tpu.scan <sum>, %select_n3A_2424 masked %reduce_sum3A_2426 : vector<16xi32>, vector<16xi1> -> vector<16xi32>
      %reduce_sum3A_2428 = vector.extract %reduce_sum3A_2427[15] : i32 from vector<16xi32>
      %eq3A_2429 = arith.constant 4 : i32
      %eq3A_2430 = vector.broadcast %eq3A_2429 : i32 to vector<16xi32>
      %eq3A_2431 = arith.cmpi eq, %iota3A, %eq3A_2430 : vector<16xi32>
      %jit3A_2432 = arith.constant 0 : i32
      %broadcast_in_dim3A_2433 = vector.broadcast %jit3A_2432 : i32 to vector<16xi32>
      %select_n3A_2434 = arith.select %eq3A_2431, %shift_right_arithmetic3A_16, %broadcast_in_dim3A_2433 : vector<16xi1>, vector<16xi32>
      %reduce_sum3A_2435 = arith.constant true
      %reduce_sum3A_2436 = vector.broadcast %reduce_sum3A_2435 : i1 to vector<16xi1>
      %reduce_sum3A_2437 = tpu.scan <sum>, %select_n3A_2434 masked %reduce_sum3A_2436 : vector<16xi32>, vector<16xi1> -> vector<16xi32>
      %reduce_sum3A_2438 = vector.extract %reduce_sum3A_2437[15] : i32 from vector<16xi32>
      %eq3A_2439 = arith.constant 5 : i32
      %eq3A_2440 = vector.broadcast %eq3A_2439 : i32 to vector<16xi32>
      %eq3A_2441 = arith.cmpi eq, %iota3A, %eq3A_2440 : vector<16xi32>
      %jit3A_2442 = arith.constant 0 : i32
      %broadcast_in_dim3A_2443 = vector.broadcast %jit3A_2442 : i32 to vector<16xi32>
      %select_n3A_2444 = arith.select %eq3A_2441, %shift_right_arithmetic3A_16, %broadcast_in_dim3A_2443 : vector<16xi1>, vector<16xi32>
      %reduce_sum3A_2445 = arith.constant true
      %reduce_sum3A_2446 = vector.broadcast %reduce_sum3A_2445 : i1 to vector<16xi1>
      %reduce_sum3A_2447 = tpu.scan <sum>, %select_n3A_2444 masked %reduce_sum3A_2446 : vector<16xi32>, vector<16xi1> -> vector<16xi32>
      %reduce_sum3A_2448 = vector.extract %reduce_sum3A_2447[15] : i32 from vector<16xi32>
      %eq3A_2449 = arith.constant 6 : i32
      %eq3A_2450 = vector.broadcast %eq3A_2449 : i32 to vector<16xi32>
      %eq3A_2451 = arith.cmpi eq, %iota3A, %eq3A_2450 : vector<16xi32>
      %jit3A_2452 = arith.constant 0 : i32
      %broadcast_in_dim3A_2453 = vector.broadcast %jit3A_2452 : i32 to vector<16xi32>
      %select_n3A_2454 = arith.select %eq3A_2451, %shift_right_arithmetic3A_16, %broadcast_in_dim3A_2453 : vector<16xi1>, vector<16xi32>
      %reduce_sum3A_2455 = arith.constant true
      %reduce_sum3A_2456 = vector.broadcast %reduce_sum3A_2455 : i1 to vector<16xi1>
      %reduce_sum3A_2457 = tpu.scan <sum>, %select_n3A_2454 masked %reduce_sum3A_2456 : vector<16xi32>, vector<16xi1> -> vector<16xi32>
      %reduce_sum3A_2458 = vector.extract %reduce_sum3A_2457[15] : i32 from vector<16xi32>
      %eq3A_2459 = arith.constant 7 : i32
      %eq3A_2460 = vector.broadcast %eq3A_2459 : i32 to vector<16xi32>
      %eq3A_2461 = arith.cmpi eq, %iota3A, %eq3A_2460 : vector<16xi32>
      %jit3A_2462 = arith.constant 0 : i32
      %broadcast_in_dim3A_2463 = vector.broadcast %jit3A_2462 : i32 to vector<16xi32>
      %select_n3A_2464 = arith.select %eq3A_2461, %shift_right_arithmetic3A_16, %broadcast_in_dim3A_2463 : vector<16xi1>, vector<16xi32>
      %reduce_sum3A_2465 = arith.constant true
      %reduce_sum3A_2466 = vector.broadcast %reduce_sum3A_2465 : i1 to vector<16xi1>
      %reduce_sum3A_2467 = tpu.scan <sum>, %select_n3A_2464 masked %reduce_sum3A_2466 : vector<16xi32>, vector<16xi1> -> vector<16xi32>
      %reduce_sum3A_2468 = vector.extract %reduce_sum3A_2467[15] : i32 from vector<16xi32>
      %add3A_2469 = arith.constant 0 : i32
      %add3A_2470 = vector.broadcast %add3A_2469 : i32 to vector<16xi32>
      %add3A_2471 = arith.addi %iota3A, %add3A_2470 : vector<16xi32>
      %ge3A = vector.broadcast %reduce_sum3A_2318 : i32 to vector<16xi32>
      %ge3A_2472 = arith.cmpi sge, %add3A_2471, %ge3A : vector<16xi32>
      %add3A_2473 = arith.addi %reduce_sum3A_2318, %reduce_sum3A_2398 : i32
      %lt3A = vector.broadcast %add3A_2473 : i32 to vector<16xi32>
      %lt3A_2474 = arith.cmpi slt, %add3A_2471, %lt3A : vector<16xi32>
      %and3A = arith.andi %ge3A_2472, %lt3A_2474 : vector<16xi1>
      %jit3A_2475 = arith.constant 0 : i32
      %broadcast_in_dim3A_2476 = vector.broadcast %jit3A_2475 : i32 to vector<16xi32>
      %select_n3A_2477 = arith.select %and3A, %broadcast_in_dim3A_2476, %broadcast_in_dim3A_6 : vector<16xi1>, vector<16xi32>
      %jit3A_2478 = arith.constant 1 : i32
      %broadcast_in_dim3A_2479 = vector.broadcast %jit3A_2478 : i32 to vector<16xi32>
      %select_n3A_2480 = arith.select %and3A, %broadcast_in_dim3A_2479, %broadcast_in_dim3A_6 : vector<16xi1>, vector<16xi32>
      %ge3A_2481 = vector.broadcast %reduce_sum3A_2328 : i32 to vector<16xi32>
      %ge3A_2482 = arith.cmpi sge, %add3A_2471, %ge3A_2481 : vector<16xi32>
      %add3A_2483 = arith.addi %reduce_sum3A_2328, %reduce_sum3A_2408 : i32
      %lt3A_2484 = vector.broadcast %add3A_2483 : i32 to vector<16xi32>
      %lt3A_2485 = arith.cmpi slt, %add3A_2471, %lt3A_2484 : vector<16xi32>
      %and3A_2486 = arith.andi %ge3A_2482, %lt3A_2485 : vector<16xi1>
      %jit3A_2487 = arith.constant 1 : i32
      %broadcast_in_dim3A_2488 = vector.broadcast %jit3A_2487 : i32 to vector<16xi32>
      %select_n3A_2489 = arith.select %and3A_2486, %broadcast_in_dim3A_2488, %select_n3A_2477 : vector<16xi1>, vector<16xi32>
      %jit3A_2490 = arith.constant 1 : i32
      %broadcast_in_dim3A_2491 = vector.broadcast %jit3A_2490 : i32 to vector<16xi32>
      %select_n3A_2492 = arith.select %and3A_2486, %broadcast_in_dim3A_2491, %select_n3A_2480 : vector<16xi1>, vector<16xi32>
      %ge3A_2493 = vector.broadcast %reduce_sum3A_2338 : i32 to vector<16xi32>
      %ge3A_2494 = arith.cmpi sge, %add3A_2471, %ge3A_2493 : vector<16xi32>
      %add3A_2495 = arith.addi %reduce_sum3A_2338, %reduce_sum3A_2418 : i32
      %lt3A_2496 = vector.broadcast %add3A_2495 : i32 to vector<16xi32>
      %lt3A_2497 = arith.cmpi slt, %add3A_2471, %lt3A_2496 : vector<16xi32>
      %and3A_2498 = arith.andi %ge3A_2494, %lt3A_2497 : vector<16xi1>
      %jit3A_2499 = arith.constant 2 : i32
      %broadcast_in_dim3A_2500 = vector.broadcast %jit3A_2499 : i32 to vector<16xi32>
      %select_n3A_2501 = arith.select %and3A_2498, %broadcast_in_dim3A_2500, %select_n3A_2489 : vector<16xi1>, vector<16xi32>
      %jit3A_2502 = arith.constant 1 : i32
      %broadcast_in_dim3A_2503 = vector.broadcast %jit3A_2502 : i32 to vector<16xi32>
      %select_n3A_2504 = arith.select %and3A_2498, %broadcast_in_dim3A_2503, %select_n3A_2492 : vector<16xi1>, vector<16xi32>
      %ge3A_2505 = vector.broadcast %reduce_sum3A_2348 : i32 to vector<16xi32>
      %ge3A_2506 = arith.cmpi sge, %add3A_2471, %ge3A_2505 : vector<16xi32>
      %add3A_2507 = arith.addi %reduce_sum3A_2348, %reduce_sum3A_2428 : i32
      %lt3A_2508 = vector.broadcast %add3A_2507 : i32 to vector<16xi32>
      %lt3A_2509 = arith.cmpi slt, %add3A_2471, %lt3A_2508 : vector<16xi32>
      %and3A_2510 = arith.andi %ge3A_2506, %lt3A_2509 : vector<16xi1>
      %jit3A_2511 = arith.constant 3 : i32
      %broadcast_in_dim3A_2512 = vector.broadcast %jit3A_2511 : i32 to vector<16xi32>
      %select_n3A_2513 = arith.select %and3A_2510, %broadcast_in_dim3A_2512, %select_n3A_2501 : vector<16xi1>, vector<16xi32>
      %jit3A_2514 = arith.constant 1 : i32
      %broadcast_in_dim3A_2515 = vector.broadcast %jit3A_2514 : i32 to vector<16xi32>
      %select_n3A_2516 = arith.select %and3A_2510, %broadcast_in_dim3A_2515, %select_n3A_2504 : vector<16xi1>, vector<16xi32>
      %ge3A_2517 = vector.broadcast %reduce_sum3A_2358 : i32 to vector<16xi32>
      %ge3A_2518 = arith.cmpi sge, %add3A_2471, %ge3A_2517 : vector<16xi32>
      %add3A_2519 = arith.addi %reduce_sum3A_2358, %reduce_sum3A_2438 : i32
      %lt3A_2520 = vector.broadcast %add3A_2519 : i32 to vector<16xi32>
      %lt3A_2521 = arith.cmpi slt, %add3A_2471, %lt3A_2520 : vector<16xi32>
      %and3A_2522 = arith.andi %ge3A_2518, %lt3A_2521 : vector<16xi1>
      %jit3A_2523 = arith.constant 4 : i32
      %broadcast_in_dim3A_2524 = vector.broadcast %jit3A_2523 : i32 to vector<16xi32>
      %select_n3A_2525 = arith.select %and3A_2522, %broadcast_in_dim3A_2524, %select_n3A_2513 : vector<16xi1>, vector<16xi32>
      %jit3A_2526 = arith.constant 1 : i32
      %broadcast_in_dim3A_2527 = vector.broadcast %jit3A_2526 : i32 to vector<16xi32>
      %select_n3A_2528 = arith.select %and3A_2522, %broadcast_in_dim3A_2527, %select_n3A_2516 : vector<16xi1>, vector<16xi32>
      %ge3A_2529 = vector.broadcast %reduce_sum3A_2368 : i32 to vector<16xi32>
      %ge3A_2530 = arith.cmpi sge, %add3A_2471, %ge3A_2529 : vector<16xi32>
      %add3A_2531 = arith.addi %reduce_sum3A_2368, %reduce_sum3A_2448 : i32
      %lt3A_2532 = vector.broadcast %add3A_2531 : i32 to vector<16xi32>
      %lt3A_2533 = arith.cmpi slt, %add3A_2471, %lt3A_2532 : vector<16xi32>
      %and3A_2534 = arith.andi %ge3A_2530, %lt3A_2533 : vector<16xi1>
      %jit3A_2535 = arith.constant 5 : i32
      %broadcast_in_dim3A_2536 = vector.broadcast %jit3A_2535 : i32 to vector<16xi32>
      %select_n3A_2537 = arith.select %and3A_2534, %broadcast_in_dim3A_2536, %select_n3A_2525 : vector<16xi1>, vector<16xi32>
      %jit3A_2538 = arith.constant 1 : i32
      %broadcast_in_dim3A_2539 = vector.broadcast %jit3A_2538 : i32 to vector<16xi32>
      %select_n3A_2540 = arith.select %and3A_2534, %broadcast_in_dim3A_2539, %select_n3A_2528 : vector<16xi1>, vector<16xi32>
      %ge3A_2541 = vector.broadcast %reduce_sum3A_2378 : i32 to vector<16xi32>
      %ge3A_2542 = arith.cmpi sge, %add3A_2471, %ge3A_2541 : vector<16xi32>
      %add3A_2543 = arith.addi %reduce_sum3A_2378, %reduce_sum3A_2458 : i32
      %lt3A_2544 = vector.broadcast %add3A_2543 : i32 to vector<16xi32>
      %lt3A_2545 = arith.cmpi slt, %add3A_2471, %lt3A_2544 : vector<16xi32>
      %and3A_2546 = arith.andi %ge3A_2542, %lt3A_2545 : vector<16xi1>
      %jit3A_2547 = arith.constant 6 : i32
      %broadcast_in_dim3A_2548 = vector.broadcast %jit3A_2547 : i32 to vector<16xi32>
      %select_n3A_2549 = arith.select %and3A_2546, %broadcast_in_dim3A_2548, %select_n3A_2537 : vector<16xi1>, vector<16xi32>
      %jit3A_2550 = arith.constant 1 : i32
      %broadcast_in_dim3A_2551 = vector.broadcast %jit3A_2550 : i32 to vector<16xi32>
      %select_n3A_2552 = arith.select %and3A_2546, %broadcast_in_dim3A_2551, %select_n3A_2540 : vector<16xi1>, vector<16xi32>
      %ge3A_2553 = vector.broadcast %reduce_sum3A_2388 : i32 to vector<16xi32>
      %ge3A_2554 = arith.cmpi sge, %add3A_2471, %ge3A_2553 : vector<16xi32>
      %add3A_2555 = arith.addi %reduce_sum3A_2388, %reduce_sum3A_2468 : i32
      %lt3A_2556 = vector.broadcast %add3A_2555 : i32 to vector<16xi32>
      %lt3A_2557 = arith.cmpi slt, %add3A_2471, %lt3A_2556 : vector<16xi32>
      %and3A_2558 = arith.andi %ge3A_2554, %lt3A_2557 : vector<16xi1>
      %jit3A_2559 = arith.constant 7 : i32
      %broadcast_in_dim3A_2560 = vector.broadcast %jit3A_2559 : i32 to vector<16xi32>
      %select_n3A_2561 = arith.select %and3A_2558, %broadcast_in_dim3A_2560, %select_n3A_2549 : vector<16xi1>, vector<16xi32>
      %jit3A_2562 = arith.constant 1 : i32
      %broadcast_in_dim3A_2563 = vector.broadcast %jit3A_2562 : i32 to vector<16xi32>
      %select_n3A_2564 = arith.select %and3A_2558, %broadcast_in_dim3A_2563, %select_n3A_2552 : vector<16xi1>, vector<16xi32>
      %swap3A_2565 = arith.constant 0 : index
      %swap3A_2566 = tpu.vector_load %arg18[%swap3A_2565] {strides = array<i32>} : memref<64xi32, #tpu.memory_space<vmem>>, vector<16xi32>,
      tpu.vector_store %arg18[%swap3A_2565], %select_n3A_2561 {strides = array<i32>} : memref<64xi32, #tpu.memory_space<vmem>>, vector<16xi32>,
      %swap3A_2567 = arith.constant 32 : index
      %swap3A_2568 = tpu.vector_load %arg18[%swap3A_2567] {strides = array<i32>} : memref<64xi32, #tpu.memory_space<vmem>>, vector<16xi32>,
      tpu.vector_store %arg18[%swap3A_2567], %select_n3A_2564 {strides = array<i32>} : memref<64xi32, #tpu.memory_space<vmem>>, vector<16xi32>,
      %add3A_2569 = arith.constant 16 : i32
      %add3A_2570 = vector.broadcast %add3A_2569 : i32 to vector<16xi32>
      %add3A_2571 = arith.addi %iota3A, %add3A_2570 : vector<16xi32>
      %ge3A_2572 = vector.broadcast %reduce_sum3A_2318 : i32 to vector<16xi32>
      %ge3A_2573 = arith.cmpi sge, %add3A_2571, %ge3A_2572 : vector<16xi32>
      %add3A_2574 = arith.addi %reduce_sum3A_2318, %reduce_sum3A_2398 : i32
      %lt3A_2575 = vector.broadcast %add3A_2574 : i32 to vector<16xi32>
      %lt3A_2576 = arith.cmpi slt, %add3A_2571, %lt3A_2575 : vector<16xi32>
      %and3A_2577 = arith.andi %ge3A_2573, %lt3A_2576 : vector<16xi1>
      %jit3A_2578 = arith.constant 0 : i32
      %broadcast_in_dim3A_2579 = vector.broadcast %jit3A_2578 : i32 to vector<16xi32>
      %select_n3A_2580 = arith.select %and3A_2577, %broadcast_in_dim3A_2579, %broadcast_in_dim3A_6 : vector<16xi1>, vector<16xi32>
      %jit3A_2581 = arith.constant 1 : i32
      %broadcast_in_dim3A_2582 = vector.broadcast %jit3A_2581 : i32 to vector<16xi32>
      %select_n3A_2583 = arith.select %and3A_2577, %broadcast_in_dim3A_2582, %broadcast_in_dim3A_6 : vector<16xi1>, vector<16xi32>
      %ge3A_2584 = vector.broadcast %reduce_sum3A_2328 : i32 to vector<16xi32>
      %ge3A_2585 = arith.cmpi sge, %add3A_2571, %ge3A_2584 : vector<16xi32>
      %add3A_2586 = arith.addi %reduce_sum3A_2328, %reduce_sum3A_2408 : i32
      %lt3A_2587 = vector.broadcast %add3A_2586 : i32 to vector<16xi32>
      %lt3A_2588 = arith.cmpi slt, %add3A_2571, %lt3A_2587 : vector<16xi32>
      %and3A_2589 = arith.andi %ge3A_2585, %lt3A_2588 : vector<16xi1>
      %jit3A_2590 = arith.constant 1 : i32
      %broadcast_in_dim3A_2591 = vector.broadcast %jit3A_2590 : i32 to vector<16xi32>
      %select_n3A_2592 = arith.select %and3A_2589, %broadcast_in_dim3A_2591, %select_n3A_2580 : vector<16xi1>, vector<16xi32>
      %jit3A_2593 = arith.constant 1 : i32
      %broadcast_in_dim3A_2594 = vector.broadcast %jit3A_2593 : i32 to vector<16xi32>
      %select_n3A_2595 = arith.select %and3A_2589, %broadcast_in_dim3A_2594, %select_n3A_2583 : vector<16xi1>, vector<16xi32>
      %ge3A_2596 = vector.broadcast %reduce_sum3A_2338 : i32 to vector<16xi32>
      %ge3A_2597 = arith.cmpi sge, %add3A_2571, %ge3A_2596 : vector<16xi32>
      %add3A_2598 = arith.addi %reduce_sum3A_2338, %reduce_sum3A_2418 : i32
      %lt3A_2599 = vector.broadcast %add3A_2598 : i32 to vector<16xi32>
      %lt3A_2600 = arith.cmpi slt, %add3A_2571, %lt3A_2599 : vector<16xi32>
      %and3A_2601 = arith.andi %ge3A_2597, %lt3A_2600 : vector<16xi1>
      %jit3A_2602 = arith.constant 2 : i32
      %broadcast_in_dim3A_2603 = vector.broadcast %jit3A_2602 : i32 to vector<16xi32>
      %select_n3A_2604 = arith.select %and3A_2601, %broadcast_in_dim3A_2603, %select_n3A_2592 : vector<16xi1>, vector<16xi32>
      %jit3A_2605 = arith.constant 1 : i32
      %broadcast_in_dim3A_2606 = vector.broadcast %jit3A_2605 : i32 to vector<16xi32>
      %select_n3A_2607 = arith.select %and3A_2601, %broadcast_in_dim3A_2606, %select_n3A_2595 : vector<16xi1>, vector<16xi32>
      %ge3A_2608 = vector.broadcast %reduce_sum3A_2348 : i32 to vector<16xi32>
      %ge3A_2609 = arith.cmpi sge, %add3A_2571, %ge3A_2608 : vector<16xi32>
      %add3A_2610 = arith.addi %reduce_sum3A_2348, %reduce_sum3A_2428 : i32
      %lt3A_2611 = vector.broadcast %add3A_2610 : i32 to vector<16xi32>
      %lt3A_2612 = arith.cmpi slt, %add3A_2571, %lt3A_2611 : vector<16xi32>
      %and3A_2613 = arith.andi %ge3A_2609, %lt3A_2612 : vector<16xi1>
      %jit3A_2614 = arith.constant 3 : i32
      %broadcast_in_dim3A_2615 = vector.broadcast %jit3A_2614 : i32 to vector<16xi32>
      %select_n3A_2616 = arith.select %and3A_2613, %broadcast_in_dim3A_2615, %select_n3A_2604 : vector<16xi1>, vector<16xi32>
      %jit3A_2617 = arith.constant 1 : i32
      %broadcast_in_dim3A_2618 = vector.broadcast %jit3A_2617 : i32 to vector<16xi32>
      %select_n3A_2619 = arith.select %and3A_2613, %broadcast_in_dim3A_2618, %select_n3A_2607 : vector<16xi1>, vector<16xi32>
      %ge3A_2620 = vector.broadcast %reduce_sum3A_2358 : i32 to vector<16xi32>
      %ge3A_2621 = arith.cmpi sge, %add3A_2571, %ge3A_2620 : vector<16xi32>
      %add3A_2622 = arith.addi %reduce_sum3A_2358, %reduce_sum3A_2438 : i32
      %lt3A_2623 = vector.broadcast %add3A_2622 : i32 to vector<16xi32>
      %lt3A_2624 = arith.cmpi slt, %add3A_2571, %lt3A_2623 : vector<16xi32>
      %and3A_2625 = arith.andi %ge3A_2621, %lt3A_2624 : vector<16xi1>
      %jit3A_2626 = arith.constant 4 : i32
      %broadcast_in_dim3A_2627 = vector.broadcast %jit3A_2626 : i32 to vector<16xi32>
      %select_n3A_2628 = arith.select %and3A_2625, %broadcast_in_dim3A_2627, %select_n3A_2616 : vector<16xi1>, vector<16xi32>
      %jit3A_2629 = arith.constant 1 : i32
      %broadcast_in_dim3A_2630 = vector.broadcast %jit3A_2629 : i32 to vector<16xi32>
      %select_n3A_2631 = arith.select %and3A_2625, %broadcast_in_dim3A_2630, %select_n3A_2619 : vector<16xi1>, vector<16xi32>
      %ge3A_2632 = vector.broadcast %reduce_sum3A_2368 : i32 to vector<16xi32>
      %ge3A_2633 = arith.cmpi sge, %add3A_2571, %ge3A_2632 : vector<16xi32>
      %add3A_2634 = arith.addi %reduce_sum3A_2368, %reduce_sum3A_2448 : i32
      %lt3A_2635 = vector.broadcast %add3A_2634 : i32 to vector<16xi32>
      %lt3A_2636 = arith.cmpi slt, %add3A_2571, %lt3A_2635 : vector<16xi32>
      %and3A_2637 = arith.andi %ge3A_2633, %lt3A_2636 : vector<16xi1>
      %jit3A_2638 = arith.constant 5 : i32
      %broadcast_in_dim3A_2639 = vector.broadcast %jit3A_2638 : i32 to vector<16xi32>
      %select_n3A_2640 = arith.select %and3A_2637, %broadcast_in_dim3A_2639, %select_n3A_2628 : vector<16xi1>, vector<16xi32>
      %jit3A_2641 = arith.constant 1 : i32
      %broadcast_in_dim3A_2642 = vector.broadcast %jit3A_2641 : i32 to vector<16xi32>
      %select_n3A_2643 = arith.select %and3A_2637, %broadcast_in_dim3A_2642, %select_n3A_2631 : vector<16xi1>, vector<16xi32>
      %ge3A_2644 = vector.broadcast %reduce_sum3A_2378 : i32 to vector<16xi32>
      %ge3A_2645 = arith.cmpi sge, %add3A_2571, %ge3A_2644 : vector<16xi32>
      %add3A_2646 = arith.addi %reduce_sum3A_2378, %reduce_sum3A_2458 : i32
      %lt3A_2647 = vector.broadcast %add3A_2646 : i32 to vector<16xi32>
      %lt3A_2648 = arith.cmpi slt, %add3A_2571, %lt3A_2647 : vector<16xi32>
      %and3A_2649 = arith.andi %ge3A_2645, %lt3A_2648 : vector<16xi1>
      %jit3A_2650 = arith.constant 6 : i32
      %broadcast_in_dim3A_2651 = vector.broadcast %jit3A_2650 : i32 to vector<16xi32>
      %select_n3A_2652 = arith.select %and3A_2649, %broadcast_in_dim3A_2651, %select_n3A_2640 : vector<16xi1>, vector<16xi32>
      %jit3A_2653 = arith.constant 1 : i32
      %broadcast_in_dim3A_2654 = vector.broadcast %jit3A_2653 : i32 to vector<16xi32>
      %select_n3A_2655 = arith.select %and3A_2649, %broadcast_in_dim3A_2654, %select_n3A_2643 : vector<16xi1>, vector<16xi32>
      %ge3A_2656 = vector.broadcast %reduce_sum3A_2388 : i32 to vector<16xi32>
      %ge3A_2657 = arith.cmpi sge, %add3A_2571, %ge3A_2656 : vector<16xi32>
      %add3A_2658 = arith.addi %reduce_sum3A_2388, %reduce_sum3A_2468 : i32
      %lt3A_2659 = vector.broadcast %add3A_2658 : i32 to vector<16xi32>
      %lt3A_2660 = arith.cmpi slt, %add3A_2571, %lt3A_2659 : vector<16xi32>
      %and3A_2661 = arith.andi %ge3A_2657, %lt3A_2660 : vector<16xi1>
      %jit3A_2662 = arith.constant 7 : i32
      %broadcast_in_dim3A_2663 = vector.broadcast %jit3A_2662 : i32 to vector<16xi32>
      %select_n3A_2664 = arith.select %and3A_2661, %broadcast_in_dim3A_2663, %select_n3A_2652 : vector<16xi1>, vector<16xi32>
      %jit3A_2665 = arith.constant 1 : i32
      %broadcast_in_dim3A_2666 = vector.broadcast %jit3A_2665 : i32 to vector<16xi32>
      %select_n3A_2667 = arith.select %and3A_2661, %broadcast_in_dim3A_2666, %select_n3A_2655 : vector<16xi1>, vector<16xi32>
      %swap3A_2668 = arith.constant 16 : index
      %swap3A_2669 = tpu.vector_load %arg18[%swap3A_2668] {strides = array<i32>} : memref<64xi32, #tpu.memory_space<vmem>>, vector<16xi32>,
      tpu.vector_store %arg18[%swap3A_2668], %select_n3A_2664 {strides = array<i32>} : memref<64xi32, #tpu.memory_space<vmem>>, vector<16xi32>,
      %swap3A_2670 = arith.constant 48 : index
      %swap3A_2671 = tpu.vector_load %arg18[%swap3A_2670] {strides = array<i32>} : memref<64xi32, #tpu.memory_space<vmem>>, vector<16xi32>,
      tpu.vector_store %arg18[%swap3A_2670], %select_n3A_2667 {strides = array<i32>} : memref<64xi32, #tpu.memory_space<vmem>>, vector<16xi32>,
      "tpu.region"() ({
        %run_scoped3A = tpu.sem_alloc : memref<!tpu.dma_semaphore, #tpu.memory_space<semaphore_mem>>
        tpu.enqueue_dma source(%arg18 : memref<64xi32, #tpu.memory_space<vmem>>) target(%arg9 : memref<64xi32, #tpu.memory_space<hbm>>) target_semaphore(%run_scoped3A : memref<!tpu.dma_semaphore, #tpu.memory_space<semaphore_mem>>)
        tpu.wait_dma2 semaphore(%run_scoped3A : memref<!tpu.dma_semaphore, #tpu.memory_space<semaphore_mem>>) src(%arg18 : memref<64xi32, #tpu.memory_space<vmem>>) dst(%arg9 : memref<64xi32, #tpu.memory_space<hbm>>)
        tpu.yield
      }) : () -> ()
      "tpu.region"() ({
        %run_scoped3A = tpu.sem_alloc : memref<!tpu.dma_semaphore, #tpu.memory_space<semaphore_mem>>
        tpu.enqueue_dma source(%arg5 : memref<512xf32, #tpu.memory_space<hbm>>) target(%arg12 : memref<512xf32, #tpu.memory_space<vmem>>) target_semaphore(%run_scoped3A : memref<!tpu.dma_semaphore, #tpu.memory_space<semaphore_mem>>)
        tpu.wait_dma2 semaphore(%run_scoped3A : memref<!tpu.dma_semaphore, #tpu.memory_space<semaphore_mem>>) src(%arg5 : memref<512xf32, #tpu.memory_space<hbm>>) dst(%arg12 : memref<512xf32, #tpu.memory_space<vmem>>)
        tpu.yield
      }) : () -> ()
      %broadcast_in_dim3A_2672 = arith.constant 0.000000e+00 : f32
      %broadcast_in_dim3A_2673 = vector.broadcast %broadcast_in_dim3A_2672 : f32 to vector<16xf32>
      %scan3A_2674 = arith.constant 0 : i32
      %scan3A_2675 = arith.constant 32 : i32
      %scan3A_2676 = arith.addi %scan3A_2674, %scan3A_2675 : i32
      %scan3A_2677 = arith.constant 1 : i32
      %scan3A_2678 = scf.for %scan3A_2691 = %scan3A_2674 to %scan3A_2676 step %scan3A_2677 iter_args(%scan3A_2692 = %broadcast_in_dim3A_2673) -> (vector<16xf32>)  : i32 {
        %shift_right_arithmetic3A_2693 = arith.constant 2 : i32
        %shift_right_arithmetic3A_2694 = arith.shrsi %scan3A_2691, %shift_right_arithmetic3A_2693 : i32
        %mul3A_2695 = arith.constant 64 : i32
        %mul3A_2696 = arith.muli %shift_right_arithmetic3A_2694, %mul3A_2695 : i32
        %mul3A_2697 = arith.constant 4 : i32
        %mul3A_2698 = vector.broadcast %mul3A_2697 : i32 to vector<16xi32>
        %mul3A_2699 = arith.muli %iota3A, %mul3A_2698 : vector<16xi32>
        %add3A_2700 = vector.broadcast %mul3A_2696 : i32 to vector<16xi32>
        %add3A_2701 = arith.addi %add3A_2700, %mul3A_2699 : vector<16xi32>
        %and3A_2702 = arith.constant 3 : i32
        %and3A_2703 = arith.andi %scan3A_2691, %and3A_2702 : i32
        %add3A_2704 = vector.broadcast %and3A_2703 : i32 to vector<16xi32>
        %add3A_2705 = arith.addi %add3A_2701, %add3A_2704 : vector<16xi32>
        %gather3A = tpu.vector_load_idx %arg12[%add3A_2705] : memref<512xf32, #tpu.memory_space<vmem>>[vector<16xi32>], vector<16xf32>,
        %add3A_2706 = arith.addf %scan3A_2692, %gather3A : vector<16xf32>
        scf.yield %add3A_2706 : vector<16xf32>
      }
      %scan3A_2679 = arith.constant 32 : i32
      %convert_element_type3A_2680 = arith.sitofp %scan3A_10#0 : vector<16xi32> to vector<16xf32>
      %mul3A_2681 = arith.mulf %scan3A_2678, %convert_element_type3A_2680 : vector<16xf32>
      %reduce_sum3A_2682 = arith.constant true
      %reduce_sum3A_2683 = vector.broadcast %reduce_sum3A_2682 : i1 to vector<16xi1>
      %reduce_sum3A_2684 = tpu.scan <sum>, %mul3A_2681 masked %reduce_sum3A_2683 : vector<16xf32>, vector<16xi1> -> vector<16xf32>
      %reduce_sum3A_2685 = vector.extract %reduce_sum3A_2684[15] : f32 from vector<16xf32>
      %mul3A_2686 = arith.constant 2.38418579E-7 : f32
      %mul3A_2687 = arith.mulf %reduce_sum3A_2685, %mul3A_2686 : f32
      %broadcast_in_dim3A_2688 = vector.broadcast %mul3A_2687 : f32 to vector<16xf32>
      %swap3A_2689 = arith.constant 0 : index
      %swap3A_2690 = tpu.vector_load %arg19[%swap3A_2689] {strides = array<i32>} : memref<16xf32, #tpu.memory_space<vmem>>, vector<16xf32>,
      tpu.vector_store %arg19[%swap3A_2689], %broadcast_in_dim3A_2688 {strides = array<i32>} : memref<16xf32, #tpu.memory_space<vmem>>, vector<16xf32>,
      "tpu.region"() ({
        %run_scoped3A = tpu.sem_alloc : memref<!tpu.dma_semaphore, #tpu.memory_space<semaphore_mem>>
        tpu.enqueue_dma source(%arg19 : memref<16xf32, #tpu.memory_space<vmem>>) target(%arg10 : memref<16xf32, #tpu.memory_space<hbm>>) target_semaphore(%run_scoped3A : memref<!tpu.dma_semaphore, #tpu.memory_space<semaphore_mem>>)
        tpu.wait_dma2 semaphore(%run_scoped3A : memref<!tpu.dma_semaphore, #tpu.memory_space<semaphore_mem>>) src(%arg19 : memref<16xf32, #tpu.memory_space<vmem>>) dst(%arg10 : memref<16xf32, #tpu.memory_space<hbm>>)
        tpu.yield
      }) : () -> ()
    } else {
    }
    return
  }
}

#map = affine_map<(d0, d1) -> (0, 0)>
#map1 = affine_map<(d0, d1) -> (0)>
module attributes {stable_mosaic.version = 14 : i64} {
  func.func @_sc2_body(%arg0: i32, %arg1: i32, %arg2: memref<6144x1024xf32, #tpu.memory_space<hbm>>, %arg3: memref<4096xi32, #tpu.memory_space<hbm>>, %arg4: memref<4096x1024xf32, #tpu.memory_space<hbm>>, %arg5: memref<64xi32, #tpu.memory_space<vmem>>, %arg6: memref<64x1024xf32, #tpu.memory_space<vmem>>, %arg7: memref<!tpu.dma_semaphore, #tpu.memory_space<semaphore_mem>>) attributes {dimension_semantics = [#tpu.dimension_semantics<core_parallel>, #tpu.dimension_semantics<subcore_parallel>], iteration_bounds = array<i64: 2, 16>, scalar_prefetch = 0 : i64, scratch_operands = 3 : i64, tpu.core_type = #tpu.core_type<sc_vector_subcore>, window_params = [{transform_indices = #map}, {transform_indices = #map1}, {transform_indices = #map}]} {
    %mul3A = arith.constant 2 : i32
    %mul3A_0 = arith.muli %arg1, %mul3A : i32
    %add3A = arith.addi %mul3A_0, %arg0 : i32
    %mul3A_1 = arith.constant 64 : i32
    %mul3A_2 = arith.muli %add3A, %mul3A_1 : i32
    %add3A_3 = arith.constant 0 : i32
    %add3A_4 = arith.addi %add3A_3, %mul3A_2 : i32
    "tpu.region"() ({
      %run_scoped3A = tpu.sem_alloc : memref<!tpu.dma_semaphore, #tpu.memory_space<semaphore_mem>>
      %dma_start3A_21 = tpu.memref_slice %arg3[%add3A_4] : memref<4096xi32, #tpu.memory_space<hbm>> -> memref<64xi32, #tpu.memory_space<hbm>>
      %dma_start3A_22 = tpu.memref_slice %arg3[%add3A_4] : memref<4096xi32, #tpu.memory_space<hbm>> -> memref<64xi32, #tpu.memory_space<hbm>>
      tpu.enqueue_dma source(%dma_start3A_22 : memref<64xi32, #tpu.memory_space<hbm>>) target(%arg5 : memref<64xi32, #tpu.memory_space<vmem>>) target_semaphore(%run_scoped3A : memref<!tpu.dma_semaphore, #tpu.memory_space<semaphore_mem>>)
      %dma_wait3A_23 = tpu.memref_slice %arg3[%add3A_4] : memref<4096xi32, #tpu.memory_space<hbm>> -> memref<64xi32, #tpu.memory_space<hbm>>
      %dma_wait3A_24 = tpu.memref_slice %arg3[%add3A_4] : memref<4096xi32, #tpu.memory_space<hbm>> -> memref<64xi32, #tpu.memory_space<hbm>>
      tpu.wait_dma2 semaphore(%run_scoped3A : memref<!tpu.dma_semaphore, #tpu.memory_space<semaphore_mem>>) src(%dma_wait3A_24 : memref<64xi32, #tpu.memory_space<hbm>>) dst(%arg5 : memref<64xi32, #tpu.memory_space<vmem>>)
      tpu.yield
    }) : () -> ()
    %dma_start3A = arith.constant 0 : i32
    %dma_start3A_5 = arith.constant 0 : i32
    %dma_start3A_6 = tpu.memref_slice %arg2[%dma_start3A, %dma_start3A_5] : memref<6144x1024xf32, #tpu.memory_space<hbm>> -> memref<6144x1024xf32, #tpu.memory_space<hbm>>
    tpu.enqueue_indirect_dma source(%dma_start3A_6 : memref<6144x1024xf32, #tpu.memory_space<hbm>>) target(%arg6 : memref<64x1024xf32, #tpu.memory_space<vmem>>) offsets(%arg5 : memref<64xi32, #tpu.memory_space<vmem>>) semaphore(%arg7 : memref<!tpu.dma_semaphore, #tpu.memory_space<semaphore_mem>>)
    %dma_wait3A = arith.constant 0 : i32
    %dma_wait3A_7 = arith.constant 0 : i32
    %dma_wait3A_8 = tpu.memref_slice %arg2[%dma_wait3A, %dma_wait3A_7] : memref<6144x1024xf32, #tpu.memory_space<hbm>> -> memref<6144x1024xf32, #tpu.memory_space<hbm>>
    tpu.wait_indirect_dma semaphore(%arg7 : memref<!tpu.dma_semaphore, #tpu.memory_space<semaphore_mem>>) src(%dma_wait3A_8 : memref<6144x1024xf32, #tpu.memory_space<hbm>>) dst(%arg6 : memref<64x1024xf32, #tpu.memory_space<vmem>>)
    %add3A_9 = arith.constant 0 : i32
    %add3A_10 = arith.addi %add3A_9, %mul3A_2 : i32
    "tpu.region"() ({
      %run_scoped3A = tpu.sem_alloc : memref<!tpu.dma_semaphore, #tpu.memory_space<semaphore_mem>>
      %dma_start3A_21 = arith.constant 0 : i32
      %dma_start3A_22 = tpu.memref_slice %arg4[%add3A_10, %dma_start3A_21] : memref<4096x1024xf32, #tpu.memory_space<hbm>> -> memref<64x1024xf32, #tpu.memory_space<hbm>>
      %dma_start3A_23 = arith.constant 0 : i32
      %dma_start3A_24 = tpu.memref_slice %arg4[%add3A_10, %dma_start3A_23] : memref<4096x1024xf32, #tpu.memory_space<hbm>> -> memref<64x1024xf32, #tpu.memory_space<hbm>>
      tpu.enqueue_dma source(%arg6 : memref<64x1024xf32, #tpu.memory_space<vmem>>) target(%dma_start3A_24 : memref<64x1024xf32, #tpu.memory_space<hbm>>) target_semaphore(%run_scoped3A : memref<!tpu.dma_semaphore, #tpu.memory_space<semaphore_mem>>)
      %dma_wait3A_25 = arith.constant 0 : i32
      %dma_wait3A_26 = tpu.memref_slice %arg4[%add3A_10, %dma_wait3A_25] : memref<4096x1024xf32, #tpu.memory_space<hbm>> -> memref<64x1024xf32, #tpu.memory_space<hbm>>
      %dma_wait3A_27 = arith.constant 0 : i32
      %dma_wait3A_28 = tpu.memref_slice %arg4[%add3A_10, %dma_wait3A_27] : memref<4096x1024xf32, #tpu.memory_space<hbm>> -> memref<64x1024xf32, #tpu.memory_space<hbm>>
      tpu.wait_dma2 semaphore(%run_scoped3A : memref<!tpu.dma_semaphore, #tpu.memory_space<semaphore_mem>>) src(%arg6 : memref<64x1024xf32, #tpu.memory_space<vmem>>) dst(%dma_wait3A_28 : memref<64x1024xf32, #tpu.memory_space<hbm>>)
      tpu.yield
    }) : () -> ()
    %add3A_11 = arith.constant 2048 : i32
    %add3A_12 = arith.addi %add3A_11, %mul3A_2 : i32
    "tpu.region"() ({
      %run_scoped3A = tpu.sem_alloc : memref<!tpu.dma_semaphore, #tpu.memory_space<semaphore_mem>>
      %dma_start3A_21 = tpu.memref_slice %arg3[%add3A_12] : memref<4096xi32, #tpu.memory_space<hbm>> -> memref<64xi32, #tpu.memory_space<hbm>>
      %dma_start3A_22 = tpu.memref_slice %arg3[%add3A_12] : memref<4096xi32, #tpu.memory_space<hbm>> -> memref<64xi32, #tpu.memory_space<hbm>>
      tpu.enqueue_dma source(%dma_start3A_22 : memref<64xi32, #tpu.memory_space<hbm>>) target(%arg5 : memref<64xi32, #tpu.memory_space<vmem>>) target_semaphore(%run_scoped3A : memref<!tpu.dma_semaphore, #tpu.memory_space<semaphore_mem>>)
      %dma_wait3A_23 = tpu.memref_slice %arg3[%add3A_12] : memref<4096xi32, #tpu.memory_space<hbm>> -> memref<64xi32, #tpu.memory_space<hbm>>
      %dma_wait3A_24 = tpu.memref_slice %arg3[%add3A_12] : memref<4096xi32, #tpu.memory_space<hbm>> -> memref<64xi32, #tpu.memory_space<hbm>>
      tpu.wait_dma2 semaphore(%run_scoped3A : memref<!tpu.dma_semaphore, #tpu.memory_space<semaphore_mem>>) src(%dma_wait3A_24 : memref<64xi32, #tpu.memory_space<hbm>>) dst(%arg5 : memref<64xi32, #tpu.memory_space<vmem>>)
      tpu.yield
    }) : () -> ()
    %dma_start3A_13 = arith.constant 0 : i32
    %dma_start3A_14 = arith.constant 0 : i32
    %dma_start3A_15 = tpu.memref_slice %arg2[%dma_start3A_13, %dma_start3A_14] : memref<6144x1024xf32, #tpu.memory_space<hbm>> -> memref<6144x1024xf32, #tpu.memory_space<hbm>>
    tpu.enqueue_indirect_dma source(%dma_start3A_15 : memref<6144x1024xf32, #tpu.memory_space<hbm>>) target(%arg6 : memref<64x1024xf32, #tpu.memory_space<vmem>>) offsets(%arg5 : memref<64xi32, #tpu.memory_space<vmem>>) semaphore(%arg7 : memref<!tpu.dma_semaphore, #tpu.memory_space<semaphore_mem>>)
    %dma_wait3A_16 = arith.constant 0 : i32
    %dma_wait3A_17 = arith.constant 0 : i32
    %dma_wait3A_18 = tpu.memref_slice %arg2[%dma_wait3A_16, %dma_wait3A_17] : memref<6144x1024xf32, #tpu.memory_space<hbm>> -> memref<6144x1024xf32, #tpu.memory_space<hbm>>
    tpu.wait_indirect_dma semaphore(%arg7 : memref<!tpu.dma_semaphore, #tpu.memory_space<semaphore_mem>>) src(%dma_wait3A_18 : memref<6144x1024xf32, #tpu.memory_space<hbm>>) dst(%arg6 : memref<64x1024xf32, #tpu.memory_space<vmem>>)
    %add3A_19 = arith.constant 2048 : i32
    %add3A_20 = arith.addi %add3A_19, %mul3A_2 : i32
    "tpu.region"() ({
      %run_scoped3A = tpu.sem_alloc : memref<!tpu.dma_semaphore, #tpu.memory_space<semaphore_mem>>
      %dma_start3A_21 = arith.constant 0 : i32
      %dma_start3A_22 = tpu.memref_slice %arg4[%add3A_20, %dma_start3A_21] : memref<4096x1024xf32, #tpu.memory_space<hbm>> -> memref<64x1024xf32, #tpu.memory_space<hbm>>
      %dma_start3A_23 = arith.constant 0 : i32
      %dma_start3A_24 = tpu.memref_slice %arg4[%add3A_20, %dma_start3A_23] : memref<4096x1024xf32, #tpu.memory_space<hbm>> -> memref<64x1024xf32, #tpu.memory_space<hbm>>
      tpu.enqueue_dma source(%arg6 : memref<64x1024xf32, #tpu.memory_space<vmem>>) target(%dma_start3A_24 : memref<64x1024xf32, #tpu.memory_space<hbm>>) target_semaphore(%run_scoped3A : memref<!tpu.dma_semaphore, #tpu.memory_space<semaphore_mem>>)
      %dma_wait3A_25 = arith.constant 0 : i32
      %dma_wait3A_26 = tpu.memref_slice %arg4[%add3A_20, %dma_wait3A_25] : memref<4096x1024xf32, #tpu.memory_space<hbm>> -> memref<64x1024xf32, #tpu.memory_space<hbm>>
      %dma_wait3A_27 = arith.constant 0 : i32
      %dma_wait3A_28 = tpu.memref_slice %arg4[%add3A_20, %dma_wait3A_27] : memref<4096x1024xf32, #tpu.memory_space<hbm>> -> memref<64x1024xf32, #tpu.memory_space<hbm>>
      tpu.wait_dma2 semaphore(%run_scoped3A : memref<!tpu.dma_semaphore, #tpu.memory_space<semaphore_mem>>) src(%arg6 : memref<64x1024xf32, #tpu.memory_space<vmem>>) dst(%dma_wait3A_28 : memref<64x1024xf32, #tpu.memory_space<hbm>>)
      tpu.yield
    }) : () -> ()
    return
  }
}

module attributes {stable_mosaic.version = 14 : i64} {
  func.func @_a3_body(%arg0: i32, %arg1: memref<256x1024xf32, #tpu.memory_space<vmem>>, %arg2: memref<256x1024xf32, #tpu.memory_space<vmem>>, %arg3: memref<1024x1024xf32, #tpu.memory_space<vmem>>, %arg4: memref<1x1024xf32, #tpu.memory_space<vmem>>, %arg5: memref<1024x8xf32, #tpu.memory_space<vmem>>, %arg6: memref<256x1024xf32, #tpu.memory_space<vmem>>, %arg7: memref<256x1024xf32, #tpu.memory_space<vmem>>, %arg8: memref<1x1x256xi32, #tpu.memory_space<vmem>>, %arg9: memref<1x1x256xi32, #tpu.memory_space<vmem>>, %arg10: memref<1x1x256xf32, #tpu.memory_space<vmem>>, %arg11: memref<1x1x256xf32, #tpu.memory_space<vmem>>, %arg12: memref<1x16x4xi32, #tpu.memory_space<vmem>>, %arg13: memref<1x16x4xf32, #tpu.memory_space<vmem>>) attributes {dimension_semantics = [#tpu.dimension_semantics<arbitrary>], iteration_bounds = array<i64: 8>, scalar_prefetch = 0 : i64, scratch_operands = 0 : i64, tpu.core_type = #tpu.core_type<tc>, window_params = [{transform_indices = @transform_0, window_bounds = array<i64: 256, 1024>}, {transform_indices = @transform_1, window_bounds = array<i64: 256, 1024>}, {pipeline_mode = #tpu.pipeline_mode<synchronous>, transform_indices = @transform_2, window_bounds = array<i64: 1024, 1024>}, {pipeline_mode = #tpu.pipeline_mode<synchronous>, transform_indices = @transform_3, window_bounds = array<i64: 1, 1024>}, {pipeline_mode = #tpu.pipeline_mode<synchronous>, transform_indices = @transform_4, window_bounds = array<i64: 1024, 8>}, {transform_indices = @transform_5, window_bounds = array<i64: 256, 1024>}, {transform_indices = @transform_6, window_bounds = array<i64: 256, 1024>}, {transform_indices = @transform_7, window_bounds = array<i64: 1, 1, 256>}, {transform_indices = @transform_8, window_bounds = array<i64: 1, 1, 256>}, {transform_indices = @transform_9, window_bounds = array<i64: 1, 1, 256>}, {transform_indices = @transform_10, window_bounds = array<i64: 1, 1, 256>}, {transform_indices = @transform_11, window_bounds = array<i64: 1, 16, 4>}, {transform_indices = @transform_12, window_bounds = array<i64: 1, 16, 4>}]} {
    %get3A = arith.constant 0 : index
    %get3A_0 = arith.constant 0 : index
    %get3A_1 = vector.load %arg2[%get3A, %get3A_0] : memref<256x1024xf32, #tpu.memory_space<vmem>>, vector<256x1024xf32>
    %get3A_2 = arith.constant 0 : index
    %get3A_3 = arith.constant 0 : index
    %get3A_4 = vector.load %arg1[%get3A_2, %get3A_3] : memref<256x1024xf32, #tpu.memory_space<vmem>>, vector<256x1024xf32>
    %get3A_5 = arith.constant 0 : index
    %get3A_6 = arith.constant 0 : index
    %get3A_7 = vector.load %arg3[%get3A_5, %get3A_6] : memref<1024x1024xf32, #tpu.memory_space<vmem>>, vector<1024x1024xf32>
    %dot_general3A = arith.constant dense<0.000000e+00> : vector<256x1024xf32>
    %dot_general3A_8 = tpu.matmul %get3A_4, %get3A_7, %dot_general3A {dimension_numbers = #tpu.dot_dimension_numbers<[1], [0], [0], [1], [0, 0, 1, 1], [], []>, transpose_lhs_hint = false} : vector<256x1024xf32>, vector<1024x1024xf32>, vector<256x1024xf32> -> vector<256x1024xf32>
    %add3A = arith.addf %get3A_1, %dot_general3A_8 : vector<256x1024xf32>
    %swap3A = arith.constant 0 : index
    %swap3A_9 = arith.constant 0 : index
    %swap3A_10 = vector.load %arg6[%swap3A, %swap3A_9] : memref<256x1024xf32, #tpu.memory_space<vmem>>, vector<256x1024xf32>
    tpu.vector_store %arg6[%swap3A, %swap3A_9], %add3A {strides = array<i32>} : memref<256x1024xf32, #tpu.memory_space<vmem>>, vector<256x1024xf32>,
    %get3A_11 = arith.constant 0 : index
    %get3A_12 = arith.constant 0 : index
    %get3A_13 = vector.load %arg4[%get3A_11, %get3A_12] : memref<1x1024xf32, #tpu.memory_space<vmem>>, vector<1x1024xf32>
    %mul3A = arith.mulf %add3A, %add3A : vector<256x1024xf32>
    %reduce_sum3A = arith.constant dense<0.000000e+00> : vector<256xf32>
    %reduce_sum3A_14 = vector.multi_reduction <add>, %mul3A, %reduce_sum3A [1] : vector<256x1024xf32> to vector<256xf32>
    %broadcast_in_dim3A = vector.shape_cast %reduce_sum3A_14 : vector<256xf32> to vector<256x1xf32>
    %div3A = arith.constant 1.024000e+03 : f32
    %div3A_15 = vector.broadcast %div3A : f32 to vector<256x1xf32>
    %div3A_16 = arith.divf %broadcast_in_dim3A, %div3A_15 : vector<256x1xf32>
    %add3A_17 = arith.constant 9.99999997E-7 : f32
    %add3A_18 = vector.broadcast %add3A_17 : f32 to vector<256x1xf32>
    %add3A_19 = arith.addf %div3A_16, %add3A_18 : vector<256x1xf32>
    %rsqrt3A = math.rsqrt %add3A_19 : vector<256x1xf32>
    %mul3A_20 = vector.broadcast %rsqrt3A : vector<256x1xf32> to vector<256x1024xf32>
    %mul3A_21 = arith.mulf %add3A, %mul3A_20 : vector<256x1024xf32>
    %mul3A_22 = vector.broadcast %get3A_13 : vector<1x1024xf32> to vector<256x1024xf32>
    %mul3A_23 = arith.mulf %mul3A_21, %mul3A_22 : vector<256x1024xf32>
    %swap3A_24 = arith.constant 0 : index
    %swap3A_25 = arith.constant 0 : index
    %swap3A_26 = vector.load %arg7[%swap3A_24, %swap3A_25] : memref<256x1024xf32, #tpu.memory_space<vmem>>, vector<256x1024xf32>
    tpu.vector_store %arg7[%swap3A_24, %swap3A_25], %mul3A_23 {strides = array<i32>} : memref<256x1024xf32, #tpu.memory_space<vmem>>, vector<256x1024xf32>,
    %get3A_27 = arith.constant 0 : index
    %get3A_28 = arith.constant 0 : index
    %get3A_29 = vector.load %arg5[%get3A_27, %get3A_28] : memref<1024x8xf32, #tpu.memory_space<vmem>>, vector<1024x8xf32>
    %dot_general3A_30 = arith.constant dense<0.000000e+00> : vector<8x256xf32>
    %dot_general3A_31 = tpu.matmul %get3A_29, %mul3A_23, %dot_general3A_30 {dimension_numbers = #tpu.dot_dimension_numbers<[0], [1], [1], [0], [0, 1, 1, 0], [], []>, transpose_lhs_hint = false} : vector<1024x8xf32>, vector<256x1024xf32>, vector<8x256xf32> -> vector<8x256xf32>
    %broadcast_in_dim3A_32 = arith.constant -1.000000e+30 : f32
    %broadcast_in_dim3A_33 = vector.broadcast %broadcast_in_dim3A_32 : f32 to vector<1x256xf32>
    %broadcast_in_dim3A_34 = arith.constant -1.000000e+30 : f32
    %broadcast_in_dim3A_35 = vector.broadcast %broadcast_in_dim3A_34 : f32 to vector<1x256xf32>
    %broadcast_in_dim3A_36 = arith.constant 0 : i32
    %broadcast_in_dim3A_37 = vector.broadcast %broadcast_in_dim3A_36 : i32 to vector<1x256xi32>
    %broadcast_in_dim3A_38 = arith.constant 0 : i32
    %broadcast_in_dim3A_39 = vector.broadcast %broadcast_in_dim3A_38 : i32 to vector<1x256xi32>
    %slice3A = vector.extract_strided_slice %dot_general3A_31 {offsets = [0, 0], sizes = [1, 256], strides = [1, 1]} : vector<8x256xf32> to vector<1x256xf32>
    %gt3A = arith.cmpf ogt, %slice3A, %broadcast_in_dim3A_33 : vector<1x256xf32>
    %gt3A_40 = arith.cmpf ogt, %slice3A, %broadcast_in_dim3A_35 : vector<1x256xf32>
    %not3A = arith.constant dense<true> : vector<1x256xi1>
    %not3A_41 = arith.xori %gt3A, %not3A : vector<1x256xi1>
    %and3A = arith.andi %gt3A_40, %not3A_41 : vector<1x256xi1>
    %jit3A = arith.constant 0 : i32
    %broadcast_in_dim3A_42 = vector.broadcast %jit3A : i32 to vector<1x256xi32>
    %select_n3A = arith.select %and3A, %broadcast_in_dim3A_42, %broadcast_in_dim3A_39 : vector<1x256xi1>, vector<1x256xi32>
    %select_n3A_43 = arith.select %gt3A, %broadcast_in_dim3A_37, %select_n3A : vector<1x256xi1>, vector<1x256xi32>
    %select_n3A_44 = arith.select %and3A, %slice3A, %broadcast_in_dim3A_35 : vector<1x256xi1>, vector<1x256xf32>
    %select_n3A_45 = arith.select %gt3A, %broadcast_in_dim3A_33, %select_n3A_44 : vector<1x256xi1>, vector<1x256xf32>
    %jit3A_46 = arith.constant 0 : i32
    %broadcast_in_dim3A_47 = vector.broadcast %jit3A_46 : i32 to vector<1x256xi32>
    %select_n3A_48 = arith.select %gt3A, %broadcast_in_dim3A_47, %broadcast_in_dim3A_37 : vector<1x256xi1>, vector<1x256xi32>
    %select_n3A_49 = arith.select %gt3A, %slice3A, %broadcast_in_dim3A_33 : vector<1x256xi1>, vector<1x256xf32>
    %slice3A_50 = vector.extract_strided_slice %dot_general3A_31 {offsets = [1, 0], sizes = [1, 256], strides = [1, 1]} : vector<8x256xf32> to vector<1x256xf32>
    %gt3A_51 = arith.cmpf ogt, %slice3A_50, %select_n3A_49 : vector<1x256xf32>
    %gt3A_52 = arith.cmpf ogt, %slice3A_50, %select_n3A_45 : vector<1x256xf32>
    %not3A_53 = arith.constant dense<true> : vector<1x256xi1>
    %not3A_54 = arith.xori %gt3A_51, %not3A_53 : vector<1x256xi1>
    %and3A_55 = arith.andi %gt3A_52, %not3A_54 : vector<1x256xi1>
    %jit3A_56 = arith.constant 1 : i32
    %broadcast_in_dim3A_57 = vector.broadcast %jit3A_56 : i32 to vector<1x256xi32>
    %select_n3A_58 = arith.select %and3A_55, %broadcast_in_dim3A_57, %select_n3A_43 : vector<1x256xi1>, vector<1x256xi32>
    %select_n3A_59 = arith.select %gt3A_51, %select_n3A_48, %select_n3A_58 : vector<1x256xi1>, vector<1x256xi32>
    %select_n3A_60 = arith.select %and3A_55, %slice3A_50, %select_n3A_45 : vector<1x256xi1>, vector<1x256xf32>
    %select_n3A_61 = arith.select %gt3A_51, %select_n3A_49, %select_n3A_60 : vector<1x256xi1>, vector<1x256xf32>
    %jit3A_62 = arith.constant 1 : i32
    %broadcast_in_dim3A_63 = vector.broadcast %jit3A_62 : i32 to vector<1x256xi32>
    %select_n3A_64 = arith.select %gt3A_51, %broadcast_in_dim3A_63, %select_n3A_48 : vector<1x256xi1>, vector<1x256xi32>
    %select_n3A_65 = arith.select %gt3A_51, %slice3A_50, %select_n3A_49 : vector<1x256xi1>, vector<1x256xf32>
    %slice3A_66 = vector.extract_strided_slice %dot_general3A_31 {offsets = [2, 0], sizes = [1, 256], strides = [1, 1]} : vector<8x256xf32> to vector<1x256xf32>
    %gt3A_67 = arith.cmpf ogt, %slice3A_66, %select_n3A_65 : vector<1x256xf32>
    %gt3A_68 = arith.cmpf ogt, %slice3A_66, %select_n3A_61 : vector<1x256xf32>
    %not3A_69 = arith.constant dense<true> : vector<1x256xi1>
    %not3A_70 = arith.xori %gt3A_67, %not3A_69 : vector<1x256xi1>
    %and3A_71 = arith.andi %gt3A_68, %not3A_70 : vector<1x256xi1>
    %jit3A_72 = arith.constant 2 : i32
    %broadcast_in_dim3A_73 = vector.broadcast %jit3A_72 : i32 to vector<1x256xi32>
    %select_n3A_74 = arith.select %and3A_71, %broadcast_in_dim3A_73, %select_n3A_59 : vector<1x256xi1>, vector<1x256xi32>
    %select_n3A_75 = arith.select %gt3A_67, %select_n3A_64, %select_n3A_74 : vector<1x256xi1>, vector<1x256xi32>
    %select_n3A_76 = arith.select %and3A_71, %slice3A_66, %select_n3A_61 : vector<1x256xi1>, vector<1x256xf32>
    %select_n3A_77 = arith.select %gt3A_67, %select_n3A_65, %select_n3A_76 : vector<1x256xi1>, vector<1x256xf32>
    %jit3A_78 = arith.constant 2 : i32
    %broadcast_in_dim3A_79 = vector.broadcast %jit3A_78 : i32 to vector<1x256xi32>
    %select_n3A_80 = arith.select %gt3A_67, %broadcast_in_dim3A_79, %select_n3A_64 : vector<1x256xi1>, vector<1x256xi32>
    %select_n3A_81 = arith.select %gt3A_67, %slice3A_66, %select_n3A_65 : vector<1x256xi1>, vector<1x256xf32>
    %slice3A_82 = vector.extract_strided_slice %dot_general3A_31 {offsets = [3, 0], sizes = [1, 256], strides = [1, 1]} : vector<8x256xf32> to vector<1x256xf32>
    %gt3A_83 = arith.cmpf ogt, %slice3A_82, %select_n3A_81 : vector<1x256xf32>
    %gt3A_84 = arith.cmpf ogt, %slice3A_82, %select_n3A_77 : vector<1x256xf32>
    %not3A_85 = arith.constant dense<true> : vector<1x256xi1>
    %not3A_86 = arith.xori %gt3A_83, %not3A_85 : vector<1x256xi1>
    %and3A_87 = arith.andi %gt3A_84, %not3A_86 : vector<1x256xi1>
    %jit3A_88 = arith.constant 3 : i32
    %broadcast_in_dim3A_89 = vector.broadcast %jit3A_88 : i32 to vector<1x256xi32>
    %select_n3A_90 = arith.select %and3A_87, %broadcast_in_dim3A_89, %select_n3A_75 : vector<1x256xi1>, vector<1x256xi32>
    %select_n3A_91 = arith.select %gt3A_83, %select_n3A_80, %select_n3A_90 : vector<1x256xi1>, vector<1x256xi32>
    %select_n3A_92 = arith.select %and3A_87, %slice3A_82, %select_n3A_77 : vector<1x256xi1>, vector<1x256xf32>
    %select_n3A_93 = arith.select %gt3A_83, %select_n3A_81, %select_n3A_92 : vector<1x256xi1>, vector<1x256xf32>
    %jit3A_94 = arith.constant 3 : i32
    %broadcast_in_dim3A_95 = vector.broadcast %jit3A_94 : i32 to vector<1x256xi32>
    %select_n3A_96 = arith.select %gt3A_83, %broadcast_in_dim3A_95, %select_n3A_80 : vector<1x256xi1>, vector<1x256xi32>
    %select_n3A_97 = arith.select %gt3A_83, %slice3A_82, %select_n3A_81 : vector<1x256xi1>, vector<1x256xf32>
    %slice3A_98 = vector.extract_strided_slice %dot_general3A_31 {offsets = [4, 0], sizes = [1, 256], strides = [1, 1]} : vector<8x256xf32> to vector<1x256xf32>
    %gt3A_99 = arith.cmpf ogt, %slice3A_98, %select_n3A_97 : vector<1x256xf32>
    %gt3A_100 = arith.cmpf ogt, %slice3A_98, %select_n3A_93 : vector<1x256xf32>
    %not3A_101 = arith.constant dense<true> : vector<1x256xi1>
    %not3A_102 = arith.xori %gt3A_99, %not3A_101 : vector<1x256xi1>
    %and3A_103 = arith.andi %gt3A_100, %not3A_102 : vector<1x256xi1>
    %jit3A_104 = arith.constant 4 : i32
    %broadcast_in_dim3A_105 = vector.broadcast %jit3A_104 : i32 to vector<1x256xi32>
    %select_n3A_106 = arith.select %and3A_103, %broadcast_in_dim3A_105, %select_n3A_91 : vector<1x256xi1>, vector<1x256xi32>
    %select_n3A_107 = arith.select %gt3A_99, %select_n3A_96, %select_n3A_106 : vector<1x256xi1>, vector<1x256xi32>
    %select_n3A_108 = arith.select %and3A_103, %slice3A_98, %select_n3A_93 : vector<1x256xi1>, vector<1x256xf32>
    %select_n3A_109 = arith.select %gt3A_99, %select_n3A_97, %select_n3A_108 : vector<1x256xi1>, vector<1x256xf32>
    %jit3A_110 = arith.constant 4 : i32
    %broadcast_in_dim3A_111 = vector.broadcast %jit3A_110 : i32 to vector<1x256xi32>
    %select_n3A_112 = arith.select %gt3A_99, %broadcast_in_dim3A_111, %select_n3A_96 : vector<1x256xi1>, vector<1x256xi32>
    %select_n3A_113 = arith.select %gt3A_99, %slice3A_98, %select_n3A_97 : vector<1x256xi1>, vector<1x256xf32>
    %slice3A_114 = vector.extract_strided_slice %dot_general3A_31 {offsets = [5, 0], sizes = [1, 256], strides = [1, 1]} : vector<8x256xf32> to vector<1x256xf32>
    %gt3A_115 = arith.cmpf ogt, %slice3A_114, %select_n3A_113 : vector<1x256xf32>
    %gt3A_116 = arith.cmpf ogt, %slice3A_114, %select_n3A_109 : vector<1x256xf32>
    %not3A_117 = arith.constant dense<true> : vector<1x256xi1>
    %not3A_118 = arith.xori %gt3A_115, %not3A_117 : vector<1x256xi1>
    %and3A_119 = arith.andi %gt3A_116, %not3A_118 : vector<1x256xi1>
    %jit3A_120 = arith.constant 5 : i32
    %broadcast_in_dim3A_121 = vector.broadcast %jit3A_120 : i32 to vector<1x256xi32>
    %select_n3A_122 = arith.select %and3A_119, %broadcast_in_dim3A_121, %select_n3A_107 : vector<1x256xi1>, vector<1x256xi32>
    %select_n3A_123 = arith.select %gt3A_115, %select_n3A_112, %select_n3A_122 : vector<1x256xi1>, vector<1x256xi32>
    %select_n3A_124 = arith.select %and3A_119, %slice3A_114, %select_n3A_109 : vector<1x256xi1>, vector<1x256xf32>
    %select_n3A_125 = arith.select %gt3A_115, %select_n3A_113, %select_n3A_124 : vector<1x256xi1>, vector<1x256xf32>
    %jit3A_126 = arith.constant 5 : i32
    %broadcast_in_dim3A_127 = vector.broadcast %jit3A_126 : i32 to vector<1x256xi32>
    %select_n3A_128 = arith.select %gt3A_115, %broadcast_in_dim3A_127, %select_n3A_112 : vector<1x256xi1>, vector<1x256xi32>
    %select_n3A_129 = arith.select %gt3A_115, %slice3A_114, %select_n3A_113 : vector<1x256xi1>, vector<1x256xf32>
    %slice3A_130 = vector.extract_strided_slice %dot_general3A_31 {offsets = [6, 0], sizes = [1, 256], strides = [1, 1]} : vector<8x256xf32> to vector<1x256xf32>
    %gt3A_131 = arith.cmpf ogt, %slice3A_130, %select_n3A_129 : vector<1x256xf32>
    %gt3A_132 = arith.cmpf ogt, %slice3A_130, %select_n3A_125 : vector<1x256xf32>
    %not3A_133 = arith.constant dense<true> : vector<1x256xi1>
    %not3A_134 = arith.xori %gt3A_131, %not3A_133 : vector<1x256xi1>
    %and3A_135 = arith.andi %gt3A_132, %not3A_134 : vector<1x256xi1>
    %jit3A_136 = arith.constant 6 : i32
    %broadcast_in_dim3A_137 = vector.broadcast %jit3A_136 : i32 to vector<1x256xi32>
    %select_n3A_138 = arith.select %and3A_135, %broadcast_in_dim3A_137, %select_n3A_123 : vector<1x256xi1>, vector<1x256xi32>
    %select_n3A_139 = arith.select %gt3A_131, %select_n3A_128, %select_n3A_138 : vector<1x256xi1>, vector<1x256xi32>
    %select_n3A_140 = arith.select %and3A_135, %slice3A_130, %select_n3A_125 : vector<1x256xi1>, vector<1x256xf32>
    %select_n3A_141 = arith.select %gt3A_131, %select_n3A_129, %select_n3A_140 : vector<1x256xi1>, vector<1x256xf32>
    %jit3A_142 = arith.constant 6 : i32
    %broadcast_in_dim3A_143 = vector.broadcast %jit3A_142 : i32 to vector<1x256xi32>
    %select_n3A_144 = arith.select %gt3A_131, %broadcast_in_dim3A_143, %select_n3A_128 : vector<1x256xi1>, vector<1x256xi32>
    %select_n3A_145 = arith.select %gt3A_131, %slice3A_130, %select_n3A_129 : vector<1x256xi1>, vector<1x256xf32>
    %slice3A_146 = vector.extract_strided_slice %dot_general3A_31 {offsets = [7, 0], sizes = [1, 256], strides = [1, 1]} : vector<8x256xf32> to vector<1x256xf32>
    %gt3A_147 = arith.cmpf ogt, %slice3A_146, %select_n3A_145 : vector<1x256xf32>
    %gt3A_148 = arith.cmpf ogt, %slice3A_146, %select_n3A_141 : vector<1x256xf32>
    %not3A_149 = arith.constant dense<true> : vector<1x256xi1>
    %not3A_150 = arith.xori %gt3A_147, %not3A_149 : vector<1x256xi1>
    %and3A_151 = arith.andi %gt3A_148, %not3A_150 : vector<1x256xi1>
    %jit3A_152 = arith.constant 7 : i32
    %broadcast_in_dim3A_153 = vector.broadcast %jit3A_152 : i32 to vector<1x256xi32>
    %select_n3A_154 = arith.select %and3A_151, %broadcast_in_dim3A_153, %select_n3A_139 : vector<1x256xi1>, vector<1x256xi32>
    %select_n3A_155 = arith.select %gt3A_147, %select_n3A_144, %select_n3A_154 : vector<1x256xi1>, vector<1x256xi32>
    %select_n3A_156 = arith.select %and3A_151, %slice3A_146, %select_n3A_141 : vector<1x256xi1>, vector<1x256xf32>
    %select_n3A_157 = arith.select %gt3A_147, %select_n3A_145, %select_n3A_156 : vector<1x256xi1>, vector<1x256xf32>
    %jit3A_158 = arith.constant 7 : i32
    %broadcast_in_dim3A_159 = vector.broadcast %jit3A_158 : i32 to vector<1x256xi32>
    %select_n3A_160 = arith.select %gt3A_147, %broadcast_in_dim3A_159, %select_n3A_144 : vector<1x256xi1>, vector<1x256xi32>
    %select_n3A_161 = arith.select %gt3A_147, %slice3A_146, %select_n3A_145 : vector<1x256xi1>, vector<1x256xf32>
    %sub3A = arith.subf %select_n3A_157, %select_n3A_161 : vector<1x256xf32>
    %exp3A = math.exp %sub3A : vector<1x256xf32>
    %add3A_162 = arith.constant 1.000000e+00 : f32
    %add3A_163 = vector.broadcast %add3A_162 : f32 to vector<1x256xf32>
    %add3A_164 = arith.addf %add3A_163, %exp3A : vector<1x256xf32>
    %div3A_165 = arith.constant 1.000000e+00 : f32
    %div3A_166 = vector.broadcast %div3A_165 : f32 to vector<1x256xf32>
    %div3A_167 = arith.divf %div3A_166, %add3A_164 : vector<1x256xf32>
    %reshape3A = vector.shape_cast %select_n3A_160 : vector<1x256xi32> to vector<1x1x256xi32>
    %swap3A_168 = arith.constant 0 : index
    %swap3A_169 = arith.constant 0 : index
    %swap3A_170 = arith.constant 0 : index
    %swap3A_171 = vector.load %arg8[%swap3A_168, %swap3A_169, %swap3A_170] : memref<1x1x256xi32, #tpu.memory_space<vmem>>, vector<1x1x256xi32>
    tpu.vector_store %arg8[%swap3A_168, %swap3A_169, %swap3A_170], %reshape3A {strides = array<i32>} : memref<1x1x256xi32, #tpu.memory_space<vmem>>, vector<1x1x256xi32>,
    %reshape3A_172 = vector.shape_cast %select_n3A_155 : vector<1x256xi32> to vector<1x1x256xi32>
    %swap3A_173 = arith.constant 0 : index
    %swap3A_174 = arith.constant 0 : index
    %swap3A_175 = arith.constant 0 : index
    %swap3A_176 = vector.load %arg9[%swap3A_173, %swap3A_174, %swap3A_175] : memref<1x1x256xi32, #tpu.memory_space<vmem>>, vector<1x1x256xi32>
    tpu.vector_store %arg9[%swap3A_173, %swap3A_174, %swap3A_175], %reshape3A_172 {strides = array<i32>} : memref<1x1x256xi32, #tpu.memory_space<vmem>>, vector<1x1x256xi32>,
    %reshape3A_177 = vector.shape_cast %div3A_167 : vector<1x256xf32> to vector<1x1x256xf32>
    %swap3A_178 = arith.constant 0 : index
    %swap3A_179 = arith.constant 0 : index
    %swap3A_180 = arith.constant 0 : index
    %swap3A_181 = vector.load %arg10[%swap3A_178, %swap3A_179, %swap3A_180] : memref<1x1x256xf32, #tpu.memory_space<vmem>>, vector<1x1x256xf32>
    tpu.vector_store %arg10[%swap3A_178, %swap3A_179, %swap3A_180], %reshape3A_177 {strides = array<i32>} : memref<1x1x256xf32, #tpu.memory_space<vmem>>, vector<1x1x256xf32>,
    %sub3A_182 = arith.constant 1.000000e+00 : f32
    %sub3A_183 = vector.broadcast %sub3A_182 : f32 to vector<1x256xf32>
    %sub3A_184 = arith.subf %sub3A_183, %div3A_167 : vector<1x256xf32>
    %reshape3A_185 = vector.shape_cast %sub3A_184 : vector<1x256xf32> to vector<1x1x256xf32>
    %swap3A_186 = arith.constant 0 : index
    %swap3A_187 = arith.constant 0 : index
    %swap3A_188 = arith.constant 0 : index
    %swap3A_189 = vector.load %arg11[%swap3A_186, %swap3A_187, %swap3A_188] : memref<1x1x256xf32, #tpu.memory_space<vmem>>, vector<1x1x256xf32>
    tpu.vector_store %arg11[%swap3A_186, %swap3A_187, %swap3A_188], %reshape3A_185 {strides = array<i32>} : memref<1x1x256xf32, #tpu.memory_space<vmem>>, vector<1x1x256xf32>,
    %sub3A_190 = vector.broadcast %select_n3A_161 : vector<1x256xf32> to vector<8x256xf32>
    %sub3A_191 = arith.subf %dot_general3A_31, %sub3A_190 : vector<8x256xf32>
    %exp3A_192 = math.exp %sub3A_191 : vector<8x256xf32>
    %reduce_sum3A_193 = arith.constant dense<0.000000e+00> : vector<256xf32>
    %reduce_sum3A_194 = vector.multi_reduction <add>, %exp3A_192, %reduce_sum3A_193 [0] : vector<8x256xf32> to vector<256xf32>
    %broadcast_in_dim3A_195 = vector.shape_cast %reduce_sum3A_194 : vector<256xf32> to vector<1x256xf32>
    %div3A_196 = vector.broadcast %broadcast_in_dim3A_195 : vector<1x256xf32> to vector<8x256xf32>
    %div3A_197 = arith.divf %exp3A_192, %div3A_196 : vector<8x256xf32>
    %iota3A = tpu.iota {dimensions = array<i32: 0>} : vector<16x256xi32>
    %eq3A = vector.broadcast %select_n3A_160 : vector<1x256xi32> to vector<16x256xi32>
    %eq3A_198 = arith.cmpi eq, %iota3A, %eq3A : vector<16x256xi32>
    %convert_element_type3A = arith.extui %eq3A_198 : vector<16x256xi1> to vector<16x256xi32>
    %convert_element_type3A_199 = arith.sitofp %convert_element_type3A : vector<16x256xi32> to vector<16x256xf32>
    %eq3A_200 = vector.broadcast %select_n3A_155 : vector<1x256xi32> to vector<16x256xi32>
    %eq3A_201 = arith.cmpi eq, %iota3A, %eq3A_200 : vector<16x256xi32>
    %convert_element_type3A_202 = arith.extui %eq3A_201 : vector<16x256xi1> to vector<16x256xi32>
    %convert_element_type3A_203 = arith.sitofp %convert_element_type3A_202 : vector<16x256xi32> to vector<16x256xf32>
    %add3A_204 = arith.addf %convert_element_type3A_199, %convert_element_type3A_203 : vector<16x256xf32>
    %iota3A_205 = tpu.iota {dimensions = array<i32: 0>} : vector<256x4xi32>
    %jit3A_206 = arith.constant 64 : i32
    %div3A_207 = vector.broadcast %jit3A_206 : i32 to vector<256x4xi32>
    %div3A_208 = arith.divsi %iota3A_205, %div3A_207 : vector<256x4xi32>
    %sign3A = arith.constant 0 : i32
    %sign3A_209 = vector.broadcast %sign3A : i32 to vector<256x4xi32>
    %sign3A_210 = arith.cmpi sgt, %iota3A_205, %sign3A_209 : vector<256x4xi32>
    %sign3A_211 = arith.extui %sign3A_210 : vector<256x4xi1> to vector<256x4xi32>
    %sign3A_212 = arith.constant 0 : i32
    %sign3A_213 = vector.broadcast %sign3A_212 : i32 to vector<256x4xi32>
    %sign3A_214 = arith.cmpi slt, %iota3A_205, %sign3A_213 : vector<256x4xi32>
    %sign3A_215 = arith.extui %sign3A_214 : vector<256x4xi1> to vector<256x4xi32>
    %sign3A_216 = arith.subi %sign3A_211, %sign3A_215 : vector<256x4xi32>
    %sign3A_217 = arith.constant 0 : i32
    %sign3A_218 = arith.cmpi sgt, %jit3A_206, %sign3A_217 : i32
    %sign3A_219 = arith.extui %sign3A_218 : i1 to i32
    %sign3A_220 = arith.constant 0 : i32
    %sign3A_221 = arith.cmpi slt, %jit3A_206, %sign3A_220 : i32
    %sign3A_222 = arith.extui %sign3A_221 : i1 to i32
    %sign3A_223 = arith.subi %sign3A_219, %sign3A_222 : i32
    %ne3A = vector.broadcast %sign3A_223 : i32 to vector<256x4xi32>
    %ne3A_224 = arith.cmpi ne, %sign3A_216, %ne3A : vector<256x4xi32>
    %rem3A = vector.broadcast %jit3A_206 : i32 to vector<256x4xi32>
    %rem3A_225 = arith.remsi %iota3A_205, %rem3A : vector<256x4xi32>
    %ne3A_226 = arith.constant 0 : i32
    %ne3A_227 = vector.broadcast %ne3A_226 : i32 to vector<256x4xi32>
    %ne3A_228 = arith.cmpi ne, %rem3A_225, %ne3A_227 : vector<256x4xi32>
    %and3A_229 = arith.andi %ne3A_224, %ne3A_228 : vector<256x4xi1>
    %sub3A_230 = arith.constant 1 : i32
    %sub3A_231 = vector.broadcast %sub3A_230 : i32 to vector<256x4xi32>
    %sub3A_232 = arith.subi %div3A_208, %sub3A_231 : vector<256x4xi32>
    %select_n3A_233 = arith.select %and3A_229, %sub3A_232, %div3A_208 : vector<256x4xi1>, vector<256x4xi32>
    %iota3A_234 = tpu.iota {dimensions = array<i32: 1>} : vector<256x4xi32>
    %eq3A_235 = arith.cmpi eq, %select_n3A_233, %iota3A_234 : vector<256x4xi32>
    %convert_element_type3A_236 = arith.extui %eq3A_235 : vector<256x4xi1> to vector<256x4xi32>
    %convert_element_type3A_237 = arith.sitofp %convert_element_type3A_236 : vector<256x4xi32> to vector<256x4xf32>
    %dot_general3A_238 = arith.constant dense<0.000000e+00> : vector<16x4xf32>
    %dot_general3A_239 = tpu.matmul %add3A_204, %convert_element_type3A_237, %dot_general3A_238 {dimension_numbers = #tpu.dot_dimension_numbers<[1], [0], [0], [1], [0, 0, 1, 1], [], []>, transpose_lhs_hint = false} : vector<16x256xf32>, vector<256x4xf32>, vector<16x4xf32> -> vector<16x4xf32>
    %convert_element_type3A_240 = arith.fptosi %dot_general3A_239 : vector<16x4xf32> to vector<16x4xi32>
    %reshape3A_241 = vector.shape_cast %convert_element_type3A_240 : vector<16x4xi32> to vector<1x16x4xi32>
    %swap3A_242 = arith.constant 0 : index
    %swap3A_243 = arith.constant 0 : index
    %swap3A_244 = arith.constant 0 : index
    %swap3A_245 = vector.load %arg12[%swap3A_242, %swap3A_243, %swap3A_244] : memref<1x16x4xi32, #tpu.memory_space<vmem>>, vector<1x16x4xi32>
    tpu.vector_store %arg12[%swap3A_242, %swap3A_243, %swap3A_244], %reshape3A_241 {strides = array<i32>} : memref<1x16x4xi32, #tpu.memory_space<vmem>>, vector<1x16x4xi32>,
    %broadcast_in_dim3A_246 = arith.constant 0.000000e+00 : f32
    %broadcast_in_dim3A_247 = vector.broadcast %broadcast_in_dim3A_246 : f32 to vector<8x256xf32>
    %concatenate3A = tpu.concatenate %div3A_197, %broadcast_in_dim3A_247 in 0 : vector<8x256xf32>, vector<8x256xf32> -> vector<16x256xf32>
    %dot_general3A_248 = arith.constant dense<0.000000e+00> : vector<16x4xf32>
    %dot_general3A_249 = tpu.matmul %concatenate3A, %convert_element_type3A_237, %dot_general3A_248 {dimension_numbers = #tpu.dot_dimension_numbers<[1], [0], [0], [1], [0, 0, 1, 1], [], []>, transpose_lhs_hint = false} : vector<16x256xf32>, vector<256x4xf32>, vector<16x4xf32> -> vector<16x4xf32>
    %reshape3A_250 = vector.shape_cast %dot_general3A_249 : vector<16x4xf32> to vector<1x16x4xf32>
    %swap3A_251 = arith.constant 0 : index
    %swap3A_252 = arith.constant 0 : index
    %swap3A_253 = arith.constant 0 : index
    %swap3A_254 = vector.load %arg13[%swap3A_251, %swap3A_252, %swap3A_253] : memref<1x16x4xf32, #tpu.memory_space<vmem>>, vector<1x16x4xf32>
    tpu.vector_store %arg13[%swap3A_251, %swap3A_252, %swap3A_253], %reshape3A_250 {strides = array<i32>} : memref<1x16x4xf32, #tpu.memory_space<vmem>>, vector<1x16x4xf32>,
    return
  }
  func.func @transform_0(%arg0: i32) -> (i32, i32) {
    %c0_i32 = arith.constant 0 : i32
    %c0_i32_0 = arith.constant 0 : i32
    return %arg0, %c0_i32 : i32, i32
  }
  func.func @transform_1(%arg0: i32) -> (i32, i32) {
    %c0_i32 = arith.constant 0 : i32
    %c0_i32_0 = arith.constant 0 : i32
    return %arg0, %c0_i32 : i32, i32
  }
  func.func @transform_2(%arg0: i32) -> (i32, i32) {
    %c0_i32 = arith.constant 0 : i32
    %c0_i32_0 = arith.constant 0 : i32
    %c0_i32_1 = arith.constant 0 : i32
    return %c0_i32, %c0_i32_0 : i32, i32
  }
  func.func @transform_3(%arg0: i32) -> (i32, i32) {
    %c0_i32 = arith.constant 0 : i32
    %c0_i32_0 = arith.constant 0 : i32
    %c0_i32_1 = arith.constant 0 : i32
    return %c0_i32, %c0_i32_0 : i32, i32
  }
  func.func @transform_4(%arg0: i32) -> (i32, i32) {
    %c0_i32 = arith.constant 0 : i32
    %c0_i32_0 = arith.constant 0 : i32
    %c0_i32_1 = arith.constant 0 : i32
    return %c0_i32, %c0_i32_0 : i32, i32
  }
  func.func @transform_5(%arg0: i32) -> (i32, i32) {
    %c0_i32 = arith.constant 0 : i32
    %c0_i32_0 = arith.constant 0 : i32
    return %arg0, %c0_i32 : i32, i32
  }
  func.func @transform_6(%arg0: i32) -> (i32, i32) {
    %c0_i32 = arith.constant 0 : i32
    %c0_i32_0 = arith.constant 0 : i32
    return %arg0, %c0_i32 : i32, i32
  }
  func.func @transform_7(%arg0: i32) -> (i32, i32, i32) {
    %c0_i32 = arith.constant 0 : i32
    %c0_i32_0 = arith.constant 0 : i32
    %c0_i32_1 = arith.constant 0 : i32
    return %arg0, %c0_i32, %c0_i32_0 : i32, i32, i32
  }
  func.func @transform_8(%arg0: i32) -> (i32, i32, i32) {
    %c0_i32 = arith.constant 0 : i32
    %c0_i32_0 = arith.constant 0 : i32
    %c0_i32_1 = arith.constant 0 : i32
    return %arg0, %c0_i32, %c0_i32_0 : i32, i32, i32
  }
  func.func @transform_9(%arg0: i32) -> (i32, i32, i32) {
    %c0_i32 = arith.constant 0 : i32
    %c0_i32_0 = arith.constant 0 : i32
    %c0_i32_1 = arith.constant 0 : i32
    return %arg0, %c0_i32, %c0_i32_0 : i32, i32, i32
  }
  func.func @transform_10(%arg0: i32) -> (i32, i32, i32) {
    %c0_i32 = arith.constant 0 : i32
    %c0_i32_0 = arith.constant 0 : i32
    %c0_i32_1 = arith.constant 0 : i32
    return %arg0, %c0_i32, %c0_i32_0 : i32, i32, i32
  }
  func.func @transform_11(%arg0: i32) -> (i32, i32, i32) {
    %c0_i32 = arith.constant 0 : i32
    %c0_i32_0 = arith.constant 0 : i32
    %c0_i32_1 = arith.constant 0 : i32
    return %arg0, %c0_i32, %c0_i32_0 : i32, i32, i32
  }
  func.func @transform_12(%arg0: i32) -> (i32, i32, i32) {
    %c0_i32 = arith.constant 0 : i32
    %c0_i32_0 = arith.constant 0 : i32
    %c0_i32_1 = arith.constant 0 : i32
    return %arg0, %c0_i32, %c0_i32_0 : i32, i32, i32
  }
}

module attributes {stable_mosaic.version = 14 : i64} {
  func.func @_a2_body(%arg0: i32, %arg1: i32, %arg2: memref<512x128xf32, #tpu.memory_space<vmem>>, %arg3: memref<2048x128xf32, #tpu.memory_space<vmem>>, %arg4: memref<2048x128xf32, #tpu.memory_space<vmem>>, %arg5: memref<512x128xf32, #tpu.memory_space<vmem>>) attributes {dimension_semantics = [#tpu.dimension_semantics<arbitrary>, #tpu.dimension_semantics<arbitrary>], iteration_bounds = array<i64: 8, 4>, scalar_prefetch = 0 : i64, scratch_operands = 0 : i64, tpu.core_type = #tpu.core_type<tc>, window_params = [{transform_indices = @transform_0, window_bounds = array<i64: 512, 128>}, {transform_indices = @transform_1, window_bounds = array<i64: 2048, 128>}, {transform_indices = @transform_2, window_bounds = array<i64: 2048, 128>}, {transform_indices = @transform_3, window_bounds = array<i64: 512, 128>}]} {
    %get3A = arith.constant 0 : index
    %get3A_0 = arith.constant 0 : index
    %get3A_1 = vector.load %arg2[%get3A, %get3A_0] : memref<512x128xf32, #tpu.memory_space<vmem>>, vector<512x128xf32>
    %mul3A = arith.constant 1.250000e-01 : f32
    %mul3A_2 = vector.broadcast %mul3A : f32 to vector<512x128xf32>
    %mul3A_3 = arith.mulf %get3A_1, %mul3A_2 : vector<512x128xf32>
    %get3A_4 = arith.constant 0 : index
    %get3A_5 = arith.constant 0 : index
    %get3A_6 = vector.load %arg3[%get3A_4, %get3A_5] : memref<2048x128xf32, #tpu.memory_space<vmem>>, vector<2048x128xf32>
    %get3A_7 = arith.constant 0 : index
    %get3A_8 = arith.constant 0 : index
    %get3A_9 = vector.load %arg4[%get3A_7, %get3A_8] : memref<2048x128xf32, #tpu.memory_space<vmem>>, vector<2048x128xf32>
    %slice3A = vector.extract_strided_slice %mul3A_3 {offsets = [0, 0], sizes = [512, 64], strides = [1, 1]} : vector<512x128xf32> to vector<512x64xf32>
    %slice3A_10 = vector.extract_strided_slice %get3A_6 {offsets = [0, 0], sizes = [2048, 64], strides = [1, 1]} : vector<2048x128xf32> to vector<2048x64xf32>
    %slice3A_11 = vector.extract_strided_slice %get3A_9 {offsets = [0, 0], sizes = [2048, 64], strides = [1, 1]} : vector<2048x128xf32> to vector<2048x64xf32>
    %dot_general3A = arith.constant dense<0.000000e+00> : vector<512x2048xf32>
    %dot_general3A_12 = tpu.matmul %slice3A, %slice3A_10, %dot_general3A {dimension_numbers = #tpu.dot_dimension_numbers<[1], [1], [0], [0], [0, 0, 1, 0], [], []>, transpose_lhs_hint = false} : vector<512x64xf32>, vector<2048x64xf32>, vector<512x2048xf32> -> vector<512x2048xf32>
    %exp3A = math.exp %dot_general3A_12 : vector<512x2048xf32>
    %reduce_sum3A = arith.constant dense<0.000000e+00> : vector<512xf32>
    %reduce_sum3A_13 = vector.multi_reduction <add>, %exp3A, %reduce_sum3A [1] : vector<512x2048xf32> to vector<512xf32>
    %broadcast_in_dim3A = vector.shape_cast %reduce_sum3A_13 : vector<512xf32> to vector<512x1xf32>
    %dot_general3A_14 = arith.constant dense<0.000000e+00> : vector<512x64xf32>
    %dot_general3A_15 = tpu.matmul %exp3A, %slice3A_11, %dot_general3A_14 {dimension_numbers = #tpu.dot_dimension_numbers<[1], [0], [0], [1], [0, 0, 1, 1], [], []>, transpose_lhs_hint = false} : vector<512x2048xf32>, vector<2048x64xf32>, vector<512x64xf32> -> vector<512x64xf32>
    %div3A = arith.constant 1.000000e+00 : f32
    %div3A_16 = vector.broadcast %div3A : f32 to vector<512x1xf32>
    %div3A_17 = arith.divf %div3A_16, %broadcast_in_dim3A : vector<512x1xf32>
    %mul3A_18 = vector.broadcast %div3A_17 : vector<512x1xf32> to vector<512x64xf32>
    %mul3A_19 = arith.mulf %dot_general3A_15, %mul3A_18 : vector<512x64xf32>
    %slice3A_20 = vector.extract_strided_slice %mul3A_3 {offsets = [0, 64], sizes = [512, 64], strides = [1, 1]} : vector<512x128xf32> to vector<512x64xf32>
    %slice3A_21 = vector.extract_strided_slice %get3A_6 {offsets = [0, 64], sizes = [2048, 64], strides = [1, 1]} : vector<2048x128xf32> to vector<2048x64xf32>
    %slice3A_22 = vector.extract_strided_slice %get3A_9 {offsets = [0, 64], sizes = [2048, 64], strides = [1, 1]} : vector<2048x128xf32> to vector<2048x64xf32>
    %dot_general3A_23 = arith.constant dense<0.000000e+00> : vector<512x2048xf32>
    %dot_general3A_24 = tpu.matmul %slice3A_20, %slice3A_21, %dot_general3A_23 {dimension_numbers = #tpu.dot_dimension_numbers<[1], [1], [0], [0], [0, 0, 1, 0], [], []>, transpose_lhs_hint = false} : vector<512x64xf32>, vector<2048x64xf32>, vector<512x2048xf32> -> vector<512x2048xf32>
    %exp3A_25 = math.exp %dot_general3A_24 : vector<512x2048xf32>
    %reduce_sum3A_26 = arith.constant dense<0.000000e+00> : vector<512xf32>
    %reduce_sum3A_27 = vector.multi_reduction <add>, %exp3A_25, %reduce_sum3A_26 [1] : vector<512x2048xf32> to vector<512xf32>
    %broadcast_in_dim3A_28 = vector.shape_cast %reduce_sum3A_27 : vector<512xf32> to vector<512x1xf32>
    %dot_general3A_29 = arith.constant dense<0.000000e+00> : vector<512x64xf32>
    %dot_general3A_30 = tpu.matmul %exp3A_25, %slice3A_22, %dot_general3A_29 {dimension_numbers = #tpu.dot_dimension_numbers<[1], [0], [0], [1], [0, 0, 1, 1], [], []>, transpose_lhs_hint = false} : vector<512x2048xf32>, vector<2048x64xf32>, vector<512x64xf32> -> vector<512x64xf32>
    %div3A_31 = arith.constant 1.000000e+00 : f32
    %div3A_32 = vector.broadcast %div3A_31 : f32 to vector<512x1xf32>
    %div3A_33 = arith.divf %div3A_32, %broadcast_in_dim3A_28 : vector<512x1xf32>
    %mul3A_34 = vector.broadcast %div3A_33 : vector<512x1xf32> to vector<512x64xf32>
    %mul3A_35 = arith.mulf %dot_general3A_30, %mul3A_34 : vector<512x64xf32>
    %concatenate3A = tpu.concatenate %mul3A_19, %mul3A_35 in 1 : vector<512x64xf32>, vector<512x64xf32> -> vector<512x128xf32>
    %swap3A = arith.constant 0 : index
    %swap3A_36 = arith.constant 0 : index
    %swap3A_37 = vector.load %arg5[%swap3A, %swap3A_36] : memref<512x128xf32, #tpu.memory_space<vmem>>, vector<512x128xf32>
    tpu.vector_store %arg5[%swap3A, %swap3A_36], %concatenate3A {strides = array<i32>} : memref<512x128xf32, #tpu.memory_space<vmem>>, vector<512x128xf32>,
    return
  }
  func.func @transform_0(%arg0: i32, %arg1: i32) -> (i32, i32) {
    %c0_i32 = arith.constant 0 : i32
    return %arg1, %arg0 : i32, i32
  }
  func.func @transform_1(%arg0: i32, %arg1: i32) -> (i32, i32) {
    %c0_i32 = arith.constant 0 : i32
    %c0_i32_0 = arith.constant 0 : i32
    return %c0_i32, %arg0 : i32, i32
  }
  func.func @transform_2(%arg0: i32, %arg1: i32) -> (i32, i32) {
    %c0_i32 = arith.constant 0 : i32
    %c0_i32_0 = arith.constant 0 : i32
    return %c0_i32, %arg0 : i32, i32
  }
  func.func @transform_3(%arg0: i32, %arg1: i32) -> (i32, i32) {
    %c0_i32 = arith.constant 0 : i32
    return %arg1, %arg0 : i32, i32
  }
}

module attributes {stable_mosaic.version = 14 : i64} {
  func.func @_a1_body(%arg0: i32, %arg1: memref<256x1024xf32, #tpu.memory_space<vmem>>, %arg2: memref<1x1024xf32, #tpu.memory_space<vmem>>, %arg3: memref<1024x1024xf32, #tpu.memory_space<vmem>>, %arg4: memref<1024x1024xf32, #tpu.memory_space<vmem>>, %arg5: memref<1024x1024xf32, #tpu.memory_space<vmem>>, %arg6: memref<256x1024xf32, #tpu.memory_space<vmem>>, %arg7: memref<256x1024xf32, #tpu.memory_space<vmem>>, %arg8: memref<256x1024xf32, #tpu.memory_space<vmem>>) attributes {dimension_semantics = [#tpu.dimension_semantics<arbitrary>], iteration_bounds = array<i64: 8>, scalar_prefetch = 0 : i64, scratch_operands = 0 : i64, tpu.core_type = #tpu.core_type<tc>, window_params = [{transform_indices = @transform_0, window_bounds = array<i64: 256, 1024>}, {pipeline_mode = #tpu.pipeline_mode<synchronous>, transform_indices = @transform_1, window_bounds = array<i64: 1, 1024>}, {pipeline_mode = #tpu.pipeline_mode<synchronous>, transform_indices = @transform_2, window_bounds = array<i64: 1024, 1024>}, {pipeline_mode = #tpu.pipeline_mode<synchronous>, transform_indices = @transform_3, window_bounds = array<i64: 1024, 1024>}, {pipeline_mode = #tpu.pipeline_mode<synchronous>, transform_indices = @transform_4, window_bounds = array<i64: 1024, 1024>}, {transform_indices = @transform_5, window_bounds = array<i64: 256, 1024>}, {transform_indices = @transform_6, window_bounds = array<i64: 256, 1024>}, {transform_indices = @transform_7, window_bounds = array<i64: 256, 1024>}]} {
    %get3A = arith.constant 0 : index
    %get3A_0 = arith.constant 0 : index
    %get3A_1 = vector.load %arg1[%get3A, %get3A_0] : memref<256x1024xf32, #tpu.memory_space<vmem>>, vector<256x1024xf32>
    %get3A_2 = arith.constant 0 : index
    %get3A_3 = arith.constant 0 : index
    %get3A_4 = vector.load %arg2[%get3A_2, %get3A_3] : memref<1x1024xf32, #tpu.memory_space<vmem>>, vector<1x1024xf32>
    %mul3A = arith.mulf %get3A_1, %get3A_1 : vector<256x1024xf32>
    %reduce_sum3A = arith.constant dense<0.000000e+00> : vector<256xf32>
    %reduce_sum3A_5 = vector.multi_reduction <add>, %mul3A, %reduce_sum3A [1] : vector<256x1024xf32> to vector<256xf32>
    %broadcast_in_dim3A = vector.shape_cast %reduce_sum3A_5 : vector<256xf32> to vector<256x1xf32>
    %div3A = arith.constant 1.024000e+03 : f32
    %div3A_6 = vector.broadcast %div3A : f32 to vector<256x1xf32>
    %div3A_7 = arith.divf %broadcast_in_dim3A, %div3A_6 : vector<256x1xf32>
    %add3A = arith.constant 9.99999997E-7 : f32
    %add3A_8 = vector.broadcast %add3A : f32 to vector<256x1xf32>
    %add3A_9 = arith.addf %div3A_7, %add3A_8 : vector<256x1xf32>
    %rsqrt3A = math.rsqrt %add3A_9 : vector<256x1xf32>
    %mul3A_10 = vector.broadcast %rsqrt3A : vector<256x1xf32> to vector<256x1024xf32>
    %mul3A_11 = arith.mulf %get3A_1, %mul3A_10 : vector<256x1024xf32>
    %mul3A_12 = vector.broadcast %get3A_4 : vector<1x1024xf32> to vector<256x1024xf32>
    %mul3A_13 = arith.mulf %mul3A_11, %mul3A_12 : vector<256x1024xf32>
    %get3A_14 = arith.constant 0 : index
    %get3A_15 = arith.constant 0 : index
    %get3A_16 = vector.load %arg3[%get3A_14, %get3A_15] : memref<1024x1024xf32, #tpu.memory_space<vmem>>, vector<1024x1024xf32>
    %dot_general3A = arith.constant dense<0.000000e+00> : vector<256x1024xf32>
    %dot_general3A_17 = tpu.matmul %mul3A_13, %get3A_16, %dot_general3A {dimension_numbers = #tpu.dot_dimension_numbers<[1], [0], [0], [1], [0, 0, 1, 1], [], []>, transpose_lhs_hint = false} : vector<256x1024xf32>, vector<1024x1024xf32>, vector<256x1024xf32> -> vector<256x1024xf32>
    %swap3A = arith.constant 0 : index
    %swap3A_18 = arith.constant 0 : index
    %swap3A_19 = vector.load %arg6[%swap3A, %swap3A_18] : memref<256x1024xf32, #tpu.memory_space<vmem>>, vector<256x1024xf32>
    tpu.vector_store %arg6[%swap3A, %swap3A_18], %dot_general3A_17 {strides = array<i32>} : memref<256x1024xf32, #tpu.memory_space<vmem>>, vector<256x1024xf32>,
    %get3A_20 = arith.constant 0 : index
    %get3A_21 = arith.constant 0 : index
    %get3A_22 = vector.load %arg4[%get3A_20, %get3A_21] : memref<1024x1024xf32, #tpu.memory_space<vmem>>, vector<1024x1024xf32>
    %dot_general3A_23 = arith.constant dense<0.000000e+00> : vector<256x1024xf32>
    %dot_general3A_24 = tpu.matmul %mul3A_13, %get3A_22, %dot_general3A_23 {dimension_numbers = #tpu.dot_dimension_numbers<[1], [0], [0], [1], [0, 0, 1, 1], [], []>, transpose_lhs_hint = false} : vector<256x1024xf32>, vector<1024x1024xf32>, vector<256x1024xf32> -> vector<256x1024xf32>
    %swap3A_25 = arith.constant 0 : index
    %swap3A_26 = arith.constant 0 : index
    %swap3A_27 = vector.load %arg7[%swap3A_25, %swap3A_26] : memref<256x1024xf32, #tpu.memory_space<vmem>>, vector<256x1024xf32>
    tpu.vector_store %arg7[%swap3A_25, %swap3A_26], %dot_general3A_24 {strides = array<i32>} : memref<256x1024xf32, #tpu.memory_space<vmem>>, vector<256x1024xf32>,
    %get3A_28 = arith.constant 0 : index
    %get3A_29 = arith.constant 0 : index
    %get3A_30 = vector.load %arg5[%get3A_28, %get3A_29] : memref<1024x1024xf32, #tpu.memory_space<vmem>>, vector<1024x1024xf32>
    %dot_general3A_31 = arith.constant dense<0.000000e+00> : vector<256x1024xf32>
    %dot_general3A_32 = tpu.matmul %mul3A_13, %get3A_30, %dot_general3A_31 {dimension_numbers = #tpu.dot_dimension_numbers<[1], [0], [0], [1], [0, 0, 1, 1], [], []>, transpose_lhs_hint = false} : vector<256x1024xf32>, vector<1024x1024xf32>, vector<256x1024xf32> -> vector<256x1024xf32>
    %swap3A_33 = arith.constant 0 : index
    %swap3A_34 = arith.constant 0 : index
    %swap3A_35 = vector.load %arg8[%swap3A_33, %swap3A_34] : memref<256x1024xf32, #tpu.memory_space<vmem>>, vector<256x1024xf32>
    tpu.vector_store %arg8[%swap3A_33, %swap3A_34], %dot_general3A_32 {strides = array<i32>} : memref<256x1024xf32, #tpu.memory_space<vmem>>, vector<256x1024xf32>,
    return
  }
  func.func @transform_0(%arg0: i32) -> (i32, i32) {
    %c0_i32 = arith.constant 0 : i32
    %c0_i32_0 = arith.constant 0 : i32
    return %arg0, %c0_i32 : i32, i32
  }
  func.func @transform_1(%arg0: i32) -> (i32, i32) {
    %c0_i32 = arith.constant 0 : i32
    %c0_i32_0 = arith.constant 0 : i32
    %c0_i32_1 = arith.constant 0 : i32
    return %c0_i32, %c0_i32_0 : i32, i32
  }
  func.func @transform_2(%arg0: i32) -> (i32, i32) {
    %c0_i32 = arith.constant 0 : i32
    %c0_i32_0 = arith.constant 0 : i32
    %c0_i32_1 = arith.constant 0 : i32
    return %c0_i32, %c0_i32_0 : i32, i32
  }
  func.func @transform_3(%arg0: i32) -> (i32, i32) {
    %c0_i32 = arith.constant 0 : i32
    %c0_i32_0 = arith.constant 0 : i32
    %c0_i32_1 = arith.constant 0 : i32
    return %c0_i32, %c0_i32_0 : i32, i32
  }
  func.func @transform_4(%arg0: i32) -> (i32, i32) {
    %c0_i32 = arith.constant 0 : i32
    %c0_i32_0 = arith.constant 0 : i32
    %c0_i32_1 = arith.constant 0 : i32
    return %c0_i32, %c0_i32_0 : i32, i32
  }
  func.func @transform_5(%arg0: i32) -> (i32, i32) {
    %c0_i32 = arith.constant 0 : i32
    %c0_i32_0 = arith.constant 0 : i32
    return %arg0, %c0_i32 : i32, i32
  }
  func.func @transform_6(%arg0: i32) -> (i32, i32) {
    %c0_i32 = arith.constant 0 : i32
    %c0_i32_0 = arith.constant 0 : i32
    return %arg0, %c0_i32 : i32, i32
  }
  func.func @transform_7(%arg0: i32) -> (i32, i32) {
    %c0_i32 = arith.constant 0 : i32
    %c0_i32_0 = arith.constant 0 : i32
    return %arg0, %c0_i32 : i32, i32
  }
}

module attributes {stable_mosaic.version = 14 : i64} {
  func.func @_b_body(%arg0: i32, %arg1: memref<2x32xi32, #tpu.memory_space<smem>>, %arg2: memref<256x1024xf32, #tpu.memory_space<vmem>>, %arg3: memref<1x1024x512xf32, #tpu.memory_space<vmem>>, %arg4: memref<1x1024x512xf32, #tpu.memory_space<vmem>>, %arg5: memref<1x512x1024xf32, #tpu.memory_space<vmem>>, %arg6: memref<256x1024xf32, #tpu.memory_space<vmem>>) attributes {dimension_semantics = [#tpu.dimension_semantics<arbitrary>], iteration_bounds = array<i64: 24>, scalar_prefetch = 1 : i64, scratch_operands = 0 : i64, tpu.core_type = #tpu.core_type<tc>, window_params = [{transform_indices = @transform_0, window_bounds = array<i64: 256, 1024>}, {transform_indices = @transform_1, window_bounds = array<i64: 1, 1024, 512>}, {transform_indices = @transform_2, window_bounds = array<i64: 1, 1024, 512>}, {transform_indices = @transform_3, window_bounds = array<i64: 1, 512, 1024>}, {transform_indices = @transform_4, window_bounds = array<i64: 256, 1024>}]} {
    %get3A = arith.constant 1 : index
    %get3A_0 = arith.index_cast %arg0 : i32 to index
    %get3A_1 = memref.load %arg1[%get3A, %get3A_0] : memref<2x32xi32, #tpu.memory_space<smem>>
    %eq3A = arith.constant 1 : i32
    %eq3A_2 = arith.cmpi eq, %get3A_1, %eq3A : i32
    %convert_element_type3A = arith.extui %eq3A_2 : i1 to i32
    %cond3A = arith.constant 0 : i32
    %cond3A_3 = arith.cmpi ne, %convert_element_type3A, %cond3A : i32
    scf.if %cond3A_3 {
      %get3A_4 = arith.constant 0 : index
      %get3A_5 = arith.constant 0 : index
      %get3A_6 = vector.load %arg2[%get3A_4, %get3A_5] : memref<256x1024xf32, #tpu.memory_space<vmem>>, vector<256x1024xf32>
      %get3A_7 = arith.constant 0 : index
      %get3A_8 = arith.constant 0 : index
      %get3A_9 = arith.constant 0 : index
      %get3A_10 = vector.load %arg3[%get3A_7, %get3A_8, %get3A_9] : memref<1x1024x512xf32, #tpu.memory_space<vmem>>, vector<1x1024x512xf32>
      %get3A_11 = vector.shape_cast %get3A_10 : vector<1x1024x512xf32> to vector<1024x512xf32>
      %dot_general3A = arith.constant dense<0.000000e+00> : vector<256x512xf32>
      %dot_general3A_12 = tpu.matmul %get3A_6, %get3A_11, %dot_general3A {dimension_numbers = #tpu.dot_dimension_numbers<[1], [0], [0], [1], [0, 0, 1, 1], [], []>, transpose_lhs_hint = false} : vector<256x1024xf32>, vector<1024x512xf32>, vector<256x512xf32> -> vector<256x512xf32>
      %get3A_13 = arith.constant 0 : index
      %get3A_14 = arith.constant 0 : index
      %get3A_15 = arith.constant 0 : index
      %get3A_16 = vector.load %arg4[%get3A_13, %get3A_14, %get3A_15] : memref<1x1024x512xf32, #tpu.memory_space<vmem>>, vector<1x1024x512xf32>
      %get3A_17 = vector.shape_cast %get3A_16 : vector<1x1024x512xf32> to vector<1024x512xf32>
      %dot_general3A_18 = arith.constant dense<0.000000e+00> : vector<256x512xf32>
      %dot_general3A_19 = tpu.matmul %get3A_6, %get3A_17, %dot_general3A_18 {dimension_numbers = #tpu.dot_dimension_numbers<[1], [0], [0], [1], [0, 0, 1, 1], [], []>, transpose_lhs_hint = false} : vector<256x1024xf32>, vector<1024x512xf32>, vector<256x512xf32> -> vector<256x512xf32>
      %neg3A = arith.constant 0.000000e+00 : f32
      %neg3A_20 = vector.broadcast %neg3A : f32 to vector<256x512xf32>
      %neg3A_21 = arith.subf %neg3A_20, %dot_general3A_12 : vector<256x512xf32>
      %exp3A = math.exp %neg3A_21 : vector<256x512xf32>
      %add3A = arith.constant 1.000000e+00 : f32
      %add3A_22 = vector.broadcast %add3A : f32 to vector<256x512xf32>
      %add3A_23 = arith.addf %add3A_22, %exp3A : vector<256x512xf32>
      %div3A = arith.constant 1.000000e+00 : f32
      %div3A_24 = vector.broadcast %div3A : f32 to vector<256x512xf32>
      %div3A_25 = arith.divf %div3A_24, %add3A_23 : vector<256x512xf32>
      %mul3A = arith.mulf %dot_general3A_12, %div3A_25 : vector<256x512xf32>
      %mul3A_26 = arith.mulf %mul3A, %dot_general3A_19 : vector<256x512xf32>
      %get3A_27 = arith.constant 0 : index
      %get3A_28 = arith.constant 0 : index
      %get3A_29 = arith.constant 0 : index
      %get3A_30 = vector.load %arg5[%get3A_27, %get3A_28, %get3A_29] : memref<1x512x1024xf32, #tpu.memory_space<vmem>>, vector<1x512x1024xf32>
      %get3A_31 = vector.shape_cast %get3A_30 : vector<1x512x1024xf32> to vector<512x1024xf32>
      %dot_general3A_32 = arith.constant dense<0.000000e+00> : vector<256x1024xf32>
      %dot_general3A_33 = tpu.matmul %mul3A_26, %get3A_31, %dot_general3A_32 {dimension_numbers = #tpu.dot_dimension_numbers<[1], [0], [0], [1], [0, 0, 1, 1], [], []>, transpose_lhs_hint = false} : vector<256x512xf32>, vector<512x1024xf32>, vector<256x1024xf32> -> vector<256x1024xf32>
      %swap3A = arith.constant 0 : index
      %swap3A_34 = arith.constant 0 : index
      %swap3A_35 = vector.load %arg6[%swap3A, %swap3A_34] : memref<256x1024xf32, #tpu.memory_space<vmem>>, vector<256x1024xf32>
      tpu.vector_store %arg6[%swap3A, %swap3A_34], %dot_general3A_33 {strides = array<i32>} : memref<256x1024xf32, #tpu.memory_space<vmem>>, vector<256x1024xf32>,
    } else {
    }
    return
  }
  func.func @transform_0(%arg0: i32, %arg1: memref<2x32xi32, #tpu.memory_space<smem>>) -> (i32, i32) {
    %c0_i32 = arith.constant 0 : i32
    %c0_i32_0 = arith.constant 0 : i32
    return %arg0, %c0_i32 : i32, i32
  }
  func.func @transform_1(%arg0: i32, %arg1: memref<2x32xi32, #tpu.memory_space<smem>>) -> (i32, i32, i32) {
    %get3A = arith.constant 0 : index
    %get3A_0 = arith.index_cast %arg0 : i32 to index
    %get3A_1 = memref.load %arg1[%get3A, %get3A_0] : memref<2x32xi32, #tpu.memory_space<smem>>
    %c0_i32 = arith.constant 0 : i32
    %c0_i32_2 = arith.constant 0 : i32
    %c0_i32_3 = arith.constant 0 : i32
    return %get3A_1, %c0_i32, %c0_i32_2 : i32, i32, i32
  }
  func.func @transform_2(%arg0: i32, %arg1: memref<2x32xi32, #tpu.memory_space<smem>>) -> (i32, i32, i32) {
    %get3A = arith.constant 0 : index
    %get3A_0 = arith.index_cast %arg0 : i32 to index
    %get3A_1 = memref.load %arg1[%get3A, %get3A_0] : memref<2x32xi32, #tpu.memory_space<smem>>
    %c0_i32 = arith.constant 0 : i32
    %c0_i32_2 = arith.constant 0 : i32
    %c0_i32_3 = arith.constant 0 : i32
    return %get3A_1, %c0_i32, %c0_i32_2 : i32, i32, i32
  }
  func.func @transform_3(%arg0: i32, %arg1: memref<2x32xi32, #tpu.memory_space<smem>>) -> (i32, i32, i32) {
    %get3A = arith.constant 0 : index
    %get3A_0 = arith.index_cast %arg0 : i32 to index
    %get3A_1 = memref.load %arg1[%get3A, %get3A_0] : memref<2x32xi32, #tpu.memory_space<smem>>
    %c0_i32 = arith.constant 0 : i32
    %c0_i32_2 = arith.constant 0 : i32
    %c0_i32_3 = arith.constant 0 : i32
    return %get3A_1, %c0_i32, %c0_i32_2 : i32, i32, i32
  }
  func.func @transform_4(%arg0: i32, %arg1: memref<2x32xi32, #tpu.memory_space<smem>>) -> (i32, i32) {
    %c0_i32 = arith.constant 0 : i32
    %c0_i32_0 = arith.constant 0 : i32
    return %arg0, %c0_i32 : i32, i32
  }
}

module attributes {stable_mosaic.version = 14 : i64} {
  func.func @_c_body(%arg0: i32, %arg1: memref<256x1024xf32, #tpu.memory_space<vmem>>, %arg2: memref<256x1024xf32, #tpu.memory_space<vmem>>, %arg3: memref<256x1024xf32, #tpu.memory_space<vmem>>, %arg4: memref<1x256x1xf32, #tpu.memory_space<vmem>>, %arg5: memref<1x256x1xf32, #tpu.memory_space<vmem>>, %arg6: memref<1x1024xf32, #tpu.memory_space<vmem>>, %arg7: memref<256x1024xf32, #tpu.memory_space<vmem>>) attributes {dimension_semantics = [#tpu.dimension_semantics<arbitrary>], iteration_bounds = array<i64: 8>, scalar_prefetch = 0 : i64, scratch_operands = 0 : i64, tpu.core_type = #tpu.core_type<tc>, window_params = [{transform_indices = @transform_0, window_bounds = array<i64: 256, 1024>}, {transform_indices = @transform_1, window_bounds = array<i64: 256, 1024>}, {transform_indices = @transform_2, window_bounds = array<i64: 256, 1024>}, {transform_indices = @transform_3, window_bounds = array<i64: 1, 256, 1>}, {transform_indices = @transform_4, window_bounds = array<i64: 1, 256, 1>}, {pipeline_mode = #tpu.pipeline_mode<synchronous>, transform_indices = @transform_5, window_bounds = array<i64: 1, 1024>}, {transform_indices = @transform_6, window_bounds = array<i64: 256, 1024>}]} {
    %get3A = arith.constant 0 : index
    %get3A_0 = arith.constant 0 : index
    %get3A_1 = vector.load %arg1[%get3A, %get3A_0] : memref<256x1024xf32, #tpu.memory_space<vmem>>, vector<256x1024xf32>
    %get3A_2 = arith.constant 0 : index
    %get3A_3 = arith.constant 0 : index
    %get3A_4 = vector.load %arg2[%get3A_2, %get3A_3] : memref<256x1024xf32, #tpu.memory_space<vmem>>, vector<256x1024xf32>
    %get3A_5 = arith.constant 0 : index
    %get3A_6 = arith.constant 0 : index
    %get3A_7 = arith.constant 0 : index
    %get3A_8 = vector.load %arg4[%get3A_5, %get3A_6, %get3A_7] : memref<1x256x1xf32, #tpu.memory_space<vmem>>, vector<1x256x1xf32>
    %get3A_9 = vector.shape_cast %get3A_8 : vector<1x256x1xf32> to vector<256x1xf32>
    %mul3A = vector.broadcast %get3A_9 : vector<256x1xf32> to vector<256x1024xf32>
    %mul3A_10 = arith.mulf %get3A_4, %mul3A : vector<256x1024xf32>
    %add3A = arith.addf %get3A_1, %mul3A_10 : vector<256x1024xf32>
    %get3A_11 = arith.constant 0 : index
    %get3A_12 = arith.constant 0 : index
    %get3A_13 = vector.load %arg3[%get3A_11, %get3A_12] : memref<256x1024xf32, #tpu.memory_space<vmem>>, vector<256x1024xf32>
    %get3A_14 = arith.constant 0 : index
    %get3A_15 = arith.constant 0 : index
    %get3A_16 = arith.constant 0 : index
    %get3A_17 = vector.load %arg5[%get3A_14, %get3A_15, %get3A_16] : memref<1x256x1xf32, #tpu.memory_space<vmem>>, vector<1x256x1xf32>
    %get3A_18 = vector.shape_cast %get3A_17 : vector<1x256x1xf32> to vector<256x1xf32>
    %mul3A_19 = vector.broadcast %get3A_18 : vector<256x1xf32> to vector<256x1024xf32>
    %mul3A_20 = arith.mulf %get3A_13, %mul3A_19 : vector<256x1024xf32>
    %add3A_21 = arith.addf %add3A, %mul3A_20 : vector<256x1024xf32>
    %get3A_22 = arith.constant 0 : index
    %get3A_23 = arith.constant 0 : index
    %get3A_24 = vector.load %arg6[%get3A_22, %get3A_23] : memref<1x1024xf32, #tpu.memory_space<vmem>>, vector<1x1024xf32>
    %mul3A_25 = arith.mulf %add3A_21, %add3A_21 : vector<256x1024xf32>
    %reduce_sum3A = arith.constant dense<0.000000e+00> : vector<256xf32>
    %reduce_sum3A_26 = vector.multi_reduction <add>, %mul3A_25, %reduce_sum3A [1] : vector<256x1024xf32> to vector<256xf32>
    %broadcast_in_dim3A = vector.shape_cast %reduce_sum3A_26 : vector<256xf32> to vector<256x1xf32>
    %div3A = arith.constant 1.024000e+03 : f32
    %div3A_27 = vector.broadcast %div3A : f32 to vector<256x1xf32>
    %div3A_28 = arith.divf %broadcast_in_dim3A, %div3A_27 : vector<256x1xf32>
    %add3A_29 = arith.constant 9.99999997E-7 : f32
    %add3A_30 = vector.broadcast %add3A_29 : f32 to vector<256x1xf32>
    %add3A_31 = arith.addf %div3A_28, %add3A_30 : vector<256x1xf32>
    %rsqrt3A = math.rsqrt %add3A_31 : vector<256x1xf32>
    %mul3A_32 = vector.broadcast %rsqrt3A : vector<256x1xf32> to vector<256x1024xf32>
    %mul3A_33 = arith.mulf %add3A_21, %mul3A_32 : vector<256x1024xf32>
    %mul3A_34 = vector.broadcast %get3A_24 : vector<1x1024xf32> to vector<256x1024xf32>
    %mul3A_35 = arith.mulf %mul3A_33, %mul3A_34 : vector<256x1024xf32>
    %swap3A = arith.constant 0 : index
    %swap3A_36 = arith.constant 0 : index
    %swap3A_37 = vector.load %arg7[%swap3A, %swap3A_36] : memref<256x1024xf32, #tpu.memory_space<vmem>>, vector<256x1024xf32>
    tpu.vector_store %arg7[%swap3A, %swap3A_36], %mul3A_35 {strides = array<i32>} : memref<256x1024xf32, #tpu.memory_space<vmem>>, vector<256x1024xf32>,
    return
  }
  func.func @transform_0(%arg0: i32) -> (i32, i32) {
    %c0_i32 = arith.constant 0 : i32
    %c0_i32_0 = arith.constant 0 : i32
    return %arg0, %c0_i32 : i32, i32
  }
  func.func @transform_1(%arg0: i32) -> (i32, i32) {
    %c0_i32 = arith.constant 0 : i32
    %c0_i32_0 = arith.constant 0 : i32
    return %arg0, %c0_i32 : i32, i32
  }
  func.func @transform_2(%arg0: i32) -> (i32, i32) {
    %add3A = arith.constant 8 : i32
    %add3A_0 = arith.addi %arg0, %add3A : i32
    %c0_i32 = arith.constant 0 : i32
    %c0_i32_1 = arith.constant 0 : i32
    return %add3A_0, %c0_i32 : i32, i32
  }
  func.func @transform_3(%arg0: i32) -> (i32, i32, i32) {
    %c0_i32 = arith.constant 0 : i32
    %c0_i32_0 = arith.constant 0 : i32
    %c0_i32_1 = arith.constant 0 : i32
    return %c0_i32, %arg0, %c0_i32_0 : i32, i32, i32
  }
  func.func @transform_4(%arg0: i32) -> (i32, i32, i32) {
    %c1_i32 = arith.constant 1 : i32
    %c0_i32 = arith.constant 0 : i32
    %c0_i32_0 = arith.constant 0 : i32
    return %c1_i32, %arg0, %c0_i32 : i32, i32, i32
  }
  func.func @transform_5(%arg0: i32) -> (i32, i32) {
    %c0_i32 = arith.constant 0 : i32
    %c0_i32_0 = arith.constant 0 : i32
    %c0_i32_1 = arith.constant 0 : i32
    return %c0_i32, %c0_i32_0 : i32, i32
  }
  func.func @transform_6(%arg0: i32) -> (i32, i32) {
    %c0_i32 = arith.constant 0 : i32
    %c0_i32_0 = arith.constant 0 : i32
    return %arg0, %c0_i32 : i32, i32
  }
}

</mosaic_0001>

<sc_bundles>
// kernel: kernel.12.cloned.1.call-start
scs
__scs_entry_jumppad:
0x0: {  	(pc) =	sbr.rel $0x88, $3  }
0x1: {  	(tag) =	ssettag $0x0;
	lr =	simm.s32 $0x1  }
0x2: {  	[smem:$0x3F95] =	sst lr;
	_ =	strace $0xD0000000  }
0x3: {  	_ = 	snop  }
0x4: {  	_ = 	snop  }
0x5: {  	_ = 	snop  }
0x6: {  	_ = 	snop  }
0x7: {  	_ = 	snop  }
__scs_overlays_trampoline_lowered:
0x8: {  	[smem:$0x3FA4] =	sst s0  }
0x9: {  	[smem:$0x3FA5] =	sst s1  }
0xa: {  	[smem:$0x3FA6] =	sst s2  }
0xb: {  	[smem:$0x3FA7] =	sst s3  }
0xc: {  	[smem:$0x3FA8] =	sst s4  }
0xd: {  	[smem:$0x3FA9] =	sst s5  }
0xe: {  	[smem:$0x3FAA] =	sst s6  }
0xf: {  	[smem:$0x3FAB] =	sst s7  }
0x10: {  	[smem:$0x3FAC] =	sst s8  }
0x11: {  	[smem:$0x3FAD] =	sst s9;
	s0 =	simm.s32 @!p0 $0x0  }
0x12: {  	s1 =	sld [smem:$0x3F93];
	s0 =	simm.s32 @p0 $0x1  }
0x13: {  	[smem:$0x3FAE] =	sst s0;
	s0 =	simm.s32 @!p1 $0x0  }
0x14: {  	s2 =	sld [smem:$0x3F92];
	s0 =	simm.s32 @p1 $0x1  }
0x15: {  	[smem:$0x3FAF] =	sst s0;
	s0 =	simm.s32 @!p2 $0x0  }
0x16: {  	s3 =	sld [smem:$0x3FDB];
	s0 =	simm.s32 @p2 $0x1  }
0x17: {  	s4 =	simm.s32 $0x1BF5;
	[smem:$0x3FB1] =	sst s0  }
0x18: {  	s0 =	sld [smem:$0x3F94];
	_ =	swait.ge [sflag:s4], $0x0  }
0x19: {  	s7 =	sld [smem:$0x3F95]  }
0x1a: {  	s8 =	sadd.s32 $0xFFFFE003, lr  }
0x1b: {  	s9 =	sadd.s32 $0xFFFFFEF7, lr;
	s5 =	simm.s32 $0xFFFFFFFF;
	p2 =	slt.u32 s8, $0xFFFFF086  }
0x1c: {  	p1 =	slt.u32 s9, $0xF7A;
	s5 =	simm.s32 @!p2 $0x0  }
0x1d: {  	s5 =	simm.s32 @p1 $0x1;
	p0 =	seq.s32 s7, s2  }
0x1e: {  	s7 =	smul.u32 @!p0 $0xF7A, s2;
	p2 =	seq.s32 @!p0 s5, $0x0  }
0x1f: {  	s9 =	smul.u32 $0xF7A, s1;
	s8 =	simm.s32 @!p0 $0x1BF5;
	p2 =	por !p2, p0  }
0x20: {  	[sflag:s8] =	ssyncset.s32 @!p0 $0xFFFFF086;
	s6 =	sadd.s32 @!p0 s3, s7;
	s7 =	simm.s32 @!p0 $0x108  }
0x21: {  	s3 =	sadd.s32 s3, s9;
	s6 =	sadd.s32 @!p0 $0x88, s6;
	s7 =	simm.s32 @p2 $0x1082  }
0x22: {  	[simem:s7], [sflag:s8] =	dma.local @!p0 [hbm:s6], $0xF7A  }
0x23: {  	s9 =	sor.u32 $0xD0000000, s2;
	s6 =	simm.s32 $0x108;
	_ =	swait.ge @!p0 [sflag:s8], $0x0  }
0x24: {  	s3 =	sadd.s32 $0x88, s3;
	s6 =	simm.s32 @!p1 $0x1082;
	[sflag:s4] =	ssyncset.s32 $0xFFFFF086  }
0x25: {  	[simem:s6], [sflag:s4] =	dma.local [hbm:s3], $0xF7A  }
0x26: {  	[smem:$0x3F95] =	sst s1;
	(tag) =	ssettag s2;
	_ =	strace s9  }
0x27: {  	s1 =	sld [smem:$0x3FA5]  }
0x28: {  	s2 =	sld [smem:$0x3FA6]  }
0x29: {  	s4 =	sld [smem:$0x3FA8]  }
0x2a: {  	p0 =	seq.s32 s5, $0x0;
	s5 =	sld [smem:$0x3FA9]  }
0x2b: {  	s6 =	sld [smem:$0x3FAA]  }
0x2c: {  	s7 =	sld [smem:$0x3FAB]  }
0x2d: {  	s3 =	simm.s32 $0x108;
	s8 =	sld [smem:$0x3FAC]  }
0x2e: {  	s3 =	simm.s32 @!p0 $0x1082;
	s9 =	sld [smem:$0x3FAD]  }
0x2f: {  	lr =	sadd.s32 s0, s3;
	s0 =	sld [smem:$0x3FA4]  }
0x30: {  	s3 =	sld [smem:$0x3FA7]  }
0x31: {  	[smem:$0x3FB0] =	sst s10  }
0x32: {  	s10 =	sld [smem:$0x3FAE];
	_ =	sdelay $0x3  }
0x33: {  	p0 =	seq.s32 s10, $0x1;
	s10 =	sld [smem:$0x3FB0];
	_ =	sdelay $0x3  }
0x34: {  	[smem:$0x3FB0] =	sst s10  }
0x35: {  	s10 =	sld [smem:$0x3FAF];
	_ =	sdelay $0x3  }
0x36: {  	p1 =	seq.s32 s10, $0x1;
	s10 =	sld [smem:$0x3FB0];
	_ =	sdelay $0x3  }
0x37: {  	[smem:$0x3FB0] =	sst s10  }
0x38: {  	s10 =	sld [smem:$0x3FB1]  }
0x39: {  	_ = 	snop;
	(pc) =	sbr.ind lr, $3  }
0x3a: {  	_ = 	snop  }
0x3b: {  	_ = 	snop  }
0x3c: {  	p2 =	seq.s32 s10, $0x1;
	s10 =	sld [smem:$0x3FB0]  }
0x3d: {  	_ =	shalt  }
0x3e: {  	_ =	shalt  }
0x3f: {  	_ =	shalt  }
0x40: {  	_ =	shalt  }
0x41: {  	_ =	shalt  }
0x42: {  	_ =	shalt  }
0x43: {  	_ =	shalt  }
0x44: {  	_ =	shalt  }
0x45: {  	_ =	shalt  }
0x46: {  	_ =	shalt  }
0x47: {  	_ =	shalt  }
0x48: {  	_ =	shalt  }
0x49: {  	_ =	shalt  }
0x4a: {  	_ =	shalt  }
0x4b: {  	_ =	shalt  }
0x4c: {  	_ =	shalt  }
0x4d: {  	_ =	shalt  }
0x4e: {  	_ =	shalt  }
0x4f: {  	_ =	shalt  }
0x50: {  	_ =	shalt  }
0x51: {  	_ =	shalt  }
0x52: {  	_ =	shalt  }
0x53: {  	_ =	shalt  }
0x54: {  	_ =	shalt  }
0x55: {  	_ =	shalt  }
0x56: {  	_ =	shalt  }
0x57: {  	_ =	shalt  }
0x58: {  	_ =	shalt  }
0x59: {  	_ =	shalt  }
0x5a: {  	_ =	shalt  }
0x5b: {  	_ =	shalt  }
0x5c: {  	_ =	shalt  }
0x5d: {  	_ =	shalt  }
0x5e: {  	_ =	shalt  }
0x5f: {  	_ =	shalt  }
0x60: {  	_ =	shalt  }
0x61: {  	_ =	shalt  }
0x62: {  	_ =	shalt  }
0x63: {  	_ =	shalt  }
0x64: {  	_ =	shalt  }
0x65: {  	_ =	shalt  }
0x66: {  	_ =	shalt  }
0x67: {  	_ =	shalt  }
0x68: {  	_ =	shalt  }
0x69: {  	_ =	shalt  }
0x6a: {  	_ =	shalt  }
0x6b: {  	_ =	shalt  }
0x6c: {  	_ =	shalt  }
0x6d: {  	_ =	shalt  }
0x6e: {  	_ =	shalt  }
0x6f: {  	_ =	shalt  }
0x70: {  	_ =	shalt  }
0x71: {  	_ =	shalt  }
0x72: {  	_ =	shalt  }
0x73: {  	_ =	shalt  }
0x74: {  	_ =	shalt  }
0x75: {  	_ =	shalt  }
0x76: {  	_ =	shalt  }
0x77: {  	_ =	shalt  }
0x78: {  	_ =	shalt  }
0x79: {  	_ =	shalt  }
0x7a: {  	_ =	shalt  }
0x7b: {  	_ =	shalt  }
0x7c: {  	_ =	shalt  }
0x7d: {  	_ =	shalt  }
0x7e: {  	_ =	shalt  }
0x7f: {  	_ =	shalt  }
0x80: {  	_ =	shalt  }
0x81: {  	_ =	shalt  }
0x82: {  	_ =	shalt  }
0x83: {  	_ =	shalt  }
0x84: {  	_ =	shalt  }
0x85: {  	_ =	shalt  }
0x86: {  	_ =	shalt  }
0x87: {  	_ =	shalt  }
.Lfunc_end0:
.L_simem_size_0:
called_computation.1_lowered:
.L_overlay_start_0:
0x88: {  	s2 =	sld [smem:$0x3FD9]  }
0x89: {  	s3 =	sld [smem:$0x3FFE];
	_ =	sdelay $0x1  }
0x8a: {  	s1 =	srdreg.scid  }
0x8b: {  	s0 =	sand.u32 $0x1, s1  }
0x8c: {  	s16 =	sshll.u32 s0, $0xA;
	s2 =	sadd.s32 s3, s2  }
0x8d: {  	s2 =	sadd.s32 s2, s16  }
0x8e: {  	[smem:$0x3FBC] =	sst s2  }
0x8f: {  	_ = 	snop  }
0x90: {  	(tm) =	ssettm $0x1  }
0x91: {  	s17 =	sld [smem:$0x3FFB];
	_ =	sdelay $0x3  }
0x92: {  	_ =	strace s17  }
0x93: {  	s2 =	sld [smem:$0x3FFC];
	_ =	sdelay $0x3  }
0x94: {  	_ =	strace s2  }
0x95: {  	s2 =	sld [smem:$0x3FFD];
	_ =	sdelay $0x3  }
0x96: {  	_ =	strace s2  }
0x97: {  	_ =	strace $0x8FFFFFFF  }
0x98: {  	s18 =	sld [smem:$0x3FDB];
	_ =	sdelay $0x1  }
0x99: {  	s19 =	simm.s32 $_scs_section_size  }
0x9a: {  	s4 =	simm.s32 $_size__tile_overlayer_lowered;
	s5 =	simm.s32 $_tile_overlayer_lowered  }
0x9b: {  	s22 =	simm.s32 $0x1BFF;
	s21 =	sshll.u32 s5, $0x1;
	s2 =	sadd.s32 s19, s18  }
0x9c: {  	s6 =	simm.s32 $0x0;
	s20 =	sshll.u32 s4, $0x1;
	s4 =	sadd.s32 s21, s2  }
0x9d: {  	[timem:s6], [sflag:s22] =	dma.local [hbm:s4], s20  }
0x9e: {  	_ =	swait.ge [sflag:s22], s20  }
0x9f: {  	s3 =	ssub.s32 $0x0, s20;
	[sflag:s22] =	ssyncset.done $0x0  }
0xa0: {  	[sflag:s22] =	ssyncadd.s32 s3;
	_ =	sdelay $0x1  }
0xa1: {  	s23 =	simm.s32 $0x1B8B  }
0xa2: {  	_ =	swait.ge [sflag:s23], $0x1  }
0xa3: {  	[sflag:s23] =	ssyncset.done $0x0  }
0xa4: {  	s25 =	simm.s32 $0x1B8E;
	s24 =	sld [smem:$0x3FFE];
	[sflag:s23] =	ssyncadd.s32 $0xFFFFFFFF  }
0xa5: {  	s26 =	simm.s32 $execute0_lowered;
	[smem:$0x3FD2] =	sst s25  }
0xa6: {  	s4 =	sshll.u32 s26, $0x1;
	_ =	strace $0x80000049;
	[dreg:$0x1] =	wrdreg $0xFFFFFFFF  }
0xa7: {  	s28 =	simm.s32 $_size_execute0_lowered;
	s2 =	sadd.s32 s2, s4;
	[dreg:$0x0] =	wrdreg $0x0  }
0xa8: {  	s4 =	sshll.u32 s28, $0x1;
	[dreg:$0x2] =	wrdreg s2  }
0xa9: {  	[dreg:$0x3] =	wrdreg s4  }
0xaa: {  	[dreg:$0x4] =	wrdreg $0xC0  }
0xab: {  	_ =	task [dreg:s6], $0x5FFFF  }
0xac: {  	[dreg:$0x1] =	wrdreg $0xFFFFFFFF  }
0xad: {  	[dreg:$0x0] =	wrdreg $0x60  }
0xae: {  	[dreg:$0x2] =	wrdreg s24  }
0xaf: {  	[dreg:$0x3] =	wrdreg $0x9  }
0xb0: {  	_ =	task.clear_ibuf [dreg:s6], $0x4FFFF;
	_ =	strace $0x90000049  }
0xb1: {  	s29 =	simm.s32 $0x9;
	_ =	strace $0x8000004B  }
0xb2: {  	_ =	swait.ge [sflag:s29], $0x1  }
0xb3: {  	[sflag:s29] =	ssyncadd.s32 $0xFFFFFFFF  }
0xb4: {  	_ =	strace $0x9000004B  }
0xb5: {  	_ =	sfence  }
0xb6: {  	s30 =	sld [smem:$0x0];
	_ =	sdelay $0x2  }
0xb7: {  	s31 =	sshll.u32 s1, $0xD;
	s1 =	sshrl.u32 s1, $0x2  }
0xb8: {  	s3 =	sand.u32 $0x4000, s31;
	s1 =	sadd.s32 s1, s30  }
0xb9: {  	s0 =	sor.u32 s3, s0;
	s1 =	sshll.u32 s1, $0x11  }
0xba: {  	s0 =	sor.u32 s1, s0  }
0xbb: {  	s0 =	sadd.s32 $0x8F2B, s0  }
0xbc: {  	[sflag:s0] =	ssyncadd.remote.s32 $0x1  }
0xbd: {  	_ =	sfence.sel $0xFFFF  }
0xbe: {  	[dreg:$0x0] =	wrdreg $0xFFFFFFFF;
	(pc) =	sbr.abs _section_cstart, $3  }
0xbf: {  	[dreg:$0x1] =	wrdreg $0xFFFFFFFF  }
0xc0: {  	_ =	task.clear_ibuf [dreg:s6], $0x2FFFF;
	_ =	strace $0x9FFFFFFF  }
0xc1: {  	(tm) =	ssettm $0x7FFFFFFF  }
tec
execute0_lowered:
.L_overlay_start_1:
0x0: {  	(tag) =	ssettag $0x1  }
0x1: {  	s0 =	rddreg [dreg:$0x0];
	s1 =	srdreg.scid  }
0x2: {  	s2 =	simm.s32 $0x0;
	s3 =	stileid.u32;
	s18 =	simm.s32 $0x1  }
0x3: {  	s20 =	simm.s32 $0x880;
	s21 =	simm.s32 $0x1080;
	s22 =	simm.s32 $0x1880  }
0x4: {  	s23 =	simm.s32 $0x2080;
	s28 =	simm.s32 $0x4080;
	s29 =	simm.s32 $0x4880  }
0x5: {  	s30 =	simm.s32 $0x5080;
	s31 =	simm.s32 $0x5880;
	s11 =	simm.s32 $0x7880  }
0x6: {  	s12 =	simm.s32 $0x8080;
	s13 =	simm.s32 $0x8880;
	s14 =	simm.s32 $0x9080  }
0x7: {  	s15 =	simm.s32 $0x9880;
	s16 =	simm.s32 $0xA080;
	s17 =	simm.s32 $0xA880  }
0x8: {  	s1 =	sand.u32 $0x1, s1;
	[smem:$0x7FF] =	sst s2;
	s3 =	sshll.u32 s3, $0x7  }
0x9: {  	s6 =	sadd.s32 $0x104A00, s0;
	s8 =	sadd.s32 $0x4000, s0;
	s4 =	sshll.u32 s1, $0x6  }
0xa: {  	_ =	strace $0x8000004A;
	s1 =	ssub.s32 $0x2, s1;
	s5 =	sor.u32 s4, s3  }
0xb: {  	s3 =	sadd.s32 $0x104C00, s0;
	s7 =	sshrl.u32 s1, $0x1;
	s4 =	sshrl.u32 s5, $0x3  }
0xc: {  	s1 =	ssub.s32 s1, s7;
	s24 =	sshll.u32 s5, $0x7;
	s9 =	sor.u32 $0x800, s5  }
0xd: {  	s5 =	sadd.s32 $0x104E00, s0;
	s4 =	sadd.s32 s6, s4;
	s7 =	sadd.s32 s8, s24  }
0xe: {  	s10 =	sshrl.u32 s9, $0x3;
	s9 =	sshll.u32 s9, $0x7;
	[dreg:$0x2] =	wrdreg s4  }
0xf: {  	s24 =	simm.s32 $0x2880;
	s4 =	sadd.s32 $0x104D00, s0;
	[dreg:$0x3] =	wrdreg s7  }
0x10: {  	s25 =	sadd.s32 s6, s10;
	s6 =	sadd.s32 $0x104F00, s0;
	s26 =	sadd.s32 s8, s9  }
0x11: {  	v2 =	vlaneseq.u32;
	s7 =	smax.u32 s1, $0x1;
	s8 =	simm.s32 $0x2;
	s0 =	simm.s32 $0x80  }
0x12: {  	vm0 =	vmmov $0xffff;
	v1 =	vshrl.u32 v2, $0x3;
	s10 =	simm.s32 $0x7080;
	s9 =	simm.s32 $0xB080;
	[dreg:$0x4] =	wrdreg s25  }
0x13: {  	v0 =	vand.u32 $0x7, v2;
	v2 =	vor.u32 $0x8, v2;
	v1 =	vmul.u32 $0x8, v1;
	[dreg:$0x5] =	wrdreg s26;
	s25 =	simm.s32 $0x3080;
	s26 =	simm.s32 $0x3880  }
.LBB2_1:
0x14: {  	s19 =	rddreg [dreg:$0x2]  }
0x15: {  	[tilespmem:s2], [sflag:$0x2] =	stream.linear.gather [hbm4b:s19+s2], $0x40, $0x38;
	[tilespmem:$0x10080] =	vst v63  }
0x16: {  	_ =	swait.ge [sflag:s8], $0x40  }
0x17: {  	[sflag:s8] =	ssyncset.done $0x0  }
0x18: {  	[sflag:s8] =	ssyncadd.s32 $0xFFFFFFC0  }
0x19: {  	v3 =	vld [tilespmem:$0x0];
	_ =	sdelay $0x4  }
0x1a: {  	v4 =	vshll.u32 v3, $0x3  }
0x1b: {  	v3 =	vand.u32 $0x7, v3;
	v4 =	vand.u32 $0xFFFFFFC0, v4  }
0x1c: {  	v3 =	vor.u32 v3, v4  }
0x1d: {  	v4 =	vperm.xlane v3, v0;
	_ =	sdelay $0x1  }
0x1e: {  	v4 =	vadd.s32 v1, v4;
	_ =	sdelay $0x4  }
0x1f: {  	[tilespmem:s0], [sflag:$0x1] =	stream.indirect_vreg.gather [hbm4b:s3+s2], $0x80, v4, vm0, $0xb8;
	[tilespmem:$0x10080] =	vst v63  }
0x20: {  	v3 =	vperm.xlane v3, v2  }
0x21: {  	[tilespmem:s20], [sflag:$0x1] =	stream.indirect_vreg.gather [hbm4b:s4+s2], $0x80, v4, vm0, $0xb8;
	[tilespmem:$0x10080] =	vst v63  }
0x22: {  	v3 =	vadd.s32 v1, v3  }
0x23: {  	[tilespmem:s21], [sflag:$0x1] =	stream.indirect_vreg.gather [hbm4b:s5+s2], $0x80, v4, vm0, $0xb8;
	[tilespmem:$0x10080] =	vst v63  }
0x24: {  	_ = 	snop  }
0x25: {  	[tilespmem:s22], [sflag:$0x1] =	stream.indirect_vreg.gather [hbm4b:s6+s2], $0x80, v4, vm0, $0xb8;
	[tilespmem:$0x10080] =	vst v63  }
0x26: {  	_ = 	snop  }
0x27: {  	[tilespmem:s23], [sflag:$0x1] =	stream.indirect_vreg.gather [hbm4b:s3+s2], $0x80, v3, vm0, $0xb8;
	[tilespmem:$0x10080] =	vst v63  }
0x28: {  	_ = 	snop  }
0x29: {  	[tilespmem:s24], [sflag:$0x1] =	stream.indirect_vreg.gather [hbm4b:s4+s2], $0x80, v3, vm0, $0xb8;
	[tilespmem:$0x10080] =	vst v63  }
0x2a: {  	_ = 	snop  }
0x2b: {  	[tilespmem:s25], [sflag:$0x1] =	stream.indirect_vreg.gather [hbm4b:s5+s2], $0x80, v3, vm0, $0xb8;
	[tilespmem:$0x10080] =	vst v63  }
0x2c: {  	_ = 	snop  }
0x2d: {  	[tilespmem:s26], [sflag:$0x1] =	stream.indirect_vreg.gather [hbm4b:s6+s2], $0x80, v3, vm0, $0xb8;
	[tilespmem:$0x10080] =	vst v63  }
0x2e: {  	v3 =	vld [tilespmem:$0x10];
	_ =	sdelay $0x4  }
0x2f: {  	v57 =	vshll.u32 v3, $0x3  }
0x30: {  	v3 =	vand.u32 $0x7, v3;
	v4 =	vand.u32 $0xFFFFFFC0, v57  }
0x31: {  	v3 =	vor.u32 v3, v4  }
0x32: {  	v4 =	vperm.xlane v3, v0;
	_ =	sdelay $0x1  }
0x33: {  	v4 =	vadd.s32 v1, v4;
	_ =	sdelay $0x4  }
0x34: {  	[tilespmem:s28], [sflag:$0x1] =	stream.indirect_vreg.gather [hbm4b:s3+s2], $0x80, v4, vm0, $0xb8;
	[tilespmem:$0x10080] =	vst v63  }
0x35: {  	v3 =	vperm.xlane v3, v2  }
0x36: {  	[tilespmem:s29], [sflag:$0x1] =	stream.indirect_vreg.gather [hbm4b:s4+s2], $0x80, v4, vm0, $0xb8;
	[tilespmem:$0x10080] =	vst v63  }
0x37: {  	v3 =	vadd.s32 v1, v3  }
0x38: {  	[tilespmem:s30], [sflag:$0x1] =	stream.indirect_vreg.gather [hbm4b:s5+s2], $0x80, v4, vm0, $0xb8;
	[tilespmem:$0x10080] =	vst v63  }
0x39: {  	_ = 	snop  }
0x3a: {  	[tilespmem:s31], [sflag:$0x1] =	stream.indirect_vreg.gather [hbm4b:s6+s2], $0x80, v4, vm0, $0xb8;
	[tilespmem:$0x10080] =	vst v63  }
0x3b: {  	s1 =	simm.s32 $0x6080  }
0x3c: {  	[tilespmem:s1], [sflag:$0x1] =	stream.indirect_vreg.gather [hbm4b:s3+s2], $0x80, v3, vm0, $0xb8;
	[tilespmem:$0x10080] =	vst v63  }
0x3d: {  	s1 =	simm.s32 $0x6880  }
0x3e: {  	[tilespmem:s1], [sflag:$0x1] =	stream.indirect_vreg.gather [hbm4b:s4+s2], $0x80, v3, vm0, $0xb8;
	[tilespmem:$0x10080] =	vst v63  }
0x3f: {  	_ = 	snop  }
0x40: {  	[tilespmem:s10], [sflag:$0x1] =	stream.indirect_vreg.gather [hbm4b:s5+s2], $0x80, v3, vm0, $0xb8;
	[tilespmem:$0x10080] =	vst v63  }
0x41: {  	_ = 	snop  }
0x42: {  	[tilespmem:s11], [sflag:$0x1] =	stream.indirect_vreg.gather [hbm4b:s6+s2], $0x80, v3, vm0, $0xb8;
	[tilespmem:$0x10080] =	vst v63  }
0x43: {  	v3 =	vld [tilespmem:$0x20];
	_ =	sdelay $0x4  }
0x44: {  	v58 =	vshll.u32 v3, $0x3  }
0x45: {  	v3 =	vand.u32 $0x7, v3;
	v4 =	vand.u32 $0xFFFFFFC0, v58  }
0x46: {  	v3 =	vor.u32 v3, v4  }
0x47: {  	v4 =	vperm.xlane v3, v0;
	_ =	sdelay $0x1  }
0x48: {  	v4 =	vadd.s32 v1, v4;
	_ =	sdelay $0x4  }
0x49: {  	[tilespmem:s12], [sflag:$0x1] =	stream.indirect_vreg.gather [hbm4b:s3+s2], $0x80, v4, vm0, $0xb8;
	[tilespmem:$0x10080] =	vst v63  }
0x4a: {  	v3 =	vperm.xlane v3, v2  }
0x4b: {  	[tilespmem:s13], [sflag:$0x1] =	stream.indirect_vreg.gather [hbm4b:s4+s2], $0x80, v4, vm0, $0xb8;
	[tilespmem:$0x10080] =	vst v63  }
0x4c: {  	v3 =	vadd.s32 v1, v3  }
0x4d: {  	[tilespmem:s14], [sflag:$0x1] =	stream.indirect_vreg.gather [hbm4b:s5+s2], $0x80, v4, vm0, $0xb8;
	[tilespmem:$0x10080] =	vst v63  }
0x4e: {  	_ = 	snop  }
0x4f: {  	[tilespmem:s15], [sflag:$0x1] =	stream.indirect_vreg.gather [hbm4b:s6+s2], $0x80, v4, vm0, $0xb8;
	[tilespmem:$0x10080] =	vst v63  }
0x50: {  	_ = 	snop  }
0x51: {  	[tilespmem:s16], [sflag:$0x1] =	stream.indirect_vreg.gather [hbm4b:s3+s2], $0x80, v3, vm0, $0xb8;
	[tilespmem:$0x10080] =	vst v63  }
0x52: {  	_ = 	snop  }
0x53: {  	[tilespmem:s17], [sflag:$0x1] =	stream.indirect_vreg.gather [hbm4b:s4+s2], $0x80, v3, vm0, $0xb8;
	[tilespmem:$0x10080] =	vst v63  }
0x54: {  	_ = 	snop  }
0x55: {  	[tilespmem:s9], [sflag:$0x1] =	stream.indirect_vreg.gather [hbm4b:s5+s2], $0x80, v3, vm0, $0xb8;
	[tilespmem:$0x10080] =	vst v63  }
0x56: {  	s19 =	simm.s32 $0xB880  }
0x57: {  	[tilespmem:s19], [sflag:$0x1] =	stream.indirect_vreg.gather [hbm4b:s6+s2], $0x80, v3, vm0, $0xb8;
	[tilespmem:$0x10080] =	vst v63  }
0x58: {  	v3 =	vld [tilespmem:$0x30];
	_ =	sdelay $0x4  }
0x59: {  	v59 =	vshll.u32 v3, $0x3  }
0x5a: {  	v3 =	vand.u32 $0x7, v3;
	v4 =	vand.u32 $0xFFFFFFC0, v59  }
0x5b: {  	v3 =	vor.u32 v3, v4  }
0x5c: {  	v4 =	vperm.xlane v3, v0;
	_ =	sdelay $0x1  }
0x5d: {  	v4 =	vadd.s32 v1, v4;
	_ =	sdelay $0x3  }
0x5e: {  	s19 =	simm.s32 $0xC080  }
0x5f: {  	[tilespmem:s19], [sflag:$0x1] =	stream.indirect_vreg.gather [hbm4b:s3+s2], $0x80, v4, vm0, $0xb8;
	[tilespmem:$0x10080] =	vst v63  }
0x60: {  	v3 =	vperm.xlane v3, v2;
	s19 =	simm.s32 $0xC880  }
0x61: {  	[tilespmem:s19], [sflag:$0x1] =	stream.indirect_vreg.gather [hbm4b:s4+s2], $0x80, v4, vm0, $0xb8;
	[tilespmem:$0x10080] =	vst v63  }
0x62: {  	v3 =	vadd.s32 v1, v3;
	s19 =	simm.s32 $0xD080  }
0x63: {  	[tilespmem:s19], [sflag:$0x1] =	stream.indirect_vreg.gather [hbm4b:s5+s2], $0x80, v4, vm0, $0xb8;
	[tilespmem:$0x10080] =	vst v63  }
0x64: {  	s19 =	simm.s32 $0xD880  }
0x65: {  	[tilespmem:s19], [sflag:$0x1] =	stream.indirect_vreg.gather [hbm4b:s6+s2], $0x80, v4, vm0, $0xb8;
	[tilespmem:$0x10080] =	vst v63  }
0x66: {  	s19 =	simm.s32 $0xE080  }
0x67: {  	[tilespmem:s19], [sflag:$0x1] =	stream.indirect_vreg.gather [hbm4b:s3+s2], $0x80, v3, vm0, $0xb8;
	[tilespmem:$0x10080] =	vst v63  }
0x68: {  	s19 =	simm.s32 $0xE880  }
0x69: {  	[tilespmem:s19], [sflag:$0x1] =	stream.indirect_vreg.gather [hbm4b:s4+s2], $0x80, v3, vm0, $0xb8;
	[tilespmem:$0x10080] =	vst v63  }
0x6a: {  	s19 =	simm.s32 $0xF080  }
0x6b: {  	[tilespmem:s19], [sflag:$0x1] =	stream.indirect_vreg.gather [hbm4b:s5+s2], $0x80, v3, vm0, $0xb8;
	[tilespmem:$0x10080] =	vst v63  }
0x6c: {  	s19 =	simm.s32 $0xF880  }
0x6d: {  	[tilespmem:s19], [sflag:$0x1] =	stream.indirect_vreg.gather [hbm4b:s6+s2], $0x80, v3, vm0, $0xb8;
	[tilespmem:$0x10080] =	vst v63  }
0x6e: {  	_ =	swait.ge [sflag:s18], $0x10000  }
0x6f: {  	[sflag:s18] =	ssyncset.done $0x0  }
0x70: {  	s19 =	rddreg [dreg:$0x3];
	[sflag:s18] =	ssyncadd.s32 $0xFFFF0000  }
0x71: {  	[hbm4b:s19+s2] =	stream.linear.scatter [tilespmem:s0], [sflag:$0x2], $0x10000, $0x38;
	[tilespmem:$0x10080] =	vst v63  }
0x72: {  	_ =	swait.ge [sflag:s8], $0x10000  }
0x73: {  	[sflag:s8] =	ssyncset.done $0x0  }
0x74: {  	s19 =	rddreg [dreg:$0x4];
	[sflag:s8] =	ssyncadd.s32 $0xFFFF0000  }
0x75: {  	[tilespmem:s2], [sflag:$0x2] =	stream.linear.gather [hbm4b:s19+s2], $0x40, $0x38;
	[tilespmem:$0x10080] =	vst v63  }
0x76: {  	_ =	swait.ge [sflag:s8], $0x40  }
0x77: {  	[sflag:s8] =	ssyncset.done $0x0  }
0x78: {  	[sflag:s8] =	ssyncadd.s32 $0xFFFFFFC0  }
0x79: {  	v3 =	vld [tilespmem:$0x0];
	_ =	sdelay $0x4  }
0x7a: {  	v60 =	vshll.u32 v3, $0x3  }
0x7b: {  	v3 =	vand.u32 $0x7, v3;
	v4 =	vand.u32 $0xFFFFFFC0, v60  }
0x7c: {  	v3 =	vor.u32 v3, v4  }
0x7d: {  	v4 =	vperm.xlane v3, v0;
	_ =	sdelay $0x1  }
0x7e: {  	v4 =	vadd.s32 v1, v4;
	_ =	sdelay $0x4  }
0x7f: {  	[tilespmem:s0], [sflag:$0x1] =	stream.indirect_vreg.gather [hbm4b:s3+s2], $0x80, v4, vm0, $0xb8;
	[tilespmem:$0x10080] =	vst v63  }
0x80: {  	v3 =	vperm.xlane v3, v2  }
0x81: {  	[tilespmem:s20], [sflag:$0x1] =	stream.indirect_vreg.gather [hbm4b:s4+s2], $0x80, v4, vm0, $0xb8;
	[tilespmem:$0x10080] =	vst v63  }
0x82: {  	v3 =	vadd.s32 v1, v3  }
0x83: {  	[tilespmem:s21], [sflag:$0x1] =	stream.indirect_vreg.gather [hbm4b:s5+s2], $0x80, v4, vm0, $0xb8;
	[tilespmem:$0x10080] =	vst v63  }
0x84: {  	_ = 	snop  }
0x85: {  	[tilespmem:s22], [sflag:$0x1] =	stream.indirect_vreg.gather [hbm4b:s6+s2], $0x80, v4, vm0, $0xb8;
	[tilespmem:$0x10080] =	vst v63  }
0x86: {  	_ = 	snop  }
0x87: {  	[tilespmem:s23], [sflag:$0x1] =	stream.indirect_vreg.gather [hbm4b:s3+s2], $0x80, v3, vm0, $0xb8;
	[tilespmem:$0x10080] =	vst v63  }
0x88: {  	_ = 	snop  }
0x89: {  	[tilespmem:s24], [sflag:$0x1] =	stream.indirect_vreg.gather [hbm4b:s4+s2], $0x80, v3, vm0, $0xb8;
	[tilespmem:$0x10080] =	vst v63  }
0x8a: {  	_ = 	snop  }
0x8b: {  	[tilespmem:s25], [sflag:$0x1] =	stream.indirect_vreg.gather [hbm4b:s5+s2], $0x80, v3, vm0, $0xb8;
	[tilespmem:$0x10080] =	vst v63  }
0x8c: {  	_ = 	snop  }
0x8d: {  	[tilespmem:s26], [sflag:$0x1] =	stream.indirect_vreg.gather [hbm4b:s6+s2], $0x80, v3, vm0, $0xb8;
	[tilespmem:$0x10080] =	vst v63  }
0x8e: {  	v3 =	vld [tilespmem:$0x10];
	_ =	sdelay $0x4  }
0x8f: {  	v61 =	vshll.u32 v3, $0x3  }
0x90: {  	v3 =	vand.u32 $0x7, v3;
	v4 =	vand.u32 $0xFFFFFFC0, v61  }
0x91: {  	v3 =	vor.u32 v3, v4  }
0x92: {  	v4 =	vperm.xlane v3, v0;
	_ =	sdelay $0x1  }
0x93: {  	v4 =	vadd.s32 v1, v4;
	_ =	sdelay $0x4  }
0x94: {  	[tilespmem:s28], [sflag:$0x1] =	stream.indirect_vreg.gather [hbm4b:s3+s2], $0x80, v4, vm0, $0xb8;
	[tilespmem:$0x10080] =	vst v63  }
0x95: {  	v3 =	vperm.xlane v3, v2  }
0x96: {  	[tilespmem:s29], [sflag:$0x1] =	stream.indirect_vreg.gather [hbm4b:s4+s2], $0x80, v4, vm0, $0xb8;
	[tilespmem:$0x10080] =	vst v63  }
0x97: {  	v3 =	vadd.s32 v1, v3  }
0x98: {  	[tilespmem:s30], [sflag:$0x1] =	stream.indirect_vreg.gather [hbm4b:s5+s2], $0x80, v4, vm0, $0xb8;
	[tilespmem:$0x10080] =	vst v63  }
0x99: {  	_ = 	snop  }
0x9a: {  	[tilespmem:s31], [sflag:$0x1] =	stream.indirect_vreg.gather [hbm4b:s6+s2], $0x80, v4, vm0, $0xb8;
	[tilespmem:$0x10080] =	vst v63  }
0x9b: {  	s19 =	simm.s32 $0x6080  }
0x9c: {  	[tilespmem:s19], [sflag:$0x1] =	stream.indirect_vreg.gather [hbm4b:s3+s2], $0x80, v3, vm0, $0xb8;
	[tilespmem:$0x10080] =	vst v63  }
0x9d: {  	_ = 	snop  }
0x9e: {  	[tilespmem:s1], [sflag:$0x1] =	stream.indirect_vreg.gather [hbm4b:s4+s2], $0x80, v3, vm0, $0xb8;
	[tilespmem:$0x10080] =	vst v63  }
0x9f: {  	_ = 	snop  }
0xa0: {  	[tilespmem:s10], [sflag:$0x1] =	stream.indirect_vreg.gather [hbm4b:s5+s2], $0x80, v3, vm0, $0xb8;
	[tilespmem:$0x10080] =	vst v63  }
0xa1: {  	_ = 	snop  }
0xa2: {  	[tilespmem:s11], [sflag:$0x1] =	stream.indirect_vreg.gather [hbm4b:s6+s2], $0x80, v3, vm0, $0xb8;
	[tilespmem:$0x10080] =	vst v63  }
0xa3: {  	v3 =	vld [tilespmem:$0x20];
	_ =	sdelay $0x4  }
0xa4: {  	v62 =	vshll.u32 v3, $0x3  }
0xa5: {  	v3 =	vand.u32 $0x7, v3;
	v4 =	vand.u32 $0xFFFFFFC0, v62  }
0xa6: {  	v3 =	vor.u32 v3, v4  }
0xa7: {  	v4 =	vperm.xlane v3, v0;
	_ =	sdelay $0x1  }
0xa8: {  	v4 =	vadd.s32 v1, v4;
	_ =	sdelay $0x4  }
0xa9: {  	[tilespmem:s12], [sflag:$0x1] =	stream.indirect_vreg.gather [hbm4b:s3+s2], $0x80, v4, vm0, $0xb8;
	[tilespmem:$0x10080] =	vst v63  }
0xaa: {  	v3 =	vperm.xlane v3, v2  }
0xab: {  	[tilespmem:s13], [sflag:$0x1] =	stream.indirect_vreg.gather [hbm4b:s4+s2], $0x80, v4, vm0, $0xb8;
	[tilespmem:$0x10080] =	vst v63  }
0xac: {  	v3 =	vadd.s32 v1, v3  }
0xad: {  	[tilespmem:s14], [sflag:$0x1] =	stream.indirect_vreg.gather [hbm4b:s5+s2], $0x80, v4, vm0, $0xb8;
	[tilespmem:$0x10080] =	vst v63  }
0xae: {  	_ = 	snop  }
0xaf: {  	[tilespmem:s15], [sflag:$0x1] =	stream.indirect_vreg.gather [hbm4b:s6+s2], $0x80, v4, vm0, $0xb8;
	[tilespmem:$0x10080] =	vst v63  }
0xb0: {  	_ = 	snop  }
0xb1: {  	[tilespmem:s16], [sflag:$0x1] =	stream.indirect_vreg.gather [hbm4b:s3+s2], $0x80, v3, vm0, $0xb8;
	[tilespmem:$0x10080] =	vst v63  }
0xb2: {  	_ = 	snop  }
0xb3: {  	[tilespmem:s17], [sflag:$0x1] =	stream.indirect_vreg.gather [hbm4b:s4+s2], $0x80, v3, vm0, $0xb8;
	[tilespmem:$0x10080] =	vst v63  }
0xb4: {  	_ = 	snop  }
0xb5: {  	[tilespmem:s9], [sflag:$0x1] =	stream.indirect_vreg.gather [hbm4b:s5+s2], $0x80, v3, vm0, $0xb8;
	[tilespmem:$0x10080] =	vst v63  }
0xb6: {  	s19 =	simm.s32 $0xB880  }
0xb7: {  	[tilespmem:s19], [sflag:$0x1] =	stream.indirect_vreg.gather [hbm4b:s6+s2], $0x80, v3, vm0, $0xb8;
	[tilespmem:$0x10080] =	vst v63  }
0xb8: {  	v3 =	vld [tilespmem:$0x30];
	_ =	sdelay $0x4  }
0xb9: {  	v63 =	vshll.u32 v3, $0x3  }
0xba: {  	v3 =	vand.u32 $0x7, v3;
	v4 =	vand.u32 $0xFFFFFFC0, v63  }
0xbb: {  	v3 =	vor.u32 v3, v4  }
0xbc: {  	v4 =	vperm.xlane v3, v0;
	_ =	sdelay $0x1  }
0xbd: {  	v4 =	vadd.s32 v1, v4;
	_ =	sdelay $0x3  }
0xbe: {  	s19 =	simm.s32 $0xC080  }
0xbf: {  	[tilespmem:s19], [sflag:$0x1] =	stream.indirect_vreg.gather [hbm4b:s3+s2], $0x80, v4, vm0, $0xb8;
	[tilespmem:$0x10080] =	vst v63  }
0xc0: {  	v3 =	vperm.xlane v3, v2;
	s19 =	simm.s32 $0xC880  }
0xc1: {  	[tilespmem:s19], [sflag:$0x1] =	stream.indirect_vreg.gather [hbm4b:s4+s2], $0x80, v4, vm0, $0xb8;
	[tilespmem:$0x10080] =	vst v63  }
0xc2: {  	v3 =	vadd.s32 v1, v3;
	s19 =	simm.s32 $0xD080  }
0xc3: {  	[tilespmem:s19], [sflag:$0x1] =	stream.indirect_vreg.gather [hbm4b:s5+s2], $0x80, v4, vm0, $0xb8;
	[tilespmem:$0x10080] =	vst v63  }
0xc4: {  	s19 =	simm.s32 $0xD880  }
0xc5: {  	[tilespmem:s19], [sflag:$0x1] =	stream.indirect_vreg.gather [hbm4b:s6+s2], $0x80, v4, vm0, $0xb8;
	[tilespmem:$0x10080] =	vst v63  }
0xc6: {  	s19 =	simm.s32 $0xE080  }
0xc7: {  	[tilespmem:s19], [sflag:$0x1] =	stream.indirect_vreg.gather [hbm4b:s3+s2], $0x80, v3, vm0, $0xb8;
	[tilespmem:$0x10080] =	vst v63  }
0xc8: {  	s19 =	simm.s32 $0xE880  }
0xc9: {  	[tilespmem:s19], [sflag:$0x1] =	stream.indirect_vreg.gather [hbm4b:s4+s2], $0x80, v3, vm0, $0xb8;
	[tilespmem:$0x10080] =	vst v63  }
0xca: {  	s19 =	simm.s32 $0xF080  }
0xcb: {  	[tilespmem:s19], [sflag:$0x1] =	stream.indirect_vreg.gather [hbm4b:s5+s2], $0x80, v3, vm0, $0xb8;
	[tilespmem:$0x10080] =	vst v63  }
0xcc: {  	s19 =	simm.s32 $0xF880  }
0xcd: {  	[tilespmem:s19], [sflag:$0x1] =	stream.indirect_vreg.gather [hbm4b:s6+s2], $0x80, v3, vm0, $0xb8;
	[tilespmem:$0x10080] =	vst v63  }
0xce: {  	_ =	swait.ge [sflag:s18], $0x10000  }
0xcf: {  	p0 =	sne.s32 s7, $0x1;
	[sflag:s18] =	ssyncset.done $0x0  }
.Ltmp0:
0xd0: {  	s1 =	rddreg [dreg:$0x5];
	[sflag:s18] =	ssyncadd.s32 $0xFFFF0000;
	(pc) =	sbr.rel @p0 .LBB2_1-.Ltmp0, $4  }
0xd1: {  	[hbm4b:s1+s2] =	stream.linear.scatter [tilespmem:s0], [sflag:$0x2], $0x10000, $0x38;
	[tilespmem:$0x10080] =	vst v63  }
0xd2: {  	_ =	swait.ge [sflag:s8], $0x10000  }
0xd3: {  	[sflag:s8] =	ssyncset.done $0x0  }
0xd4: {  	s7 =	sadd.s32 $0xFFFFFFFF, s7;
	[sflag:s8] =	ssyncadd.s32 $0xFFFF0000  }
0xd5: {  	_ =	sfence.sel $0x180000  }
0xd6: {  	[bflag:$0x0] =	sbarrier.arrive $0xFFFF  }
0xd7: {  	_ =	strace $0x9000004A  }
0xd8: {  	s0 =	stileid.u32;
	[bflag:$0x2] =	sbarrier.arrive $0xFFFF  }
0xd9: {  	p0 =	sne.s32 s0, $0x0;
	s0 =	rddreg [dreg:$0x1]  }
0xda: {  	s0 =	sadd.s32 @!p0 $0x100000, s0  }
0xdb: {  	[sflag:s0] =	ssyncadd.tile.s32 @!p0 $0x1;
	_ =	shalt  }
.Lfunc_end2:
_tile_overlayer_lowered:
.L_overlay_start_2:
0xdc: {  	(tag) =	ssettag $0x2  }
0xdd: {  	s0 =	rddreg [dreg:$0x0];
	s2 =	stileid.u32  }
0xde: {  	s1 =	rddreg [dreg:$0x1];
	p0 =	sne.s32 s2, $0x0  }
0xdf: {  	s3 =	rddreg [dreg:$0x2];
	[bflag:$0x3] =	sbarrier.arrive $0xFFFF;
	s2 =	simm.s32 @!p0 $0x1C02  }
0xe0: {  	[timem:s3], [sflag:s2] =	dma.local @!p0 [hbm:s0], s1  }
0xe1: {  	s0 =	simm.s32 @!p0 $0x2  }
0xe2: {  	_ =	swait.ge @!p0 [sflag:s0], s1  }
0xe3: {  	s1 =	ssub.s32 @!p0 $0x0, s1;
	[sflag:s0] =	ssyncset.done @!p0 $0x0  }
0xe4: {  	[sflag:s0] =	ssyncadd.s32 @!p0 s1  }
0xe5: {  	[bflag:$0x3] =	sbarrier.arrive $0xFFFF  }
0xe6: {  	_ =	shalt  }

// kernel: kernel.9.cloned.1.call-start
scs
__scs_entry_jumppad:
0x0: {  	(pc) =	sbr.rel $0x88, $3  }
0x1: {  	(tag) =	ssettag $0x0;
	lr =	simm.s32 $0x1  }
0x2: {  	[smem:$0x3F95] =	sst lr;
	_ =	strace $0xD0000000  }
0x3: {  	_ = 	snop  }
0x4: {  	_ = 	snop  }
0x5: {  	_ = 	snop  }
0x6: {  	_ = 	snop  }
0x7: {  	_ = 	snop  }
__scs_overlays_trampoline_lowered:
0x8: {  	[smem:$0x3FA4] =	sst s0  }
0x9: {  	[smem:$0x3FA5] =	sst s1  }
0xa: {  	[smem:$0x3FA6] =	sst s2  }
0xb: {  	[smem:$0x3FA7] =	sst s3  }
0xc: {  	[smem:$0x3FA8] =	sst s4  }
0xd: {  	[smem:$0x3FA9] =	sst s5  }
0xe: {  	[smem:$0x3FAA] =	sst s6  }
0xf: {  	[smem:$0x3FAB] =	sst s7  }
0x10: {  	[smem:$0x3FAC] =	sst s8  }
0x11: {  	[smem:$0x3FAD] =	sst s9;
	s0 =	simm.s32 @!p0 $0x0  }
0x12: {  	s1 =	sld [smem:$0x3F93];
	s0 =	simm.s32 @p0 $0x1  }
0x13: {  	[smem:$0x3FAE] =	sst s0;
	s0 =	simm.s32 @!p1 $0x0  }
0x14: {  	s2 =	sld [smem:$0x3F92];
	s0 =	simm.s32 @p1 $0x1  }
0x15: {  	[smem:$0x3FAF] =	sst s0;
	s0 =	simm.s32 @!p2 $0x0  }
0x16: {  	s3 =	sld [smem:$0x3FDB];
	s0 =	simm.s32 @p2 $0x1  }
0x17: {  	s4 =	simm.s32 $0x1BF5;
	[smem:$0x3FB1] =	sst s0  }
0x18: {  	s0 =	sld [smem:$0x3F94];
	_ =	swait.ge [sflag:s4], $0x0  }
0x19: {  	s7 =	sld [smem:$0x3F95]  }
0x1a: {  	s8 =	sadd.s32 $0xFFFFE003, lr  }
0x1b: {  	s9 =	sadd.s32 $0xFFFFFEF7, lr;
	s5 =	simm.s32 $0xFFFFFFFF;
	p2 =	slt.u32 s8, $0xFFFFF086  }
0x1c: {  	p1 =	slt.u32 s9, $0xF7A;
	s5 =	simm.s32 @!p2 $0x0  }
0x1d: {  	s5 =	simm.s32 @p1 $0x1;
	p0 =	seq.s32 s7, s2  }
0x1e: {  	s7 =	smul.u32 @!p0 $0xF7A, s2;
	p2 =	seq.s32 @!p0 s5, $0x0  }
0x1f: {  	s9 =	smul.u32 $0xF7A, s1;
	s8 =	simm.s32 @!p0 $0x1BF5;
	p2 =	por !p2, p0  }
0x20: {  	[sflag:s8] =	ssyncset.s32 @!p0 $0xFFFFF086;
	s6 =	sadd.s32 @!p0 s3, s7;
	s7 =	simm.s32 @!p0 $0x108  }
0x21: {  	s3 =	sadd.s32 s3, s9;
	s6 =	sadd.s32 @!p0 $0x88, s6;
	s7 =	simm.s32 @p2 $0x1082  }
0x22: {  	[simem:s7], [sflag:s8] =	dma.local @!p0 [hbm:s6], $0xF7A  }
0x23: {  	s9 =	sor.u32 $0xD0000000, s2;
	s6 =	simm.s32 $0x108;
	_ =	swait.ge @!p0 [sflag:s8], $0x0  }
0x24: {  	s3 =	sadd.s32 $0x88, s3;
	s6 =	simm.s32 @!p1 $0x1082;
	[sflag:s4] =	ssyncset.s32 $0xFFFFF086  }
0x25: {  	[simem:s6], [sflag:s4] =	dma.local [hbm:s3], $0xF7A  }
0x26: {  	[smem:$0x3F95] =	sst s1;
	(tag) =	ssettag s2;
	_ =	strace s9  }
0x27: {  	s1 =	sld [smem:$0x3FA5]  }
0x28: {  	s2 =	sld [smem:$0x3FA6]  }
0x29: {  	s4 =	sld [smem:$0x3FA8]  }
0x2a: {  	p0 =	seq.s32 s5, $0x0;
	s5 =	sld [smem:$0x3FA9]  }
0x2b: {  	s6 =	sld [smem:$0x3FAA]  }
0x2c: {  	s7 =	sld [smem:$0x3FAB]  }
0x2d: {  	s3 =	simm.s32 $0x108;
	s8 =	sld [smem:$0x3FAC]  }
0x2e: {  	s3 =	simm.s32 @!p0 $0x1082;
	s9 =	sld [smem:$0x3FAD]  }
0x2f: {  	lr =	sadd.s32 s0, s3;
	s0 =	sld [smem:$0x3FA4]  }
0x30: {  	s3 =	sld [smem:$0x3FA7]  }
0x31: {  	[smem:$0x3FB0] =	sst s10  }
0x32: {  	s10 =	sld [smem:$0x3FAE];
	_ =	sdelay $0x3  }
0x33: {  	p0 =	seq.s32 s10, $0x1;
	s10 =	sld [smem:$0x3FB0];
	_ =	sdelay $0x3  }
0x34: {  	[smem:$0x3FB0] =	sst s10  }
0x35: {  	s10 =	sld [smem:$0x3FAF];
	_ =	sdelay $0x3  }
0x36: {  	p1 =	seq.s32 s10, $0x1;
	s10 =	sld [smem:$0x3FB0];
	_ =	sdelay $0x3  }
0x37: {  	[smem:$0x3FB0] =	sst s10  }
0x38: {  	s10 =	sld [smem:$0x3FB1]  }
0x39: {  	_ = 	snop;
	(pc) =	sbr.ind lr, $3  }
0x3a: {  	_ = 	snop  }
0x3b: {  	_ = 	snop  }
0x3c: {  	p2 =	seq.s32 s10, $0x1;
	s10 =	sld [smem:$0x3FB0]  }
0x3d: {  	_ =	shalt  }
0x3e: {  	_ =	shalt  }
0x3f: {  	_ =	shalt  }
0x40: {  	_ =	shalt  }
0x41: {  	_ =	shalt  }
0x42: {  	_ =	shalt  }
0x43: {  	_ =	shalt  }
0x44: {  	_ =	shalt  }
0x45: {  	_ =	shalt  }
0x46: {  	_ =	shalt  }
0x47: {  	_ =	shalt  }
0x48: {  	_ =	shalt  }
0x49: {  	_ =	shalt  }
0x4a: {  	_ =	shalt  }
0x4b: {  	_ =	shalt  }
0x4c: {  	_ =	shalt  }
0x4d: {  	_ =	shalt  }
0x4e: {  	_ =	shalt  }
0x4f: {  	_ =	shalt  }
0x50: {  	_ =	shalt  }
0x51: {  	_ =	shalt  }
0x52: {  	_ =	shalt  }
0x53: {  	_ =	shalt  }
0x54: {  	_ =	shalt  }
0x55: {  	_ =	shalt  }
0x56: {  	_ =	shalt  }
0x57: {  	_ =	shalt  }
0x58: {  	_ =	shalt  }
0x59: {  	_ =	shalt  }
0x5a: {  	_ =	shalt  }
0x5b: {  	_ =	shalt  }
0x5c: {  	_ =	shalt  }
0x5d: {  	_ =	shalt  }
0x5e: {  	_ =	shalt  }
0x5f: {  	_ =	shalt  }
0x60: {  	_ =	shalt  }
0x61: {  	_ =	shalt  }
0x62: {  	_ =	shalt  }
0x63: {  	_ =	shalt  }
0x64: {  	_ =	shalt  }
0x65: {  	_ =	shalt  }
0x66: {  	_ =	shalt  }
0x67: {  	_ =	shalt  }
0x68: {  	_ =	shalt  }
0x69: {  	_ =	shalt  }
0x6a: {  	_ =	shalt  }
0x6b: {  	_ =	shalt  }
0x6c: {  	_ =	shalt  }
0x6d: {  	_ =	shalt  }
0x6e: {  	_ =	shalt  }
0x6f: {  	_ =	shalt  }
0x70: {  	_ =	shalt  }
0x71: {  	_ =	shalt  }
0x72: {  	_ =	shalt  }
0x73: {  	_ =	shalt  }
0x74: {  	_ =	shalt  }
0x75: {  	_ =	shalt  }
0x76: {  	_ =	shalt  }
0x77: {  	_ =	shalt  }
0x78: {  	_ =	shalt  }
0x79: {  	_ =	shalt  }
0x7a: {  	_ =	shalt  }
0x7b: {  	_ =	shalt  }
0x7c: {  	_ =	shalt  }
0x7d: {  	_ =	shalt  }
0x7e: {  	_ =	shalt  }
0x7f: {  	_ =	shalt  }
0x80: {  	_ =	shalt  }
0x81: {  	_ =	shalt  }
0x82: {  	_ =	shalt  }
0x83: {  	_ =	shalt  }
0x84: {  	_ =	shalt  }
0x85: {  	_ =	shalt  }
0x86: {  	_ =	shalt  }
0x87: {  	_ =	shalt  }
.Lfunc_end0:
.L_simem_size_0:
called_computation_lowered:
.L_overlay_start_0:
0x88: {  	s2 =	sld [smem:$0x3FD9]  }
0x89: {  	s3 =	sld [smem:$0x3FFE];
	_ =	sdelay $0x1  }
0x8a: {  	s1 =	srdreg.scid  }
0x8b: {  	s0 =	sand.u32 $0x1, s1  }
0x8c: {  	s14 =	sshll.u32 s0, $0xA;
	s2 =	sadd.s32 s3, s2  }
0x8d: {  	s2 =	sadd.s32 s2, s14  }
0x8e: {  	[smem:$0x3FBC] =	sst s2  }
0x8f: {  	_ = 	snop  }
0x90: {  	s2 =	sld [smem:$0x3FD0];
	_ =	sdelay $0x2  }
0x91: {  	s15 =	simm.s32 $0xA;
	s4 =	simm.s32 $0x10  }
0x92: {  	[smem:s4], [sflag:s15] =	dma.local [hbm:s2], $0x1  }
0x93: {  	_ =	swait.eq [sflag:s15], $0x1  }
0x94: {  	[sflag:s15] =	ssyncset.done $0x0  }
0x95: {  	[sflag:s15] =	ssyncadd.s32 $0xFFFFFFFF  }
0x96: {  	s16 =	sld [smem:$0x11];
	(tm) =	ssettm $0x1  }
0x97: {  	s17 =	sld [smem:$0x3FFB];
	_ =	sdelay $0x3  }
0x98: {  	_ =	strace s17  }
0x99: {  	s3 =	sld [smem:$0x3FFC];
	_ =	sdelay $0x3  }
0x9a: {  	_ =	strace s3  }
0x9b: {  	s3 =	sld [smem:$0x3FFD];
	_ =	sdelay $0x3  }
0x9c: {  	_ =	strace s3  }
0x9d: {  	_ =	strace $0x8FFFFFFF  }
0x9e: {  	s18 =	sld [smem:$0x3FDB];
	_ =	sdelay $0x1  }
0x9f: {  	s19 =	simm.s32 $_scs_section_size  }
0xa0: {  	s5 =	simm.s32 $_size__tile_overlayer_lowered;
	s6 =	simm.s32 $_tile_overlayer_lowered  }
0xa1: {  	s22 =	simm.s32 $0x1BFF;
	s21 =	sshll.u32 s6, $0x1;
	s3 =	sadd.s32 s19, s18  }
0xa2: {  	s7 =	simm.s32 $0x0;
	s20 =	sshll.u32 s5, $0x1;
	s5 =	sadd.s32 s21, s3  }
0xa3: {  	[timem:s7], [sflag:s22] =	dma.local [hbm:s5], s20  }
0xa4: {  	_ =	swait.ge [sflag:s22], s20  }
0xa5: {  	s4 =	ssub.s32 $0x0, s20;
	[sflag:s22] =	ssyncset.done $0x0  }
0xa6: {  	[sflag:s22] =	ssyncadd.s32 s4;
	_ =	sdelay $0x1  }
0xa7: {  	s23 =	simm.s32 $0x1B8B  }
0xa8: {  	_ =	swait.ge [sflag:s23], $0x1  }
0xa9: {  	[sflag:s23] =	ssyncset.done $0x0  }
0xaa: {  	s25 =	simm.s32 $0x1B8E;
	s24 =	sld [smem:$0x3FFE];
	[sflag:s23] =	ssyncadd.s32 $0xFFFFFFFF  }
0xab: {  	s26 =	simm.s32 $execute0_lowered;
	[smem:$0x3FD2] =	sst s25  }
0xac: {  	s5 =	sshll.u32 s26, $0x1;
	_ =	strace $0x80000046;
	[dreg:$0x1] =	wrdreg $0xFFFFFFFF  }
0xad: {  	s28 =	simm.s32 $_size_execute0_lowered;
	s3 =	sadd.s32 s3, s5;
	[dreg:$0x0] =	wrdreg $0x0  }
0xae: {  	s5 =	sshll.u32 s28, $0x1;
	[dreg:$0x2] =	wrdreg s3  }
0xaf: {  	[dreg:$0x3] =	wrdreg s5  }
0xb0: {  	[dreg:$0x4] =	wrdreg $0xC0  }
0xb1: {  	_ =	task [dreg:s7], $0x5FFFF  }
0xb2: {  	[dreg:$0x1] =	wrdreg $0xFFFFFFFF  }
0xb3: {  	[dreg:$0x0] =	wrdreg $0x60  }
0xb4: {  	[dreg:$0x2] =	wrdreg s24  }
0xb5: {  	[dreg:$0x3] =	wrdreg s16  }
0xb6: {  	[dreg:$0x4] =	wrdreg $0x9  }
0xb7: {  	_ =	task.clear_ibuf [dreg:s7], $0x5FFFF;
	_ =	strace $0x90000046  }
0xb8: {  	s29 =	simm.s32 $0x9;
	_ =	strace $0x80000048  }
0xb9: {  	_ =	swait.ge [sflag:s29], $0x1  }
0xba: {  	[sflag:s29] =	ssyncadd.s32 $0xFFFFFFFF  }
0xbb: {  	_ =	strace $0x90000048  }
0xbc: {  	_ =	sfence  }
0xbd: {  	s30 =	sld [smem:$0x0];
	_ =	sdelay $0x2  }
0xbe: {  	s31 =	sshll.u32 s1, $0xD;
	s1 =	sshrl.u32 s1, $0x2  }
0xbf: {  	s3 =	sand.u32 $0x4000, s31;
	s1 =	sadd.s32 s1, s30  }
0xc0: {  	s0 =	sor.u32 s3, s0;
	s1 =	sshll.u32 s1, $0x11  }
0xc1: {  	s0 =	sor.u32 s1, s0  }
0xc2: {  	s0 =	sadd.s32 $0x8F2B, s0  }
0xc3: {  	[sflag:s0] =	ssyncadd.remote.s32 $0x1  }
0xc4: {  	_ =	sfence.sel $0xFFFF  }
0xc5: {  	[dreg:$0x0] =	wrdreg $0xFFFFFFFF;
	(pc) =	sbr.abs _section_cstart, $3  }
0xc6: {  	[dreg:$0x1] =	wrdreg $0xFFFFFFFF  }
0xc7: {  	_ =	task.clear_ibuf [dreg:s7], $0x2FFFF;
	_ =	strace $0x9FFFFFFF  }
0xc8: {  	(tm) =	ssettm $0x7FFFFFFF  }
0xc9: {  	_ =	shalt  }
tec
execute0_lowered:
.L_overlay_start_1:
0x0: {  	(tag) =	ssettag $0x1  }
0x1: {  	s0 =	rddreg [dreg:$0x0]  }
0x2: {  	s1 =	srdreg.scid;
	s2 =	stileid.u32  }
0x3: {  	s3 =	simm.s32 $0x0;
	s8 =	simm.s32 $0x3;
	s15 =	simm.s32 $0x5600  }
0x4: {  	s18 =	simm.s32 $0x5E00;
	s10 =	simm.s32 $0x7E00;
	s11 =	simm.s32 $0x8E00  }
0x5: {  	s31 =	simm.s32 $0xA600;
	[smem:$0x7FF] =	sst s3;
	s5 =	sadd.s32 $0x44400, s0  }
0x6: {  	s19 =	sadd.s32 $0x44600, s0;
	_ =	strace $0x80000047;
	[dreg:$0xa] =	wrdreg s5  }
0x7: {  	s16 =	simm.s32 $0xB600;
	s20 =	sadd.s32 $0x44A00, s0;
	[dreg:$0x3] =	wrdreg s19  }
0x8: {  	s1 =	sand.u32 $0x1, s1;
	s6 =	sadd.s32 $0x44800, s0;
	[dreg:$0x5] =	wrdreg s20  }
0x9: {  	s2 =	sshll.u32 s2, $0x1;
	s25 =	sadd.s32 $0x44B00, s0;
	[dreg:$0x4] =	wrdreg s6  }
0xa: {  	s26 =	sadd.s32 $0x44C00, s0;
	s4 =	sor.u32 s1, s2;
	[dreg:$0x6] =	wrdreg s25  }
0xb: {  	s1 =	ssub.s32 $0x2, s1;
	[dreg:$0x7] =	wrdreg s26;
	s20 =	simm.s32 $0x200  }
0xc: {  	s6 =	simm.s32 $0x6600;
	s2 =	sshll.u32 s4, $0xD;
	s21 =	sshll.u32 s4, $0x3  }
0xd: {  	s2 =	sadd.s32 s2, s0;
	s5 =	sadd.s32 s21, s0;
	s0 =	sadd.s32 $0x44D00, s0  }
0xe: {  	s19 =	simm.s32 $0xBE00;
	s2 =	sadd.s32 $0x4000, s2;
	[dreg:$0x8] =	wrdreg s0  }
0xf: {  	s22 =	sshrl.u32 s1, $0x1;
	s23 =	sadd.s32 $0x44000, s5;
	[dreg:$0xb] =	wrdreg s2  }
.Ltmp0:
0x10: {  	s24 =	sadd.s32 $0x44200, s5;
	[dreg:$0xc] =	wrdreg s23;
	(pc) =	sbr.rel .LBB2_1-.Ltmp0, $4  }
0x11: {  	vm1 =	vmmov $0x1;
	v0 =	vimm.s32 $0x0;
	p0 =	sne.s32 s4, $0x0;
	s29 =	sadd.s32 $0x104A00, s5;
	[dreg:$0xd] =	wrdreg s24  }
0x12: {  	v3 =	vlaneseq.u32;
	vm14 =	vmmov $0xffff;
	v0 =	vsel vm1, $0xFFFFFFFF, v0;
	s28 =	ssub.s32 s1, s22;
	s30 =	sadd.s32 $0x104B00, s5;
	[dreg:$0xe] =	wrdreg s29  }
0x13: {  	v2 =	vimm.s32 $0x0;
	v1 =	vmul.u32 $0x4, v3;
	[tilespmem:$0x1FFF0] =	vst v0;
	v0 =	vshrl.u32 v3, $0x3;
	s22 =	simm.s32 $0x2;
	s0 =	smax.u32 s28, $0x1;
	[dreg:$0xf] =	wrdreg s30  }
0x14: {  	v57 =	vand.u32 $0x7, v3;
	v5 =	vor.u32 $0x8, v3;
	v4 =	vmul.u32 $0x8, v0;
	[dreg:$0x10] =	wrdreg s0;
	s0 =	simm.s32 $0x0;
	s23 =	simm.s32 $0xAE00  }
.LBB2_6:
0x15: {  	_ =	sdelay $0x3  }
0x16: {  	v6 =	vld.idx.msk [tilespmem:v6+s20+$0x0], $0xffff;
	_ =	sdelay $0x2  }
0x17: {  	v0 =	vadd.f32 v3, v0;
	_ =	sdelay $0x1  }
0x18: {  	v3 =	vcvt.s32.f32 v23;
	v0 =	vadd.f32 v6, v0;
	_ =	sdelay $0x1  }
0x19: {  	v0 =	vmul.f32 v3, v0;
	_ =	sdelay $0x1  }
0x1a: {  	(xrf2) =	vadd.scan.msk.f32 $0xffff, v0;
	_ =	sdelay $0x9  }
0x1b: {  	v0, _, _ =	vpop (xrf2)  }
0x1c: {  	(v2sf) =	vpush v0, $0xF;
	_ =	sdelay $0xe  }
0x1d: {  	s5 =	spop (v2sf)  }
0x1e: {  	s5 =	smul.f32 $2.384185790e-07, s5;
	_ =	sdelay $0x1  }
0x1f: {  	v0 =	vmov s5  }
0x20: {  	s30 =	rddreg [dreg:$0x1];
	s7 =	simm.s32 $0x10680;
	[tilespmem:$0x10680] =	vst v0  }
0x21: {  	[hbm4b:s30+s3] =	stream.linear.scatter [tilespmem:s7], [sflag:$0x3], $0x80, $0x38;
	[tilespmem:$0x10700] =	vst v63  }
0x22: {  	_ =	swait.ge [sflag:s8], $0x80  }
0x23: {  	[sflag:s8] =	ssyncset.done $0x0  }
0x24: {  	s0 =	rddreg [dreg:$0x9];
	[sflag:s8] =	ssyncadd.s32 $0xFFFFFF80  }
.LBB2_7:
0x25: {  	s0 =	sadd.s32 $0x1, s0;
	s1 =	rddreg [dreg:$0x10]  }
0x26: {  	p1 =	sne.s32 s0, s1  }
.Ltmp1:
0x27: {  	_ = 	snop;
	(pc) =	sbr.rel @!p1 .LBB2_8-.Ltmp1, $1  }
0x28: {  	_ =	sdelay $0x3  }
.LBB2_1:
0x29: {  	[dreg:$0x9] =	wrdreg s0  }
0x2a: {  	s21 =	simm.s32 $0x600;
	s1 =	rddreg [dreg:$0xb]  }
0x2b: {  	[tilespmem:s21], [sflag:$0x2] =	stream.linear.gather [hbm4b:s1+s3], $0x10000, $0x38;
	[tilespmem:$0x10700] =	vst v63  }
0x2c: {  	s24 =	rddreg [dreg:$0xa]  }
0x2d: {  	[tilespmem:s3], [sflag:$0x3] =	stream.linear.gather [hbm4b:s24+s3], $0x200, $0x38;
	[tilespmem:$0x10700] =	vst v63  }
0x2e: {  	_ =	swait.ge [sflag:s8], $0x200  }
0x2f: {  	[sflag:s8] =	ssyncset.done $0x0  }
0x30: {  	s26 =	simm.s32 $0x400;
	s25 =	rddreg [dreg:$0xc];
	[sflag:s8] =	ssyncadd.s32 $0xFFFFFE00  }
0x31: {  	[tilespmem:s26], [sflag:$0x3] =	stream.linear.gather [hbm4b:s25+s3], $0x40, $0x38;
	[tilespmem:$0x10700] =	vst v63  }
0x32: {  	s5 =	sand.u32 $0x3, s3;
	s17 =	sand.u32 $0x1C0, s3;
	_ =	swait.ge [sflag:s8], $0x40  }
0x33: {  	s5 =	sor.u32 s5, s17;
	[sflag:s8] =	ssyncset.done $0x0  }
0x34: {  	s29 =	simm.s32 $0x480;
	v0 =	vor.u32 s5, v1;
	s28 =	rddreg [dreg:$0xd];
	[sflag:s8] =	ssyncadd.s32 $0xFFFFFFC0  }
0x35: {  	[tilespmem:s29], [sflag:$0x3] =	stream.linear.gather [hbm4b:s28+s3], $0x40, $0x38;
	[tilespmem:$0x10700] =	vst v63  }
0x36: {  	s17 =	simm.s32 $0x1;
	s21 =	simm.s32 $0x10;
	_ =	swait.ge [sflag:s8], $0x40  }
0x37: {  	s30 =	sand.u32 $0x3, s17;
	s24 =	sand.u32 $0x1C0, s21;
	[sflag:s8] =	ssyncset.done $0x0  }
0x38: {  	s24 =	sor.u32 s30, s24;
	[sflag:s8] =	ssyncadd.s32 $0xFFFFFFC0  }
0x39: {  	v8 =	vor.u32 s24, v1;
	v3 =	vld.idx.msk [tilespmem:v0+s3+$0x0], $0xffff  }
0x3a: {  	p1 =	sgt.u32 s4, $0x0;
	v6 =	vimm.s32 $0x0;
	s5 =	simm.s32 $0x2;
	v0 =	vimm.s32 $0x0  }
.LBB2_2:
0x3b: {  	s24 =	sand.u32 $0x3, s5;
	s21 =	sadd.s32 $0x10, s21;
	s25 =	simm.s32 $0x1  }
0x3c: {  	s26 =	smov.u32 s5;
	p2 =	sne.s32 s5, $0x1F;
	s25 =	simm.s32 @!p1 $0x0  }
.Ltmp2:
0x3d: {  	s5 =	sadd.s32 $0x1, s5;
	s28 =	sand.u32 $0x1C0, s21;
	(pc) =	sbr.rel @p2 .LBB2_2-.Ltmp2, $4  }
0x3e: {  	v6 =	vadd.s32 v6, v3;
	s24 =	sor.u32 s24, s28;
	v9 =	vmul.u32 s25, v3;
	v3 =	vld.idx.msk [tilespmem:v8+s3+$0x0], $0xffff  }
0x3f: {  	v8 =	vor.u32 s24, v1  }
0x40: {  	v0 =	vadd.s32 v0, v9  }
0x41: {  	p1 =	slt.u32 s17, s4;
	s17 =	smov.u32 s26  }
0x42: {  	_ =	sdelay $0x3  }
0x43: {  	v8 =	vld.idx.msk [tilespmem:v8+s3+$0x0], $0xffff;
	_ =	sdelay $0x3  }
0x44: {  	v6 =	vadd.s32 v6, v3  }
0x45: {  	v6 =	vadd.s32 v6, v8  }
0x46: {  	[tilespmem:$0x1FA80] =	vst v6;
	v6 =	vadd.s32 $0xFF, v6  }
0x47: {  	v7 =	vshra.s32 v6, $0x8  }
0x48: {  	(xrf0) =	vadd.scan.msk.s32 $0xffff, v7;
	_ =	sdelay $0x2  }
0x49: {  	s5 =	simm.s32 $0x1;
	v6 =	vld [tilespmem:$0x400]  }
0x4a: {  	s5 =	simm.s32 @!p1 $0x0;
	p1 =	slt.u32 s17, s4;
	s17 =	simm.s32 $0x1  }
0x4b: {  	v3 =	vmul.u32 s5, v3;
	s17 =	simm.s32 @!p1 $0x0  }
0x4c: {  	v8 =	vmul.u32 s17, v8;
	v9, _, _ =	vpop (xrf0)  }
0x4d: {  	v0 =	vadd.s32 v0, v3;
	v3 =	vsub.s32 v9, v7  }
0x4e: {  	v0 =	vadd.s32 v0, v8;
	vm1 =	veq.s32 v6, $0x0;
	[tilespmem:$0x1FAA0] =	vst v3;
	v3 =	vshll.u32 v3, $0x8  }
0x4f: {  	v0 =	vadd.s32 v0, v3;
	v3 =	vsel vm1, $0x1, v2  }
0x50: {  	(xrf0) =	vadd.scan.msk.s32 $0xffff, v3;
	v3 =	vld [tilespmem:$0x1FFF0];
	_ =	sdelay $0x4  }
0x51: {  	vm2 =	vnez.u8 v3  }
0x52: {  	vm9 =	veq.s32 v6, $0x1;
	v3 =	vnsel vm2, $0x0, v0  }
0x53: {  	(xrf0) =	vadd.scan.msk.s32 $0xffff, v3;
	v3 =	vsel vm9, $0x1, v2  }
0x54: {  	(xrf0) =	vadd.scan.msk.s32 $0xffff, v3;
	_ =	sdelay $0x3  }
0x55: {  	[tilespmem:$0x1FA90] =	vst v7;
	v7 =	vimm.s32 $0x0;
	v15, _, _ =	vpop (xrf0)  }
0x56: {  	v7 =	vsel vm1, $0xFFFFFFFF, v7;
	v3 =	vbroadcast v15, $0xF;
	v48, _, _ =	vpop (xrf0)  }
0x57: {  	vm0 =	vcmask $0x308;
	vm15 =	vcmask $0x704;
	[tilespmem:$0x1FAB0] =	vst v7;
	v7 =	vimm.s32 $0x0;
	v14, _, _ =	vpop (xrf0)  }
0x58: {  	v7 =	vsel vm9, $0xFFFFFFFF, v7;
	v3 =	vnsel vm2, $0x0, v3;
	v22 =	vbroadcast v14, $0xF  }
0x59: {  	vm10 =	veq.s32 v6, $0x2;
	[tilespmem:$0x1FAE0] =	vst v7;
	v7 =	vimm.s32 $0x0;
	v0 =	vadd.s32 v0, v3  }
0x5a: {  	v7 =	vsel vm10, $0xFFFFFFFF, v7;
	v3 =	vsel vm0, $0x0, v0;
	v8 =	vnsel vm15, $0x0, v22  }
0x5b: {  	(xrf0) =	vadd.scan.msk.s32 $0xffff, v3;
	v3 =	vsel vm10, $0x1, v2;
	vm10 =	vcmask $0x70C;
	v0 =	vadd.s32 v8, v0  }
0x5c: {  	vm11 =	veq.s32 v6, $0x3;
	(xrf0) =	vadd.scan.msk.s32 $0xffff, v3;
	v3 =	vsel vm10, $0x0, v0  }
0x5d: {  	(xrf0) =	vadd.scan.msk.s32 $0xffff, v3;
	v3 =	vsel vm11, $0x1, v2  }
0x5e: {  	(xrf0) =	vadd.scan.msk.s32 $0xffff, v3;
	_ =	sdelay $0x2  }
0x5f: {  	v55, _, _ =	vpop (xrf0)  }
0x60: {  	v19, _, _ =	vpop (xrf0)  }
0x61: {  	v3 =	vbroadcast v19, $0xF;
	v51, _, _ =	vpop (xrf0)  }
0x62: {  	vm9 =	vcmask $0xB08;
	v17, _, _ =	vpop (xrf0)  }
0x63: {  	v3 =	vnsel vm9, $0x0, v3;
	v23 =	vbroadcast v17, $0xF  }
0x64: {  	vm7 =	vcmask $0xB10;
	vm8 =	vcmask $0xF0C;
	v0 =	vadd.s32 v3, v0  }
0x65: {  	vm4 =	veq.s32 v6, $0x4;
	v3 =	vsel vm7, $0x0, v0;
	v8 =	vnsel vm8, $0x0, v23  }
0x66: {  	vm6 =	vcmask $0xF14;
	(xrf0) =	vadd.scan.msk.s32 $0xffff, v3;
	v3 =	vsel vm4, $0x1, v2;
	v0 =	vadd.s32 v8, v0  }
0x67: {  	(xrf0) =	vadd.scan.msk.s32 $0xffff, v3;
	v3 =	vsel vm6, $0x0, v0  }
0x68: {  	vm5 =	veq.s32 v6, $0x5;
	(xrf0) =	vadd.scan.msk.s32 $0xffff, v3  }
0x69: {  	[tilespmem:$0x1FAF0] =	vst v7;
	v7 =	vimm.s32 $0x0;
	v3 =	vsel vm5, $0x1, v2  }
0x6a: {  	v7 =	vsel vm11, $0xFFFFFFFF, v7;
	(xrf0) =	vadd.scan.msk.s32 $0xffff, v3  }
0x6b: {  	[tilespmem:$0x1FB10] =	vst v7;
	v7 =	vimm.s32 $0x0  }
0x6c: {  	v7 =	vsel vm4, $0xFFFFFFFF, v7;
	v3, _, _ =	vpop (xrf0)  }
0x6d: {  	[tilespmem:$0x1FB60] =	vst v7;
	v22, _, _ =	vpop (xrf0)  }
0x6e: {  	v7 =	vimm.s32 $0x0;
	[tilespmem:$0x1FAC0] =	vst v3;
	v3, _, _ =	vpop (xrf0)  }
0x6f: {  	v7 =	vsel vm5, $0xFFFFFFFF, v7;
	[tilespmem:$0x1FB00] =	vst v3;
	v3 =	vbroadcast v22, $0xF  }
0x70: {  	vm3 =	vcmask $0x1318;
	[tilespmem:$0x1FBA0] =	vst v7;
	v7 =	vimm.s32 $0x0;
	vm5 =	vcmask $0x1310;
	v13, _, _ =	vpop (xrf0)  }
0x71: {  	vm11 =	veq.s32 v6, $0x6;
	v24 =	vbroadcast v13, $0xF;
	v3 =	vnsel vm5, $0x0, v3  }
0x72: {  	v7 =	vsel vm11, $0xFFFFFFFF, v7;
	vm4 =	vcmask $0x1714;
	v0 =	vadd.s32 v3, v0  }
0x73: {  	[tilespmem:$0x1FBE0] =	vst v7;
	v8 =	vnsel vm4, $0x0, v24;
	v3 =	vsel vm3, $0x0, v0  }
0x74: {  	v0 =	vadd.s32 v8, v0;
	(xrf0) =	vadd.scan.msk.s32 $0xffff, v3;
	v3 =	vsel vm11, $0x1, v2;
	vm11 =	vcmask $0x171C  }
0x75: {  	(xrf0) =	vadd.scan.msk.s32 $0xffff, v3;
	v3 =	vsel vm11, $0x0, v0  }
0x76: {  	vm1 =	veq.s32 v6, $0x7;
	(xrf0) =	vadd.scan.msk.s32 $0xffff, v3  }
0x77: {  	v3 =	vsel vm1, $0x1, v2  }
0x78: {  	v6 =	vimm.s32 $0x0;
	(xrf0) =	vadd.scan.msk.s32 $0xffff, v3  }
0x79: {  	v6 =	vsel vm1, $0xFFFFFFFF, v6  }
0x7a: {  	v3, _, _ =	vpop (xrf0)  }
0x7b: {  	[tilespmem:$0x1FCC0] =	vst v6;
	v16, _, _ =	vpop (xrf0)  }
0x7c: {  	[tilespmem:$0x1FB40] =	vst v3;
	v3 =	vld [tilespmem:$0x480];
	v6, _, _ =	vpop (xrf0)  }
0x7d: {  	[tilespmem:$0x1FB80] =	vst v6;
	v6 =	vbroadcast v16, $0xF  }
0x7e: {  	vm12 =	vcmask $0x1B18;
	v9, _, _ =	vpop (xrf0)  }
0x7f: {  	v25 =	vbroadcast v9, $0xF;
	v6 =	vnsel vm12, $0x0, v6  }
0x80: {  	vm13 =	vcmask $0x1F1C;
	vm1 =	vcmask $0x1B20;
	v0 =	vadd.s32 v6, v0  }
0x81: {  	v8 =	vnsel vm13, $0x0, v25;
	vm12 =	veq.s32 v3, $0x0;
	v6 =	vsel vm1, $0x0, v0  }
0x82: {  	v0 =	vadd.s32 v8, v0;
	(xrf0) =	vadd.scan.msk.s32 $0xffff, v6;
	v6 =	vsel vm12, $0x1, v2  }
0x83: {  	v7 =	vimm.s32 $0x0;
	(xrf0) =	vadd.scan.msk.s32 $0xffff, v6;
	v6 =	vnsel vm2, $0x0, v0  }
0x84: {  	v7 =	vsel vm12, $0xFFFFFFFF, v7;
	vm12 =	veq.s32 v3, $0x1;
	(xrf0) =	vadd.scan.msk.s32 $0xffff, v6  }
0x85: {  	v6 =	vsel vm12, $0x1, v2  }
0x86: {  	(xrf0) =	vadd.scan.msk.s32 $0xffff, v6;
	_ =	sdelay $0x1  }
0x87: {  	v6, _, _ =	vpop (xrf0)  }
0x88: {  	v42, _, _ =	vpop (xrf0)  }
0x89: {  	[tilespmem:$0x1FC60] =	vst v6;
	v6, _, _ =	vpop (xrf0)  }
0x8a: {  	[tilespmem:$0x1FAD0] =	vst v6;
	v6 =	vbroadcast v42, $0xF  }
0x8b: {  	v36, _, _ =	vpop (xrf0)  }
0x8c: {  	[tilespmem:$0x1FB20] =	vst v7;
	v7 =	vimm.s32 $0x0;
	v26 =	vbroadcast v36, $0xF;
	v6 =	vnsel vm2, $0x0, v6  }
0x8d: {  	v7 =	vsel vm12, $0xFFFFFFFF, v7;
	v0 =	vadd.s32 v6, v0  }
0x8e: {  	vm12 =	veq.s32 v3, $0x2;
	v8 =	vnsel vm15, $0x0, v26;
	v6 =	vsel vm0, $0x0, v0  }
0x8f: {  	v0 =	vadd.s32 v8, v0;
	(xrf0) =	vadd.scan.msk.s32 $0xffff, v6;
	v6 =	vsel vm12, $0x1, v2  }
0x90: {  	[tilespmem:$0x1FB70] =	vst v7;
	v7 =	vimm.s32 $0x0;
	(xrf0) =	vadd.scan.msk.s32 $0xffff, v6;
	v6 =	vsel vm10, $0x0, v0  }
0x91: {  	v7 =	vsel vm12, $0xFFFFFFFF, v7;
	vm12 =	veq.s32 v3, $0x3;
	(xrf0) =	vadd.scan.msk.s32 $0xffff, v6  }
0x92: {  	v6 =	vsel vm12, $0x1, v2  }
0x93: {  	(xrf0) =	vadd.scan.msk.s32 $0xffff, v6;
	_ =	sdelay $0x1  }
0x94: {  	v6, _, _ =	vpop (xrf0)  }
0x95: {  	v35, _, _ =	vpop (xrf0)  }
0x96: {  	[tilespmem:$0x1FB30] =	vst v6;
	v6, _, _ =	vpop (xrf0)  }
0x97: {  	[tilespmem:$0x1FB50] =	vst v6;
	v6 =	vbroadcast v35, $0xF  }
0x98: {  	v33, _, _ =	vpop (xrf0)  }
0x99: {  	[tilespmem:$0x1FBB0] =	vst v7;
	v7 =	vimm.s32 $0x0;
	v27 =	vbroadcast v33, $0xF;
	v6 =	vnsel vm9, $0x0, v6  }
0x9a: {  	v7 =	vsel vm12, $0xFFFFFFFF, v7;
	v0 =	vadd.s32 v6, v0  }
0x9b: {  	vm12 =	veq.s32 v3, $0x4;
	v8 =	vnsel vm8, $0x0, v27;
	v6 =	vsel vm7, $0x0, v0  }
0x9c: {  	v0 =	vadd.s32 v8, v0;
	(xrf0) =	vadd.scan.msk.s32 $0xffff, v6;
	v6 =	vsel vm12, $0x1, v2  }
0x9d: {  	[tilespmem:$0x1FBF0] =	vst v7;
	v7 =	vimm.s32 $0x0;
	(xrf0) =	vadd.scan.msk.s32 $0xffff, v6;
	v6 =	vsel vm6, $0x0, v0  }
0x9e: {  	v7 =	vsel vm12, $0xFFFFFFFF, v7;
	vm12 =	veq.s32 v3, $0x5;
	(xrf0) =	vadd.scan.msk.s32 $0xffff, v6  }
0x9f: {  	v6 =	vsel vm12, $0x1, v2  }
0xa0: {  	(xrf0) =	vadd.scan.msk.s32 $0xffff, v6;
	_ =	sdelay $0x1  }
0xa1: {  	v6, _, _ =	vpop (xrf0)  }
0xa2: {  	v34, _, _ =	vpop (xrf0)  }
0xa3: {  	[tilespmem:$0x1FB90] =	vst v6;
	v6, _, _ =	vpop (xrf0)  }
0xa4: {  	[tilespmem:$0x1FBD0] =	vst v6;
	v6 =	vbroadcast v34, $0xF  }
0xa5: {  	[tilespmem:$0x1FC40] =	vst v7;
	v7 =	vimm.s32 $0x0;
	v27, _, _ =	vpop (xrf0)  }
0xa6: {  	v7 =	vsel vm12, $0xFFFFFFFF, v7;
	v28 =	vbroadcast v27, $0xF;
	v6 =	vnsel vm5, $0x0, v6  }
0xa7: {  	[tilespmem:$0x1FC90] =	vst v7;
	vm12 =	veq.s32 v3, $0x6;
	v7 =	vimm.s32 $0x0;
	v0 =	vadd.s32 v6, v0  }
0xa8: {  	v7 =	vsel vm12, $0xFFFFFFFF, v7;
	v8 =	vnsel vm4, $0x0, v28;
	v6 =	vsel vm3, $0x0, v0  }
0xa9: {  	v0 =	vadd.s32 v8, v0;
	(xrf0) =	vadd.scan.msk.s32 $0xffff, v6;
	v6 =	vsel vm12, $0x1, v2;
	vm12 =	vmmov vm11  }
0xaa: {  	(xrf0) =	vadd.scan.msk.s32 $0xffff, v6;
	v6 =	vsel vm11, $0x0, v0;
	vm11 =	veq.s32 v3, $0x7;
	v3 =	vimm.s32 $0x0  }
0xab: {  	v3 =	vsel vm11, $0xFFFFFFFF, v3;
	(xrf0) =	vadd.scan.msk.s32 $0xffff, v6  }
0xac: {  	[tilespmem:$0x1FE20] =	vst v3;
	v3 =	vsel vm11, $0x1, v2  }
0xad: {  	(xrf0) =	vadd.scan.msk.s32 $0xffff, v3;
	_ =	sdelay $0x1  }
0xae: {  	v3, _, _ =	vpop (xrf0)  }
0xaf: {  	v28, _, _ =	vpop (xrf0)  }
0xb0: {  	[tilespmem:$0x1FC10] =	vst v3;
	v3 =	vld [tilespmem:$0x410];
	v6, _, _ =	vpop (xrf0)  }
0xb1: {  	[tilespmem:$0x1FC70] =	vst v6;
	v6 =	vbroadcast v28, $0xF  }
0xb2: {  	vm11 =	vcmask $0x1B18;
	v10, _, _ =	vpop (xrf0)  }
0xb3: {  	v6 =	vnsel vm11, $0x0, v6;
	v29 =	vbroadcast v10, $0xF  }
0xb4: {  	v0 =	vadd.s32 v6, v0  }
0xb5: {  	v6 =	vsel vm1, $0x0, v0;
	v8 =	vnsel vm13, $0x0, v29;
	vm13 =	veq.s32 v3, $0x0  }
0xb6: {  	(xrf0) =	vadd.scan.msk.s32 $0xffff, v6;
	v0 =	vadd.s32 v8, v0;
	v6 =	vsel vm13, $0x1, v2  }
0xb7: {  	[tilespmem:$0x1FCD0] =	vst v7;
	v7 =	vimm.s32 $0x0;
	(xrf0) =	vadd.scan.msk.s32 $0xffff, v6;
	v6 =	vnsel vm2, $0x0, v0  }
0xb8: {  	v7 =	vsel vm13, $0xFFFFFFFF, v7;
	vm13 =	veq.s32 v3, $0x1;
	(xrf0) =	vadd.scan.msk.s32 $0xffff, v6  }
0xb9: {  	v6 =	vsel vm13, $0x1, v2  }
0xba: {  	(xrf0) =	vadd.scan.msk.s32 $0xffff, v6;
	_ =	sdelay $0x1  }
0xbb: {  	v6, _, _ =	vpop (xrf0)  }
0xbc: {  	v54, _, _ =	vpop (xrf0)  }
0xbd: {  	[tilespmem:$0x1FDC0] =	vst v6;
	v6, _, _ =	vpop (xrf0)  }
0xbe: {  	[tilespmem:$0x1FBC0] =	vst v6;
	v6 =	vbroadcast v54, $0xF  }
0xbf: {  	v47, _, _ =	vpop (xrf0)  }
0xc0: {  	[tilespmem:$0x1FC00] =	vst v7;
	v7 =	vimm.s32 $0x0;
	v30 =	vbroadcast v47, $0xF;
	v6 =	vnsel vm2, $0x0, v6  }
0xc1: {  	v7 =	vsel vm13, $0xFFFFFFFF, v7;
	v0 =	vadd.s32 v6, v0  }
0xc2: {  	vm13 =	veq.s32 v3, $0x2;
	v8 =	vnsel vm15, $0x0, v30;
	v6 =	vsel vm0, $0x0, v0  }
0xc3: {  	v0 =	vadd.s32 v8, v0;
	(xrf0) =	vadd.scan.msk.s32 $0xffff, v6;
	v6 =	vsel vm13, $0x1, v2  }
0xc4: {  	[tilespmem:$0x1FC50] =	vst v7;
	v7 =	vimm.s32 $0x0;
	(xrf0) =	vadd.scan.msk.s32 $0xffff, v6;
	v6 =	vsel vm10, $0x0, v0  }
0xc5: {  	v7 =	vsel vm13, $0xFFFFFFFF, v7;
	vm13 =	veq.s32 v3, $0x3;
	(xrf0) =	vadd.scan.msk.s32 $0xffff, v6  }
0xc6: {  	v6 =	vsel vm13, $0x1, v2  }
0xc7: {  	(xrf0) =	vadd.scan.msk.s32 $0xffff, v6;
	_ =	sdelay $0x1  }
0xc8: {  	v6, _, _ =	vpop (xrf0)  }
0xc9: {  	v50, _, _ =	vpop (xrf0)  }
0xca: {  	[tilespmem:$0x1FC20] =	vst v6;
	v6, _, _ =	vpop (xrf0)  }
0xcb: {  	[tilespmem:$0x1FC30] =	vst v6;
	v6 =	vbroadcast v50, $0xF  }
0xcc: {  	v44, _, _ =	vpop (xrf0)  }
0xcd: {  	[tilespmem:$0x1FCA0] =	vst v7;
	v7 =	vimm.s32 $0x0;
	v31 =	vbroadcast v44, $0xF;
	v6 =	vnsel vm9, $0x0, v6  }
0xce: {  	v7 =	vsel vm13, $0xFFFFFFFF, v7;
	v0 =	vadd.s32 v6, v0  }
0xcf: {  	vm13 =	veq.s32 v3, $0x4;
	v8 =	vnsel vm8, $0x0, v31;
	v6 =	vsel vm7, $0x0, v0  }
0xd0: {  	v0 =	vadd.s32 v8, v0;
	(xrf0) =	vadd.scan.msk.s32 $0xffff, v6;
	v6 =	vsel vm13, $0x1, v2  }
0xd1: {  	[tilespmem:$0x1FCE0] =	vst v7;
	v7 =	vimm.s32 $0x0;
	(xrf0) =	vadd.scan.msk.s32 $0xffff, v6;
	v6 =	vsel vm6, $0x0, v0  }
0xd2: {  	v7 =	vsel vm13, $0xFFFFFFFF, v7;
	vm13 =	veq.s32 v3, $0x5;
	(xrf0) =	vadd.scan.msk.s32 $0xffff, v6  }
0xd3: {  	v6 =	vsel vm13, $0x1, v2  }
0xd4: {  	(xrf0) =	vadd.scan.msk.s32 $0xffff, v6;
	_ =	sdelay $0x1  }
0xd5: {  	v6, _, _ =	vpop (xrf0)  }
0xd6: {  	v49, _, _ =	vpop (xrf0)  }
0xd7: {  	[tilespmem:$0x1FC80] =	vst v6;
	v6, _, _ =	vpop (xrf0)  }
0xd8: {  	[tilespmem:$0x1FCB0] =	vst v6;
	v6 =	vbroadcast v49, $0xF  }
0xd9: {  	v41, _, _ =	vpop (xrf0)  }
0xda: {  	[tilespmem:$0x1FCF0] =	vst v7;
	v7 =	vimm.s32 $0x0;
	v32 =	vbroadcast v41, $0xF;
	v6 =	vnsel vm5, $0x0, v6  }
0xdb: {  	v7 =	vsel vm13, $0xFFFFFFFF, v7;
	vm13 =	veq.s32 v3, $0x6;
	v0 =	vadd.s32 v6, v0  }
0xdc: {  	[tilespmem:$0x1FD40] =	vst v7;
	v7 =	vimm.s32 $0x0;
	v8 =	vnsel vm4, $0x0, v32;
	v6 =	vsel vm3, $0x0, v0  }
0xdd: {  	v7 =	vsel vm13, $0xFFFFFFFF, v7;
	v0 =	vadd.s32 v8, v0;
	(xrf0) =	vadd.scan.msk.s32 $0xffff, v6;
	v6 =	vsel vm13, $0x1, v2  }
0xde: {  	vm13 =	veq.s32 v3, $0x7;
	v3 =	vimm.s32 $0x0;
	(xrf0) =	vadd.scan.msk.s32 $0xffff, v6;
	v6 =	vsel vm12, $0x0, v0  }
0xdf: {  	v3 =	vsel vm13, $0xFFFFFFFF, v3;
	(xrf0) =	vadd.scan.msk.s32 $0xffff, v6  }
0xe0: {  	[tilespmem:$0x1FE30] =	vst v3;
	v3 =	vsel vm13, $0x1, v2  }
0xe1: {  	(xrf0) =	vadd.scan.msk.s32 $0xffff, v3;
	_ =	sdelay $0x1  }
0xe2: {  	v3, _, _ =	vpop (xrf0)  }
0xe3: {  	v45, _, _ =	vpop (xrf0)  }
0xe4: {  	[tilespmem:$0x1FD00] =	vst v3;
	v3 =	vld [tilespmem:$0x490];
	v6, _, _ =	vpop (xrf0)  }
0xe5: {  	[tilespmem:$0x1FD20] =	vst v6;
	v6 =	vbroadcast v45, $0xF  }
0xe6: {  	v29, _, _ =	vpop (xrf0)  }
0xe7: {  	v37 =	vbroadcast v29, $0xF;
	v6 =	vnsel vm11, $0x0, v6  }
0xe8: {  	vm0 =	vcmask $0x1F1C;
	vm13 =	vmmov vm11;
	v0 =	vadd.s32 v6, v0  }
0xe9: {  	v8 =	vnsel vm0, $0x0, v37;
	vm11 =	veq.s32 v3, $0x0;
	v6 =	vsel vm1, $0x0, v0  }
0xea: {  	v0 =	vadd.s32 v8, v0;
	(xrf0) =	vadd.scan.msk.s32 $0xffff, v6;
	v6 =	vsel vm11, $0x1, v2  }
0xeb: {  	[tilespmem:$0x1FD70] =	vst v7;
	v7 =	vimm.s32 $0x0;
	(xrf0) =	vadd.scan.msk.s32 $0xffff, v6;
	v6 =	vnsel vm2, $0x0, v0  }
0xec: {  	v7 =	vsel vm11, $0xFFFFFFFF, v7;
	vm11 =	veq.s32 v3, $0x1;
	(xrf0) =	vadd.scan.msk.s32 $0xffff, v6  }
0xed: {  	v6 =	vsel vm11, $0x1, v2  }
0xee: {  	(xrf0) =	vadd.scan.msk.s32 $0xffff, v6;
	_ =	sdelay $0x1  }
0xef: {  	v6, _, _ =	vpop (xrf0)  }
0xf0: {  	v59, _, _ =	vpop (xrf0)  }
0xf1: {  	[tilespmem:$0x1FDD0] =	vst v6;
	v6, _, _ =	vpop (xrf0)  }
0xf2: {  	[tilespmem:$0x1FD10] =	vst v6;
	v6 =	vbroadcast v59, $0xF  }
0xf3: {  	v56, _, _ =	vpop (xrf0)  }
0xf4: {  	[tilespmem:$0x1FD50] =	vst v7;
	v7 =	vimm.s32 $0x0;
	v38 =	vbroadcast v56, $0xF;
	v6 =	vnsel vm2, $0x0, v6  }
0xf5: {  	v7 =	vsel vm11, $0xFFFFFFFF, v7;
	vm11 =	vcmask $0x308;
	v0 =	vadd.s32 v6, v0  }
0xf6: {  	v8 =	vnsel vm15, $0x0, v38;
	v6 =	vsel vm11, $0x0, v0;
	vm11 =	veq.s32 v3, $0x2  }
0xf7: {  	v0 =	vadd.s32 v8, v0;
	(xrf0) =	vadd.scan.msk.s32 $0xffff, v6;
	v6 =	vsel vm11, $0x1, v2  }
0xf8: {  	[tilespmem:$0x1FD80] =	vst v7;
	v7 =	vimm.s32 $0x0;
	(xrf0) =	vadd.scan.msk.s32 $0xffff, v6;
	v6 =	vsel vm10, $0x0, v0  }
0xf9: {  	v7 =	vsel vm11, $0xFFFFFFFF, v7;
	vm11 =	veq.s32 v3, $0x3;
	(xrf0) =	vadd.scan.msk.s32 $0xffff, v6  }
0xfa: {  	v6 =	vsel vm11, $0x1, v2  }
0xfb: {  	(xrf0) =	vadd.scan.msk.s32 $0xffff, v6;
	_ =	sdelay $0x1  }
0xfc: {  	v6, _, _ =	vpop (xrf0)  }
0xfd: {  	v8, _, _ =	vpop (xrf0)  }
0xfe: {  	[tilespmem:$0x1FD30] =	vst v6;
	v6, _, _ =	vpop (xrf0)  }
0xff: {  	[tilespmem:$0x1FD60] =	vst v6;
	v6 =	vbroadcast v8, $0xF  }
0x100: {  	v63, _, _ =	vpop (xrf0)  }
0x101: {  	[tilespmem:$0x1FDA0] =	vst v7;
	v7 =	vimm.s32 $0x0;
	v11 =	vbroadcast v63, $0xF;
	v6 =	vnsel vm9, $0x0, v6  }
0x102: {  	v7 =	vsel vm11, $0xFFFFFFFF, v7;
	v0 =	vadd.s32 v6, v0  }
0x103: {  	vm11 =	veq.s32 v3, $0x4;
	v11 =	vnsel vm8, $0x0, v11;
	v6 =	vsel vm7, $0x0, v0  }
0x104: {  	v0 =	vadd.s32 v11, v0;
	(xrf0) =	vadd.scan.msk.s32 $0xffff, v6;
	v6 =	vsel vm11, $0x1, v2  }
0x105: {  	[tilespmem:$0x1FDB0] =	vst v7;
	v7 =	vimm.s32 $0x0;
	(xrf0) =	vadd.scan.msk.s32 $0xffff, v6;
	v6 =	vsel vm6, $0x0, v0  }
0x106: {  	v7 =	vsel vm11, $0xFFFFFFFF, v7;
	vm11 =	veq.s32 v3, $0x5;
	(xrf0) =	vadd.scan.msk.s32 $0xffff, v6  }
0x107: {  	v6 =	vsel vm11, $0x1, v2  }
0x108: {  	(xrf0) =	vadd.scan.msk.s32 $0xffff, v6;
	_ =	sdelay $0x1  }
0x109: {  	v43, _, _ =	vpop (xrf0)  }
0x10a: {  	v25, _, _ =	vpop (xrf0)  }
0x10b: {  	v6, _, _ =	vpop (xrf0)  }
0x10c: {  	[tilespmem:$0x1FD90] =	vst v6;
	v6 =	vbroadcast v25, $0xF  }
0x10d: {  	v53, _, _ =	vpop (xrf0)  }
0x10e: {  	[tilespmem:$0x1FDF0] =	vst v7;
	v7 =	vimm.s32 $0x0;
	v39 =	vbroadcast v53, $0xF;
	v6 =	vnsel vm5, $0x0, v6  }
0x10f: {  	v7 =	vsel vm11, $0xFFFFFFFF, v7;
	vm11 =	veq.s32 v3, $0x6;
	v0 =	vadd.s32 v6, v0  }
0x110: {  	[tilespmem:$0x1FE40] =	vst v7;
	v7 =	vimm.s32 $0x0;
	v6 =	vnsel vm4, $0x0, v39;
	v40 =	vsel vm3, $0x0, v0  }
0x111: {  	v7 =	vsel vm11, $0xFFFFFFFF, v7;
	v0 =	vadd.s32 v6, v0;
	v6 =	vsel vm11, $0x1, v2;
	(xrf0) =	vadd.scan.msk.s32 $0xffff, v40  }
0x112: {  	vm11 =	veq.s32 v3, $0x7;
	v3 =	vimm.s32 $0x0;
	(xrf0) =	vadd.scan.msk.s32 $0xffff, v6;
	v6 =	vsel vm12, $0x0, v0  }
0x113: {  	v3 =	vsel vm11, $0xFFFFFFFF, v3;
	(xrf0) =	vadd.scan.msk.s32 $0xffff, v6  }
0x114: {  	[tilespmem:$0x1FFA0] =	vst v3;
	v3 =	vsel vm11, $0x1, v2  }
0x115: {  	(xrf0) =	vadd.scan.msk.s32 $0xffff, v3;
	_ =	sdelay $0x1  }
0x116: {  	v3, _, _ =	vpop (xrf0)  }
0x117: {  	v62, _, _ =	vpop (xrf0)  }
0x118: {  	[tilespmem:$0x1FDE0] =	vst v3;
	v3 =	vld [tilespmem:$0x420];
	v6, _, _ =	vpop (xrf0)  }
0x119: {  	[tilespmem:$0x1FE00] =	vst v6;
	v6 =	vbroadcast v62, $0xF  }
0x11a: {  	v18, _, _ =	vpop (xrf0)  }
0x11b: {  	v46 =	vbroadcast v18, $0xF;
	v6 =	vnsel vm13, $0x0, v6  }
0x11c: {  	vm11 =	vmmov vm0;
	v0 =	vadd.s32 v6, v0  }
0x11d: {  	[tilespmem:$0x1FE70] =	vst v7;
	v6 =	vnsel vm0, $0x0, v46;
	vm0 =	veq.s32 v3, $0x0;
	v52 =	vsel vm1, $0x0, v0  }
0x11e: {  	v7 =	vimm.s32 $0x0;
	v6 =	vadd.s32 v6, v0;
	v0 =	vsel vm0, $0x1, v2;
	(xrf0) =	vadd.scan.msk.s32 $0xffff, v52  }
0x11f: {  	v7 =	vsel vm0, $0xFFFFFFFF, v7;
	vm0 =	veq.s32 v3, $0x1;
	(xrf0) =	vadd.scan.msk.s32 $0xffff, v0;
	v0 =	vnsel vm2, $0x0, v6  }
0x120: {  	(xrf0) =	vadd.scan.msk.s32 $0xffff, v0;
	v0 =	vsel vm0, $0x1, v2  }
0x121: {  	(xrf0) =	vadd.scan.msk.s32 $0xffff, v0  }
0x122: {  	[tilespmem:$0x1FE80] =	vst v7;
	v7 =	vimm.s32 $0x0  }
0x123: {  	v7 =	vsel vm0, $0xFFFFFFFF, v7  }
0x124: {  	v0, _, _ =	vpop (xrf0)  }
0x125: {  	[tilespmem:$0x1FF60] =	vst v0;
	v0, _, _ =	vpop (xrf0)  }
0x126: {  	[tilespmem:$0x1FE90] =	vst v7;
	v7, _, _ =	vpop (xrf0);
	v58 =	vbroadcast v0, $0xF  }
0x127: {  	v24, _, _ =	vpop (xrf0)  }
0x128: {  	v11 =	vnsel vm2, $0x0, v58;
	v12 =	vbroadcast v24, $0xF  }
0x129: {  	vm0 =	vcmask $0x308;
	v6 =	vadd.s32 v11, v6  }
0x12a: {  	[tilespmem:$0x1FE10] =	vst v7;
	v60 =	vnsel vm15, $0x0, v12;
	v61 =	vsel vm0, $0x0, v6;
	vm0 =	veq.s32 v3, $0x2  }
0x12b: {  	v7 =	vimm.s32 $0x0;
	(xrf0) =	vadd.scan.msk.s32 $0xffff, v61;
	v6 =	vadd.s32 v60, v6;
	v12 =	vsel vm0, $0x1, v2  }
0x12c: {  	v7 =	vsel vm0, $0xFFFFFFFF, v7;
	vm0 =	veq.s32 v3, $0x3;
	(xrf0) =	vadd.scan.msk.s32 $0xffff, v12;
	v20 =	vsel vm10, $0x0, v6  }
0x12d: {  	[tilespmem:$0x1FEA0] =	vst v7;
	v7 =	vimm.s32 $0x0;
	v21 =	vsel vm0, $0x1, v2;
	(xrf0) =	vadd.scan.msk.s32 $0xffff, v20  }
0x12e: {  	v7 =	vsel vm0, $0xFFFFFFFF, v7;
	(xrf0) =	vadd.scan.msk.s32 $0xffff, v21;
	_ =	sdelay $0x2  }
0x12f: {  	[tilespmem:$0x1FEF0] =	vst v7;
	v7, _, _ =	vpop (xrf0)  }
0x130: {  	v40, _, _ =	vpop (xrf0)  }
0x131: {  	[tilespmem:$0x1FE50] =	vst v7;
	v7, _, _ =	vpop (xrf0);
	v23 =	vbroadcast v40, $0xF  }
0x132: {  	v11, _, _ =	vpop (xrf0)  }
0x133: {  	v12 =	vnsel vm9, $0x0, v23;
	v20 =	vbroadcast v11, $0xF  }
0x134: {  	vm10 =	veq.s32 v3, $0x4;
	v6 =	vadd.s32 v12, v6  }
0x135: {  	v31 =	vsel vm10, $0x1, v2;
	v26 =	vnsel vm8, $0x0, v20;
	v30 =	vsel vm7, $0x0, v6  }
0x136: {  	[tilespmem:$0x1FE60] =	vst v7;
	v7 =	vimm.s32 $0x0;
	(xrf0) =	vadd.scan.msk.s32 $0xffff, v30;
	v6 =	vadd.s32 v26, v6  }
0x137: {  	v7 =	vsel vm10, $0xFFFFFFFF, v7;
	vm9 =	veq.s32 v3, $0x5;
	(xrf0) =	vadd.scan.msk.s32 $0xffff, v31;
	v32 =	vsel vm6, $0x0, v6  }
0x138: {  	[tilespmem:$0x1FF10] =	vst v7;
	v7 =	vimm.s32 $0x0;
	v37 =	vsel vm9, $0x1, v2;
	(xrf0) =	vadd.scan.msk.s32 $0xffff, v32  }
0x139: {  	v7 =	vsel vm9, $0xFFFFFFFF, v7;
	(xrf0) =	vadd.scan.msk.s32 $0xffff, v37;
	_ =	sdelay $0x2  }
0x13a: {  	[tilespmem:$0x1FF40] =	vst v7;
	v7, _, _ =	vpop (xrf0)  }
0x13b: {  	v21, _, _ =	vpop (xrf0)  }
0x13c: {  	[tilespmem:$0x1FEB0] =	vst v7;
	v7, _, _ =	vpop (xrf0);
	v38 =	vbroadcast v21, $0xF  }
0x13d: {  	v12, _, _ =	vpop (xrf0)  }
0x13e: {  	v20 =	vnsel vm5, $0x0, v38;
	v23 =	vbroadcast v12, $0xF  }
0x13f: {  	vm9 =	veq.s32 v3, $0x6;
	v6 =	vadd.s32 v20, v6  }
0x140: {  	[tilespmem:$0x1FED0] =	vst v7;
	v7 =	vimm.s32 $0x0;
	v39 =	vnsel vm4, $0x0, v23;
	v46 =	vsel vm3, $0x0, v6  }
0x141: {  	v52 =	vsel vm9, $0x1, v2;
	v7 =	vsel vm9, $0xFFFFFFFF, v7;
	(xrf0) =	vadd.scan.msk.s32 $0xffff, v46;
	v6 =	vadd.s32 v39, v6  }
0x142: {  	vm9 =	veq.s32 v3, $0x7;
	v3 =	vimm.s32 $0x0;
	(xrf0) =	vadd.scan.msk.s32 $0xffff, v52;
	v58 =	vsel vm12, $0x0, v6  }
0x143: {  	v3 =	vsel vm9, $0xFFFFFFFF, v3;
	(xrf0) =	vadd.scan.msk.s32 $0xffff, v58  }
0x144: {  	[tilespmem:$0x1FFB0] =	vst v3;
	v3 =	vsel vm9, $0x1, v2  }
0x145: {  	(xrf0) =	vadd.scan.msk.s32 $0xffff, v3;
	_ =	sdelay $0x1  }
0x146: {  	v3, _, _ =	vpop (xrf0)  }
0x147: {  	[tilespmem:$0x1FF80] =	vst v7;
	v61, _, _ =	vpop (xrf0)  }
0x148: {  	v7 =	vld [tilespmem:$0x4A0];
	[tilespmem:$0x1FEE0] =	vst v3;
	v3, _, _ =	vpop (xrf0)  }
0x149: {  	[tilespmem:$0x1FF30] =	vst v3;
	v3 =	vbroadcast v61, $0xF  }
0x14a: {  	v52, _, _ =	vpop (xrf0)  }
0x14b: {  	v60 =	vbroadcast v52, $0xF;
	v3 =	vnsel vm13, $0x0, v3  }
0x14c: {  	vm10 =	vmmov vm6;
	v3 =	vadd.s32 v3, v6  }
0x14d: {  	vm6 =	veq.s32 v7, $0x0;
	v6 =	vnsel vm11, $0x0, v60;
	v26 =	vsel vm1, $0x0, v3  }
0x14e: {  	v6 =	vadd.s32 v6, v3;
	v3 =	vsel vm6, $0x1, v2;
	(xrf0) =	vadd.scan.msk.s32 $0xffff, v26  }
0x14f: {  	(xrf0) =	vadd.scan.msk.s32 $0xffff, v3  }
0x150: {  	vm15 =	vmmov vm7;
	vm7 =	veq.s32 v7, $0x1;
	v3 =	vnsel vm2, $0x0, v6  }
0x151: {  	(xrf0) =	vadd.scan.msk.s32 $0xffff, v3;
	v3 =	vsel vm7, $0x1, v2  }
0x152: {  	(xrf0) =	vadd.scan.msk.s32 $0xffff, v3;
	_ =	sdelay $0x1  }
0x153: {  	v30 =	vimm.s32 $0x0;
	v3, _, _ =	vpop (xrf0)  }
0x154: {  	[tilespmem:$0x1FF70] =	vst v3;
	v3, _, _ =	vpop (xrf0)  }
0x155: {  	v31 =	vimm.s32 $0x0;
	v32 =	vbroadcast v3, $0xF  }
0x156: {  	v23 =	vsel vm6, $0xFFFFFFFF, v30;
	v20 =	vsel vm7, $0xFFFFFFFF, v31;
	v30, _, _ =	vpop (xrf0)  }
0x157: {  	vm0 =	vmmov vm8;
	vm9 =	vmmov vm11;
	[tilespmem:$0x1FF00] =	vst v20;
	v37, _, _ =	vpop (xrf0);
	v20 =	vnsel vm2, $0x0, v32  }
0x158: {  	vm7 =	vcmask $0x308;
	v39 =	vbroadcast v37, $0xF;
	v6 =	vadd.s32 v20, v6  }
0x159: {  	vm11 =	veq.s32 v7, $0x2;
	vm6 =	vcmask $0x704;
	v58 =	vsel vm7, $0x0, v6  }
0x15a: {  	v60 =	vsel vm11, $0x1, v2;
	v26 =	vimm.s32 $0x0;
	v46 =	vnsel vm6, $0x0, v39;
	(xrf0) =	vadd.scan.msk.s32 $0xffff, v58  }
0x15b: {  	v26 =	vsel vm11, $0xFFFFFFFF, v26;
	vm11 =	vcmask $0x70C;
	v6 =	vadd.s32 v46, v6;
	(xrf0) =	vadd.scan.msk.s32 $0xffff, v60  }
0x15c: {  	vm8 =	vmmov vm1;
	vm1 =	veq.s32 v7, $0x3;
	[tilespmem:$0x1FF20] =	vst v26;
	v26 =	vsel vm11, $0x0, v6  }
0x15d: {  	v32 =	vsel vm1, $0x1, v2;
	(xrf0) =	vadd.scan.msk.s32 $0xffff, v26  }
0x15e: {  	(xrf0) =	vadd.scan.msk.s32 $0xffff, v32;
	_ =	sdelay $0x1  }
0x15f: {  	v31 =	vimm.s32 $0x0;
	v32, _, _ =	vpop (xrf0)  }
0x160: {  	v20, _, _ =	vpop (xrf0)  }
0x161: {  	v38 =	vbroadcast v20, $0xF  }
0x162: {  	[tilespmem:$0x1FEC0] =	vst v23;
	v23 =	vsel vm1, $0xFFFFFFFF, v31;
	vm1 =	vcmask $0xB08;
	v31, _, _ =	vpop (xrf0)  }
0x163: {  	[tilespmem:$0x1FF50] =	vst v23;
	v60, _, _ =	vpop (xrf0);
	v23 =	vnsel vm1, $0x0, v38  }
0x164: {  	v39 =	vbroadcast v60, $0xF;
	v6 =	vadd.s32 v23, v6  }
0x165: {  	vm1 =	veq.s32 v7, $0x4;
	v58 =	vsel vm15, $0x0, v6  }
0x166: {  	v38 =	vimm.s32 $0x0;
	v26 =	vsel vm1, $0x1, v2;
	v46 =	vnsel vm0, $0x0, v39;
	(xrf0) =	vadd.scan.msk.s32 $0xffff, v58  }
0x167: {  	v38 =	vsel vm1, $0xFFFFFFFF, v38;
	v6 =	vadd.s32 v46, v6;
	(xrf0) =	vadd.scan.msk.s32 $0xffff, v26  }
0x168: {  	[tilespmem:$0x1FF90] =	vst v38;
	v39 =	vimm.s32 $0x0;
	v38 =	vsel vm10, $0x0, v6;
	vm10 =	veq.s32 v7, $0x5  }
0x169: {  	v26 =	vsel vm10, $0xFFFFFFFF, v39;
	(xrf0) =	vadd.scan.msk.s32 $0xffff, v38;
	v46 =	vsel vm10, $0x1, v2  }
0x16a: {  	(xrf0) =	vadd.scan.msk.s32 $0xffff, v46;
	_ =	sdelay $0x1  }
0x16b: {  	[tilespmem:$0x1FFC0] =	vst v26;
	v26, _, _ =	vpop (xrf0)  }
0x16c: {  	v38, _, _ =	vpop (xrf0)  }
0x16d: {  	v39 =	vbroadcast v38, $0xF  }
0x16e: {  	v23, _, _ =	vpop (xrf0)  }
0x16f: {  	vm10 =	veq.s32 v7, $0x6;
	v58, _, _ =	vpop (xrf0);
	v39 =	vnsel vm5, $0x0, v39  }
0x170: {  	v46 =	vbroadcast v58, $0xF;
	vm5 =	veq.s32 v7, $0x7;
	v7 =	vimm.s32 $0x0  }
0x171: {  	v6 =	vadd.s32 v39, v6;
	v7 =	vsel vm5, $0xFFFFFFFF, v7  }
0x172: {  	v39 =	vnsel vm4, $0x0, v46;
	v46 =	vsel vm3, $0x0, v6;
	[tilespmem:$0x1FFE0] =	vst v7;
	v7 =	vadd.s32 $0xFFFFFFFF, v55  }
0x173: {  	v55 =	vld [tilespmem:$0x1FAB0];
	(xrf0) =	vadd.scan.msk.s32 $0xffff, v46;
	v39 =	vadd.s32 v39, v6;
	v6 =	vadd.s32 $0xFFFFFFFF, v48;
	v48 =	vsel vm10, $0x1, v2  }
0x174: {  	(xrf0) =	vadd.scan.msk.s32 $0xffff, v48;
	v48 =	vsel vm12, $0x0, v39  }
0x175: {  	v6 =	vbroadcast v6, $0xF;
	(xrf0) =	vadd.scan.msk.s32 $0xffff, v48;
	v48 =	vsel vm5, $0x1, v2  }
0x176: {  	v51 =	vadd.s32 $0xFFFFFFFF, v51;
	(xrf0) =	vadd.scan.msk.s32 $0xffff, v48;
	v48 =	vld [tilespmem:$0x1FAC0]  }
0x177: {  	v6 =	vadd.s32 v15, v6;
	v15 =	vbroadcast v51, $0xF;
	v51 =	vld [tilespmem:$0x1FAD0]  }
0x178: {  	vm4 =	vnez.u8 v55;
	v55 =	vld [tilespmem:$0x1FAE0];
	_ =	sdelay $0x1  }
0x179: {  	v7 =	vbroadcast v7, $0xF  }
0x17a: {  	v46 =	vadd.s32 $0xFFFFFFFF, v48  }
0x17b: {  	v7 =	vadd.s32 v14, v7;
	v14 =	vbroadcast v46, $0xF;
	v46 =	vadd.s32 $0xFFFFFFFF, v51;
	v51 =	vld [tilespmem:$0x1FB00]  }
0x17c: {  	vm5 =	vnez.u8 v55;
	v55 =	vld [tilespmem:$0x1FB10]  }
0x17d: {  	v48 =	vld [tilespmem:$0x1FAF0]  }
0x17e: {  	v46 =	vbroadcast v46, $0xF;
	_ =	sdelay $0x1  }
0x17f: {  	v6 =	vnsel vm4, $0x0, v6;
	v42 =	vadd.s32 v42, v46;
	v46 =	vadd.s32 $0xFFFFFFFF, v51;
	v51 =	vld [tilespmem:$0x1FB20]  }
0x180: {  	v6 =	vsel vm5, v7, v6;
	v7 =	vadd.s32 v19, v15;
	v19, _, _ =	vpop (xrf0);
	vm5 =	vnez.u8 v55;
	v55 =	vld [tilespmem:$0x1FB30]  }
0x181: {  	v14 =	vadd.s32 v17, v14;
	v15, _, _ =	vpop (xrf0);
	vm4 =	vnez.u8 v48  }
0x182: {  	v48 =	vbroadcast v15, $0xF;
	v7 =	vsel vm4, v7, v6;
	v6 =	vld [tilespmem:$0x430]  }
0x183: {  	v17, _, _ =	vpop (xrf0)  }
0x184: {  	v7 =	vsel vm5, v14, v7;
	v14, _, _ =	vpop (xrf0);
	v48 =	vnsel vm13, $0x0, v48  }
0x185: {  	vm4 =	vnez.u8 v51;
	v51 =	vadd.s32 $0xFFFFFFFF, v55;
	v55 =	vbroadcast v14, $0xF  }
0x186: {  	v39 =	vadd.s32 v48, v39  }
0x187: {  	vm5 =	veq.s32 v6, $0x0;
	v48 =	vnsel vm9, $0x0, v55;
	v55 =	vimm.s32 $0x0  }
0x188: {  	v55 =	vsel vm5, $0xFFFFFFFF, v55  }
0x189: {  	v46 =	vbroadcast v46, $0xF;
	[tilespmem:$0x1FFD0] =	vst v55;
	v55 =	vld [tilespmem:$0x1FB50];
	_ =	sdelay $0x1  }
0x18a: {  	v22 =	vadd.s32 v22, v46;
	v46 =	vbroadcast v51, $0xF;
	v51 =	vsel vm8, $0x0, v39  }
0x18b: {  	(xrf0) =	vadd.scan.msk.s32 $0xffff, v51;
	v39 =	vadd.s32 v48, v39;
	v48 =	vsel vm5, $0x1, v2  }
0x18c: {  	v51 =	vld [tilespmem:$0x1FB40];
	(xrf0) =	vadd.scan.msk.s32 $0xffff, v48;
	v48 =	vnsel vm2, $0x0, v39  }
0x18d: {  	(xrf0) =	vadd.scan.msk.s32 $0xffff, v48;
	v48 =	vadd.s32 $0xFFFFFFFF, v55;
	v55 =	vld [tilespmem:$0x1FB60];
	_ =	sdelay $0x3  }
0x18e: {  	v36 =	vadd.s32 v36, v46;
	vm5 =	veq.s32 v6, $0x1  }
0x18f: {  	v46 =	vadd.s32 $0xFFFFFFFF, v51;
	v51 =	vsel vm5, $0x1, v2;
	vm9 =	vnez.u8 v55;
	v55 =	vld [tilespmem:$0x1FB70]  }
0x190: {  	(xrf0) =	vadd.scan.msk.s32 $0xffff, v51;
	v51 =	vld [tilespmem:$0x1FB80];
	_ =	sdelay $0x3  }
0x191: {  	v42 =	vnsel vm4, $0x0, v42;
	vm4 =	vnez.u8 v55;
	v55 =	vld [tilespmem:$0x1FB90]  }
0x192: {  	v7 =	vsel vm9, v22, v7;
	v22 =	vsel vm4, v36, v42;
	v42 =	vadd.s32 $0xFFFFFFFF, v51;
	v51 =	vld [tilespmem:$0x1FBA0];
	_ =	sdelay $0x1  }
0x193: {  	v46 =	vbroadcast v46, $0xF;
	_ =	sdelay $0x1  }
0x194: {  	v13 =	vadd.s32 v13, v46;
	v46 =	vadd.s32 $0xFFFFFFFF, v55;
	v55 =	vld [tilespmem:$0x1FBB0]  }
0x195: {  	vm9 =	vnez.u8 v51;
	v51 =	vld [tilespmem:$0x1FBD0]  }
0x196: {  	v48 =	vbroadcast v48, $0xF;
	_ =	sdelay $0x1  }
0x197: {  	v35 =	vadd.s32 v35, v48;
	v48 =	vbroadcast v46, $0xF;
	v46 =	vld [tilespmem:$0x1FBC0]  }
0x198: {  	vm4 =	vnez.u8 v55;
	v55 =	vld [tilespmem:$0x1FBE0]  }
0x199: {  	v36 =	vbroadcast v42, $0xF;
	v42 =	vadd.s32 $0xFFFFFFFF, v51;
	v51 =	vld [tilespmem:$0x1FBF0];
	_ =	sdelay $0x1  }
0x19a: {  	v22 =	vsel vm4, v35, v22  }
0x19b: {  	v35 =	vadd.s32 v16, v36;
	v36 =	vadd.s32 v33, v48;
	v48 =	vadd.s32 $0xFFFFFFFF, v46  }
0x19c: {  	v7 =	vsel vm9, v13, v7;
	v46 =	vbroadcast v48, $0xF;
	vm9 =	vnez.u8 v55  }
0x19d: {  	v7 =	vsel vm9, v35, v7;
	vm4 =	vnez.u8 v51  }
0x19e: {  	v35 =	vsel vm4, v36, v22;
	v36 =	vbroadcast v42, $0xF;
	v42 =	vadd.s32 v54, v46;
	v54 =	vld [tilespmem:$0x1FC00]  }
0x19f: {  	v13, _, _ =	vpop (xrf0);
	v51 =	vld [tilespmem:$0x1FC10]  }
0x1a0: {  	v16, _, _ =	vpop (xrf0)  }
0x1a1: {  	v33, _, _ =	vpop (xrf0);
	v48 =	vbroadcast v16, $0xF  }
0x1a2: {  	v22, _, _ =	vpop (xrf0)  }
0x1a3: {  	v55 =	vnsel vm2, $0x0, v48;
	v48 =	vbroadcast v22, $0xF;
	vm9 =	vnez.u8 v54;
	v54 =	vld [tilespmem:$0x1FC20]  }
0x1a4: {  	v55 =	vadd.s32 v55, v39;
	vm4 =	veq.s32 v6, $0x2;
	v39 =	vadd.s32 $0xFFFFFFFF, v51;
	v51 =	vld [tilespmem:$0x1FC30]  }
0x1a5: {  	v34 =	vadd.s32 v34, v36;
	v36 =	vsel vm7, $0x0, v55;
	v48 =	vnsel vm6, $0x0, v48  }
0x1a6: {  	(xrf0) =	vadd.scan.msk.s32 $0xffff, v36;
	v48 =	vadd.s32 v48, v55;
	v55 =	vsel vm4, $0x1, v2  }
0x1a7: {  	(xrf0) =	vadd.scan.msk.s32 $0xffff, v55;
	v55 =	vld [tilespmem:$0x1FC40]  }
0x1a8: {  	v46 =	vadd.s32 $0xFFFFFFFF, v54;
	v54 =	vsel vm11, $0x0, v48  }
0x1a9: {  	v36 =	vbroadcast v39, $0xF;
	v39 =	vbroadcast v46, $0xF;
	v46 =	vadd.s32 $0xFFFFFFFF, v51;
	(xrf0) =	vadd.scan.msk.s32 $0xffff, v54;
	v54 =	vld [tilespmem:$0x1FC50]  }
0x1aa: {  	v46 =	vbroadcast v46, $0xF;
	_ =	sdelay $0x1  }
0x1ab: {  	vm11 =	vnez.u8 v55;
	v55 =	vadd.s32 v50, v46;
	v46 =	vld [tilespmem:$0x1FC60]  }
0x1ac: {  	v50 =	vld [tilespmem:$0x1FC80]  }
0x1ad: {  	vm6 =	vnez.u8 v54;
	v54 =	vld [tilespmem:$0x1FCA0];
	_ =	sdelay $0x2  }
0x1ae: {  	v42 =	vnsel vm9, $0x0, v42;
	v51 =	vld [tilespmem:$0x1FC90];
	v39 =	vadd.s32 v47, v39  }
0x1af: {  	v34 =	vsel vm11, v34, v35;
	v35 =	vsel vm6, v39, v42  }
0x1b0: {  	v39 =	vadd.s32 $0xFFFFFFFF, v46;
	v46 =	vadd.s32 $0xFFFFFFFF, v50;
	vm9 =	vnez.u8 v54  }
0x1b1: {  	v27 =	vadd.s32 v27, v36;
	v36 =	vsel vm9, v55, v35;
	v55 =	vbroadcast v46, $0xF  }
0x1b2: {  	vm3 =	veq.s32 v6, $0x3;
	v46 =	vld [tilespmem:$0x1FCB0]  }
0x1b3: {  	v47 =	vsel vm3, $0x1, v2;
	vm7 =	vnez.u8 v51;
	v51 =	vadd.s32 v44, v55;
	v55 =	vld [tilespmem:$0x1FCC0]  }
0x1b4: {  	(xrf0) =	vadd.scan.msk.s32 $0xffff, v47;
	v47 =	vld [tilespmem:$0x1FC70];
	_ =	sdelay $0x1  }
0x1b5: {  	v39 =	vbroadcast v39, $0xF  }
0x1b6: {  	v50 =	vadd.s32 $0xFFFFFFFF, v46  }
0x1b7: {  	v9 =	vadd.s32 v9, v39;
	v39 =	vbroadcast v50, $0xF;
	v50 =	vld [tilespmem:$0x1FCE0];
	vm11 =	vnez.u8 v55  }
0x1b8: {  	v42 =	vadd.s32 $0xFFFFFFFF, v47;
	v9 =	vsel vm11, v9, v7;
	v7 =	vld [tilespmem:$0x1FCD0]  }
0x1b9: {  	v42 =	vbroadcast v42, $0xF  }
0x1ba: {  	v55 =	vld [tilespmem:$0x1FCF0]  }
0x1bb: {  	v35, _, _ =	vpop (xrf0);
	v28 =	vadd.s32 v28, v42  }
0x1bc: {  	v47 =	vsel vm7, v27, v34;
	v27, _, _ =	vpop (xrf0)  }
0x1bd: {  	v34, _, _ =	vpop (xrf0);
	v54 =	vbroadcast v27, $0xF;
	vm7 =	vnez.u8 v50;
	vm6 =	vnez.u8 v7  }
0x1be: {  	vm9 =	vcmask $0xB08;
	v36 =	vsel vm7, v51, v36;
	v7 =	vsel vm6, v28, v47;
	v28, _, _ =	vpop (xrf0)  }
0x1bf: {  	v51 =	vnsel vm9, $0x0, v54;
	vm11 =	vnez.u8 v55;
	v55 =	vld [tilespmem:$0x1FD10];
	v54 =	vbroadcast v28, $0xF  }
0x1c0: {  	v39 =	vadd.s32 v49, v39;
	vm9 =	vmmov vm15;
	v49 =	vadd.s32 v51, v48  }
0x1c1: {  	v50 =	vld [tilespmem:$0x1FD00];
	v51 =	vsel vm15, $0x0, v49;
	vm15 =	veq.s32 v6, $0x4;
	v44 =	vnsel vm0, $0x0, v54  }
0x1c2: {  	v36 =	vsel vm11, v39, v36;
	(xrf0) =	vadd.scan.msk.s32 $0xffff, v51;
	v54 =	vsel vm15, $0x1, v2;
	v39 =	vadd.s32 v44, v49;
	v49 =	vld [tilespmem:$0x1FD20]  }
0x1c3: {  	(xrf0) =	vadd.scan.msk.s32 $0xffff, v54;
	v54 =	vld [tilespmem:$0x1FD30]  }
0x1c4: {  	vm6 =	vcmask $0xF14;
	v44 =	vadd.s32 $0xFFFFFFFF, v55;
	v55 =	vld [tilespmem:$0x1FD40]  }
0x1c5: {  	vm1 =	veq.s32 v6, $0x5;
	v48 =	vsel vm6, $0x0, v39  }
0x1c6: {  	v42 =	vadd.s32 $0xFFFFFFFF, v50;
	v50 =	vsel vm1, $0x1, v2;
	(xrf0) =	vadd.scan.msk.s32 $0xffff, v48  }
0x1c7: {  	(xrf0) =	vadd.scan.msk.s32 $0xffff, v50;
	v50 =	vld [tilespmem:$0x1FD60];
	v46 =	vadd.s32 $0xFFFFFFFF, v49  }
0x1c8: {  	v49 =	vld [tilespmem:$0x1FD50];
	v51 =	vbroadcast v46, $0xF;
	v46 =	vadd.s32 $0xFFFFFFFF, v54  }
0x1c9: {  	v44 =	vbroadcast v44, $0xF;
	vm7 =	vnez.u8 v55;
	v55 =	vld [tilespmem:$0x1FD80];
	v48 =	vbroadcast v46, $0xF  }
0x1ca: {  	v54 =	vld [tilespmem:$0x1FD70]  }
0x1cb: {  	v42 =	vbroadcast v42, $0xF;
	v59 =	vadd.s32 v59, v44;
	v44 =	vadd.s32 v56, v48;
	v56 =	vld [tilespmem:$0x1FD90];
	_ =	sdelay $0x1  }
0x1cc: {  	v41 =	vadd.s32 v41, v42;
	v42 =	vadd.s32 $0xFFFFFFFF, v50  }
0x1cd: {  	v36 =	vsel vm7, v41, v36;
	vm0 =	vnez.u8 v49  }
0x1ce: {  	v45 =	vadd.s32 v45, v51;
	v41 =	vnsel vm0, $0x0, v59;
	vm0 =	vnez.u8 v55;
	v55 =	vld [tilespmem:$0x1FDA0]  }
0x1cf: {  	v51 =	vbroadcast v42, $0xF;
	v42, _, _ =	vpop (xrf0);
	vm7 =	vnez.u8 v54;
	v59 =	vadd.s32 $0xFFFFFFFF, v56;
	v56 =	vld [tilespmem:$0x1FDB0]  }
0x1d0: {  	v43 =	vadd.s32 $0xFFFFFFFF, v43;
	v45 =	vsel vm7, v45, v36;
	v36, _, _ =	vpop (xrf0)  }
0x1d1: {  	v41 =	vsel vm0, v44, v41;
	v54 =	vbroadcast v36, $0xF  }
0x1d2: {  	v8 =	vadd.s32 v8, v51;
	v44 =	vbroadcast v43, $0xF;
	vm7 =	vcmask $0x1310  }
0x1d3: {  	v43, _, _ =	vpop (xrf0);
	v46 =	vbroadcast v59, $0xF;
	v59 =	vnsel vm7, $0x0, v54;
	v54 =	vld [tilespmem:$0x1FDD0];
	vm11 =	vnez.u8 v55  }
0x1d4: {  	v8 =	vsel vm11, v8, v41;
	v41, _, _ =	vpop (xrf0);
	vm0 =	vnez.u8 v56;
	v56 =	vld [tilespmem:$0x1FDE0]  }
0x1d5: {  	v44 =	vadd.s32 v63, v44;
	v63 =	vbroadcast v41, $0xF  }
0x1d6: {  	v48 =	vld [tilespmem:$0x1FDC0];
	v39 =	vadd.s32 v59, v39;
	vm11 =	vcmask $0x1714  }
0x1d7: {  	v8 =	vsel vm0, v44, v8;
	v49 =	vnsel vm11, $0x0, v63;
	vm0 =	vcmask $0x1318  }
0x1d8: {  	v47 =	vadd.s32 $0xFFFFFFFF, v54;
	vm11 =	veq.s32 v6, $0x7;
	v50 =	vsel vm0, $0x0, v39  }
0x1d9: {  	vm0 =	veq.s32 v6, $0x6;
	v6 =	vbroadcast v47, $0xF;
	v47 =	vadd.s32 $0xFFFFFFFF, v56;
	v56 =	vld [tilespmem:$0x1FE20];
	_ =	sdelay $0x1  }
0x1da: {  	v44 =	vadd.s32 $0xFFFFFFFF, v48  }
0x1db: {  	v44 =	vbroadcast v44, $0xF  }
0x1dc: {  	v39 =	vadd.s32 v49, v39  }
0x1dd: {  	v63 =	vld [tilespmem:$0x1FDF0];
	v55 =	vsel vm12, $0x0, v39;
	v48 =	vadd.s32 v10, v44;
	vm12 =	vnez.u8 v56  }
0x1de: {  	v10 =	vsel vm12, v48, v7;
	v7 =	vld [tilespmem:$0x1FE30];
	_ =	sdelay $0x3  }
0x1df: {  	v25 =	vadd.s32 v25, v46  }
0x1e0: {  	v6 =	vadd.s32 v29, v6;
	vm7 =	vnez.u8 v63;
	vm12 =	vnez.u8 v7  }
0x1e1: {  	v25 =	vsel vm7, v25, v8;
	v8 =	vsel vm12, v6, v45;
	v6 =	vld [tilespmem:$0x1FE40]  }
0x1e2: {  	(xrf0) =	vadd.scan.msk.s32 $0xffff, v50;
	v51 =	vsel vm0, $0x1, v2;
	v50 =	vld [tilespmem:$0x1FE00]  }
0x1e3: {  	(xrf0) =	vadd.scan.msk.s32 $0xffff, v51;
	v51 =	vld [tilespmem:$0x1FE10];
	_ =	sdelay $0x2  }
0x1e4: {  	vm7 =	vnez.u8 v6;
	v6 =	vld [tilespmem:$0x1FE50];
	_ =	sdelay $0x1  }
0x1e5: {  	v29 =	vadd.s32 $0xFFFFFFFF, v50;
	v44 =	vadd.s32 $0xFFFFFFFF, v51  }
0x1e6: {  	(xrf0) =	vadd.scan.msk.s32 $0xffff, v55;
	v29 =	vbroadcast v29, $0xF;
	v55 =	vbroadcast v44, $0xF  }
0x1e7: {  	v59 =	vsel vm11, $0x1, v2  }
0x1e8: {  	(xrf0) =	vadd.scan.msk.s32 $0xffff, v59;
	v59 =	vadd.s32 v62, v29;
	v0 =	vadd.s32 v0, v55;
	v55 =	vld [tilespmem:$0x1FE70];
	v62 =	vadd.s32 $0xFFFFFFFF, v6  }
0x1e9: {  	v56 =	vld [tilespmem:$0x1FE80];
	v63 =	vbroadcast v62, $0xF  }
0x1ea: {  	v49 =	vbroadcast v47, $0xF  }
0x1eb: {  	v24 =	vadd.s32 v24, v63;
	v63 =	vld [tilespmem:$0x1FE90]  }
0x1ec: {  	v30 =	vadd.s32 $0xFFFFFFFF, v30;
	v54 =	vadd.s32 v53, v49;
	v44, _, _ =	vpop (xrf0)  }
0x1ed: {  	v32 =	vadd.s32 $0xFFFFFFFF, v32;
	v7 =	vsel vm7, v54, v25;
	vm7 =	vnez.u8 v55;
	v6, _, _ =	vpop (xrf0)  }
0x1ee: {  	v51 =	vld [tilespmem:$0x1FE60];
	v7 =	vsel vm7, v59, v7;
	vm7 =	vnez.u8 v56;
	v29, _, _ =	vpop (xrf0);
	v54 =	vbroadcast v6, $0xF  }
0x1ef: {  	v30 =	vbroadcast v30, $0xF;
	v32 =	vbroadcast v32, $0xF;
	v45 =	vnsel vm7, $0x0, v0;
	v0, _, _ =	vpop (xrf0)  }
0x1f0: {  	v49 =	vld [tilespmem:$0x1FEC0];
	v59 =	vnsel vm13, $0x0, v54;
	v62 =	vbroadcast v0, $0xF;
	vm7 =	vnez.u8 v63  }
0x1f1: {  	v39 =	vadd.s32 v59, v39;
	v59 =	vld [tilespmem:$0x1FEA0];
	v24 =	vsel vm7, v24, v45;
	vm7 =	vcmask $0x1F1C  }
0x1f2: {  	v54 =	vnsel vm7, $0x0, v62;
	v62 =	vld [tilespmem:$0x1FEB0]  }
0x1f3: {  	v3 =	vadd.s32 v3, v30;
	v32 =	vadd.s32 v37, v32;
	v53 =	vadd.s32 $0xFFFFFFFF, v51  }
0x1f4: {  	v26 =	vadd.s32 $0xFFFFFFFF, v26;
	v23 =	vadd.s32 $0xFFFFFFFF, v23;
	v47 =	vbroadcast v53, $0xF;
	v25 =	vld [tilespmem:$0x4B0]  }
0x1f5: {  	v26 =	vbroadcast v26, $0xF;
	v23 =	vbroadcast v23, $0xF;
	v19 =	vadd.s32 $0xFFFFFFFF, v19  }
0x1f6: {  	v19 =	vbroadcast v19, $0xF;
	v40 =	vadd.s32 v40, v47;
	vm7 =	vnez.u8 v59  }
0x1f7: {  	v24 =	vsel vm7, v40, v24;
	vm7 =	vnez.u8 v49;
	v40 =	vadd.s32 $0xFFFFFFFF, v62  }
0x1f8: {  	v17 =	vadd.s32 $0xFFFFFFFF, v17;
	v48 =	vbroadcast v40, $0xF;
	v40 =	vnsel vm7, $0x0, v3;
	v3 =	vld [tilespmem:$0x1FED0]  }
0x1f9: {  	v17 =	vbroadcast v17, $0xF;
	v51 =	vld [tilespmem:$0x1FEE0];
	vm13 =	veq.s32 v25, $0x0;
	v53 =	vsel vm8, $0x0, v39  }
0x1fa: {  	v26 =	vadd.s32 v60, v26;
	v55 =	vsel vm13, $0x1, v2;
	(xrf0) =	vadd.scan.msk.s32 $0xffff, v53;
	v39 =	vadd.s32 v54, v39;
	v54 =	vld [tilespmem:$0x1FEF0]  }
0x1fb: {  	v23 =	vadd.s32 v38, v23;
	v19 =	vadd.s32 v58, v19;
	v15 =	vadd.s32 v15, v17;
	(xrf0) =	vadd.scan.msk.s32 $0xffff, v55;
	v55 =	vld [tilespmem:$0x1FF00]  }
0x1fc: {  	v13 =	vadd.s32 $0xFFFFFFFF, v13;
	vm12 =	veq.s32 v25, $0x1;
	v59 =	vld [tilespmem:$0x1FF10];
	v56 =	vnsel vm2, $0x0, v39  }
0x1fd: {  	v13 =	vbroadcast v13, $0xF;
	v63 =	vsel vm12, $0x1, v2;
	(xrf0) =	vadd.scan.msk.s32 $0xffff, v56;
	v3 =	vadd.s32 $0xFFFFFFFF, v3  }
0x1fe: {  	vm6 =	vmmov vm8;
	(xrf0) =	vadd.scan.msk.s32 $0xffff, v63;
	v62 =	vld [tilespmem:$0x1FF20];
	v50 =	vbroadcast v3, $0xF;
	v3 =	vadd.s32 $0xFFFFFFFF, v31  }
0x1ff: {  	vm8 =	vcmask $0x308;
	v45 =	vld [tilespmem:$0x1FF30];
	vm7 =	vnez.u8 v54;
	v11 =	vadd.s32 v11, v48  }
0x200: {  	v24 =	vsel vm7, v11, v24;
	vm7 =	vnez.u8 v55;
	v53 =	vbroadcast v3, $0xF  }
0x201: {  	v32 =	vsel vm7, v32, v40;
	vm7 =	vnez.u8 v59;
	v31 =	vadd.s32 $0xFFFFFFFF, v51;
	v51 =	vld [tilespmem:$0x1FF40];
	v3, _, _ =	vpop (xrf0)  }
0x202: {  	v31 =	vbroadcast v31, $0xF;
	v21 =	vadd.s32 v21, v50;
	v20 =	vadd.s32 v20, v53;
	v11, _, _ =	vpop (xrf0)  }
0x203: {  	v21 =	vsel vm7, v21, v24;
	vm7 =	vnez.u8 v62;
	v53 =	vld [tilespmem:$0x1FF50];
	v30, _, _ =	vpop (xrf0);
	v56 =	vbroadcast v11, $0xF  }
0x204: {  	v63 =	vadd.s32 v12, v31;
	v31 =	vadd.s32 $0xFFFFFFFF, v45;
	v20 =	vsel vm7, v20, v32;
	v12, _, _ =	vpop (xrf0)  }
0x205: {  	v55 =	vld [tilespmem:$0x1FF60];
	v31 =	vbroadcast v31, $0xF;
	v46 =	vnsel vm2, $0x0, v56;
	v47 =	vbroadcast v12, $0xF  }
0x206: {  	v59 =	vld [tilespmem:$0x1FF80];
	vm7 =	vcmask $0x704;
	vm2 =	vnez.u8 v51;
	v32 =	vadd.s32 v46, v39  }
0x207: {  	v56 =	vld [tilespmem:$0x1FF70];
	v39 =	vsel vm8, $0x0, v32;
	v37 =	vnsel vm7, $0x0, v47;
	vm7 =	veq.s32 v25, $0x2  }
0x208: {  	v60 =	vld [tilespmem:$0x1FF90];
	v21 =	vsel vm2, v63, v21;
	vm2 =	vnez.u8 v53;
	(xrf0) =	vadd.scan.msk.s32 $0xffff, v39;
	v48 =	vsel vm7, $0x1, v2  }
0x209: {  	v63 =	vld [tilespmem:$0x1FFA0];
	vm8 =	vcmask $0x70C;
	v20 =	vsel vm2, v26, v20;
	v32 =	vadd.s32 v37, v32;
	(xrf0) =	vadd.scan.msk.s32 $0xffff, v48  }
0x20a: {  	v26 =	vadd.s32 $0xFFFFFFFF, v55;
	v39 =	vld [tilespmem:$0x1FFB0];
	v49 =	vsel vm8, $0x0, v32;
	vm8 =	veq.s32 v25, $0x3  }
0x20b: {  	v13 =	vadd.s32 v14, v13;
	v40 =	vld [tilespmem:$0x1FFC0];
	v26 =	vbroadcast v26, $0xF;
	(xrf0) =	vadd.scan.msk.s32 $0xffff, v49;
	v50 =	vsel vm8, $0x1, v2  }
0x20c: {  	v54 =	vadd.s32 v61, v31;
	vm2 =	vnez.u8 v59;
	v31 =	vadd.s32 $0xFFFFFFFF, v56;
	(xrf0) =	vadd.scan.msk.s32 $0xffff, v50  }
0x20d: {  	v21 =	vsel vm2, v54, v21;
	vm2 =	vnez.u8 v60;
	v31 =	vbroadcast v31, $0xF  }
0x20e: {  	v20 =	vsel vm2, v23, v20;
	v18 =	vadd.s32 v18, v26;
	vm2 =	vnez.u8 v63;
	v23, _, _ =	vpop (xrf0)  }
0x20f: {  	v7 =	vsel vm2, v18, v7;
	v61 =	vadd.s32 v52, v31;
	vm2 =	vnez.u8 v39;
	v26, _, _ =	vpop (xrf0)  }
0x210: {  	v18 =	vsel vm2, v61, v21;
	vm2 =	vnez.u8 v40;
	v62 =	vbroadcast v26, $0xF  }
0x211: {  	v3 =	vadd.s32 $0xFFFFFFFF, v3;
	v19 =	vsel vm2, v19, v20;
	vm2 =	vcmask $0xB08;
	v31, _, _ =	vpop (xrf0)  }
0x212: {  	v58 =	vadd.s32 $0xFFFFFFFF, v43;
	v3 =	vbroadcast v3, $0xF;
	v20, _, _ =	vpop (xrf0);
	v45 =	vnsel vm2, $0x0, v62  }
0x213: {  	v56 =	vadd.s32 $0xFFFFFFFF, v42;
	v46 =	vbroadcast v20, $0xF;
	v17 =	vadd.s32 v45, v32  }
0x214: {  	v50 =	vadd.s32 $0xFFFFFFFF, v35;
	v48 =	vsel vm9, $0x0, v17;
	vm9 =	vcmask $0xF0C  }
0x215: {  	v15 =	vsel vm10, v15, v19;
	v21 =	vnsel vm9, $0x0, v46;
	vm9 =	veq.s32 v25, $0x4  }
0x216: {  	v54 =	vld [tilespmem:$0x1FFD0];
	vm10 =	vcmask $0xF14;
	(xrf0) =	vadd.scan.msk.s32 $0xffff, v48;
	v17 =	vadd.s32 v21, v17;
	v49 =	vsel vm9, $0x1, v2  }
0x217: {  	v14 =	vbroadcast v56, $0xF;
	(xrf0) =	vadd.scan.msk.s32 $0xffff, v49;
	v51 =	vsel vm10, $0x0, v17;
	vm10 =	veq.s32 v25, $0x5  }
0x218: {  	v47 =	vadd.s32 $0xFFFFFFFF, v33;
	v24 =	vbroadcast v50, $0xF;
	(xrf0) =	vadd.scan.msk.s32 $0xffff, v51;
	v52 =	vsel vm10, $0x1, v2  }
0x219: {  	v53 =	vadd.s32 $0xFFFFFFFF, v34;
	v60 =	vld [tilespmem:$0x1FFE0];
	v14 =	vadd.s32 v28, v14;
	v19 =	vbroadcast v47, $0xF;
	(xrf0) =	vadd.scan.msk.s32 $0xffff, v52  }
0x21a: {  	v55 =	vadd.s32 v22, v24;
	v40 =	vadd.s32 $0xFFFFFFFF, v29;
	v47 =	vadd.s32 $0xFFFFFFFF, v23  }
0x21b: {  	v16 =	vadd.s32 v16, v19;
	vm2 =	vnez.u8 v54;
	v19 =	vbroadcast v53, $0xF  }
0x21c: {  	v62 =	vbroadcast v58, $0xF;
	v16 =	vnsel vm2, $0x0, v16;
	v32 =	vadd.s32 $0xFFFFFFFF, v44;
	v59, _, _ =	vpop (xrf0)  }
0x21d: {  	v44 =	vadd.s32 $0xFFFFFFFF, v30;
	v16 =	vsel vm5, v55, v16;
	v19 =	vadd.s32 v27, v19;
	v63, _, _ =	vpop (xrf0)  }
0x21e: {  	vm5 =	vnez.u8 v60;
	v35 =	vadd.s32 v36, v62;
	v33, _, _ =	vpop (xrf0);
	v34 =	vbroadcast v63, $0xF  }
0x21f: {  	v13 =	vsel vm5, v13, v15;
	v61 =	vsel vm4, v19, v16;
	vm5 =	vcmask $0x1310;
	v37, _, _ =	vpop (xrf0)  }
0x220: {  	vm4 =	vcmask $0x1318;
	v38 =	vnsel vm5, $0x0, v34;
	v39 =	vbroadcast v37, $0xF  }
0x221: {  	v14 =	vsel vm3, v14, v61;
	vm5 =	vcmask $0x1714;
	v15 =	vadd.s32 v38, v17  }
0x222: {  	vm3 =	veq.s32 v25, $0x6;
	v17 =	vsel vm4, $0x0, v15;
	v27 =	vnsel vm5, $0x0, v39  }
0x223: {  	v42 =	vsel vm3, $0x1, v2;
	vm5 =	vcmask $0x171C;
	(xrf0) =	vadd.scan.msk.s32 $0xffff, v17;
	v15 =	vadd.s32 v27, v15  }
0x224: {  	v36 =	vbroadcast v32, $0xF;
	vm4 =	veq.s32 v25, $0x7;
	(xrf0) =	vadd.scan.msk.s32 $0xffff, v42;
	v43 =	vsel vm5, $0x0, v15  }
0x225: {  	v46 =	vbroadcast v44, $0xF;
	v48 =	vbroadcast v47, $0xF;
	v45 =	vsel vm4, $0x1, v2;
	(xrf0) =	vadd.scan.msk.s32 $0xffff, v43  }
0x226: {  	v16 =	vadd.s32 v41, v36;
	v41 =	vbroadcast v40, $0xF;
	v15 =	vsel vm6, $0x0, v15;
	(xrf0) =	vadd.scan.msk.s32 $0xffff, v45  }
0x227: {  	v14 =	vsel vm15, v35, v14;
	v49 =	vadd.s32 $0xFFFFFFFF, v31;
	v11 =	vadd.s32 v11, v46;
	(xrf0) =	vadd.scan.msk.s32 $0xffff, v15  }
0x228: {  	v12 =	vadd.s32 v12, v48;
	v14 =	vsel vm1, v16, v14;
	v50 =	vadd.s32 $0xFFFFFFFF, v59  }
0x229: {  	v6 =	vadd.s32 v6, v41;
	v52 =	vbroadcast v50, $0xF;
	v54 =	vadd.s32 $0xFFFFFFFF, v33;
	v51, _, _ =	vpop (xrf0)  }
0x22a: {  	v11 =	vnsel vm13, $0x0, v11;
	v16 =	vbroadcast v54, $0xF;
	v15 =	vbroadcast v49, $0xF;
	v53, _, _ =	vpop (xrf0)  }
0x22b: {  	v6 =	vsel vm0, v6, v14;
	v11 =	vsel vm12, v12, v11;
	v14 =	vadd.s32 v20, v52;
	v55, _, _ =	vpop (xrf0)  }
0x22c: {  	[tilespmem:$0x500] =	vst v9;
	v59 =	vadd.s32 v63, v16;
	v15 =	vadd.s32 v26, v15;
	v58 =	vadd.s32 $0xFFFFFFFF, v51;
	v56, _, _ =	vpop (xrf0)  }
0x22d: {  	[tilespmem:$0x580] =	vst v10;
	v11 =	vsel vm7, v15, v11;
	v9 =	vbroadcast v58, $0xF;
	v15 =	vadd.s32 $0xFFFFFFFF, v55;
	v60, _, _ =	vpop (xrf0)  }
0x22e: {  	[tilespmem:$0x510] =	vst v8;
	v11 =	vsel vm8, v14, v11;
	v61 =	vbroadcast v15, $0xF;
	v62 =	vadd.s32 $0xFFFFFFFF, v60  }
0x22f: {  	[tilespmem:$0x590] =	vst v7;
	v10 =	vsel vm9, v59, v11;
	v7 =	vadd.s32 v37, v9;
	v63 =	vbroadcast v62, $0xF  }
0x230: {  	v0 =	vadd.s32 v0, v3;
	[tilespmem:$0x520] =	vst v18;
	v7 =	vsel vm10, v7, v10;
	v3 =	vadd.s32 v53, v61  }
0x231: {  	[tilespmem:$0x5A0] =	vst v13;
	v0 =	vsel vm11, v0, v6;
	v3 =	vsel vm3, v3, v7;
	v6 =	vadd.s32 v56, v63  }
0x232: {  	[tilespmem:$0x530] =	vst v0;
	v3 =	vsel vm4, v6, v3  }
0x233: {  	[tilespmem:$0x5B0] =	vst v3  }
0x234: {  	_ =	swait.ge [sflag:s22], $0x10000  }
0x235: {  	[sflag:s22] =	ssyncset.done $0x0  }
0x236: {  	[sflag:s22] =	ssyncadd.s32 $0xFFFF0000  }
0x237: {  	v0 =	vld [tilespmem:$0x500];
	_ =	sdelay $0x4  }
0x238: {  	v3 =	vshll.u32 v0, $0x3  }
0x239: {  	v0 =	vand.u32 $0x7, v0;
	v3 =	vand.u32 $0xFFFFFFC0, v3  }
0x23a: {  	v0 =	vor.u32 v0, v3  }
0x23b: {  	v3 =	vperm.xlane v0, v57;
	_ =	sdelay $0x1  }
0x23c: {  	v3 =	vadd.s32 v4, v3;
	_ =	sdelay $0x3  }
0x23d: {  	s0 =	simm.s32 $0x600;
	s12 =	rddreg [dreg:$0x5]  }
0x23e: {  	[hbm4b:s12+s3] =	stream.indirect_vreg.scatter [tilespmem:s0], [sflag:$0x1], $0x80, v3, vm14, $0xb8;
	[tilespmem:$0x10700] =	vst v63  }
0x23f: {  	s1 =	simm.s32 $0xE00;
	s13 =	rddreg [dreg:$0x6];
	v0 =	vperm.xlane v0, v5  }
0x240: {  	[hbm4b:s13+s3] =	stream.indirect_vreg.scatter [tilespmem:s1], [sflag:$0x1], $0x80, v3, vm14, $0xb8;
	[tilespmem:$0x10700] =	vst v63  }
0x241: {  	s5 =	simm.s32 $0x1600;
	s14 =	rddreg [dreg:$0x7];
	v0 =	vadd.s32 v4, v0  }
0x242: {  	[hbm4b:s14+s3] =	stream.indirect_vreg.scatter [tilespmem:s5], [sflag:$0x1], $0x80, v3, vm14, $0xb8;
	[tilespmem:$0x10700] =	vst v63  }
0x243: {  	s17 =	simm.s32 $0x1E00;
	s0 =	rddreg [dreg:$0x8]  }
0x244: {  	[hbm4b:s0+s3] =	stream.indirect_vreg.scatter [tilespmem:s17], [sflag:$0x1], $0x80, v3, vm14, $0xb8;
	[tilespmem:$0x10700] =	vst v63  }
0x245: {  	s21 =	simm.s32 $0x2600  }
0x246: {  	[hbm4b:s12+s3] =	stream.indirect_vreg.scatter [tilespmem:s21], [sflag:$0x1], $0x80, v0, vm14, $0xb8;
	[tilespmem:$0x10700] =	vst v63  }
0x247: {  	s24 =	simm.s32 $0x2E00  }
0x248: {  	[hbm4b:s13+s3] =	stream.indirect_vreg.scatter [tilespmem:s24], [sflag:$0x1], $0x80, v0, vm14, $0xb8;
	[tilespmem:$0x10700] =	vst v63  }
0x249: {  	s25 =	simm.s32 $0x3600  }
0x24a: {  	[hbm4b:s14+s3] =	stream.indirect_vreg.scatter [tilespmem:s25], [sflag:$0x1], $0x80, v0, vm14, $0xb8;
	[tilespmem:$0x10700] =	vst v63  }
0x24b: {  	s26 =	simm.s32 $0x3E00  }
0x24c: {  	[hbm4b:s0+s3] =	stream.indirect_vreg.scatter [tilespmem:s26], [sflag:$0x1], $0x80, v0, vm14, $0xb8;
	[tilespmem:$0x10700] =	vst v63  }
0x24d: {  	v0 =	vld [tilespmem:$0x510];
	_ =	sdelay $0x4  }
0x24e: {  	v3 =	vshll.u32 v0, $0x3  }
0x24f: {  	v0 =	vand.u32 $0x7, v0;
	v3 =	vand.u32 $0xFFFFFFC0, v3  }
0x250: {  	v0 =	vor.u32 v0, v3  }
0x251: {  	v3 =	vperm.xlane v0, v57;
	_ =	sdelay $0x1  }
0x252: {  	v3 =	vadd.s32 v4, v3;
	_ =	sdelay $0x3  }
0x253: {  	s28 =	simm.s32 $0x4600  }
0x254: {  	[hbm4b:s12+s3] =	stream.indirect_vreg.scatter [tilespmem:s28], [sflag:$0x1], $0x80, v3, vm14, $0xb8;
	[tilespmem:$0x10700] =	vst v63  }
0x255: {  	s8 =	simm.s32 $0x4E00;
	v0 =	vperm.xlane v0, v5  }
0x256: {  	[hbm4b:s13+s3] =	stream.indirect_vreg.scatter [tilespmem:s8], [sflag:$0x1], $0x80, v3, vm14, $0xb8;
	[tilespmem:$0x10700] =	vst v63  }
0x257: {  	v0 =	vadd.s32 v4, v0  }
0x258: {  	[hbm4b:s14+s3] =	stream.indirect_vreg.scatter [tilespmem:s15], [sflag:$0x1], $0x80, v3, vm14, $0xb8;
	[tilespmem:$0x10700] =	vst v63  }
0x259: {  	_ = 	snop  }
0x25a: {  	[hbm4b:s0+s3] =	stream.indirect_vreg.scatter [tilespmem:s18], [sflag:$0x1], $0x80, v3, vm14, $0xb8;
	[tilespmem:$0x10700] =	vst v63  }
0x25b: {  	_ = 	snop  }
0x25c: {  	[hbm4b:s12+s3] =	stream.indirect_vreg.scatter [tilespmem:s6], [sflag:$0x1], $0x80, v0, vm14, $0xb8;
	[tilespmem:$0x10700] =	vst v63  }
0x25d: {  	s9 =	simm.s32 $0x6E00  }
0x25e: {  	[hbm4b:s13+s3] =	stream.indirect_vreg.scatter [tilespmem:s9], [sflag:$0x1], $0x80, v0, vm14, $0xb8;
	[tilespmem:$0x10700] =	vst v63  }
0x25f: {  	s29 =	simm.s32 $0x7600  }
0x260: {  	[hbm4b:s14+s3] =	stream.indirect_vreg.scatter [tilespmem:s29], [sflag:$0x1], $0x80, v0, vm14, $0xb8;
	[tilespmem:$0x10700] =	vst v63  }
0x261: {  	_ = 	snop  }
0x262: {  	[hbm4b:s0+s3] =	stream.indirect_vreg.scatter [tilespmem:s10], [sflag:$0x1], $0x80, v0, vm14, $0xb8;
	[tilespmem:$0x10700] =	vst v63  }
0x263: {  	v0 =	vld [tilespmem:$0x520];
	_ =	sdelay $0x4  }
0x264: {  	v3 =	vshll.u32 v0, $0x3  }
0x265: {  	v0 =	vand.u32 $0x7, v0;
	v3 =	vand.u32 $0xFFFFFFC0, v3  }
0x266: {  	v0 =	vor.u32 v0, v3  }
0x267: {  	v3 =	vperm.xlane v0, v57;
	_ =	sdelay $0x1  }
0x268: {  	v3 =	vadd.s32 v4, v3;
	_ =	sdelay $0x3  }
0x269: {  	s30 =	simm.s32 $0x8600  }
0x26a: {  	[hbm4b:s12+s3] =	stream.indirect_vreg.scatter [tilespmem:s30], [sflag:$0x1], $0x80, v3, vm14, $0xb8;
	[tilespmem:$0x10700] =	vst v63  }
0x26b: {  	v0 =	vperm.xlane v0, v5  }
0x26c: {  	[hbm4b:s13+s3] =	stream.indirect_vreg.scatter [tilespmem:s11], [sflag:$0x1], $0x80, v3, vm14, $0xb8;
	[tilespmem:$0x10700] =	vst v63  }
0x26d: {  	s7 =	simm.s32 $0x9600;
	v0 =	vadd.s32 v4, v0  }
0x26e: {  	[hbm4b:s14+s3] =	stream.indirect_vreg.scatter [tilespmem:s7], [sflag:$0x1], $0x80, v3, vm14, $0xb8;
	[tilespmem:$0x10700] =	vst v63  }
0x26f: {  	s2 =	simm.s32 $0x9E00  }
0x270: {  	[hbm4b:s0+s3] =	stream.indirect_vreg.scatter [tilespmem:s2], [sflag:$0x1], $0x80, v3, vm14, $0xb8;
	[tilespmem:$0x10700] =	vst v63  }
0x271: {  	_ = 	snop  }
0x272: {  	[hbm4b:s12+s3] =	stream.indirect_vreg.scatter [tilespmem:s31], [sflag:$0x1], $0x80, v0, vm14, $0xb8;
	[tilespmem:$0x10700] =	vst v63  }
0x273: {  	_ = 	snop  }
0x274: {  	[hbm4b:s13+s3] =	stream.indirect_vreg.scatter [tilespmem:s23], [sflag:$0x1], $0x80, v0, vm14, $0xb8;
	[tilespmem:$0x10700] =	vst v63  }
0x275: {  	_ = 	snop  }
0x276: {  	[hbm4b:s14+s3] =	stream.indirect_vreg.scatter [tilespmem:s16], [sflag:$0x1], $0x80, v0, vm14, $0xb8;
	[tilespmem:$0x10700] =	vst v63  }
0x277: {  	_ = 	snop  }
0x278: {  	[hbm4b:s0+s3] =	stream.indirect_vreg.scatter [tilespmem:s19], [sflag:$0x1], $0x80, v0, vm14, $0xb8;
	[tilespmem:$0x10700] =	vst v63  }
0x279: {  	v0 =	vld [tilespmem:$0x530];
	_ =	sdelay $0x4  }
0x27a: {  	v3 =	vshll.u32 v0, $0x3  }
0x27b: {  	v0 =	vand.u32 $0x7, v0;
	v3 =	vand.u32 $0xFFFFFFC0, v3  }
0x27c: {  	v0 =	vor.u32 v0, v3  }
0x27d: {  	v3 =	vperm.xlane v0, v57;
	_ =	sdelay $0x1  }
0x27e: {  	v3 =	vadd.s32 v4, v3;
	_ =	sdelay $0x3  }
0x27f: {  	s7 =	simm.s32 $0xC600  }
0x280: {  	[hbm4b:s12+s3] =	stream.indirect_vreg.scatter [tilespmem:s7], [sflag:$0x1], $0x80, v3, vm14, $0xb8;
	[tilespmem:$0x10700] =	vst v63  }
0x281: {  	s2 =	simm.s32 $0xCE00;
	v0 =	vperm.xlane v0, v5  }
0x282: {  	[hbm4b:s13+s3] =	stream.indirect_vreg.scatter [tilespmem:s2], [sflag:$0x1], $0x80, v3, vm14, $0xb8;
	[tilespmem:$0x10700] =	vst v63  }
0x283: {  	v0 =	vadd.s32 v4, v0;
	s2 =	simm.s32 $0xD600  }
0x284: {  	[hbm4b:s14+s3] =	stream.indirect_vreg.scatter [tilespmem:s2], [sflag:$0x1], $0x80, v3, vm14, $0xb8;
	[tilespmem:$0x10700] =	vst v63  }
0x285: {  	s2 =	simm.s32 $0xDE00  }
0x286: {  	[hbm4b:s0+s3] =	stream.indirect_vreg.scatter [tilespmem:s2], [sflag:$0x1], $0x80, v3, vm14, $0xb8;
	[tilespmem:$0x10700] =	vst v63  }
0x287: {  	s2 =	simm.s32 $0xE600  }
0x288: {  	[hbm4b:s12+s3] =	stream.indirect_vreg.scatter [tilespmem:s2], [sflag:$0x1], $0x80, v0, vm14, $0xb8;
	[tilespmem:$0x10700] =	vst v63  }
0x289: {  	s2 =	simm.s32 $0xEE00  }
0x28a: {  	[hbm4b:s13+s3] =	stream.indirect_vreg.scatter [tilespmem:s2], [sflag:$0x1], $0x80, v0, vm14, $0xb8;
	[tilespmem:$0x10700] =	vst v63  }
0x28b: {  	s2 =	simm.s32 $0xF600  }
0x28c: {  	[hbm4b:s14+s3] =	stream.indirect_vreg.scatter [tilespmem:s2], [sflag:$0x1], $0x80, v0, vm14, $0xb8;
	[tilespmem:$0x10700] =	vst v63  }
0x28d: {  	s2 =	simm.s32 $0xFE00  }
0x28e: {  	[hbm4b:s0+s3] =	stream.indirect_vreg.scatter [tilespmem:s2], [sflag:$0x1], $0x80, v0, vm14, $0xb8;
	[tilespmem:$0x10700] =	vst v63  }
0x28f: {  	v0 =	vld [tilespmem:$0x580];
	_ =	sdelay $0x4  }
0x290: {  	v3 =	vshll.u32 v0, $0x3  }
0x291: {  	v0 =	vand.u32 $0x7, v0;
	v3 =	vand.u32 $0xFFFFFFC0, v3  }
0x292: {  	v0 =	vor.u32 v0, v3  }
0x293: {  	v3 =	vperm.xlane v0, v57;
	_ =	sdelay $0x1  }
0x294: {  	v3 =	vadd.s32 v4, v3;
	_ =	sdelay $0x3  }
0x295: {  	s2 =	simm.s32 $0x600  }
0x296: {  	[hbm4b:s12+s3] =	stream.indirect_vreg.scatter [tilespmem:s2], [sflag:$0x2], $0x80, v3, vm14, $0xb8;
	[tilespmem:$0x10700] =	vst v63  }
0x297: {  	v0 =	vperm.xlane v0, v5  }
0x298: {  	[hbm4b:s13+s3] =	stream.indirect_vreg.scatter [tilespmem:s1], [sflag:$0x2], $0x80, v3, vm14, $0xb8;
	[tilespmem:$0x10700] =	vst v63  }
0x299: {  	v0 =	vadd.s32 v4, v0  }
0x29a: {  	[hbm4b:s14+s3] =	stream.indirect_vreg.scatter [tilespmem:s5], [sflag:$0x2], $0x80, v3, vm14, $0xb8;
	[tilespmem:$0x10700] =	vst v63  }
0x29b: {  	_ = 	snop  }
0x29c: {  	[hbm4b:s0+s3] =	stream.indirect_vreg.scatter [tilespmem:s17], [sflag:$0x2], $0x80, v3, vm14, $0xb8;
	[tilespmem:$0x10700] =	vst v63  }
0x29d: {  	_ = 	snop  }
0x29e: {  	[hbm4b:s12+s3] =	stream.indirect_vreg.scatter [tilespmem:s21], [sflag:$0x2], $0x80, v0, vm14, $0xb8;
	[tilespmem:$0x10700] =	vst v63  }
0x29f: {  	_ = 	snop  }
0x2a0: {  	[hbm4b:s13+s3] =	stream.indirect_vreg.scatter [tilespmem:s24], [sflag:$0x2], $0x80, v0, vm14, $0xb8;
	[tilespmem:$0x10700] =	vst v63  }
0x2a1: {  	_ = 	snop  }
0x2a2: {  	[hbm4b:s14+s3] =	stream.indirect_vreg.scatter [tilespmem:s25], [sflag:$0x2], $0x80, v0, vm14, $0xb8;
	[tilespmem:$0x10700] =	vst v63  }
0x2a3: {  	_ = 	snop  }
0x2a4: {  	[hbm4b:s0+s3] =	stream.indirect_vreg.scatter [tilespmem:s26], [sflag:$0x2], $0x80, v0, vm14, $0xb8;
	[tilespmem:$0x10700] =	vst v63  }
0x2a5: {  	v0 =	vld [tilespmem:$0x590];
	_ =	sdelay $0x4  }
0x2a6: {  	v3 =	vshll.u32 v0, $0x3  }
0x2a7: {  	v0 =	vand.u32 $0x7, v0;
	v3 =	vand.u32 $0xFFFFFFC0, v3  }
0x2a8: {  	v0 =	vor.u32 v0, v3  }
0x2a9: {  	v3 =	vperm.xlane v0, v57;
	_ =	sdelay $0x1  }
0x2aa: {  	v3 =	vadd.s32 v4, v3;
	_ =	sdelay $0x4  }
0x2ab: {  	[hbm4b:s12+s3] =	stream.indirect_vreg.scatter [tilespmem:s28], [sflag:$0x2], $0x80, v3, vm14, $0xb8;
	[tilespmem:$0x10700] =	vst v63  }
0x2ac: {  	v0 =	vperm.xlane v0, v5  }
0x2ad: {  	[hbm4b:s13+s3] =	stream.indirect_vreg.scatter [tilespmem:s8], [sflag:$0x2], $0x80, v3, vm14, $0xb8;
	[tilespmem:$0x10700] =	vst v63  }
0x2ae: {  	v0 =	vadd.s32 v4, v0  }
0x2af: {  	[hbm4b:s14+s3] =	stream.indirect_vreg.scatter [tilespmem:s15], [sflag:$0x2], $0x80, v3, vm14, $0xb8;
	[tilespmem:$0x10700] =	vst v63  }
0x2b0: {  	_ = 	snop  }
0x2b1: {  	[hbm4b:s0+s3] =	stream.indirect_vreg.scatter [tilespmem:s18], [sflag:$0x2], $0x80, v3, vm14, $0xb8;
	[tilespmem:$0x10700] =	vst v63  }
0x2b2: {  	_ = 	snop  }
0x2b3: {  	[hbm4b:s12+s3] =	stream.indirect_vreg.scatter [tilespmem:s6], [sflag:$0x2], $0x80, v0, vm14, $0xb8;
	[tilespmem:$0x10700] =	vst v63  }
0x2b4: {  	_ = 	snop  }
0x2b5: {  	[hbm4b:s13+s3] =	stream.indirect_vreg.scatter [tilespmem:s9], [sflag:$0x2], $0x80, v0, vm14, $0xb8;
	[tilespmem:$0x10700] =	vst v63  }
0x2b6: {  	_ = 	snop  }
0x2b7: {  	[hbm4b:s14+s3] =	stream.indirect_vreg.scatter [tilespmem:s29], [sflag:$0x2], $0x80, v0, vm14, $0xb8;
	[tilespmem:$0x10700] =	vst v63  }
0x2b8: {  	_ = 	snop  }
0x2b9: {  	[hbm4b:s0+s3] =	stream.indirect_vreg.scatter [tilespmem:s10], [sflag:$0x2], $0x80, v0, vm14, $0xb8;
	[tilespmem:$0x10700] =	vst v63  }
0x2ba: {  	v0 =	vld [tilespmem:$0x5A0];
	_ =	sdelay $0x4  }
0x2bb: {  	v3 =	vshll.u32 v0, $0x3  }
0x2bc: {  	v0 =	vand.u32 $0x7, v0;
	v3 =	vand.u32 $0xFFFFFFC0, v3  }
0x2bd: {  	v0 =	vor.u32 v0, v3  }
0x2be: {  	v3 =	vperm.xlane v0, v57;
	_ =	sdelay $0x1  }
0x2bf: {  	v3 =	vadd.s32 v4, v3;
	_ =	sdelay $0x4  }
0x2c0: {  	[hbm4b:s12+s3] =	stream.indirect_vreg.scatter [tilespmem:s30], [sflag:$0x2], $0x80, v3, vm14, $0xb8;
	[tilespmem:$0x10700] =	vst v63  }
0x2c1: {  	v0 =	vperm.xlane v0, v5  }
0x2c2: {  	[hbm4b:s13+s3] =	stream.indirect_vreg.scatter [tilespmem:s11], [sflag:$0x2], $0x80, v3, vm14, $0xb8;
	[tilespmem:$0x10700] =	vst v63  }
0x2c3: {  	v0 =	vadd.s32 v4, v0;
	s30 =	simm.s32 $0x9600  }
0x2c4: {  	[hbm4b:s14+s3] =	stream.indirect_vreg.scatter [tilespmem:s30], [sflag:$0x2], $0x80, v3, vm14, $0xb8;
	[tilespmem:$0x10700] =	vst v63  }
0x2c5: {  	s2 =	simm.s32 $0x9E00  }
0x2c6: {  	[hbm4b:s0+s3] =	stream.indirect_vreg.scatter [tilespmem:s2], [sflag:$0x2], $0x80, v3, vm14, $0xb8;
	[tilespmem:$0x10700] =	vst v63  }
0x2c7: {  	_ = 	snop  }
0x2c8: {  	[hbm4b:s12+s3] =	stream.indirect_vreg.scatter [tilespmem:s31], [sflag:$0x2], $0x80, v0, vm14, $0xb8;
	[tilespmem:$0x10700] =	vst v63  }
0x2c9: {  	_ = 	snop  }
0x2ca: {  	[hbm4b:s13+s3] =	stream.indirect_vreg.scatter [tilespmem:s23], [sflag:$0x2], $0x80, v0, vm14, $0xb8;
	[tilespmem:$0x10700] =	vst v63  }
0x2cb: {  	_ = 	snop  }
0x2cc: {  	[hbm4b:s14+s3] =	stream.indirect_vreg.scatter [tilespmem:s16], [sflag:$0x2], $0x80, v0, vm14, $0xb8;
	[tilespmem:$0x10700] =	vst v63  }
0x2cd: {  	_ = 	snop  }
0x2ce: {  	[hbm4b:s0+s3] =	stream.indirect_vreg.scatter [tilespmem:s19], [sflag:$0x2], $0x80, v0, vm14, $0xb8;
	[tilespmem:$0x10700] =	vst v63  }
0x2cf: {  	v0 =	vld [tilespmem:$0x5B0];
	_ =	sdelay $0x4  }
0x2d0: {  	v3 =	vshll.u32 v0, $0x3  }
0x2d1: {  	v0 =	vand.u32 $0x7, v0;
	v3 =	vand.u32 $0xFFFFFFC0, v3  }
0x2d2: {  	v0 =	vor.u32 v0, v3  }
0x2d3: {  	v3 =	vperm.xlane v0, v57;
	_ =	sdelay $0x1  }
0x2d4: {  	v3 =	vadd.s32 v4, v3;
	_ =	sdelay $0x4  }
0x2d5: {  	[hbm4b:s12+s3] =	stream.indirect_vreg.scatter [tilespmem:s7], [sflag:$0x2], $0x80, v3, vm14, $0xb8;
	[tilespmem:$0x10700] =	vst v63  }
0x2d6: {  	s5 =	simm.s32 $0xCE00;
	v0 =	vperm.xlane v0, v5  }
0x2d7: {  	[hbm4b:s13+s3] =	stream.indirect_vreg.scatter [tilespmem:s5], [sflag:$0x2], $0x80, v3, vm14, $0xb8;
	[tilespmem:$0x10700] =	vst v63  }
0x2d8: {  	v0 =	vadd.s32 v4, v0;
	s7 =	simm.s32 $0xD600  }
0x2d9: {  	[hbm4b:s14+s3] =	stream.indirect_vreg.scatter [tilespmem:s7], [sflag:$0x2], $0x80, v3, vm14, $0xb8;
	[tilespmem:$0x10700] =	vst v63  }
0x2da: {  	s8 =	simm.s32 $0xDE00  }
0x2db: {  	[hbm4b:s0+s3] =	stream.indirect_vreg.scatter [tilespmem:s8], [sflag:$0x2], $0x80, v3, vm14, $0xb8;
	[tilespmem:$0x10700] =	vst v63  }
0x2dc: {  	s9 =	simm.s32 $0xE600  }
0x2dd: {  	[hbm4b:s12+s3] =	stream.indirect_vreg.scatter [tilespmem:s9], [sflag:$0x2], $0x80, v0, vm14, $0xb8;
	[tilespmem:$0x10700] =	vst v63  }
0x2de: {  	s17 =	simm.s32 $0xEE00  }
0x2df: {  	[hbm4b:s13+s3] =	stream.indirect_vreg.scatter [tilespmem:s17], [sflag:$0x2], $0x80, v0, vm14, $0xb8;
	[tilespmem:$0x10700] =	vst v63  }
0x2e0: {  	s21 =	simm.s32 $0xF600  }
0x2e1: {  	[hbm4b:s14+s3] =	stream.indirect_vreg.scatter [tilespmem:s21], [sflag:$0x2], $0x80, v0, vm14, $0xb8;
	[tilespmem:$0x10700] =	vst v63  }
0x2e2: {  	s24 =	simm.s32 $0xFE00  }
0x2e3: {  	[hbm4b:s0+s3] =	stream.indirect_vreg.scatter [tilespmem:s24], [sflag:$0x2], $0x80, v0, vm14, $0xb8;
	[tilespmem:$0x10700] =	vst v63  }
0x2e4: {  	s25 =	simm.s32 $0x500;
	s26 =	rddreg [dreg:$0xe];
	s8 =	simm.s32 $0x3  }
0x2e5: {  	[hbm4b:s26+s3] =	stream.linear.scatter [tilespmem:s25], [sflag:$0x3], $0x40, $0x38;
	[tilespmem:$0x10700] =	vst v63  }
0x2e6: {  	_ =	swait.ge [sflag:s8], $0x40  }
0x2e7: {  	[sflag:s8] =	ssyncset.done $0x0  }
0x2e8: {  	s28 =	simm.s32 $0x580;
	s29 =	rddreg [dreg:$0xf];
	[sflag:s8] =	ssyncadd.s32 $0xFFFFFFC0  }
0x2e9: {  	[hbm4b:s29+s3] =	stream.linear.scatter [tilespmem:s28], [sflag:$0x3], $0x40, $0x38;
	[tilespmem:$0x10700] =	vst v63  }
0x2ea: {  	_ =	swait.ge [sflag:s8], $0x40  }
0x2eb: {  	[sflag:s8] =	ssyncset.done $0x0  }
0x2ec: {  	s30 =	simm.s32 $0x1;
	[sflag:s8] =	ssyncadd.s32 $0xFFFFFFC0  }
0x2ed: {  	_ =	swait.ge [sflag:s30], $0x10000  }
.Ltmp3:
0x2ee: {  	[sflag:s30] =	ssyncset.done $0x0;
	(pc) =	sbr.rel @p0 .LBB2_7-.Ltmp3, $4  }
0x2ef: {  	[sflag:s30] =	ssyncadd.s32 $0xFFFF0000  }
0x2f0: {  	_ =	swait.ge [sflag:s22], $0x10000  }
0x2f1: {  	[sflag:s22] =	ssyncset.done $0x0  }
0x2f2: {  	s0 =	rddreg [dreg:$0x9];
	[sflag:s22] =	ssyncadd.s32 $0xFFFF0000  }
0x2f3: {  	v0 =	vld [tilespmem:$0x1FFF0]  }
0x2f4: {  	v6 =	vld [tilespmem:$0x1FAA0];
	_ =	sdelay $0x3  }
0x2f5: {  	vm8 =	vnez.u8 v0  }
0x2f6: {  	vm1 =	vcmask $0x308;
	v0 =	vnsel vm8, $0x0, v6  }
0x2f7: {  	vm2 =	vcmask $0x70C;
	(xrf0) =	vadd.scan.msk.s32 $0xffff, v0;
	v0 =	vsel vm1, $0x0, v6  }
0x2f8: {  	vm3 =	vcmask $0xB10;
	(xrf0) =	vadd.scan.msk.s32 $0xffff, v0;
	v0 =	vsel vm2, $0x0, v6  }
0x2f9: {  	vm4 =	vcmask $0xF14;
	v14 =	vld [tilespmem:$0x1FA90];
	(xrf0) =	vadd.scan.msk.s32 $0xffff, v0;
	v0 =	vsel vm3, $0x0, v6  }
0x2fa: {  	vm5 =	vcmask $0x1318;
	(xrf0) =	vadd.scan.msk.s32 $0xffff, v0;
	v0 =	vsel vm4, $0x0, v6  }
0x2fb: {  	vm6 =	vcmask $0x171C;
	(xrf0) =	vadd.scan.msk.s32 $0xffff, v0;
	v0 =	vsel vm5, $0x0, v6  }
0x2fc: {  	vm7 =	vcmask $0x1B20;
	(xrf0) =	vadd.scan.msk.s32 $0xffff, v0;
	v0 =	vsel vm6, $0x0, v6  }
0x2fd: {  	v3, _, _ =	vpop (xrf0);
	(xrf0) =	vadd.scan.msk.s32 $0xffff, v0;
	v0 =	vsel vm7, $0x0, v6  }
0x2fe: {  	v6, _, _ =	vpop (xrf0);
	(xrf0) =	vadd.scan.msk.s32 $0xffff, v0;
	v0 =	vnsel vm8, $0x0, v14  }
0x2ff: {  	(v2sf) =	vpush v3, $0xF;
	v7, _, _ =	vpop (xrf0);
	(xrf0) =	vadd.scan.msk.s32 $0xffff, v0;
	v0 =	vsel vm1, $0x0, v14  }
0x300: {  	(v2sf) =	vpush v6, $0xF  }
0x301: {  	(v2sf) =	vpush v7, $0xF;
	v8, _, _ =	vpop (xrf0)  }
0x302: {  	v9 =	vsel vm2, $0x0, v14;
	(xrf0) =	vadd.scan.msk.s32 $0xffff, v0;
	(v2sf) =	vpush v8, $0xF;
	v0, _, _ =	vpop (xrf0)  }
0x303: {  	v11 =	vsel vm3, $0x0, v14;
	(xrf0) =	vadd.scan.msk.s32 $0xffff, v9;
	v10, _, _ =	vpop (xrf0)  }
0x304: {  	v45, _, _ =	vpop (xrf0);
	(xrf0) =	vadd.scan.msk.s32 $0xffff, v11  }
0x305: {  	(v2sf) =	vpush v0, $0xF  }
0x306: {  	v13 =	vsel vm4, $0x0, v14;
	(v2sf) =	vpush v10, $0xF;
	v12, _, _ =	vpop (xrf0)  }
0x307: {  	v48 =	vsel vm5, $0x0, v14;
	(v2sf) =	vpush v45, $0xF;
	(xrf0) =	vadd.scan.msk.s32 $0xffff, v13;
	v46, _, _ =	vpop (xrf0)  }
0x308: {  	v50 =	vsel vm6, $0x0, v14;
	(v2sf) =	vpush v12, $0xF;
	(xrf0) =	vadd.scan.msk.s32 $0xffff, v48;
	v47, _, _ =	vpop (xrf0)  }
0x309: {  	v51 =	vsel vm7, $0x0, v14;
	(v2sf) =	vpush v46, $0xF;
	(xrf0) =	vadd.scan.msk.s32 $0xffff, v50;
	v49, _, _ =	vpop (xrf0)  }
0x30a: {  	(v2sf) =	vpush v47, $0xF;
	v52, _, _ =	vpop (xrf0);
	(xrf0) =	vadd.scan.msk.s32 $0xffff, v51;
	_ =	sdelay $0x1  }
0x30b: {  	(v2sf) =	vpush v49, $0xF  }
0x30c: {  	(v2sf) =	vpush v52, $0xF;
	v53, _, _ =	vpop (xrf0)  }
0x30d: {  	v54, _, _ =	vpop (xrf0);
	s5 =	spop (v2sf);
	(v2sf) =	vpush v53, $0xF  }
0x30e: {  	v55, _, _ =	vpop (xrf0);
	s17 =	spop (v2sf);
	(v2sf) =	vpush v54, $0xF  }
0x30f: {  	s21 =	spop (v2sf);
	(v2sf) =	vpush v55, $0xF;
	v56, _, _ =	vpop (xrf0)  }
0x310: {  	s24 =	spop (v2sf);
	(v2sf) =	vpush v56, $0xF;
	_ =	sdelay $0x2  }
0x311: {  	s25 =	spop (v2sf)  }
0x312: {  	s26 =	spop (v2sf)  }
0x313: {  	v22 =	vlaneseq.u32;
	v3 =	vbroadcast v3, $0xF;
	s28 =	spop (v2sf)  }
0x314: {  	v58 =	vadd.s32 $0x1, v22;
	v62 =	vadd.s32 $0x11, v22;
	v6 =	vbroadcast v6, $0xF;
	s29 =	spop (v2sf)  }
0x315: {  	vm8 =	vlt.s32 v3, v58;
	v7 =	vbroadcast v7, $0xF;
	v0 =	vbroadcast v0, $0xF;
	s30 =	spop (v2sf)  }
0x316: {  	vm10 =	vlt.s32 v6, v58;
	v8 =	vbroadcast v8, $0xF;
	v10 =	vbroadcast v10, $0xF;
	s9 =	spop (v2sf);
	s5 =	sadd.s32 s30, s5  }
0x317: {  	vm0 =	vlt.s32 v0, v58;
	v12 =	vbroadcast v12, $0xF;
	v59 =	vmov s5;
	s17 =	sadd.s32 s9, s17  }
0x318: {  	v9 =	vbroadcast v45, $0xF;
	s30 =	spop (v2sf);
	vm9 =	vgt.s32 v59, v22;
	v60 =	vmov s17  }
0x319: {  	vm7 =	vlt.s32 v12, v58;
	s0 =	sadd.s32 s30, s21;
	vm11 =	vgt.s32 v60, v22;
	s1 =	spop (v2sf);
	vm1 =	vmand vm8, vm9  }
0x31a: {  	v15 =	vmov s0;
	vm8 =	vlt.s32 v7, v58;
	vm2 =	vmand vm10, vm11;
	s2 =	sadd.s32 s1, s24;
	s7 =	spop (v2sf)  }
0x31b: {  	vm9 =	vgt.s32 v15, v22;
	vm10 =	vlt.s32 v8, v58;
	v17 =	vmov s2;
	s12 =	spop (v2sf)  }
0x31c: {  	v16 =	vsel vm2, $0x1, v2;
	vm3 =	vmand vm8, vm9;
	vm11 =	vgt.s32 v17, v22;
	s9 =	sadd.s32 s7, s25;
	s13 =	spop (v2sf)  }
0x31d: {  	v16 =	vsel vm3, $0x2, v16;
	vm4 =	vmand vm10, vm11;
	v18 =	vmov s9;
	s14 =	spop (v2sf)  }
0x31e: {  	s9 =	sadd.s32 s12, s26;
	vm10 =	vlt.s32 v9, v58;
	v16 =	vsel vm4, $0x3, v16;
	vm9 =	vgt.s32 v18, v22;
	s17 =	sadd.s32 s14, s29  }
0x31f: {  	s5 =	sadd.s32 s13, s28;
	v19 =	vmov s9;
	vm5 =	vmand vm0, vm9;
	v21 =	vmov s17  }
0x320: {  	v20 =	vmov s5;
	vm9 =	vlt.s32 v10, v58;
	vm0 =	vgt.s32 v21, v22  }
0x321: {  	vm11 =	vgt.s32 v20, v22;
	vm7 =	vmand vm7, vm0;
	vm0 =	vgt.s32 v19, v22  }
0x322: {  	v61 =	vsel vm5, $0x4, v16;
	vm6 =	vmand vm10, vm11;
	vm8 =	vmand vm9, vm0  }
0x323: {  	vm10 =	vlt.s32 v8, v62;
	vm0 =	vmor vm7, vm6;
	v11 =	vsel vm8, $0x5, v61  }
0x324: {  	vm8 =	vmor vm0, vm8;
	vm0 =	vlt.s32 v6, v62;
	v6 =	vor.u32 $0x10, v22  }
0x325: {  	vm5 =	vmor vm8, vm5;
	v11 =	vsel vm6, $0x6, v11;
	vm11 =	vgt.s32 v60, v6  }
0x326: {  	vm9 =	vgt.s32 v15, v6;
	vm6 =	vlt.s32 v0, v62;
	vm8 =	vlt.s32 v9, v62  }
0x327: {  	vm12 =	vgt.s32 v21, v6;
	vm4 =	vmor vm5, vm4;
	v11 =	vsel vm7, $0x7, v11  }
0x328: {  	vm7 =	vlt.s32 v10, v62;
	vm4 =	vmor vm4, vm3;
	vm3 =	vmand vm0, vm11  }
0x329: {  	vm0 =	vlt.s32 v7, v62;
	vm11 =	vgt.s32 v17, v6;
	v63 =	vsel vm3, $0x1, v2  }
0x32a: {  	vm5 =	vmand vm0, vm9;
	vm2 =	vmor vm4, vm2;
	vm4 =	vmand vm10, vm11  }
0x32b: {  	vm0 =	vgt.s32 v20, v6;
	vm10 =	vlt.s32 v12, v62;
	v7 =	vsel vm5, $0x2, v63  }
0x32c: {  	vm8 =	vmand vm8, vm0;
	vm0 =	vgt.s32 v19, v6;
	vm10 =	vmand vm10, vm12  }
0x32d: {  	vm12 =	vgt.s32 v18, v6;
	vm7 =	vmand vm7, vm0;
	vm0 =	vmor vm10, vm8  }
0x32e: {  	vm6 =	vmand vm6, vm12;
	v0 =	vsel vm4, $0x3, v7;
	vm9 =	vmor vm0, vm7  }
0x32f: {  	vm11 =	vgt.s32 v59, v6;
	v0 =	vsel vm6, $0x4, v0;
	vm6 =	vmor vm9, vm6  }
0x330: {  	vm1 =	vmor vm2, vm1;
	v0 =	vsel vm7, $0x5, v0;
	vm7 =	vmor vm6, vm4  }
0x331: {  	v7 =	vsel vm1, $0x1, v2;
	vm9 =	vlt.s32 v3, v62;
	vm1 =	vmor vm7, vm5  }
0x332: {  	[tilespmem:$0x10600] =	vst v11;
	vm2 =	vmand vm9, vm11;
	v0 =	vsel vm8, $0x6, v0;
	vm1 =	vmor vm1, vm3  }
0x333: {  	[tilespmem:$0x10620] =	vst v7;
	v0 =	vsel vm10, $0x7, v0;
	vm1 =	vmor vm1, vm2  }
0x334: {  	[tilespmem:$0x10610] =	vst v0;
	v3 =	vsel vm1, $0x1, v2  }
0x335: {  	s21 =	simm.s32 $0x0;
	s24 =	rddreg [dreg:$0x4];
	s7 =	simm.s32 $0x10600;
	[tilespmem:$0x10630] =	vst v3  }
0x336: {  	[hbm4b:s24+s21] =	stream.linear.scatter [tilespmem:s7], [sflag:$0x3], $0x80, $0x38;
	[tilespmem:$0x10700] =	vst v63  }
0x337: {  	v23 =	vld [tilespmem:$0x1FA80];
	s25 =	sand.u32 $0x3, s21;
	s26 =	sand.u32 $0x1C0, s21;
	_ =	swait.ge [sflag:s8], $0x80  }
0x338: {  	s9 =	sor.u32 s25, s26;
	[sflag:s8] =	ssyncset.done $0x0  }
0x339: {  	v3 =	vor.u32 s9, v1;
	s28 =	rddreg [dreg:$0x3];
	[sflag:s8] =	ssyncadd.s32 $0xFFFFFF80  }
0x33a: {  	[tilespmem:s20], [sflag:$0x3] =	stream.linear.gather [hbm4b:s28+s21], $0x200, $0x38;
	[tilespmem:$0x10700] =	vst v63  }
0x33b: {  	s5 =	simm.s32 $0x10;
	s29 =	simm.s32 $0x1;
	_ =	swait.ge [sflag:s8], $0x200  }
0x33c: {  	s30 =	sand.u32 $0x1C0, s5;
	s9 =	sand.u32 $0x3, s29;
	[sflag:s8] =	ssyncset.done $0x0  }
0x33d: {  	s9 =	sor.u32 s9, s30;
	[sflag:s8] =	ssyncadd.s32 $0xFFFFFE00  }
0x33e: {  	s17 =	simm.s32 $0x2;
	v0 =	vimm.f32 $0.0e+00;
	v6 =	vor.u32 s9, v1;
	v3 =	vld.idx.msk [tilespmem:v3+s20+$0x0], $0xffff  }
.LBB2_5:
0x33f: {  	p1 =	sne.s32 s17, $0x1F  }
.Ltmp4:
0x340: {  	_ = 	snop;
	(pc) =	sbr.rel @p1 .LBB2_5-.Ltmp4, $4  }
0x341: {  	s5 =	sadd.s32 $0x10, s5  }
0x342: {  	s9 =	sand.u32 $0x3, s17;
	s21 =	sand.u32 $0x1C0, s5  }
0x343: {  	s9 =	sor.u32 s9, s21  }
0x344: {  	s17 =	sadd.s32 $0x1, s17;
	v0 =	vadd.f32 v3, v0;
	v3 =	vld.idx.msk [tilespmem:v6+s20+$0x0], $0xffff;
	v6 =	vor.u32 s9, v1  }
.Ltmp5:
0x345: {  	_ = 	snop;
	(pc) =	sbr.rel .LBB2_6-.Ltmp5, $1  }
0x346: {  	_ =	sdelay $0x3  }
.LBB2_8:
0x347: {  	_ =	sfence.sel $0x180000  }
0x348: {  	[bflag:$0x0] =	sbarrier.arrive $0xFFFF  }
0x349: {  	_ =	strace $0x90000047  }
0x34a: {  	s0 =	stileid.u32;
	[bflag:$0x2] =	sbarrier.arrive $0xFFFF  }
0x34b: {  	p0 =	sne.s32 s0, $0x0;
	s0 =	rddreg [dreg:$0x2]  }
0x34c: {  	s0 =	sadd.s32 @!p0 $0x100000, s0  }
0x34d: {  	[sflag:s0] =	ssyncadd.tile.s32 @!p0 $0x1;
	_ =	shalt  }
.Lfunc_end2:
_tile_overlayer_lowered:
.L_overlay_start_2:
0x34e: {  	(tag) =	ssettag $0x2  }
0x34f: {  	s0 =	rddreg [dreg:$0x0];
	s2 =	stileid.u32  }
0x350: {  	s1 =	rddreg [dreg:$0x1];
	p0 =	sne.s32 s2, $0x0  }
0x351: {  	s3 =	rddreg [dreg:$0x2];
	[bflag:$0x3] =	sbarrier.arrive $0xFFFF;
	s2 =	simm.s32 @!p0 $0x1C03  }
0x352: {  	[timem:s3], [sflag:s2] =	dma.local @!p0 [hbm:s0], s1  }
0x353: {  	s0 =	simm.s32 @!p0 $0x3  }
0x354: {  	_ =	swait.ge @!p0 [sflag:s0], s1  }
0x355: {  	s1 =	ssub.s32 @!p0 $0x0, s1;
	[sflag:s0] =	ssyncset.done @!p0 $0x0  }
0x356: {  	[sflag:s0] =	ssyncadd.s32 @!p0 s1  }
0x357: {  	[bflag:$0x3] =	sbarrier.arrive $0xFFFF  }
0x358: {  	_ =	shalt  }

</sc_bundles>
